<compile_context>
chip_gen: v7x
topology: tpu7x:2x2x1
jax: 0.10.2.dev20260603
libtpu: 0.0.44.dev20260713+nightly
codegen_flags: <defaults>
</compile_context>

<pallas_src>
import jax
import jax.numpy as jnp
from jax import lax
from jax.experimental import pallas as pl
from jax.experimental.pallas import tpu as pltpu
from jax.experimental.pallas import tpu_sc as plsc

NC = 2
NS = 16
NW = NC * NS

MAXLEN = 200
EMBED = 64
BATCH = 4096

SEQ_PER_W = BATCH // NW
CB0, CB1 = 128, 72
LANES = 16
NBUF = 4
NCHUNK = 2 * SEQ_PER_W

_CBS = (CB0, CB1)


def _body(idx_hbm, table_hbm, pos_hbm, out_hbm, idx_v, pos_v, bufv, sems):
    bufs = tuple(bufv.at[k] for k in range(NBUF))
    gsems = tuple(sems.at[k] for k in range(NBUF))
    ssems = tuple(sems.at[NBUF + k] for k in range(NBUF))

    wid = lax.axis_index("s") * NC + lax.axis_index("c")
    base = wid * SEQ_PER_W * MAXLEN

    pltpu.sync_copy(idx_hbm.at[pl.ds(wid * SEQ_PER_W, SEQ_PER_W)], idx_v)
    pltpu.sync_copy(pos_hbm, pos_v)

    def fire_gather(bl, h, b):
        n = _CBS[h]
        pltpu.make_async_copy(
            table_hbm.at[idx_v.at[bl, pl.ds(h * CB0, n)]],
            bufs[b].at[pl.ds(0, n)], gsems[b]).start()

    def fire_store(bl, h, b):
        n = _CBS[h]
        pltpu.make_async_copy(
            bufs[b].at[pl.ds(0, n)],
            out_hbm.at[pl.ds(base + bl * MAXLEN + h * CB0, n)],
            ssems[b]).start()

    def wait_gather(h, b):
        n = _CBS[h]
        pltpu.make_async_copy(
            table_hbm.at[idx_v.at[0, pl.ds(0, n)]],
            bufs[b].at[pl.ds(0, n)], gsems[b]).wait()

    def wait_store(h, b):
        n = _CBS[h]
        pltpu.make_async_copy(
            bufs[b].at[pl.ds(0, n)],
            out_hbm.at[pl.ds(0, n)], ssems[b]).wait()

    fire_gather(0, 0, 0)
    fire_gather(0, 1, 1)

    @pl.loop(0, SEQ_PER_W, step=2)
    def seq(bl):
        for j in range(4):
            h = j % 2
            b = j
            i = 2 * bl + j
            nb = (j + 2) % 4

            @pl.when(i + 2 < NCHUNK)
            def _():
                @pl.when(i >= 2)
                def _():
                    wait_store(h, nb)
                fire_gather(bl + 1 + (j // 2), h, nb)

            wait_gather(h, b)

            buf = bufs[b]
            rev0 = MAXLEN - 1 - h * CB0

            @pl.loop(0, _CBS[h], unroll=8)
            def row(r):
                for c in range(EMBED // LANES):
                    s = pl.ds(c * LANES, LANES)
                    plsc.addupdate(buf.at[r, s], pos_v[rev0 - r, s])

            fire_store(bl + (j // 2), h, b)

    wait_store(0, 0)
    wait_store(1, 1)
    wait_store(0, 2)
    wait_store(1, 3)


def _run(idx, table, pos):
    kfn = pl.kernel(
        _body,
        out_type=jax.ShapeDtypeStruct((BATCH * MAXLEN, EMBED), jnp.float32),
        mesh=plsc.VectorSubcoreMesh(
            core_axis_name="c", subcore_axis_name="s",
            num_cores=NC, num_subcores=NS),
        scratch_types=[
            pltpu.VMEM((SEQ_PER_W, MAXLEN), jnp.int32),
            pltpu.VMEM((MAXLEN, EMBED), jnp.float32),
            pltpu.VMEM((NBUF, CB0, EMBED), jnp.float32),
            pltpu.SemaphoreType.DMA((2 * NBUF,)),
        ],
        compiler_params=pltpu.CompilerParams(use_tc_tiling_on_sc=False),
    )
    return kfn(idx, table, pos)


def kernel(inputs, token_table, pos_table):
    out = _run(inputs.astype(jnp.int32), token_table, pos_table)
    return out.reshape(BATCH, MAXLEN, EMBED)

# --- scband reference (transcript-rebuilt; emitter-appended) ---
"""Pipeline reference for scband-token-and-position-embedding-60361470378555 (READ-ONLY COPY).

The authoritative reference and input builder live on the scoring server;
editing this copy changes nothing except your own understanding.
"""

import jax, jax.numpy as jnp
import numpy as np

MAXLEN = 200
VOCAB_SIZE = 1000000
EMBED_DIM = 64
BATCH = 4096

def setup_inputs(seed: int = 0) -> dict:
    key = jax.random.key(seed)
    k1, k2, k3 = jax.random.split(key, 3)
    inputs = jax.random.randint(k1, (BATCH, MAXLEN), 0, VOCAB_SIZE, dtype=jnp.int64 if jax.config.jax_enable_x64 else jnp.int32)
    token_table = jax.random.normal(k2, (VOCAB_SIZE, EMBED_DIM), dtype=jnp.float32) * 0.02
    pos_table = jax.random.normal(k3, (MAXLEN, EMBED_DIM), dtype=jnp.float32) * 0.02
    return {"inputs": inputs, "token_table": token_table, "pos_table": pos_table}

def reference(inputs, token_table, pos_table):
    maxlen = inputs.shape[-1]
    # original TF: positions = tf.range(start=maxlen-1, limit=0, delta=-1)
    # (reversed position indices); extended to include 0 so lengths match for broadcast
    position_ids = jnp.arange(maxlen - 1, -1, -1)
    positions = jnp.take(pos_table, position_ids, axis=0)  # [maxlen, embed_dim]
    tok = jnp.take(token_table, inputs, axis=0)            # [B, maxlen, embed_dim]
    return tok + positions

if __name__ == "__main__":
    import jax
    _d = setup_inputs()
    print(jax.jit(kernel)(*tuple(_d.values())))

</pallas_src>

<mosaic_0001>
#map = affine_map<(d0, d1) -> (0, 0)>
module attributes {stable_mosaic.version = 14 : i64} {
  func.func @_body(%arg0: i32, %arg1: i32, %arg2: memref<4096x200xi32, #tpu.memory_space<hbm>>, %arg3: memref<1000000x64xf32, #tpu.memory_space<hbm>>, %arg4: memref<200x64xf32, #tpu.memory_space<hbm>>, %arg5: memref<819200x64xf32, #tpu.memory_space<hbm>>, %arg6: memref<128x200xi32, #tpu.memory_space<vmem>>, %arg7: memref<200x64xf32, #tpu.memory_space<vmem>>, %arg8: memref<4x128x64xf32, #tpu.memory_space<vmem>>, %arg9: memref<8x!tpu.dma_semaphore, #tpu.memory_space<semaphore_mem>>) attributes {dimension_semantics = [#tpu.dimension_semantics<core_parallel>, #tpu.dimension_semantics<subcore_parallel>], iteration_bounds = array<i64: 2, 16>, scalar_prefetch = 0 : i64, scratch_operands = 4 : i64, tpu.core_type = #tpu.core_type<sc_vector_subcore>, window_params = [{transform_indices = #map}, {transform_indices = #map}, {transform_indices = #map}, {transform_indices = #map}]} {
    %mul3A = arith.constant 2 : i32
    %mul3A_0 = arith.muli %arg1, %mul3A : i32
    %add3A = arith.addi %mul3A_0, %arg0 : i32
    %mul3A_1 = arith.constant 128 : i32
    %mul3A_2 = arith.muli %add3A, %mul3A_1 : i32
    %mul3A_3 = arith.constant 200 : i32
    %mul3A_4 = arith.muli %mul3A_2, %mul3A_3 : i32
    %mul3A_5 = arith.constant 128 : i32
    %mul3A_6 = arith.muli %add3A, %mul3A_5 : i32
    "tpu.region"() ({
      %run_scoped3A = tpu.sem_alloc : memref<!tpu.dma_semaphore, #tpu.memory_space<semaphore_mem>>
      %dma_start3A_153 = arith.constant 0 : i32
      %dma_start3A_154 = tpu.memref_slice %arg2[%mul3A_6, %dma_start3A_153] : memref<4096x200xi32, #tpu.memory_space<hbm>> -> memref<128x200xi32, #tpu.memory_space<hbm>>
      %dma_start3A_155 = arith.constant 0 : i32
      %dma_start3A_156 = tpu.memref_slice %arg2[%mul3A_6, %dma_start3A_155] : memref<4096x200xi32, #tpu.memory_space<hbm>> -> memref<128x200xi32, #tpu.memory_space<hbm>>
      tpu.enqueue_dma source(%dma_start3A_156 : memref<128x200xi32, #tpu.memory_space<hbm>>) target(%arg6 : memref<128x200xi32, #tpu.memory_space<vmem>>) target_semaphore(%run_scoped3A : memref<!tpu.dma_semaphore, #tpu.memory_space<semaphore_mem>>)
      %dma_wait3A_157 = arith.constant 0 : i32
      %dma_wait3A_158 = tpu.memref_slice %arg2[%mul3A_6, %dma_wait3A_157] : memref<4096x200xi32, #tpu.memory_space<hbm>> -> memref<128x200xi32, #tpu.memory_space<hbm>>
      %dma_wait3A_159 = arith.constant 0 : i32
      %dma_wait3A_160 = tpu.memref_slice %arg2[%mul3A_6, %dma_wait3A_159] : memref<4096x200xi32, #tpu.memory_space<hbm>> -> memref<128x200xi32, #tpu.memory_space<hbm>>
      tpu.wait_dma2 semaphore(%run_scoped3A : memref<!tpu.dma_semaphore, #tpu.memory_space<semaphore_mem>>) src(%dma_wait3A_160 : memref<128x200xi32, #tpu.memory_space<hbm>>) dst(%arg6 : memref<128x200xi32, #tpu.memory_space<vmem>>)
      tpu.yield
    }) : () -> ()
    "tpu.region"() ({
      %run_scoped3A = tpu.sem_alloc : memref<!tpu.dma_semaphore, #tpu.memory_space<semaphore_mem>>
      tpu.enqueue_dma source(%arg4 : memref<200x64xf32, #tpu.memory_space<hbm>>) target(%arg7 : memref<200x64xf32, #tpu.memory_space<vmem>>) target_semaphore(%run_scoped3A : memref<!tpu.dma_semaphore, #tpu.memory_space<semaphore_mem>>)
      tpu.wait_dma2 semaphore(%run_scoped3A : memref<!tpu.dma_semaphore, #tpu.memory_space<semaphore_mem>>) src(%arg4 : memref<200x64xf32, #tpu.memory_space<hbm>>) dst(%arg7 : memref<200x64xf32, #tpu.memory_space<vmem>>)
      tpu.yield
    }) : () -> ()
    %dma_start3A = arith.constant 0 : i32
    %dma_start3A_7 = arith.constant 0 : i32
    %dma_start3A_8 = arith.constant 0 : i32
    %dma_start3A_9 = arith.constant 0 : i32
    %dma_start3A_10 = arith.constant 0 : i32
    %dma_start3A_11 = tpu.memref_slice %arg8[%dma_start3A_7, %dma_start3A_9, %dma_start3A_10] : memref<4x128x64xf32, #tpu.memory_space<vmem>> -> memref<1x128x64xf32, #tpu.memory_space<vmem>>
    %dma_start3A_12 = tpu.memref_squeeze %dma_start3A_11 : memref<1x128x64xf32, #tpu.memory_space<vmem>> -> memref<128x64xf32, #tpu.memory_space<vmem>>
    %dma_start3A_13 = arith.constant 0 : i32
    %dma_start3A_14 = arith.constant 0 : i32
    %dma_start3A_15 = tpu.memref_slice %dma_start3A_12[%dma_start3A_13, %dma_start3A_14] : memref<128x64xf32, #tpu.memory_space<vmem>> -> memref<128x64xf32, #tpu.memory_space<vmem>>
    %dma_start3A_16 = arith.constant 0 : i32
    %dma_start3A_17 = tpu.memref_slice %arg6[%dma_start3A, %dma_start3A_16] : memref<128x200xi32, #tpu.memory_space<vmem>> -> memref<1x128xi32, #tpu.memory_space<vmem>>
    %dma_start3A_18 = tpu.memref_squeeze %dma_start3A_17 : memref<1x128xi32, #tpu.memory_space<vmem>> -> memref<128xi32, #tpu.memory_space<vmem>>
    %dma_start3A_19 = arith.constant 0 : i32
    %dma_start3A_20 = arith.constant 0 : i32
    %dma_start3A_21 = tpu.memref_slice %arg3[%dma_start3A_19, %dma_start3A_20] : memref<1000000x64xf32, #tpu.memory_space<hbm>> -> memref<1000000x64xf32, #tpu.memory_space<hbm>>
    %dma_start3A_22 = tpu.memref_slice %arg9[%dma_start3A_8] : memref<8x!tpu.dma_semaphore, #tpu.memory_space<semaphore_mem>> -> memref<1x!tpu.dma_semaphore, #tpu.memory_space<semaphore_mem>>
    %dma_start3A_23 = tpu.memref_squeeze %dma_start3A_22 : memref<1x!tpu.dma_semaphore, #tpu.memory_space<semaphore_mem>> -> memref<!tpu.dma_semaphore, #tpu.memory_space<semaphore_mem>>
    tpu.enqueue_indirect_dma source(%dma_start3A_21 : memref<1000000x64xf32, #tpu.memory_space<hbm>>) target(%dma_start3A_15 : memref<128x64xf32, #tpu.memory_space<vmem>>) offsets(%dma_start3A_18 : memref<128xi32, #tpu.memory_space<vmem>>) semaphore(%dma_start3A_23 : memref<!tpu.dma_semaphore, #tpu.memory_space<semaphore_mem>>)
    %dma_start3A_24 = arith.constant 0 : i32
    %dma_start3A_25 = arith.constant 1 : i32
    %dma_start3A_26 = arith.constant 1 : i32
    %dma_start3A_27 = arith.constant 0 : i32
    %dma_start3A_28 = arith.constant 0 : i32
    %dma_start3A_29 = tpu.memref_slice %arg8[%dma_start3A_25, %dma_start3A_27, %dma_start3A_28] : memref<4x128x64xf32, #tpu.memory_space<vmem>> -> memref<1x128x64xf32, #tpu.memory_space<vmem>>
    %dma_start3A_30 = tpu.memref_squeeze %dma_start3A_29 : memref<1x128x64xf32, #tpu.memory_space<vmem>> -> memref<128x64xf32, #tpu.memory_space<vmem>>
    %dma_start3A_31 = arith.constant 0 : i32
    %dma_start3A_32 = arith.constant 0 : i32
    %dma_start3A_33 = tpu.memref_slice %dma_start3A_30[%dma_start3A_31, %dma_start3A_32] : memref<128x64xf32, #tpu.memory_space<vmem>> -> memref<72x64xf32, #tpu.memory_space<vmem>>
    %dma_start3A_34 = arith.constant 128 : i32
    %dma_start3A_35 = tpu.memref_slice %arg6[%dma_start3A_24, %dma_start3A_34] : memref<128x200xi32, #tpu.memory_space<vmem>> -> memref<1x72xi32, #tpu.memory_space<vmem>>
    %dma_start3A_36 = tpu.memref_squeeze %dma_start3A_35 : memref<1x72xi32, #tpu.memory_space<vmem>> -> memref<72xi32, #tpu.memory_space<vmem>>
    %dma_start3A_37 = arith.constant 0 : i32
    %dma_start3A_38 = arith.constant 0 : i32
    %dma_start3A_39 = tpu.memref_slice %arg3[%dma_start3A_37, %dma_start3A_38] : memref<1000000x64xf32, #tpu.memory_space<hbm>> -> memref<1000000x64xf32, #tpu.memory_space<hbm>>
    %dma_start3A_40 = tpu.memref_slice %arg9[%dma_start3A_26] : memref<8x!tpu.dma_semaphore, #tpu.memory_space<semaphore_mem>> -> memref<1x!tpu.dma_semaphore, #tpu.memory_space<semaphore_mem>>
    %dma_start3A_41 = tpu.memref_squeeze %dma_start3A_40 : memref<1x!tpu.dma_semaphore, #tpu.memory_space<semaphore_mem>> -> memref<!tpu.dma_semaphore, #tpu.memory_space<semaphore_mem>>
    tpu.enqueue_indirect_dma source(%dma_start3A_39 : memref<1000000x64xf32, #tpu.memory_space<hbm>>) target(%dma_start3A_33 : memref<72x64xf32, #tpu.memory_space<vmem>>) offsets(%dma_start3A_36 : memref<72xi32, #tpu.memory_space<vmem>>) semaphore(%dma_start3A_41 : memref<!tpu.dma_semaphore, #tpu.memory_space<semaphore_mem>>)
    %scan3A = arith.constant 2 : i32
    %scan3A_42 = arith.constant 6 : i32
    %scan3A_43 = arith.constant 2 : i32
    %scan3A_44 = arith.constant 0 : i32
    %scan3A_45 = arith.constant 0 : i32
    %scan3A_46 = arith.constant 4 : i32
    %scan3A_47 = arith.constant 3 : i32
    %scan3A_48 = arith.constant 7 : i32
    %scan3A_49 = arith.constant 3 : i32
    %scan3A_50 = arith.constant 1 : i32
    %scan3A_51 = arith.constant 1 : i32
    %scan3A_52 = arith.constant 5 : i32
    %scan3A_53 = arith.constant 0 : i32
    %scan3A_54 = arith.constant 64 : i32
    %scan3A_55 = arith.addi %scan3A_53, %scan3A_54 : i32
    %scan3A_56 = arith.constant 1 : i32
    scf.for %scan3A_153 = %scan3A_53 to %scan3A_55 step %scan3A_56  : i32 {
      %mul3A_154 = arith.constant 2 : i32
      %mul3A_155 = arith.muli %scan3A_153, %mul3A_154 : i32
      %add3A_156 = arith.constant 0 : i32
      %add3A_157 = arith.addi %add3A_156, %mul3A_155 : i32
      %mul3A_158 = arith.constant 2 : i32
      %mul3A_159 = arith.muli %mul3A_158, %add3A_157 : i32
      %add3A_160 = arith.constant 0 : i32
      %add3A_161 = arith.addi %mul3A_159, %add3A_160 : i32
      %add3A_162 = arith.constant 2 : i32
      %add3A_163 = arith.addi %add3A_161, %add3A_162 : i32
      %lt3A = arith.constant 256 : i32
      %lt3A_164 = arith.cmpi slt, %add3A_163, %lt3A : i32
      %convert_element_type3A = arith.extui %lt3A_164 : i1 to i32
      %cond3A = arith.constant 0 : i32
      %cond3A_165 = arith.cmpi ne, %convert_element_type3A, %cond3A : i32
      scf.if %cond3A_165 {
        %ge3A = arith.constant 2 : i32
        %ge3A_391 = arith.cmpi sge, %add3A_161, %ge3A : i32
        %convert_element_type3A_392 = arith.extui %ge3A_391 : i1 to i32
        %cond3A_393 = arith.constant 0 : i32
        %cond3A_394 = arith.cmpi ne, %convert_element_type3A_392, %cond3A_393 : i32
        scf.if %cond3A_394 {
          %dma_wait3A_414 = arith.constant 0 : i32
          %dma_wait3A_415 = arith.constant 0 : i32
          %dma_wait3A_416 = tpu.memref_slice %arg8[%scan3A, %dma_wait3A_414, %dma_wait3A_415] : memref<4x128x64xf32, #tpu.memory_space<vmem>> -> memref<1x128x64xf32, #tpu.memory_space<vmem>>
          %dma_wait3A_417 = tpu.memref_squeeze %dma_wait3A_416 : memref<1x128x64xf32, #tpu.memory_space<vmem>> -> memref<128x64xf32, #tpu.memory_space<vmem>>
          %dma_wait3A_418 = arith.constant 0 : i32
          %dma_wait3A_419 = arith.constant 0 : i32
          %dma_wait3A_420 = tpu.memref_slice %dma_wait3A_417[%dma_wait3A_418, %dma_wait3A_419] : memref<128x64xf32, #tpu.memory_space<vmem>> -> memref<128x64xf32, #tpu.memory_space<vmem>>
          %dma_wait3A_421 = arith.constant 0 : i32
          %dma_wait3A_422 = arith.constant 0 : i32
          %dma_wait3A_423 = tpu.memref_slice %arg5[%dma_wait3A_421, %dma_wait3A_422] : memref<819200x64xf32, #tpu.memory_space<hbm>> -> memref<128x64xf32, #tpu.memory_space<hbm>>
          %dma_wait3A_424 = tpu.memref_slice %arg9[%scan3A_42] : memref<8x!tpu.dma_semaphore, #tpu.memory_space<semaphore_mem>> -> memref<1x!tpu.dma_semaphore, #tpu.memory_space<semaphore_mem>>
          %dma_wait3A_425 = tpu.memref_squeeze %dma_wait3A_424 : memref<1x!tpu.dma_semaphore, #tpu.memory_space<semaphore_mem>> -> memref<!tpu.dma_semaphore, #tpu.memory_space<semaphore_mem>>
          %dma_wait3A_426 = arith.constant 0 : i32
          %dma_wait3A_427 = arith.constant 0 : i32
          %dma_wait3A_428 = tpu.memref_slice %arg5[%dma_wait3A_426, %dma_wait3A_427] : memref<819200x64xf32, #tpu.memory_space<hbm>> -> memref<128x64xf32, #tpu.memory_space<hbm>>
          %dma_wait3A_429 = arith.constant 0 : i32
          %dma_wait3A_430 = arith.constant 0 : i32
          %dma_wait3A_431 = tpu.memref_slice %arg8[%scan3A, %dma_wait3A_429, %dma_wait3A_430] : memref<4x128x64xf32, #tpu.memory_space<vmem>> -> memref<1x128x64xf32, #tpu.memory_space<vmem>>
          %dma_wait3A_432 = tpu.memref_squeeze %dma_wait3A_431 : memref<1x128x64xf32, #tpu.memory_space<vmem>> -> memref<128x64xf32, #tpu.memory_space<vmem>>
          %dma_wait3A_433 = arith.constant 0 : i32
          %dma_wait3A_434 = arith.constant 0 : i32
          %dma_wait3A_435 = tpu.memref_slice %dma_wait3A_432[%dma_wait3A_433, %dma_wait3A_434] : memref<128x64xf32, #tpu.memory_space<vmem>> -> memref<128x64xf32, #tpu.memory_space<vmem>>
          tpu.wait_dma2 semaphore(%dma_wait3A_425 : memref<!tpu.dma_semaphore, #tpu.memory_space<semaphore_mem>>) src(%dma_wait3A_435 : memref<128x64xf32, #tpu.memory_space<vmem>>) dst(%dma_wait3A_428 : memref<128x64xf32, #tpu.memory_space<hbm>>)
        } else {
        }
        %add3A_395 = arith.constant 1 : i32
        %add3A_396 = arith.addi %add3A_157, %add3A_395 : i32
        %add3A_397 = arith.constant 0 : i32
        %add3A_398 = arith.addi %add3A_396, %add3A_397 : i32
        %dma_start3A_399 = arith.constant 0 : i32
        %dma_start3A_400 = arith.constant 0 : i32
        %dma_start3A_401 = tpu.memref_slice %arg8[%scan3A, %dma_start3A_399, %dma_start3A_400] : memref<4x128x64xf32, #tpu.memory_space<vmem>> -> memref<1x128x64xf32, #tpu.memory_space<vmem>>
        %dma_start3A_402 = tpu.memref_squeeze %dma_start3A_401 : memref<1x128x64xf32, #tpu.memory_space<vmem>> -> memref<128x64xf32, #tpu.memory_space<vmem>>
        %dma_start3A_403 = arith.constant 0 : i32
        %dma_start3A_404 = arith.constant 0 : i32
        %dma_start3A_405 = tpu.memref_slice %dma_start3A_402[%dma_start3A_403, %dma_start3A_404] : memref<128x64xf32, #tpu.memory_space<vmem>> -> memref<128x64xf32, #tpu.memory_space<vmem>>
        %dma_start3A_406 = arith.constant 0 : i32
        %dma_start3A_407 = tpu.memref_slice %arg6[%add3A_398, %dma_start3A_406] : memref<128x200xi32, #tpu.memory_space<vmem>> -> memref<1x128xi32, #tpu.memory_space<vmem>>
        %dma_start3A_408 = tpu.memref_squeeze %dma_start3A_407 : memref<1x128xi32, #tpu.memory_space<vmem>> -> memref<128xi32, #tpu.memory_space<vmem>>
        %dma_start3A_409 = arith.constant 0 : i32
        %dma_start3A_410 = arith.constant 0 : i32
        %dma_start3A_411 = tpu.memref_slice %arg3[%dma_start3A_409, %dma_start3A_410] : memref<1000000x64xf32, #tpu.memory_space<hbm>> -> memref<1000000x64xf32, #tpu.memory_space<hbm>>
        %dma_start3A_412 = tpu.memref_slice %arg9[%scan3A_43] : memref<8x!tpu.dma_semaphore, #tpu.memory_space<semaphore_mem>> -> memref<1x!tpu.dma_semaphore, #tpu.memory_space<semaphore_mem>>
        %dma_start3A_413 = tpu.memref_squeeze %dma_start3A_412 : memref<1x!tpu.dma_semaphore, #tpu.memory_space<semaphore_mem>> -> memref<!tpu.dma_semaphore, #tpu.memory_space<semaphore_mem>>
        tpu.enqueue_indirect_dma source(%dma_start3A_411 : memref<1000000x64xf32, #tpu.memory_space<hbm>>) target(%dma_start3A_405 : memref<128x64xf32, #tpu.memory_space<vmem>>) offsets(%dma_start3A_408 : memref<128xi32, #tpu.memory_space<vmem>>) semaphore(%dma_start3A_413 : memref<!tpu.dma_semaphore, #tpu.memory_space<semaphore_mem>>)
      } else {
      }
      %dma_wait3A_166 = arith.constant 0 : i32
      %dma_wait3A_167 = arith.constant 0 : i32
      %dma_wait3A_168 = arith.constant 0 : i32
      %dma_wait3A_169 = tpu.memref_slice %arg8[%scan3A_44, %dma_wait3A_167, %dma_wait3A_168] : memref<4x128x64xf32, #tpu.memory_space<vmem>> -> memref<1x128x64xf32, #tpu.memory_space<vmem>>
      %dma_wait3A_170 = tpu.memref_squeeze %dma_wait3A_169 : memref<1x128x64xf32, #tpu.memory_space<vmem>> -> memref<128x64xf32, #tpu.memory_space<vmem>>
      %dma_wait3A_171 = arith.constant 0 : i32
      %dma_wait3A_172 = arith.constant 0 : i32
      %dma_wait3A_173 = tpu.memref_slice %dma_wait3A_170[%dma_wait3A_171, %dma_wait3A_172] : memref<128x64xf32, #tpu.memory_space<vmem>> -> memref<128x64xf32, #tpu.memory_space<vmem>>
      %dma_wait3A_174 = arith.constant 0 : i32
      %dma_wait3A_175 = tpu.memref_slice %arg6[%dma_wait3A_166, %dma_wait3A_174] : memref<128x200xi32, #tpu.memory_space<vmem>> -> memref<1x128xi32, #tpu.memory_space<vmem>>
      %dma_wait3A_176 = tpu.memref_squeeze %dma_wait3A_175 : memref<1x128xi32, #tpu.memory_space<vmem>> -> memref<128xi32, #tpu.memory_space<vmem>>
      %dma_wait3A_177 = arith.constant 0 : i32
      %dma_wait3A_178 = arith.constant 0 : i32
      %dma_wait3A_179 = tpu.memref_slice %arg3[%dma_wait3A_177, %dma_wait3A_178] : memref<1000000x64xf32, #tpu.memory_space<hbm>> -> memref<1000000x64xf32, #tpu.memory_space<hbm>>
      %dma_wait3A_180 = tpu.memref_slice %arg9[%scan3A_45] : memref<8x!tpu.dma_semaphore, #tpu.memory_space<semaphore_mem>> -> memref<1x!tpu.dma_semaphore, #tpu.memory_space<semaphore_mem>>
      %dma_wait3A_181 = tpu.memref_squeeze %dma_wait3A_180 : memref<1x!tpu.dma_semaphore, #tpu.memory_space<semaphore_mem>> -> memref<!tpu.dma_semaphore, #tpu.memory_space<semaphore_mem>>
      tpu.wait_indirect_dma semaphore(%dma_wait3A_181 : memref<!tpu.dma_semaphore, #tpu.memory_space<semaphore_mem>>) src(%dma_wait3A_179 : memref<1000000x64xf32, #tpu.memory_space<hbm>>) dst(%dma_wait3A_173 : memref<128x64xf32, #tpu.memory_space<vmem>>)
      %scan3A_182 = arith.constant 0 : i32
      %scan3A_183 = arith.constant 128 : i32
      %scan3A_184 = arith.addi %scan3A_182, %scan3A_183 : i32
      %scan3A_185 = arith.constant 8 : i32
      scf.for %scan3A_391 = %scan3A_182 to %scan3A_184 step %scan3A_185  : i32 {
        %mul3A_392 = arith.constant 1 : i32
        %mul3A_393 = arith.muli %scan3A_391, %mul3A_392 : i32
        %add3A_394 = arith.constant 0 : i32
        %add3A_395 = arith.addi %add3A_394, %mul3A_393 : i32
        %sub3A = arith.constant 199 : i32
        %sub3A_396 = arith.subi %sub3A, %add3A_395 : i32
        %get3A = arith.index_cast %sub3A_396 : i32 to index
        %get3A_397 = arith.constant 0 : index
        %get3A_398 = tpu.vector_load %arg7[%get3A, %get3A_397] {strides = array<i32>} : memref<200x64xf32, #tpu.memory_space<vmem>>, vector<1x16xf32>,
        %get3A_399 = vector.shape_cast %get3A_398 : vector<1x16xf32> to vector<16xf32>
        %swap3A = arith.constant 0 : i32
        %swap3A_400 = arith.constant 0 : i32
        %swap3A_401 = tpu.memref_slice %arg8[%scan3A_44, %swap3A, %swap3A_400] : memref<4x128x64xf32, #tpu.memory_space<vmem>> -> memref<1x128x64xf32, #tpu.memory_space<vmem>>
        %swap3A_402 = tpu.memref_squeeze %swap3A_401 : memref<1x128x64xf32, #tpu.memory_space<vmem>> -> memref<128x64xf32, #tpu.memory_space<vmem>>
        %swap3A_403 = arith.index_cast %add3A_395 : i32 to index
        %swap3A_404 = arith.constant 0 : index
        %swap3A_405 = tpu.vector_load %swap3A_402[%swap3A_403, %swap3A_404] {strides = array<i32>} : memref<128x64xf32, #tpu.memory_space<vmem>>, vector<1x16xf32>,
        %swap3A_406 = vector.shape_cast %swap3A_405 : vector<1x16xf32> to vector<16xf32>
        %swap3A_407 = vector.shape_cast %get3A_399 : vector<16xf32> to vector<1x16xf32>
        tpu.vector_store %swap3A_402[%swap3A_403, %swap3A_404], %swap3A_407 {add = true, strides = array<i32>} : memref<128x64xf32, #tpu.memory_space<vmem>>, vector<1x16xf32>,
        %sub3A_408 = arith.constant 199 : i32
        %sub3A_409 = arith.subi %sub3A_408, %add3A_395 : i32
        %get3A_410 = arith.index_cast %sub3A_409 : i32 to index
        %get3A_411 = arith.constant 16 : index
        %get3A_412 = tpu.vector_load %arg7[%get3A_410, %get3A_411] {strides = array<i32>} : memref<200x64xf32, #tpu.memory_space<vmem>>, vector<1x16xf32>,
        %get3A_413 = vector.shape_cast %get3A_412 : vector<1x16xf32> to vector<16xf32>
        %swap3A_414 = arith.constant 0 : i32
        %swap3A_415 = arith.constant 0 : i32
        %swap3A_416 = tpu.memref_slice %arg8[%scan3A_44, %swap3A_414, %swap3A_415] : memref<4x128x64xf32, #tpu.memory_space<vmem>> -> memref<1x128x64xf32, #tpu.memory_space<vmem>>
        %swap3A_417 = tpu.memref_squeeze %swap3A_416 : memref<1x128x64xf32, #tpu.memory_space<vmem>> -> memref<128x64xf32, #tpu.memory_space<vmem>>
        %swap3A_418 = arith.index_cast %add3A_395 : i32 to index
        %swap3A_419 = arith.constant 16 : index
        %swap3A_420 = tpu.vector_load %swap3A_417[%swap3A_418, %swap3A_419] {strides = array<i32>} : memref<128x64xf32, #tpu.memory_space<vmem>>, vector<1x16xf32>,
        %swap3A_421 = vector.shape_cast %swap3A_420 : vector<1x16xf32> to vector<16xf32>
        %swap3A_422 = vector.shape_cast %get3A_413 : vector<16xf32> to vector<1x16xf32>
        tpu.vector_store %swap3A_417[%swap3A_418, %swap3A_419], %swap3A_422 {add = true, strides = array<i32>} : memref<128x64xf32, #tpu.memory_space<vmem>>, vector<1x16xf32>,
        %sub3A_423 = arith.constant 199 : i32
        %sub3A_424 = arith.subi %sub3A_423, %add3A_395 : i32
        %get3A_425 = arith.index_cast %sub3A_424 : i32 to index
        %get3A_426 = arith.constant 32 : index
        %get3A_427 = tpu.vector_load %arg7[%get3A_425, %get3A_426] {strides = array<i32>} : memref<200x64xf32, #tpu.memory_space<vmem>>, vector<1x16xf32>,
        %get3A_428 = vector.shape_cast %get3A_427 : vector<1x16xf32> to vector<16xf32>
        %swap3A_429 = arith.constant 0 : i32
        %swap3A_430 = arith.constant 0 : i32
        %swap3A_431 = tpu.memref_slice %arg8[%scan3A_44, %swap3A_429, %swap3A_430] : memref<4x128x64xf32, #tpu.memory_space<vmem>> -> memref<1x128x64xf32, #tpu.memory_space<vmem>>
        %swap3A_432 = tpu.memref_squeeze %swap3A_431 : memref<1x128x64xf32, #tpu.memory_space<vmem>> -> memref<128x64xf32, #tpu.memory_space<vmem>>
        %swap3A_433 = arith.index_cast %add3A_395 : i32 to index
        %swap3A_434 = arith.constant 32 : index
        %swap3A_435 = tpu.vector_load %swap3A_432[%swap3A_433, %swap3A_434] {strides = array<i32>} : memref<128x64xf32, #tpu.memory_space<vmem>>, vector<1x16xf32>,
        %swap3A_436 = vector.shape_cast %swap3A_435 : vector<1x16xf32> to vector<16xf32>
        %swap3A_437 = vector.shape_cast %get3A_428 : vector<16xf32> to vector<1x16xf32>
        tpu.vector_store %swap3A_432[%swap3A_433, %swap3A_434], %swap3A_437 {add = true, strides = array<i32>} : memref<128x64xf32, #tpu.memory_space<vmem>>, vector<1x16xf32>,
        %sub3A_438 = arith.constant 199 : i32
        %sub3A_439 = arith.subi %sub3A_438, %add3A_395 : i32
        %get3A_440 = arith.index_cast %sub3A_439 : i32 to index
        %get3A_441 = arith.constant 48 : index
        %get3A_442 = tpu.vector_load %arg7[%get3A_440, %get3A_441] {strides = array<i32>} : memref<200x64xf32, #tpu.memory_space<vmem>>, vector<1x16xf32>,
        %get3A_443 = vector.shape_cast %get3A_442 : vector<1x16xf32> to vector<16xf32>
        %swap3A_444 = arith.constant 0 : i32
        %swap3A_445 = arith.constant 0 : i32
        %swap3A_446 = tpu.memref_slice %arg8[%scan3A_44, %swap3A_444, %swap3A_445] : memref<4x128x64xf32, #tpu.memory_space<vmem>> -> memref<1x128x64xf32, #tpu.memory_space<vmem>>
        %swap3A_447 = tpu.memref_squeeze %swap3A_446 : memref<1x128x64xf32, #tpu.memory_space<vmem>> -> memref<128x64xf32, #tpu.memory_space<vmem>>
        %swap3A_448 = arith.index_cast %add3A_395 : i32 to index
        %swap3A_449 = arith.constant 48 : index
        %swap3A_450 = tpu.vector_load %swap3A_447[%swap3A_448, %swap3A_449] {strides = array<i32>} : memref<128x64xf32, #tpu.memory_space<vmem>>, vector<1x16xf32>,
        %swap3A_451 = vector.shape_cast %swap3A_450 : vector<1x16xf32> to vector<16xf32>
        %swap3A_452 = vector.shape_cast %get3A_443 : vector<16xf32> to vector<1x16xf32>
        tpu.vector_store %swap3A_447[%swap3A_448, %swap3A_449], %swap3A_452 {add = true, strides = array<i32>} : memref<128x64xf32, #tpu.memory_space<vmem>>, vector<1x16xf32>,
        %scan3A_453 = arith.constant 1 : i32
        %scan3A_454 = arith.addi %scan3A_391, %scan3A_453 : i32
        %mul3A_455 = arith.constant 1 : i32
        %mul3A_456 = arith.muli %scan3A_454, %mul3A_455 : i32
        %add3A_457 = arith.constant 0 : i32
        %add3A_458 = arith.addi %add3A_457, %mul3A_456 : i32
        %sub3A_459 = arith.constant 199 : i32
        %sub3A_460 = arith.subi %sub3A_459, %add3A_458 : i32
        %get3A_461 = arith.index_cast %sub3A_460 : i32 to index
        %get3A_462 = arith.constant 0 : index
        %get3A_463 = tpu.vector_load %arg7[%get3A_461, %get3A_462] {strides = array<i32>} : memref<200x64xf32, #tpu.memory_space<vmem>>, vector<1x16xf32>,
        %get3A_464 = vector.shape_cast %get3A_463 : vector<1x16xf32> to vector<16xf32>
        %swap3A_465 = arith.constant 0 : i32
        %swap3A_466 = arith.constant 0 : i32
        %swap3A_467 = tpu.memref_slice %arg8[%scan3A_44, %swap3A_465, %swap3A_466] : memref<4x128x64xf32, #tpu.memory_space<vmem>> -> memref<1x128x64xf32, #tpu.memory_space<vmem>>
        %swap3A_468 = tpu.memref_squeeze %swap3A_467 : memref<1x128x64xf32, #tpu.memory_space<vmem>> -> memref<128x64xf32, #tpu.memory_space<vmem>>
        %swap3A_469 = arith.index_cast %add3A_458 : i32 to index
        %swap3A_470 = arith.constant 0 : index
        %swap3A_471 = tpu.vector_load %swap3A_468[%swap3A_469, %swap3A_470] {strides = array<i32>} : memref<128x64xf32, #tpu.memory_space<vmem>>, vector<1x16xf32>,
        %swap3A_472 = vector.shape_cast %swap3A_471 : vector<1x16xf32> to vector<16xf32>
        %swap3A_473 = vector.shape_cast %get3A_464 : vector<16xf32> to vector<1x16xf32>
        tpu.vector_store %swap3A_468[%swap3A_469, %swap3A_470], %swap3A_473 {add = true, strides = array<i32>} : memref<128x64xf32, #tpu.memory_space<vmem>>, vector<1x16xf32>,
        %sub3A_474 = arith.constant 199 : i32
        %sub3A_475 = arith.subi %sub3A_474, %add3A_458 : i32
        %get3A_476 = arith.index_cast %sub3A_475 : i32 to index
        %get3A_477 = arith.constant 16 : index
        %get3A_478 = tpu.vector_load %arg7[%get3A_476, %get3A_477] {strides = array<i32>} : memref<200x64xf32, #tpu.memory_space<vmem>>, vector<1x16xf32>,
        %get3A_479 = vector.shape_cast %get3A_478 : vector<1x16xf32> to vector<16xf32>
        %swap3A_480 = arith.constant 0 : i32
        %swap3A_481 = arith.constant 0 : i32
        %swap3A_482 = tpu.memref_slice %arg8[%scan3A_44, %swap3A_480, %swap3A_481] : memref<4x128x64xf32, #tpu.memory_space<vmem>> -> memref<1x128x64xf32, #tpu.memory_space<vmem>>
        %swap3A_483 = tpu.memref_squeeze %swap3A_482 : memref<1x128x64xf32, #tpu.memory_space<vmem>> -> memref<128x64xf32, #tpu.memory_space<vmem>>
        %swap3A_484 = arith.index_cast %add3A_458 : i32 to index
        %swap3A_485 = arith.constant 16 : index
        %swap3A_486 = tpu.vector_load %swap3A_483[%swap3A_484, %swap3A_485] {strides = array<i32>} : memref<128x64xf32, #tpu.memory_space<vmem>>, vector<1x16xf32>,
        %swap3A_487 = vector.shape_cast %swap3A_486 : vector<1x16xf32> to vector<16xf32>
        %swap3A_488 = vector.shape_cast %get3A_479 : vector<16xf32> to vector<1x16xf32>
        tpu.vector_store %swap3A_483[%swap3A_484, %swap3A_485], %swap3A_488 {add = true, strides = array<i32>} : memref<128x64xf32, #tpu.memory_space<vmem>>, vector<1x16xf32>,
        %sub3A_489 = arith.constant 199 : i32
        %sub3A_490 = arith.subi %sub3A_489, %add3A_458 : i32
        %get3A_491 = arith.index_cast %sub3A_490 : i32 to index
        %get3A_492 = arith.constant 32 : index
        %get3A_493 = tpu.vector_load %arg7[%get3A_491, %get3A_492] {strides = array<i32>} : memref<200x64xf32, #tpu.memory_space<vmem>>, vector<1x16xf32>,
        %get3A_494 = vector.shape_cast %get3A_493 : vector<1x16xf32> to vector<16xf32>
        %swap3A_495 = arith.constant 0 : i32
        %swap3A_496 = arith.constant 0 : i32
        %swap3A_497 = tpu.memref_slice %arg8[%scan3A_44, %swap3A_495, %swap3A_496] : memref<4x128x64xf32, #tpu.memory_space<vmem>> -> memref<1x128x64xf32, #tpu.memory_space<vmem>>
        %swap3A_498 = tpu.memref_squeeze %swap3A_497 : memref<1x128x64xf32, #tpu.memory_space<vmem>> -> memref<128x64xf32, #tpu.memory_space<vmem>>
        %swap3A_499 = arith.index_cast %add3A_458 : i32 to index
        %swap3A_500 = arith.constant 32 : index
        %swap3A_501 = tpu.vector_load %swap3A_498[%swap3A_499, %swap3A_500] {strides = array<i32>} : memref<128x64xf32, #tpu.memory_space<vmem>>, vector<1x16xf32>,
        %swap3A_502 = vector.shape_cast %swap3A_501 : vector<1x16xf32> to vector<16xf32>
        %swap3A_503 = vector.shape_cast %get3A_494 : vector<16xf32> to vector<1x16xf32>
        tpu.vector_store %swap3A_498[%swap3A_499, %swap3A_500], %swap3A_503 {add = true, strides = array<i32>} : memref<128x64xf32, #tpu.memory_space<vmem>>, vector<1x16xf32>,
        %sub3A_504 = arith.constant 199 : i32
        %sub3A_505 = arith.subi %sub3A_504, %add3A_458 : i32
        %get3A_506 = arith.index_cast %sub3A_505 : i32 to index
        %get3A_507 = arith.constant 48 : index
        %get3A_508 = tpu.vector_load %arg7[%get3A_506, %get3A_507] {strides = array<i32>} : memref<200x64xf32, #tpu.memory_space<vmem>>, vector<1x16xf32>,
        %get3A_509 = vector.shape_cast %get3A_508 : vector<1x16xf32> to vector<16xf32>
        %swap3A_510 = arith.constant 0 : i32
        %swap3A_511 = arith.constant 0 : i32
        %swap3A_512 = tpu.memref_slice %arg8[%scan3A_44, %swap3A_510, %swap3A_511] : memref<4x128x64xf32, #tpu.memory_space<vmem>> -> memref<1x128x64xf32, #tpu.memory_space<vmem>>
        %swap3A_513 = tpu.memref_squeeze %swap3A_512 : memref<1x128x64xf32, #tpu.memory_space<vmem>> -> memref<128x64xf32, #tpu.memory_space<vmem>>
        %swap3A_514 = arith.index_cast %add3A_458 : i32 to index
        %swap3A_515 = arith.constant 48 : index
        %swap3A_516 = tpu.vector_load %swap3A_513[%swap3A_514, %swap3A_515] {strides = array<i32>} : memref<128x64xf32, #tpu.memory_space<vmem>>, vector<1x16xf32>,
        %swap3A_517 = vector.shape_cast %swap3A_516 : vector<1x16xf32> to vector<16xf32>
        %swap3A_518 = vector.shape_cast %get3A_509 : vector<16xf32> to vector<1x16xf32>
        tpu.vector_store %swap3A_513[%swap3A_514, %swap3A_515], %swap3A_518 {add = true, strides = array<i32>} : memref<128x64xf32, #tpu.memory_space<vmem>>, vector<1x16xf32>,
        %scan3A_519 = arith.constant 2 : i32
        %scan3A_520 = arith.addi %scan3A_391, %scan3A_519 : i32
        %mul3A_521 = arith.constant 1 : i32
        %mul3A_522 = arith.muli %scan3A_520, %mul3A_521 : i32
        %add3A_523 = arith.constant 0 : i32
        %add3A_524 = arith.addi %add3A_523, %mul3A_522 : i32
        %sub3A_525 = arith.constant 199 : i32
        %sub3A_526 = arith.subi %sub3A_525, %add3A_524 : i32
        %get3A_527 = arith.index_cast %sub3A_526 : i32 to index
        %get3A_528 = arith.constant 0 : index
        %get3A_529 = tpu.vector_load %arg7[%get3A_527, %get3A_528] {strides = array<i32>} : memref<200x64xf32, #tpu.memory_space<vmem>>, vector<1x16xf32>,
        %get3A_530 = vector.shape_cast %get3A_529 : vector<1x16xf32> to vector<16xf32>
        %swap3A_531 = arith.constant 0 : i32
        %swap3A_532 = arith.constant 0 : i32
        %swap3A_533 = tpu.memref_slice %arg8[%scan3A_44, %swap3A_531, %swap3A_532] : memref<4x128x64xf32, #tpu.memory_space<vmem>> -> memref<1x128x64xf32, #tpu.memory_space<vmem>>
        %swap3A_534 = tpu.memref_squeeze %swap3A_533 : memref<1x128x64xf32, #tpu.memory_space<vmem>> -> memref<128x64xf32, #tpu.memory_space<vmem>>
        %swap3A_535 = arith.index_cast %add3A_524 : i32 to index
        %swap3A_536 = arith.constant 0 : index
        %swap3A_537 = tpu.vector_load %swap3A_534[%swap3A_535, %swap3A_536] {strides = array<i32>} : memref<128x64xf32, #tpu.memory_space<vmem>>, vector<1x16xf32>,
        %swap3A_538 = vector.shape_cast %swap3A_537 : vector<1x16xf32> to vector<16xf32>
        %swap3A_539 = vector.shape_cast %get3A_530 : vector<16xf32> to vector<1x16xf32>
        tpu.vector_store %swap3A_534[%swap3A_535, %swap3A_536], %swap3A_539 {add = true, strides = array<i32>} : memref<128x64xf32, #tpu.memory_space<vmem>>, vector<1x16xf32>,
        %sub3A_540 = arith.constant 199 : i32
        %sub3A_541 = arith.subi %sub3A_540, %add3A_524 : i32
        %get3A_542 = arith.index_cast %sub3A_541 : i32 to index
        %get3A_543 = arith.constant 16 : index
        %get3A_544 = tpu.vector_load %arg7[%get3A_542, %get3A_543] {strides = array<i32>} : memref<200x64xf32, #tpu.memory_space<vmem>>, vector<1x16xf32>,
        %get3A_545 = vector.shape_cast %get3A_544 : vector<1x16xf32> to vector<16xf32>
        %swap3A_546 = arith.constant 0 : i32
        %swap3A_547 = arith.constant 0 : i32
        %swap3A_548 = tpu.memref_slice %arg8[%scan3A_44, %swap3A_546, %swap3A_547] : memref<4x128x64xf32, #tpu.memory_space<vmem>> -> memref<1x128x64xf32, #tpu.memory_space<vmem>>
        %swap3A_549 = tpu.memref_squeeze %swap3A_548 : memref<1x128x64xf32, #tpu.memory_space<vmem>> -> memref<128x64xf32, #tpu.memory_space<vmem>>
        %swap3A_550 = arith.index_cast %add3A_524 : i32 to index
        %swap3A_551 = arith.constant 16 : index
        %swap3A_552 = tpu.vector_load %swap3A_549[%swap3A_550, %swap3A_551] {strides = array<i32>} : memref<128x64xf32, #tpu.memory_space<vmem>>, vector<1x16xf32>,
        %swap3A_553 = vector.shape_cast %swap3A_552 : vector<1x16xf32> to vector<16xf32>
        %swap3A_554 = vector.shape_cast %get3A_545 : vector<16xf32> to vector<1x16xf32>
        tpu.vector_store %swap3A_549[%swap3A_550, %swap3A_551], %swap3A_554 {add = true, strides = array<i32>} : memref<128x64xf32, #tpu.memory_space<vmem>>, vector<1x16xf32>,
        %sub3A_555 = arith.constant 199 : i32
        %sub3A_556 = arith.subi %sub3A_555, %add3A_524 : i32
        %get3A_557 = arith.index_cast %sub3A_556 : i32 to index
        %get3A_558 = arith.constant 32 : index
        %get3A_559 = tpu.vector_load %arg7[%get3A_557, %get3A_558] {strides = array<i32>} : memref<200x64xf32, #tpu.memory_space<vmem>>, vector<1x16xf32>,
        %get3A_560 = vector.shape_cast %get3A_559 : vector<1x16xf32> to vector<16xf32>
        %swap3A_561 = arith.constant 0 : i32
        %swap3A_562 = arith.constant 0 : i32
        %swap3A_563 = tpu.memref_slice %arg8[%scan3A_44, %swap3A_561, %swap3A_562] : memref<4x128x64xf32, #tpu.memory_space<vmem>> -> memref<1x128x64xf32, #tpu.memory_space<vmem>>
        %swap3A_564 = tpu.memref_squeeze %swap3A_563 : memref<1x128x64xf32, #tpu.memory_space<vmem>> -> memref<128x64xf32, #tpu.memory_space<vmem>>
        %swap3A_565 = arith.index_cast %add3A_524 : i32 to index
        %swap3A_566 = arith.constant 32 : index
        %swap3A_567 = tpu.vector_load %swap3A_564[%swap3A_565, %swap3A_566] {strides = array<i32>} : memref<128x64xf32, #tpu.memory_space<vmem>>, vector<1x16xf32>,
        %swap3A_568 = vector.shape_cast %swap3A_567 : vector<1x16xf32> to vector<16xf32>
        %swap3A_569 = vector.shape_cast %get3A_560 : vector<16xf32> to vector<1x16xf32>
        tpu.vector_store %swap3A_564[%swap3A_565, %swap3A_566], %swap3A_569 {add = true, strides = array<i32>} : memref<128x64xf32, #tpu.memory_space<vmem>>, vector<1x16xf32>,
        %sub3A_570 = arith.constant 199 : i32
        %sub3A_571 = arith.subi %sub3A_570, %add3A_524 : i32
        %get3A_572 = arith.index_cast %sub3A_571 : i32 to index
        %get3A_573 = arith.constant 48 : index
        %get3A_574 = tpu.vector_load %arg7[%get3A_572, %get3A_573] {strides = array<i32>} : memref<200x64xf32, #tpu.memory_space<vmem>>, vector<1x16xf32>,
        %get3A_575 = vector.shape_cast %get3A_574 : vector<1x16xf32> to vector<16xf32>
        %swap3A_576 = arith.constant 0 : i32
        %swap3A_577 = arith.constant 0 : i32
        %swap3A_578 = tpu.memref_slice %arg8[%scan3A_44, %swap3A_576, %swap3A_577] : memref<4x128x64xf32, #tpu.memory_space<vmem>> -> memref<1x128x64xf32, #tpu.memory_space<vmem>>
        %swap3A_579 = tpu.memref_squeeze %swap3A_578 : memref<1x128x64xf32, #tpu.memory_space<vmem>> -> memref<128x64xf32, #tpu.memory_space<vmem>>
        %swap3A_580 = arith.index_cast %add3A_524 : i32 to index
        %swap3A_581 = arith.constant 48 : index
        %swap3A_582 = tpu.vector_load %swap3A_579[%swap3A_580, %swap3A_581] {strides = array<i32>} : memref<128x64xf32, #tpu.memory_space<vmem>>, vector<1x16xf32>,
        %swap3A_583 = vector.shape_cast %swap3A_582 : vector<1x16xf32> to vector<16xf32>
        %swap3A_584 = vector.shape_cast %get3A_575 : vector<16xf32> to vector<1x16xf32>
        tpu.vector_store %swap3A_579[%swap3A_580, %swap3A_581], %swap3A_584 {add = true, strides = array<i32>} : memref<128x64xf32, #tpu.memory_space<vmem>>, vector<1x16xf32>,
        %scan3A_585 = arith.constant 3 : i32
        %scan3A_586 = arith.addi %scan3A_391, %scan3A_585 : i32
        %mul3A_587 = arith.constant 1 : i32
        %mul3A_588 = arith.muli %scan3A_586, %mul3A_587 : i32
        %add3A_589 = arith.constant 0 : i32
        %add3A_590 = arith.addi %add3A_589, %mul3A_588 : i32
        %sub3A_591 = arith.constant 199 : i32
        %sub3A_592 = arith.subi %sub3A_591, %add3A_590 : i32
        %get3A_593 = arith.index_cast %sub3A_592 : i32 to index
        %get3A_594 = arith.constant 0 : index
        %get3A_595 = tpu.vector_load %arg7[%get3A_593, %get3A_594] {strides = array<i32>} : memref<200x64xf32, #tpu.memory_space<vmem>>, vector<1x16xf32>,
        %get3A_596 = vector.shape_cast %get3A_595 : vector<1x16xf32> to vector<16xf32>
        %swap3A_597 = arith.constant 0 : i32
        %swap3A_598 = arith.constant 0 : i32
        %swap3A_599 = tpu.memref_slice %arg8[%scan3A_44, %swap3A_597, %swap3A_598] : memref<4x128x64xf32, #tpu.memory_space<vmem>> -> memref<1x128x64xf32, #tpu.memory_space<vmem>>
        %swap3A_600 = tpu.memref_squeeze %swap3A_599 : memref<1x128x64xf32, #tpu.memory_space<vmem>> -> memref<128x64xf32, #tpu.memory_space<vmem>>
        %swap3A_601 = arith.index_cast %add3A_590 : i32 to index
        %swap3A_602 = arith.constant 0 : index
        %swap3A_603 = tpu.vector_load %swap3A_600[%swap3A_601, %swap3A_602] {strides = array<i32>} : memref<128x64xf32, #tpu.memory_space<vmem>>, vector<1x16xf32>,
        %swap3A_604 = vector.shape_cast %swap3A_603 : vector<1x16xf32> to vector<16xf32>
        %swap3A_605 = vector.shape_cast %get3A_596 : vector<16xf32> to vector<1x16xf32>
        tpu.vector_store %swap3A_600[%swap3A_601, %swap3A_602], %swap3A_605 {add = true, strides = array<i32>} : memref<128x64xf32, #tpu.memory_space<vmem>>, vector<1x16xf32>,
        %sub3A_606 = arith.constant 199 : i32
        %sub3A_607 = arith.subi %sub3A_606, %add3A_590 : i32
        %get3A_608 = arith.index_cast %sub3A_607 : i32 to index
        %get3A_609 = arith.constant 16 : index
        %get3A_610 = tpu.vector_load %arg7[%get3A_608, %get3A_609] {strides = array<i32>} : memref<200x64xf32, #tpu.memory_space<vmem>>, vector<1x16xf32>,
        %get3A_611 = vector.shape_cast %get3A_610 : vector<1x16xf32> to vector<16xf32>
        %swap3A_612 = arith.constant 0 : i32
        %swap3A_613 = arith.constant 0 : i32
        %swap3A_614 = tpu.memref_slice %arg8[%scan3A_44, %swap3A_612, %swap3A_613] : memref<4x128x64xf32, #tpu.memory_space<vmem>> -> memref<1x128x64xf32, #tpu.memory_space<vmem>>
        %swap3A_615 = tpu.memref_squeeze %swap3A_614 : memref<1x128x64xf32, #tpu.memory_space<vmem>> -> memref<128x64xf32, #tpu.memory_space<vmem>>
        %swap3A_616 = arith.index_cast %add3A_590 : i32 to index
        %swap3A_617 = arith.constant 16 : index
        %swap3A_618 = tpu.vector_load %swap3A_615[%swap3A_616, %swap3A_617] {strides = array<i32>} : memref<128x64xf32, #tpu.memory_space<vmem>>, vector<1x16xf32>,
        %swap3A_619 = vector.shape_cast %swap3A_618 : vector<1x16xf32> to vector<16xf32>
        %swap3A_620 = vector.shape_cast %get3A_611 : vector<16xf32> to vector<1x16xf32>
        tpu.vector_store %swap3A_615[%swap3A_616, %swap3A_617], %swap3A_620 {add = true, strides = array<i32>} : memref<128x64xf32, #tpu.memory_space<vmem>>, vector<1x16xf32>,
        %sub3A_621 = arith.constant 199 : i32
        %sub3A_622 = arith.subi %sub3A_621, %add3A_590 : i32
        %get3A_623 = arith.index_cast %sub3A_622 : i32 to index
        %get3A_624 = arith.constant 32 : index
        %get3A_625 = tpu.vector_load %arg7[%get3A_623, %get3A_624] {strides = array<i32>} : memref<200x64xf32, #tpu.memory_space<vmem>>, vector<1x16xf32>,
        %get3A_626 = vector.shape_cast %get3A_625 : vector<1x16xf32> to vector<16xf32>
        %swap3A_627 = arith.constant 0 : i32
        %swap3A_628 = arith.constant 0 : i32
        %swap3A_629 = tpu.memref_slice %arg8[%scan3A_44, %swap3A_627, %swap3A_628] : memref<4x128x64xf32, #tpu.memory_space<vmem>> -> memref<1x128x64xf32, #tpu.memory_space<vmem>>
        %swap3A_630 = tpu.memref_squeeze %swap3A_629 : memref<1x128x64xf32, #tpu.memory_space<vmem>> -> memref<128x64xf32, #tpu.memory_space<vmem>>
        %swap3A_631 = arith.index_cast %add3A_590 : i32 to index
        %swap3A_632 = arith.constant 32 : index
        %swap3A_633 = tpu.vector_load %swap3A_630[%swap3A_631, %swap3A_632] {strides = array<i32>} : memref<128x64xf32, #tpu.memory_space<vmem>>, vector<1x16xf32>,
        %swap3A_634 = vector.shape_cast %swap3A_633 : vector<1x16xf32> to vector<16xf32>
        %swap3A_635 = vector.shape_cast %get3A_626 : vector<16xf32> to vector<1x16xf32>
        tpu.vector_store %swap3A_630[%swap3A_631, %swap3A_632], %swap3A_635 {add = true, strides = array<i32>} : memref<128x64xf32, #tpu.memory_space<vmem>>, vector<1x16xf32>,
        %sub3A_636 = arith.constant 199 : i32
        %sub3A_637 = arith.subi %sub3A_636, %add3A_590 : i32
        %get3A_638 = arith.index_cast %sub3A_637 : i32 to index
        %get3A_639 = arith.constant 48 : index
        %get3A_640 = tpu.vector_load %arg7[%get3A_638, %get3A_639] {strides = array<i32>} : memref<200x64xf32, #tpu.memory_space<vmem>>, vector<1x16xf32>,
        %get3A_641 = vector.shape_cast %get3A_640 : vector<1x16xf32> to vector<16xf32>
        %swap3A_642 = arith.constant 0 : i32
        %swap3A_643 = arith.constant 0 : i32
        %swap3A_644 = tpu.memref_slice %arg8[%scan3A_44, %swap3A_642, %swap3A_643] : memref<4x128x64xf32, #tpu.memory_space<vmem>> -> memref<1x128x64xf32, #tpu.memory_space<vmem>>
        %swap3A_645 = tpu.memref_squeeze %swap3A_644 : memref<1x128x64xf32, #tpu.memory_space<vmem>> -> memref<128x64xf32, #tpu.memory_space<vmem>>
        %swap3A_646 = arith.index_cast %add3A_590 : i32 to index
        %swap3A_647 = arith.constant 48 : index
        %swap3A_648 = tpu.vector_load %swap3A_645[%swap3A_646, %swap3A_647] {strides = array<i32>} : memref<128x64xf32, #tpu.memory_space<vmem>>, vector<1x16xf32>,
        %swap3A_649 = vector.shape_cast %swap3A_648 : vector<1x16xf32> to vector<16xf32>
        %swap3A_650 = vector.shape_cast %get3A_641 : vector<16xf32> to vector<1x16xf32>
        tpu.vector_store %swap3A_645[%swap3A_646, %swap3A_647], %swap3A_650 {add = true, strides = array<i32>} : memref<128x64xf32, #tpu.memory_space<vmem>>, vector<1x16xf32>,
        %scan3A_651 = arith.constant 4 : i32
        %scan3A_652 = arith.addi %scan3A_391, %scan3A_651 : i32
        %mul3A_653 = arith.constant 1 : i32
        %mul3A_654 = arith.muli %scan3A_652, %mul3A_653 : i32
        %add3A_655 = arith.constant 0 : i32
        %add3A_656 = arith.addi %add3A_655, %mul3A_654 : i32
        %sub3A_657 = arith.constant 199 : i32
        %sub3A_658 = arith.subi %sub3A_657, %add3A_656 : i32
        %get3A_659 = arith.index_cast %sub3A_658 : i32 to index
        %get3A_660 = arith.constant 0 : index
        %get3A_661 = tpu.vector_load %arg7[%get3A_659, %get3A_660] {strides = array<i32>} : memref<200x64xf32, #tpu.memory_space<vmem>>, vector<1x16xf32>,
        %get3A_662 = vector.shape_cast %get3A_661 : vector<1x16xf32> to vector<16xf32>
        %swap3A_663 = arith.constant 0 : i32
        %swap3A_664 = arith.constant 0 : i32
        %swap3A_665 = tpu.memref_slice %arg8[%scan3A_44, %swap3A_663, %swap3A_664] : memref<4x128x64xf32, #tpu.memory_space<vmem>> -> memref<1x128x64xf32, #tpu.memory_space<vmem>>
        %swap3A_666 = tpu.memref_squeeze %swap3A_665 : memref<1x128x64xf32, #tpu.memory_space<vmem>> -> memref<128x64xf32, #tpu.memory_space<vmem>>
        %swap3A_667 = arith.index_cast %add3A_656 : i32 to index
        %swap3A_668 = arith.constant 0 : index
        %swap3A_669 = tpu.vector_load %swap3A_666[%swap3A_667, %swap3A_668] {strides = array<i32>} : memref<128x64xf32, #tpu.memory_space<vmem>>, vector<1x16xf32>,
        %swap3A_670 = vector.shape_cast %swap3A_669 : vector<1x16xf32> to vector<16xf32>
        %swap3A_671 = vector.shape_cast %get3A_662 : vector<16xf32> to vector<1x16xf32>
        tpu.vector_store %swap3A_666[%swap3A_667, %swap3A_668], %swap3A_671 {add = true, strides = array<i32>} : memref<128x64xf32, #tpu.memory_space<vmem>>, vector<1x16xf32>,
        %sub3A_672 = arith.constant 199 : i32
        %sub3A_673 = arith.subi %sub3A_672, %add3A_656 : i32
        %get3A_674 = arith.index_cast %sub3A_673 : i32 to index
        %get3A_675 = arith.constant 16 : index
        %get3A_676 = tpu.vector_load %arg7[%get3A_674, %get3A_675] {strides = array<i32>} : memref<200x64xf32, #tpu.memory_space<vmem>>, vector<1x16xf32>,
        %get3A_677 = vector.shape_cast %get3A_676 : vector<1x16xf32> to vector<16xf32>
        %swap3A_678 = arith.constant 0 : i32
        %swap3A_679 = arith.constant 0 : i32
        %swap3A_680 = tpu.memref_slice %arg8[%scan3A_44, %swap3A_678, %swap3A_679] : memref<4x128x64xf32, #tpu.memory_space<vmem>> -> memref<1x128x64xf32, #tpu.memory_space<vmem>>
        %swap3A_681 = tpu.memref_squeeze %swap3A_680 : memref<1x128x64xf32, #tpu.memory_space<vmem>> -> memref<128x64xf32, #tpu.memory_space<vmem>>
        %swap3A_682 = arith.index_cast %add3A_656 : i32 to index
        %swap3A_683 = arith.constant 16 : index
        %swap3A_684 = tpu.vector_load %swap3A_681[%swap3A_682, %swap3A_683] {strides = array<i32>} : memref<128x64xf32, #tpu.memory_space<vmem>>, vector<1x16xf32>,
        %swap3A_685 = vector.shape_cast %swap3A_684 : vector<1x16xf32> to vector<16xf32>
        %swap3A_686 = vector.shape_cast %get3A_677 : vector<16xf32> to vector<1x16xf32>
        tpu.vector_store %swap3A_681[%swap3A_682, %swap3A_683], %swap3A_686 {add = true, strides = array<i32>} : memref<128x64xf32, #tpu.memory_space<vmem>>, vector<1x16xf32>,
        %sub3A_687 = arith.constant 199 : i32
        %sub3A_688 = arith.subi %sub3A_687, %add3A_656 : i32
        %get3A_689 = arith.index_cast %sub3A_688 : i32 to index
        %get3A_690 = arith.constant 32 : index
        %get3A_691 = tpu.vector_load %arg7[%get3A_689, %get3A_690] {strides = array<i32>} : memref<200x64xf32, #tpu.memory_space<vmem>>, vector<1x16xf32>,
        %get3A_692 = vector.shape_cast %get3A_691 : vector<1x16xf32> to vector<16xf32>
        %swap3A_693 = arith.constant 0 : i32
        %swap3A_694 = arith.constant 0 : i32
        %swap3A_695 = tpu.memref_slice %arg8[%scan3A_44, %swap3A_693, %swap3A_694] : memref<4x128x64xf32, #tpu.memory_space<vmem>> -> memref<1x128x64xf32, #tpu.memory_space<vmem>>
        %swap3A_696 = tpu.memref_squeeze %swap3A_695 : memref<1x128x64xf32, #tpu.memory_space<vmem>> -> memref<128x64xf32, #tpu.memory_space<vmem>>
        %swap3A_697 = arith.index_cast %add3A_656 : i32 to index
        %swap3A_698 = arith.constant 32 : index
        %swap3A_699 = tpu.vector_load %swap3A_696[%swap3A_697, %swap3A_698] {strides = array<i32>} : memref<128x64xf32, #tpu.memory_space<vmem>>, vector<1x16xf32>,
        %swap3A_700 = vector.shape_cast %swap3A_699 : vector<1x16xf32> to vector<16xf32>
        %swap3A_701 = vector.shape_cast %get3A_692 : vector<16xf32> to vector<1x16xf32>
        tpu.vector_store %swap3A_696[%swap3A_697, %swap3A_698], %swap3A_701 {add = true, strides = array<i32>} : memref<128x64xf32, #tpu.memory_space<vmem>>, vector<1x16xf32>,
        %sub3A_702 = arith.constant 199 : i32
        %sub3A_703 = arith.subi %sub3A_702, %add3A_656 : i32
        %get3A_704 = arith.index_cast %sub3A_703 : i32 to index
        %get3A_705 = arith.constant 48 : index
        %get3A_706 = tpu.vector_load %arg7[%get3A_704, %get3A_705] {strides = array<i32>} : memref<200x64xf32, #tpu.memory_space<vmem>>, vector<1x16xf32>,
        %get3A_707 = vector.shape_cast %get3A_706 : vector<1x16xf32> to vector<16xf32>
        %swap3A_708 = arith.constant 0 : i32
        %swap3A_709 = arith.constant 0 : i32
        %swap3A_710 = tpu.memref_slice %arg8[%scan3A_44, %swap3A_708, %swap3A_709] : memref<4x128x64xf32, #tpu.memory_space<vmem>> -> memref<1x128x64xf32, #tpu.memory_space<vmem>>
        %swap3A_711 = tpu.memref_squeeze %swap3A_710 : memref<1x128x64xf32, #tpu.memory_space<vmem>> -> memref<128x64xf32, #tpu.memory_space<vmem>>
        %swap3A_712 = arith.index_cast %add3A_656 : i32 to index
        %swap3A_713 = arith.constant 48 : index
        %swap3A_714 = tpu.vector_load %swap3A_711[%swap3A_712, %swap3A_713] {strides = array<i32>} : memref<128x64xf32, #tpu.memory_space<vmem>>, vector<1x16xf32>,
        %swap3A_715 = vector.shape_cast %swap3A_714 : vector<1x16xf32> to vector<16xf32>
        %swap3A_716 = vector.shape_cast %get3A_707 : vector<16xf32> to vector<1x16xf32>
        tpu.vector_store %swap3A_711[%swap3A_712, %swap3A_713], %swap3A_716 {add = true, strides = array<i32>} : memref<128x64xf32, #tpu.memory_space<vmem>>, vector<1x16xf32>,
        %scan3A_717 = arith.constant 5 : i32
        %scan3A_718 = arith.addi %scan3A_391, %scan3A_717 : i32
        %mul3A_719 = arith.constant 1 : i32
        %mul3A_720 = arith.muli %scan3A_718, %mul3A_719 : i32
        %add3A_721 = arith.constant 0 : i32
        %add3A_722 = arith.addi %add3A_721, %mul3A_720 : i32
        %sub3A_723 = arith.constant 199 : i32
        %sub3A_724 = arith.subi %sub3A_723, %add3A_722 : i32
        %get3A_725 = arith.index_cast %sub3A_724 : i32 to index
        %get3A_726 = arith.constant 0 : index
        %get3A_727 = tpu.vector_load %arg7[%get3A_725, %get3A_726] {strides = array<i32>} : memref<200x64xf32, #tpu.memory_space<vmem>>, vector<1x16xf32>,
        %get3A_728 = vector.shape_cast %get3A_727 : vector<1x16xf32> to vector<16xf32>
        %swap3A_729 = arith.constant 0 : i32
        %swap3A_730 = arith.constant 0 : i32
        %swap3A_731 = tpu.memref_slice %arg8[%scan3A_44, %swap3A_729, %swap3A_730] : memref<4x128x64xf32, #tpu.memory_space<vmem>> -> memref<1x128x64xf32, #tpu.memory_space<vmem>>
        %swap3A_732 = tpu.memref_squeeze %swap3A_731 : memref<1x128x64xf32, #tpu.memory_space<vmem>> -> memref<128x64xf32, #tpu.memory_space<vmem>>
        %swap3A_733 = arith.index_cast %add3A_722 : i32 to index
        %swap3A_734 = arith.constant 0 : index
        %swap3A_735 = tpu.vector_load %swap3A_732[%swap3A_733, %swap3A_734] {strides = array<i32>} : memref<128x64xf32, #tpu.memory_space<vmem>>, vector<1x16xf32>,
        %swap3A_736 = vector.shape_cast %swap3A_735 : vector<1x16xf32> to vector<16xf32>
        %swap3A_737 = vector.shape_cast %get3A_728 : vector<16xf32> to vector<1x16xf32>
        tpu.vector_store %swap3A_732[%swap3A_733, %swap3A_734], %swap3A_737 {add = true, strides = array<i32>} : memref<128x64xf32, #tpu.memory_space<vmem>>, vector<1x16xf32>,
        %sub3A_738 = arith.constant 199 : i32
        %sub3A_739 = arith.subi %sub3A_738, %add3A_722 : i32
        %get3A_740 = arith.index_cast %sub3A_739 : i32 to index
        %get3A_741 = arith.constant 16 : index
        %get3A_742 = tpu.vector_load %arg7[%get3A_740, %get3A_741] {strides = array<i32>} : memref<200x64xf32, #tpu.memory_space<vmem>>, vector<1x16xf32>,
        %get3A_743 = vector.shape_cast %get3A_742 : vector<1x16xf32> to vector<16xf32>
        %swap3A_744 = arith.constant 0 : i32
        %swap3A_745 = arith.constant 0 : i32
        %swap3A_746 = tpu.memref_slice %arg8[%scan3A_44, %swap3A_744, %swap3A_745] : memref<4x128x64xf32, #tpu.memory_space<vmem>> -> memref<1x128x64xf32, #tpu.memory_space<vmem>>
        %swap3A_747 = tpu.memref_squeeze %swap3A_746 : memref<1x128x64xf32, #tpu.memory_space<vmem>> -> memref<128x64xf32, #tpu.memory_space<vmem>>
        %swap3A_748 = arith.index_cast %add3A_722 : i32 to index
        %swap3A_749 = arith.constant 16 : index
        %swap3A_750 = tpu.vector_load %swap3A_747[%swap3A_748, %swap3A_749] {strides = array<i32>} : memref<128x64xf32, #tpu.memory_space<vmem>>, vector<1x16xf32>,
        %swap3A_751 = vector.shape_cast %swap3A_750 : vector<1x16xf32> to vector<16xf32>
        %swap3A_752 = vector.shape_cast %get3A_743 : vector<16xf32> to vector<1x16xf32>
        tpu.vector_store %swap3A_747[%swap3A_748, %swap3A_749], %swap3A_752 {add = true, strides = array<i32>} : memref<128x64xf32, #tpu.memory_space<vmem>>, vector<1x16xf32>,
        %sub3A_753 = arith.constant 199 : i32
        %sub3A_754 = arith.subi %sub3A_753, %add3A_722 : i32
        %get3A_755 = arith.index_cast %sub3A_754 : i32 to index
        %get3A_756 = arith.constant 32 : index
        %get3A_757 = tpu.vector_load %arg7[%get3A_755, %get3A_756] {strides = array<i32>} : memref<200x64xf32, #tpu.memory_space<vmem>>, vector<1x16xf32>,
        %get3A_758 = vector.shape_cast %get3A_757 : vector<1x16xf32> to vector<16xf32>
        %swap3A_759 = arith.constant 0 : i32
        %swap3A_760 = arith.constant 0 : i32
        %swap3A_761 = tpu.memref_slice %arg8[%scan3A_44, %swap3A_759, %swap3A_760] : memref<4x128x64xf32, #tpu.memory_space<vmem>> -> memref<1x128x64xf32, #tpu.memory_space<vmem>>
        %swap3A_762 = tpu.memref_squeeze %swap3A_761 : memref<1x128x64xf32, #tpu.memory_space<vmem>> -> memref<128x64xf32, #tpu.memory_space<vmem>>
        %swap3A_763 = arith.index_cast %add3A_722 : i32 to index
        %swap3A_764 = arith.constant 32 : index
        %swap3A_765 = tpu.vector_load %swap3A_762[%swap3A_763, %swap3A_764] {strides = array<i32>} : memref<128x64xf32, #tpu.memory_space<vmem>>, vector<1x16xf32>,
        %swap3A_766 = vector.shape_cast %swap3A_765 : vector<1x16xf32> to vector<16xf32>
        %swap3A_767 = vector.shape_cast %get3A_758 : vector<16xf32> to vector<1x16xf32>
        tpu.vector_store %swap3A_762[%swap3A_763, %swap3A_764], %swap3A_767 {add = true, strides = array<i32>} : memref<128x64xf32, #tpu.memory_space<vmem>>, vector<1x16xf32>,
        %sub3A_768 = arith.constant 199 : i32
        %sub3A_769 = arith.subi %sub3A_768, %add3A_722 : i32
        %get3A_770 = arith.index_cast %sub3A_769 : i32 to index
        %get3A_771 = arith.constant 48 : index
        %get3A_772 = tpu.vector_load %arg7[%get3A_770, %get3A_771] {strides = array<i32>} : memref<200x64xf32, #tpu.memory_space<vmem>>, vector<1x16xf32>,
        %get3A_773 = vector.shape_cast %get3A_772 : vector<1x16xf32> to vector<16xf32>
        %swap3A_774 = arith.constant 0 : i32
        %swap3A_775 = arith.constant 0 : i32
        %swap3A_776 = tpu.memref_slice %arg8[%scan3A_44, %swap3A_774, %swap3A_775] : memref<4x128x64xf32, #tpu.memory_space<vmem>> -> memref<1x128x64xf32, #tpu.memory_space<vmem>>
        %swap3A_777 = tpu.memref_squeeze %swap3A_776 : memref<1x128x64xf32, #tpu.memory_space<vmem>> -> memref<128x64xf32, #tpu.memory_space<vmem>>
        %swap3A_778 = arith.index_cast %add3A_722 : i32 to index
        %swap3A_779 = arith.constant 48 : index
        %swap3A_780 = tpu.vector_load %swap3A_777[%swap3A_778, %swap3A_779] {strides = array<i32>} : memref<128x64xf32, #tpu.memory_space<vmem>>, vector<1x16xf32>,
        %swap3A_781 = vector.shape_cast %swap3A_780 : vector<1x16xf32> to vector<16xf32>
        %swap3A_782 = vector.shape_cast %get3A_773 : vector<16xf32> to vector<1x16xf32>
        tpu.vector_store %swap3A_777[%swap3A_778, %swap3A_779], %swap3A_782 {add = true, strides = array<i32>} : memref<128x64xf32, #tpu.memory_space<vmem>>, vector<1x16xf32>,
        %scan3A_783 = arith.constant 6 : i32
        %scan3A_784 = arith.addi %scan3A_391, %scan3A_783 : i32
        %mul3A_785 = arith.constant 1 : i32
        %mul3A_786 = arith.muli %scan3A_784, %mul3A_785 : i32
        %add3A_787 = arith.constant 0 : i32
        %add3A_788 = arith.addi %add3A_787, %mul3A_786 : i32
        %sub3A_789 = arith.constant 199 : i32
        %sub3A_790 = arith.subi %sub3A_789, %add3A_788 : i32
        %get3A_791 = arith.index_cast %sub3A_790 : i32 to index
        %get3A_792 = arith.constant 0 : index
        %get3A_793 = tpu.vector_load %arg7[%get3A_791, %get3A_792] {strides = array<i32>} : memref<200x64xf32, #tpu.memory_space<vmem>>, vector<1x16xf32>,
        %get3A_794 = vector.shape_cast %get3A_793 : vector<1x16xf32> to vector<16xf32>
        %swap3A_795 = arith.constant 0 : i32
        %swap3A_796 = arith.constant 0 : i32
        %swap3A_797 = tpu.memref_slice %arg8[%scan3A_44, %swap3A_795, %swap3A_796] : memref<4x128x64xf32, #tpu.memory_space<vmem>> -> memref<1x128x64xf32, #tpu.memory_space<vmem>>
        %swap3A_798 = tpu.memref_squeeze %swap3A_797 : memref<1x128x64xf32, #tpu.memory_space<vmem>> -> memref<128x64xf32, #tpu.memory_space<vmem>>
        %swap3A_799 = arith.index_cast %add3A_788 : i32 to index
        %swap3A_800 = arith.constant 0 : index
        %swap3A_801 = tpu.vector_load %swap3A_798[%swap3A_799, %swap3A_800] {strides = array<i32>} : memref<128x64xf32, #tpu.memory_space<vmem>>, vector<1x16xf32>,
        %swap3A_802 = vector.shape_cast %swap3A_801 : vector<1x16xf32> to vector<16xf32>
        %swap3A_803 = vector.shape_cast %get3A_794 : vector<16xf32> to vector<1x16xf32>
        tpu.vector_store %swap3A_798[%swap3A_799, %swap3A_800], %swap3A_803 {add = true, strides = array<i32>} : memref<128x64xf32, #tpu.memory_space<vmem>>, vector<1x16xf32>,
        %sub3A_804 = arith.constant 199 : i32
        %sub3A_805 = arith.subi %sub3A_804, %add3A_788 : i32
        %get3A_806 = arith.index_cast %sub3A_805 : i32 to index
        %get3A_807 = arith.constant 16 : index
        %get3A_808 = tpu.vector_load %arg7[%get3A_806, %get3A_807] {strides = array<i32>} : memref<200x64xf32, #tpu.memory_space<vmem>>, vector<1x16xf32>,
        %get3A_809 = vector.shape_cast %get3A_808 : vector<1x16xf32> to vector<16xf32>
        %swap3A_810 = arith.constant 0 : i32
        %swap3A_811 = arith.constant 0 : i32
        %swap3A_812 = tpu.memref_slice %arg8[%scan3A_44, %swap3A_810, %swap3A_811] : memref<4x128x64xf32, #tpu.memory_space<vmem>> -> memref<1x128x64xf32, #tpu.memory_space<vmem>>
        %swap3A_813 = tpu.memref_squeeze %swap3A_812 : memref<1x128x64xf32, #tpu.memory_space<vmem>> -> memref<128x64xf32, #tpu.memory_space<vmem>>
        %swap3A_814 = arith.index_cast %add3A_788 : i32 to index
        %swap3A_815 = arith.constant 16 : index
        %swap3A_816 = tpu.vector_load %swap3A_813[%swap3A_814, %swap3A_815] {strides = array<i32>} : memref<128x64xf32, #tpu.memory_space<vmem>>, vector<1x16xf32>,
        %swap3A_817 = vector.shape_cast %swap3A_816 : vector<1x16xf32> to vector<16xf32>
        %swap3A_818 = vector.shape_cast %get3A_809 : vector<16xf32> to vector<1x16xf32>
        tpu.vector_store %swap3A_813[%swap3A_814, %swap3A_815], %swap3A_818 {add = true, strides = array<i32>} : memref<128x64xf32, #tpu.memory_space<vmem>>, vector<1x16xf32>,
        %sub3A_819 = arith.constant 199 : i32
        %sub3A_820 = arith.subi %sub3A_819, %add3A_788 : i32
        %get3A_821 = arith.index_cast %sub3A_820 : i32 to index
        %get3A_822 = arith.constant 32 : index
        %get3A_823 = tpu.vector_load %arg7[%get3A_821, %get3A_822] {strides = array<i32>} : memref<200x64xf32, #tpu.memory_space<vmem>>, vector<1x16xf32>,
        %get3A_824 = vector.shape_cast %get3A_823 : vector<1x16xf32> to vector<16xf32>
        %swap3A_825 = arith.constant 0 : i32
        %swap3A_826 = arith.constant 0 : i32
        %swap3A_827 = tpu.memref_slice %arg8[%scan3A_44, %swap3A_825, %swap3A_826] : memref<4x128x64xf32, #tpu.memory_space<vmem>> -> memref<1x128x64xf32, #tpu.memory_space<vmem>>
        %swap3A_828 = tpu.memref_squeeze %swap3A_827 : memref<1x128x64xf32, #tpu.memory_space<vmem>> -> memref<128x64xf32, #tpu.memory_space<vmem>>
        %swap3A_829 = arith.index_cast %add3A_788 : i32 to index
        %swap3A_830 = arith.constant 32 : index
        %swap3A_831 = tpu.vector_load %swap3A_828[%swap3A_829, %swap3A_830] {strides = array<i32>} : memref<128x64xf32, #tpu.memory_space<vmem>>, vector<1x16xf32>,
        %swap3A_832 = vector.shape_cast %swap3A_831 : vector<1x16xf32> to vector<16xf32>
        %swap3A_833 = vector.shape_cast %get3A_824 : vector<16xf32> to vector<1x16xf32>
        tpu.vector_store %swap3A_828[%swap3A_829, %swap3A_830], %swap3A_833 {add = true, strides = array<i32>} : memref<128x64xf32, #tpu.memory_space<vmem>>, vector<1x16xf32>,
        %sub3A_834 = arith.constant 199 : i32
        %sub3A_835 = arith.subi %sub3A_834, %add3A_788 : i32
        %get3A_836 = arith.index_cast %sub3A_835 : i32 to index
        %get3A_837 = arith.constant 48 : index
        %get3A_838 = tpu.vector_load %arg7[%get3A_836, %get3A_837] {strides = array<i32>} : memref<200x64xf32, #tpu.memory_space<vmem>>, vector<1x16xf32>,
        %get3A_839 = vector.shape_cast %get3A_838 : vector<1x16xf32> to vector<16xf32>
        %swap3A_840 = arith.constant 0 : i32
        %swap3A_841 = arith.constant 0 : i32
        %swap3A_842 = tpu.memref_slice %arg8[%scan3A_44, %swap3A_840, %swap3A_841] : memref<4x128x64xf32, #tpu.memory_space<vmem>> -> memref<1x128x64xf32, #tpu.memory_space<vmem>>
        %swap3A_843 = tpu.memref_squeeze %swap3A_842 : memref<1x128x64xf32, #tpu.memory_space<vmem>> -> memref<128x64xf32, #tpu.memory_space<vmem>>
        %swap3A_844 = arith.index_cast %add3A_788 : i32 to index
        %swap3A_845 = arith.constant 48 : index
        %swap3A_846 = tpu.vector_load %swap3A_843[%swap3A_844, %swap3A_845] {strides = array<i32>} : memref<128x64xf32, #tpu.memory_space<vmem>>, vector<1x16xf32>,
        %swap3A_847 = vector.shape_cast %swap3A_846 : vector<1x16xf32> to vector<16xf32>
        %swap3A_848 = vector.shape_cast %get3A_839 : vector<16xf32> to vector<1x16xf32>
        tpu.vector_store %swap3A_843[%swap3A_844, %swap3A_845], %swap3A_848 {add = true, strides = array<i32>} : memref<128x64xf32, #tpu.memory_space<vmem>>, vector<1x16xf32>,
        %scan3A_849 = arith.constant 7 : i32
        %scan3A_850 = arith.addi %scan3A_391, %scan3A_849 : i32
        %mul3A_851 = arith.constant 1 : i32
        %mul3A_852 = arith.muli %scan3A_850, %mul3A_851 : i32
        %add3A_853 = arith.constant 0 : i32
        %add3A_854 = arith.addi %add3A_853, %mul3A_852 : i32
        %sub3A_855 = arith.constant 199 : i32
        %sub3A_856 = arith.subi %sub3A_855, %add3A_854 : i32
        %get3A_857 = arith.index_cast %sub3A_856 : i32 to index
        %get3A_858 = arith.constant 0 : index
        %get3A_859 = tpu.vector_load %arg7[%get3A_857, %get3A_858] {strides = array<i32>} : memref<200x64xf32, #tpu.memory_space<vmem>>, vector<1x16xf32>,
        %get3A_860 = vector.shape_cast %get3A_859 : vector<1x16xf32> to vector<16xf32>
        %swap3A_861 = arith.constant 0 : i32
        %swap3A_862 = arith.constant 0 : i32
        %swap3A_863 = tpu.memref_slice %arg8[%scan3A_44, %swap3A_861, %swap3A_862] : memref<4x128x64xf32, #tpu.memory_space<vmem>> -> memref<1x128x64xf32, #tpu.memory_space<vmem>>
        %swap3A_864 = tpu.memref_squeeze %swap3A_863 : memref<1x128x64xf32, #tpu.memory_space<vmem>> -> memref<128x64xf32, #tpu.memory_space<vmem>>
        %swap3A_865 = arith.index_cast %add3A_854 : i32 to index
        %swap3A_866 = arith.constant 0 : index
        %swap3A_867 = tpu.vector_load %swap3A_864[%swap3A_865, %swap3A_866] {strides = array<i32>} : memref<128x64xf32, #tpu.memory_space<vmem>>, vector<1x16xf32>,
        %swap3A_868 = vector.shape_cast %swap3A_867 : vector<1x16xf32> to vector<16xf32>
        %swap3A_869 = vector.shape_cast %get3A_860 : vector<16xf32> to vector<1x16xf32>
        tpu.vector_store %swap3A_864[%swap3A_865, %swap3A_866], %swap3A_869 {add = true, strides = array<i32>} : memref<128x64xf32, #tpu.memory_space<vmem>>, vector<1x16xf32>,
        %sub3A_870 = arith.constant 199 : i32
        %sub3A_871 = arith.subi %sub3A_870, %add3A_854 : i32
        %get3A_872 = arith.index_cast %sub3A_871 : i32 to index
        %get3A_873 = arith.constant 16 : index
        %get3A_874 = tpu.vector_load %arg7[%get3A_872, %get3A_873] {strides = array<i32>} : memref<200x64xf32, #tpu.memory_space<vmem>>, vector<1x16xf32>,
        %get3A_875 = vector.shape_cast %get3A_874 : vector<1x16xf32> to vector<16xf32>
        %swap3A_876 = arith.constant 0 : i32
        %swap3A_877 = arith.constant 0 : i32
        %swap3A_878 = tpu.memref_slice %arg8[%scan3A_44, %swap3A_876, %swap3A_877] : memref<4x128x64xf32, #tpu.memory_space<vmem>> -> memref<1x128x64xf32, #tpu.memory_space<vmem>>
        %swap3A_879 = tpu.memref_squeeze %swap3A_878 : memref<1x128x64xf32, #tpu.memory_space<vmem>> -> memref<128x64xf32, #tpu.memory_space<vmem>>
        %swap3A_880 = arith.index_cast %add3A_854 : i32 to index
        %swap3A_881 = arith.constant 16 : index
        %swap3A_882 = tpu.vector_load %swap3A_879[%swap3A_880, %swap3A_881] {strides = array<i32>} : memref<128x64xf32, #tpu.memory_space<vmem>>, vector<1x16xf32>,
        %swap3A_883 = vector.shape_cast %swap3A_882 : vector<1x16xf32> to vector<16xf32>
        %swap3A_884 = vector.shape_cast %get3A_875 : vector<16xf32> to vector<1x16xf32>
        tpu.vector_store %swap3A_879[%swap3A_880, %swap3A_881], %swap3A_884 {add = true, strides = array<i32>} : memref<128x64xf32, #tpu.memory_space<vmem>>, vector<1x16xf32>,
        %sub3A_885 = arith.constant 199 : i32
        %sub3A_886 = arith.subi %sub3A_885, %add3A_854 : i32
        %get3A_887 = arith.index_cast %sub3A_886 : i32 to index
        %get3A_888 = arith.constant 32 : index
        %get3A_889 = tpu.vector_load %arg7[%get3A_887, %get3A_888] {strides = array<i32>} : memref<200x64xf32, #tpu.memory_space<vmem>>, vector<1x16xf32>,
        %get3A_890 = vector.shape_cast %get3A_889 : vector<1x16xf32> to vector<16xf32>
        %swap3A_891 = arith.constant 0 : i32
        %swap3A_892 = arith.constant 0 : i32
        %swap3A_893 = tpu.memref_slice %arg8[%scan3A_44, %swap3A_891, %swap3A_892] : memref<4x128x64xf32, #tpu.memory_space<vmem>> -> memref<1x128x64xf32, #tpu.memory_space<vmem>>
        %swap3A_894 = tpu.memref_squeeze %swap3A_893 : memref<1x128x64xf32, #tpu.memory_space<vmem>> -> memref<128x64xf32, #tpu.memory_space<vmem>>
        %swap3A_895 = arith.index_cast %add3A_854 : i32 to index
        %swap3A_896 = arith.constant 32 : index
        %swap3A_897 = tpu.vector_load %swap3A_894[%swap3A_895, %swap3A_896] {strides = array<i32>} : memref<128x64xf32, #tpu.memory_space<vmem>>, vector<1x16xf32>,
        %swap3A_898 = vector.shape_cast %swap3A_897 : vector<1x16xf32> to vector<16xf32>
        %swap3A_899 = vector.shape_cast %get3A_890 : vector<16xf32> to vector<1x16xf32>
        tpu.vector_store %swap3A_894[%swap3A_895, %swap3A_896], %swap3A_899 {add = true, strides = array<i32>} : memref<128x64xf32, #tpu.memory_space<vmem>>, vector<1x16xf32>,
        %sub3A_900 = arith.constant 199 : i32
        %sub3A_901 = arith.subi %sub3A_900, %add3A_854 : i32
        %get3A_902 = arith.index_cast %sub3A_901 : i32 to index
        %get3A_903 = arith.constant 48 : index
        %get3A_904 = tpu.vector_load %arg7[%get3A_902, %get3A_903] {strides = array<i32>} : memref<200x64xf32, #tpu.memory_space<vmem>>, vector<1x16xf32>,
        %get3A_905 = vector.shape_cast %get3A_904 : vector<1x16xf32> to vector<16xf32>
        %swap3A_906 = arith.constant 0 : i32
        %swap3A_907 = arith.constant 0 : i32
        %swap3A_908 = tpu.memref_slice %arg8[%scan3A_44, %swap3A_906, %swap3A_907] : memref<4x128x64xf32, #tpu.memory_space<vmem>> -> memref<1x128x64xf32, #tpu.memory_space<vmem>>
        %swap3A_909 = tpu.memref_squeeze %swap3A_908 : memref<1x128x64xf32, #tpu.memory_space<vmem>> -> memref<128x64xf32, #tpu.memory_space<vmem>>
        %swap3A_910 = arith.index_cast %add3A_854 : i32 to index
        %swap3A_911 = arith.constant 48 : index
        %swap3A_912 = tpu.vector_load %swap3A_909[%swap3A_910, %swap3A_911] {strides = array<i32>} : memref<128x64xf32, #tpu.memory_space<vmem>>, vector<1x16xf32>,
        %swap3A_913 = vector.shape_cast %swap3A_912 : vector<1x16xf32> to vector<16xf32>
        %swap3A_914 = vector.shape_cast %get3A_905 : vector<16xf32> to vector<1x16xf32>
        tpu.vector_store %swap3A_909[%swap3A_910, %swap3A_911], %swap3A_914 {add = true, strides = array<i32>} : memref<128x64xf32, #tpu.memory_space<vmem>>, vector<1x16xf32>,
      }
      %scan3A_186 = arith.constant 128 : i32
      %add3A_187 = arith.constant 0 : i32
      %add3A_188 = arith.addi %add3A_157, %add3A_187 : i32
      %mul3A_189 = arith.constant 200 : i32
      %mul3A_190 = arith.muli %add3A_188, %mul3A_189 : i32
      %add3A_191 = arith.addi %mul3A_4, %mul3A_190 : i32
      %add3A_192 = arith.constant 0 : i32
      %add3A_193 = arith.addi %add3A_191, %add3A_192 : i32
      %dma_start3A_194 = arith.constant 0 : i32
      %dma_start3A_195 = arith.constant 0 : i32
      %dma_start3A_196 = tpu.memref_slice %arg8[%scan3A_44, %dma_start3A_194, %dma_start3A_195] : memref<4x128x64xf32, #tpu.memory_space<vmem>> -> memref<1x128x64xf32, #tpu.memory_space<vmem>>
      %dma_start3A_197 = tpu.memref_squeeze %dma_start3A_196 : memref<1x128x64xf32, #tpu.memory_space<vmem>> -> memref<128x64xf32, #tpu.memory_space<vmem>>
      %dma_start3A_198 = arith.constant 0 : i32
      %dma_start3A_199 = arith.constant 0 : i32
      %dma_start3A_200 = tpu.memref_slice %dma_start3A_197[%dma_start3A_198, %dma_start3A_199] : memref<128x64xf32, #tpu.memory_space<vmem>> -> memref<128x64xf32, #tpu.memory_space<vmem>>
      %dma_start3A_201 = arith.constant 0 : i32
      %dma_start3A_202 = tpu.memref_slice %arg5[%add3A_193, %dma_start3A_201] : memref<819200x64xf32, #tpu.memory_space<hbm>> -> memref<128x64xf32, #tpu.memory_space<hbm>>
      %dma_start3A_203 = tpu.memref_slice %arg9[%scan3A_46] : memref<8x!tpu.dma_semaphore, #tpu.memory_space<semaphore_mem>> -> memref<1x!tpu.dma_semaphore, #tpu.memory_space<semaphore_mem>>
      %dma_start3A_204 = tpu.memref_squeeze %dma_start3A_203 : memref<1x!tpu.dma_semaphore, #tpu.memory_space<semaphore_mem>> -> memref<!tpu.dma_semaphore, #tpu.memory_space<semaphore_mem>>
      %dma_start3A_205 = arith.constant 0 : i32
      %dma_start3A_206 = tpu.memref_slice %arg5[%add3A_193, %dma_start3A_205] : memref<819200x64xf32, #tpu.memory_space<hbm>> -> memref<128x64xf32, #tpu.memory_space<hbm>>
      %dma_start3A_207 = arith.constant 0 : i32
      %dma_start3A_208 = arith.constant 0 : i32
      %dma_start3A_209 = tpu.memref_slice %arg8[%scan3A_44, %dma_start3A_207, %dma_start3A_208] : memref<4x128x64xf32, #tpu.memory_space<vmem>> -> memref<1x128x64xf32, #tpu.memory_space<vmem>>
      %dma_start3A_210 = tpu.memref_squeeze %dma_start3A_209 : memref<1x128x64xf32, #tpu.memory_space<vmem>> -> memref<128x64xf32, #tpu.memory_space<vmem>>
      %dma_start3A_211 = arith.constant 0 : i32
      %dma_start3A_212 = arith.constant 0 : i32
      %dma_start3A_213 = tpu.memref_slice %dma_start3A_210[%dma_start3A_211, %dma_start3A_212] : memref<128x64xf32, #tpu.memory_space<vmem>> -> memref<128x64xf32, #tpu.memory_space<vmem>>
      tpu.enqueue_dma source(%dma_start3A_213 : memref<128x64xf32, #tpu.memory_space<vmem>>) target(%dma_start3A_206 : memref<128x64xf32, #tpu.memory_space<hbm>>) target_semaphore(%dma_start3A_204 : memref<!tpu.dma_semaphore, #tpu.memory_space<semaphore_mem>>)
      %mul3A_214 = arith.constant 2 : i32
      %mul3A_215 = arith.muli %mul3A_214, %add3A_157 : i32
      %add3A_216 = arith.constant 1 : i32
      %add3A_217 = arith.addi %mul3A_215, %add3A_216 : i32
      %add3A_218 = arith.constant 2 : i32
      %add3A_219 = arith.addi %add3A_217, %add3A_218 : i32
      %lt3A_220 = arith.constant 256 : i32
      %lt3A_221 = arith.cmpi slt, %add3A_219, %lt3A_220 : i32
      %convert_element_type3A_222 = arith.extui %lt3A_221 : i1 to i32
      %cond3A_223 = arith.constant 0 : i32
      %cond3A_224 = arith.cmpi ne, %convert_element_type3A_222, %cond3A_223 : i32
      scf.if %cond3A_224 {
        %ge3A = arith.constant 2 : i32
        %ge3A_391 = arith.cmpi sge, %add3A_217, %ge3A : i32
        %convert_element_type3A_392 = arith.extui %ge3A_391 : i1 to i32
        %cond3A_393 = arith.constant 0 : i32
        %cond3A_394 = arith.cmpi ne, %convert_element_type3A_392, %cond3A_393 : i32
        scf.if %cond3A_394 {
          %dma_wait3A_414 = arith.constant 0 : i32
          %dma_wait3A_415 = arith.constant 0 : i32
          %dma_wait3A_416 = tpu.memref_slice %arg8[%scan3A_47, %dma_wait3A_414, %dma_wait3A_415] : memref<4x128x64xf32, #tpu.memory_space<vmem>> -> memref<1x128x64xf32, #tpu.memory_space<vmem>>
          %dma_wait3A_417 = tpu.memref_squeeze %dma_wait3A_416 : memref<1x128x64xf32, #tpu.memory_space<vmem>> -> memref<128x64xf32, #tpu.memory_space<vmem>>
          %dma_wait3A_418 = arith.constant 0 : i32
          %dma_wait3A_419 = arith.constant 0 : i32
          %dma_wait3A_420 = tpu.memref_slice %dma_wait3A_417[%dma_wait3A_418, %dma_wait3A_419] : memref<128x64xf32, #tpu.memory_space<vmem>> -> memref<72x64xf32, #tpu.memory_space<vmem>>
          %dma_wait3A_421 = arith.constant 0 : i32
          %dma_wait3A_422 = arith.constant 0 : i32
          %dma_wait3A_423 = tpu.memref_slice %arg5[%dma_wait3A_421, %dma_wait3A_422] : memref<819200x64xf32, #tpu.memory_space<hbm>> -> memref<72x64xf32, #tpu.memory_space<hbm>>
          %dma_wait3A_424 = tpu.memref_slice %arg9[%scan3A_48] : memref<8x!tpu.dma_semaphore, #tpu.memory_space<semaphore_mem>> -> memref<1x!tpu.dma_semaphore, #tpu.memory_space<semaphore_mem>>
          %dma_wait3A_425 = tpu.memref_squeeze %dma_wait3A_424 : memref<1x!tpu.dma_semaphore, #tpu.memory_space<semaphore_mem>> -> memref<!tpu.dma_semaphore, #tpu.memory_space<semaphore_mem>>
          %dma_wait3A_426 = arith.constant 0 : i32
          %dma_wait3A_427 = arith.constant 0 : i32
          %dma_wait3A_428 = tpu.memref_slice %arg5[%dma_wait3A_426, %dma_wait3A_427] : memref<819200x64xf32, #tpu.memory_space<hbm>> -> memref<72x64xf32, #tpu.memory_space<hbm>>
          %dma_wait3A_429 = arith.constant 0 : i32
          %dma_wait3A_430 = arith.constant 0 : i32
          %dma_wait3A_431 = tpu.memref_slice %arg8[%scan3A_47, %dma_wait3A_429, %dma_wait3A_430] : memref<4x128x64xf32, #tpu.memory_space<vmem>> -> memref<1x128x64xf32, #tpu.memory_space<vmem>>
          %dma_wait3A_432 = tpu.memref_squeeze %dma_wait3A_431 : memref<1x128x64xf32, #tpu.memory_space<vmem>> -> memref<128x64xf32, #tpu.memory_space<vmem>>
          %dma_wait3A_433 = arith.constant 0 : i32
          %dma_wait3A_434 = arith.constant 0 : i32
          %dma_wait3A_435 = tpu.memref_slice %dma_wait3A_432[%dma_wait3A_433, %dma_wait3A_434] : memref<128x64xf32, #tpu.memory_space<vmem>> -> memref<72x64xf32, #tpu.memory_space<vmem>>
          tpu.wait_dma2 semaphore(%dma_wait3A_425 : memref<!tpu.dma_semaphore, #tpu.memory_space<semaphore_mem>>) src(%dma_wait3A_435 : memref<72x64xf32, #tpu.memory_space<vmem>>) dst(%dma_wait3A_428 : memref<72x64xf32, #tpu.memory_space<hbm>>)
        } else {
        }
        %add3A_395 = arith.constant 1 : i32
        %add3A_396 = arith.addi %add3A_157, %add3A_395 : i32
        %add3A_397 = arith.constant 0 : i32
        %add3A_398 = arith.addi %add3A_396, %add3A_397 : i32
        %dma_start3A_399 = arith.constant 0 : i32
        %dma_start3A_400 = arith.constant 0 : i32
        %dma_start3A_401 = tpu.memref_slice %arg8[%scan3A_47, %dma_start3A_399, %dma_start3A_400] : memref<4x128x64xf32, #tpu.memory_space<vmem>> -> memref<1x128x64xf32, #tpu.memory_space<vmem>>
        %dma_start3A_402 = tpu.memref_squeeze %dma_start3A_401 : memref<1x128x64xf32, #tpu.memory_space<vmem>> -> memref<128x64xf32, #tpu.memory_space<vmem>>
        %dma_start3A_403 = arith.constant 0 : i32
        %dma_start3A_404 = arith.constant 0 : i32
        %dma_start3A_405 = tpu.memref_slice %dma_start3A_402[%dma_start3A_403, %dma_start3A_404] : memref<128x64xf32, #tpu.memory_space<vmem>> -> memref<72x64xf32, #tpu.memory_space<vmem>>
        %dma_start3A_406 = arith.constant 128 : i32
        %dma_start3A_407 = tpu.memref_slice %arg6[%add3A_398, %dma_start3A_406] : memref<128x200xi32, #tpu.memory_space<vmem>> -> memref<1x72xi32, #tpu.memory_space<vmem>>
        %dma_start3A_408 = tpu.memref_squeeze %dma_start3A_407 : memref<1x72xi32, #tpu.memory_space<vmem>> -> memref<72xi32, #tpu.memory_space<vmem>>
        %dma_start3A_409 = arith.constant 0 : i32
        %dma_start3A_410 = arith.constant 0 : i32
        %dma_start3A_411 = tpu.memref_slice %arg3[%dma_start3A_409, %dma_start3A_410] : memref<1000000x64xf32, #tpu.memory_space<hbm>> -> memref<1000000x64xf32, #tpu.memory_space<hbm>>
        %dma_start3A_412 = tpu.memref_slice %arg9[%scan3A_49] : memref<8x!tpu.dma_semaphore, #tpu.memory_space<semaphore_mem>> -> memref<1x!tpu.dma_semaphore, #tpu.memory_space<semaphore_mem>>
        %dma_start3A_413 = tpu.memref_squeeze %dma_start3A_412 : memref<1x!tpu.dma_semaphore, #tpu.memory_space<semaphore_mem>> -> memref<!tpu.dma_semaphore, #tpu.memory_space<semaphore_mem>>
        tpu.enqueue_indirect_dma source(%dma_start3A_411 : memref<1000000x64xf32, #tpu.memory_space<hbm>>) target(%dma_start3A_405 : memref<72x64xf32, #tpu.memory_space<vmem>>) offsets(%dma_start3A_408 : memref<72xi32, #tpu.memory_space<vmem>>) semaphore(%dma_start3A_413 : memref<!tpu.dma_semaphore, #tpu.memory_space<semaphore_mem>>)
      } else {
      }
      %dma_wait3A_225 = arith.constant 0 : i32
      %dma_wait3A_226 = arith.constant 0 : i32
      %dma_wait3A_227 = arith.constant 0 : i32
      %dma_wait3A_228 = tpu.memref_slice %arg8[%scan3A_50, %dma_wait3A_226, %dma_wait3A_227] : memref<4x128x64xf32, #tpu.memory_space<vmem>> -> memref<1x128x64xf32, #tpu.memory_space<vmem>>
      %dma_wait3A_229 = tpu.memref_squeeze %dma_wait3A_228 : memref<1x128x64xf32, #tpu.memory_space<vmem>> -> memref<128x64xf32, #tpu.memory_space<vmem>>
      %dma_wait3A_230 = arith.constant 0 : i32
      %dma_wait3A_231 = arith.constant 0 : i32
      %dma_wait3A_232 = tpu.memref_slice %dma_wait3A_229[%dma_wait3A_230, %dma_wait3A_231] : memref<128x64xf32, #tpu.memory_space<vmem>> -> memref<72x64xf32, #tpu.memory_space<vmem>>
      %dma_wait3A_233 = arith.constant 0 : i32
      %dma_wait3A_234 = tpu.memref_slice %arg6[%dma_wait3A_225, %dma_wait3A_233] : memref<128x200xi32, #tpu.memory_space<vmem>> -> memref<1x72xi32, #tpu.memory_space<vmem>>
      %dma_wait3A_235 = tpu.memref_squeeze %dma_wait3A_234 : memref<1x72xi32, #tpu.memory_space<vmem>> -> memref<72xi32, #tpu.memory_space<vmem>>
      %dma_wait3A_236 = arith.constant 0 : i32
      %dma_wait3A_237 = arith.constant 0 : i32
      %dma_wait3A_238 = tpu.memref_slice %arg3[%dma_wait3A_236, %dma_wait3A_237] : memref<1000000x64xf32, #tpu.memory_space<hbm>> -> memref<1000000x64xf32, #tpu.memory_space<hbm>>
      %dma_wait3A_239 = tpu.memref_slice %arg9[%scan3A_51] : memref<8x!tpu.dma_semaphore, #tpu.memory_space<semaphore_mem>> -> memref<1x!tpu.dma_semaphore, #tpu.memory_space<semaphore_mem>>
      %dma_wait3A_240 = tpu.memref_squeeze %dma_wait3A_239 : memref<1x!tpu.dma_semaphore, #tpu.memory_space<semaphore_mem>> -> memref<!tpu.dma_semaphore, #tpu.memory_space<semaphore_mem>>
      tpu.wait_indirect_dma semaphore(%dma_wait3A_240 : memref<!tpu.dma_semaphore, #tpu.memory_space<semaphore_mem>>) src(%dma_wait3A_238 : memref<1000000x64xf32, #tpu.memory_space<hbm>>) dst(%dma_wait3A_232 : memref<72x64xf32, #tpu.memory_space<vmem>>)
      %scan3A_241 = arith.constant 0 : i32
      %scan3A_242 = arith.constant 72 : i32
      %scan3A_243 = arith.addi %scan3A_241, %scan3A_242 : i32
      %scan3A_244 = arith.constant 8 : i32
      scf.for %scan3A_391 = %scan3A_241 to %scan3A_243 step %scan3A_244  : i32 {
        %mul3A_392 = arith.constant 1 : i32
        %mul3A_393 = arith.muli %scan3A_391, %mul3A_392 : i32
        %add3A_394 = arith.constant 0 : i32
        %add3A_395 = arith.addi %add3A_394, %mul3A_393 : i32
        %sub3A = arith.constant 71 : i32
        %sub3A_396 = arith.subi %sub3A, %add3A_395 : i32
        %get3A = arith.index_cast %sub3A_396 : i32 to index
        %get3A_397 = arith.constant 0 : index
        %get3A_398 = tpu.vector_load %arg7[%get3A, %get3A_397] {strides = array<i32>} : memref<200x64xf32, #tpu.memory_space<vmem>>, vector<1x16xf32>,
        %get3A_399 = vector.shape_cast %get3A_398 : vector<1x16xf32> to vector<16xf32>
        %swap3A = arith.constant 0 : i32
        %swap3A_400 = arith.constant 0 : i32
        %swap3A_401 = tpu.memref_slice %arg8[%scan3A_50, %swap3A, %swap3A_400] : memref<4x128x64xf32, #tpu.memory_space<vmem>> -> memref<1x128x64xf32, #tpu.memory_space<vmem>>
        %swap3A_402 = tpu.memref_squeeze %swap3A_401 : memref<1x128x64xf32, #tpu.memory_space<vmem>> -> memref<128x64xf32, #tpu.memory_space<vmem>>
        %swap3A_403 = arith.index_cast %add3A_395 : i32 to index
        %swap3A_404 = arith.constant 0 : index
        %swap3A_405 = tpu.vector_load %swap3A_402[%swap3A_403, %swap3A_404] {strides = array<i32>} : memref<128x64xf32, #tpu.memory_space<vmem>>, vector<1x16xf32>,
        %swap3A_406 = vector.shape_cast %swap3A_405 : vector<1x16xf32> to vector<16xf32>
        %swap3A_407 = vector.shape_cast %get3A_399 : vector<16xf32> to vector<1x16xf32>
        tpu.vector_store %swap3A_402[%swap3A_403, %swap3A_404], %swap3A_407 {add = true, strides = array<i32>} : memref<128x64xf32, #tpu.memory_space<vmem>>, vector<1x16xf32>,
        %sub3A_408 = arith.constant 71 : i32
        %sub3A_409 = arith.subi %sub3A_408, %add3A_395 : i32
        %get3A_410 = arith.index_cast %sub3A_409 : i32 to index
        %get3A_411 = arith.constant 16 : index
        %get3A_412 = tpu.vector_load %arg7[%get3A_410, %get3A_411] {strides = array<i32>} : memref<200x64xf32, #tpu.memory_space<vmem>>, vector<1x16xf32>,
        %get3A_413 = vector.shape_cast %get3A_412 : vector<1x16xf32> to vector<16xf32>
        %swap3A_414 = arith.constant 0 : i32
        %swap3A_415 = arith.constant 0 : i32
        %swap3A_416 = tpu.memref_slice %arg8[%scan3A_50, %swap3A_414, %swap3A_415] : memref<4x128x64xf32, #tpu.memory_space<vmem>> -> memref<1x128x64xf32, #tpu.memory_space<vmem>>
        %swap3A_417 = tpu.memref_squeeze %swap3A_416 : memref<1x128x64xf32, #tpu.memory_space<vmem>> -> memref<128x64xf32, #tpu.memory_space<vmem>>
        %swap3A_418 = arith.index_cast %add3A_395 : i32 to index
        %swap3A_419 = arith.constant 16 : index
        %swap3A_420 = tpu.vector_load %swap3A_417[%swap3A_418, %swap3A_419] {strides = array<i32>} : memref<128x64xf32, #tpu.memory_space<vmem>>, vector<1x16xf32>,
        %swap3A_421 = vector.shape_cast %swap3A_420 : vector<1x16xf32> to vector<16xf32>
        %swap3A_422 = vector.shape_cast %get3A_413 : vector<16xf32> to vector<1x16xf32>
        tpu.vector_store %swap3A_417[%swap3A_418, %swap3A_419], %swap3A_422 {add = true, strides = array<i32>} : memref<128x64xf32, #tpu.memory_space<vmem>>, vector<1x16xf32>,
        %sub3A_423 = arith.constant 71 : i32
        %sub3A_424 = arith.subi %sub3A_423, %add3A_395 : i32
        %get3A_425 = arith.index_cast %sub3A_424 : i32 to index
        %get3A_426 = arith.constant 32 : index
        %get3A_427 = tpu.vector_load %arg7[%get3A_425, %get3A_426] {strides = array<i32>} : memref<200x64xf32, #tpu.memory_space<vmem>>, vector<1x16xf32>,
        %get3A_428 = vector.shape_cast %get3A_427 : vector<1x16xf32> to vector<16xf32>
        %swap3A_429 = arith.constant 0 : i32
        %swap3A_430 = arith.constant 0 : i32
        %swap3A_431 = tpu.memref_slice %arg8[%scan3A_50, %swap3A_429, %swap3A_430] : memref<4x128x64xf32, #tpu.memory_space<vmem>> -> memref<1x128x64xf32, #tpu.memory_space<vmem>>
        %swap3A_432 = tpu.memref_squeeze %swap3A_431 : memref<1x128x64xf32, #tpu.memory_space<vmem>> -> memref<128x64xf32, #tpu.memory_space<vmem>>
        %swap3A_433 = arith.index_cast %add3A_395 : i32 to index
        %swap3A_434 = arith.constant 32 : index
        %swap3A_435 = tpu.vector_load %swap3A_432[%swap3A_433, %swap3A_434] {strides = array<i32>} : memref<128x64xf32, #tpu.memory_space<vmem>>, vector<1x16xf32>,
        %swap3A_436 = vector.shape_cast %swap3A_435 : vector<1x16xf32> to vector<16xf32>
        %swap3A_437 = vector.shape_cast %get3A_428 : vector<16xf32> to vector<1x16xf32>
        tpu.vector_store %swap3A_432[%swap3A_433, %swap3A_434], %swap3A_437 {add = true, strides = array<i32>} : memref<128x64xf32, #tpu.memory_space<vmem>>, vector<1x16xf32>,
        %sub3A_438 = arith.constant 71 : i32
        %sub3A_439 = arith.subi %sub3A_438, %add3A_395 : i32
        %get3A_440 = arith.index_cast %sub3A_439 : i32 to index
        %get3A_441 = arith.constant 48 : index
        %get3A_442 = tpu.vector_load %arg7[%get3A_440, %get3A_441] {strides = array<i32>} : memref<200x64xf32, #tpu.memory_space<vmem>>, vector<1x16xf32>,
        %get3A_443 = vector.shape_cast %get3A_442 : vector<1x16xf32> to vector<16xf32>
        %swap3A_444 = arith.constant 0 : i32
        %swap3A_445 = arith.constant 0 : i32
        %swap3A_446 = tpu.memref_slice %arg8[%scan3A_50, %swap3A_444, %swap3A_445] : memref<4x128x64xf32, #tpu.memory_space<vmem>> -> memref<1x128x64xf32, #tpu.memory_space<vmem>>
        %swap3A_447 = tpu.memref_squeeze %swap3A_446 : memref<1x128x64xf32, #tpu.memory_space<vmem>> -> memref<128x64xf32, #tpu.memory_space<vmem>>
        %swap3A_448 = arith.index_cast %add3A_395 : i32 to index
        %swap3A_449 = arith.constant 48 : index
        %swap3A_450 = tpu.vector_load %swap3A_447[%swap3A_448, %swap3A_449] {strides = array<i32>} : memref<128x64xf32, #tpu.memory_space<vmem>>, vector<1x16xf32>,
        %swap3A_451 = vector.shape_cast %swap3A_450 : vector<1x16xf32> to vector<16xf32>
        %swap3A_452 = vector.shape_cast %get3A_443 : vector<16xf32> to vector<1x16xf32>
        tpu.vector_store %swap3A_447[%swap3A_448, %swap3A_449], %swap3A_452 {add = true, strides = array<i32>} : memref<128x64xf32, #tpu.memory_space<vmem>>, vector<1x16xf32>,
        %scan3A_453 = arith.constant 1 : i32
        %scan3A_454 = arith.addi %scan3A_391, %scan3A_453 : i32
        %mul3A_455 = arith.constant 1 : i32
        %mul3A_456 = arith.muli %scan3A_454, %mul3A_455 : i32
        %add3A_457 = arith.constant 0 : i32
        %add3A_458 = arith.addi %add3A_457, %mul3A_456 : i32
        %sub3A_459 = arith.constant 71 : i32
        %sub3A_460 = arith.subi %sub3A_459, %add3A_458 : i32
        %get3A_461 = arith.index_cast %sub3A_460 : i32 to index
        %get3A_462 = arith.constant 0 : index
        %get3A_463 = tpu.vector_load %arg7[%get3A_461, %get3A_462] {strides = array<i32>} : memref<200x64xf32, #tpu.memory_space<vmem>>, vector<1x16xf32>,
        %get3A_464 = vector.shape_cast %get3A_463 : vector<1x16xf32> to vector<16xf32>
        %swap3A_465 = arith.constant 0 : i32
        %swap3A_466 = arith.constant 0 : i32
        %swap3A_467 = tpu.memref_slice %arg8[%scan3A_50, %swap3A_465, %swap3A_466] : memref<4x128x64xf32, #tpu.memory_space<vmem>> -> memref<1x128x64xf32, #tpu.memory_space<vmem>>
        %swap3A_468 = tpu.memref_squeeze %swap3A_467 : memref<1x128x64xf32, #tpu.memory_space<vmem>> -> memref<128x64xf32, #tpu.memory_space<vmem>>
        %swap3A_469 = arith.index_cast %add3A_458 : i32 to index
        %swap3A_470 = arith.constant 0 : index
        %swap3A_471 = tpu.vector_load %swap3A_468[%swap3A_469, %swap3A_470] {strides = array<i32>} : memref<128x64xf32, #tpu.memory_space<vmem>>, vector<1x16xf32>,
        %swap3A_472 = vector.shape_cast %swap3A_471 : vector<1x16xf32> to vector<16xf32>
        %swap3A_473 = vector.shape_cast %get3A_464 : vector<16xf32> to vector<1x16xf32>
        tpu.vector_store %swap3A_468[%swap3A_469, %swap3A_470], %swap3A_473 {add = true, strides = array<i32>} : memref<128x64xf32, #tpu.memory_space<vmem>>, vector<1x16xf32>,
        %sub3A_474 = arith.constant 71 : i32
        %sub3A_475 = arith.subi %sub3A_474, %add3A_458 : i32
        %get3A_476 = arith.index_cast %sub3A_475 : i32 to index
        %get3A_477 = arith.constant 16 : index
        %get3A_478 = tpu.vector_load %arg7[%get3A_476, %get3A_477] {strides = array<i32>} : memref<200x64xf32, #tpu.memory_space<vmem>>, vector<1x16xf32>,
        %get3A_479 = vector.shape_cast %get3A_478 : vector<1x16xf32> to vector<16xf32>
        %swap3A_480 = arith.constant 0 : i32
        %swap3A_481 = arith.constant 0 : i32
        %swap3A_482 = tpu.memref_slice %arg8[%scan3A_50, %swap3A_480, %swap3A_481] : memref<4x128x64xf32, #tpu.memory_space<vmem>> -> memref<1x128x64xf32, #tpu.memory_space<vmem>>
        %swap3A_483 = tpu.memref_squeeze %swap3A_482 : memref<1x128x64xf32, #tpu.memory_space<vmem>> -> memref<128x64xf32, #tpu.memory_space<vmem>>
        %swap3A_484 = arith.index_cast %add3A_458 : i32 to index
        %swap3A_485 = arith.constant 16 : index
        %swap3A_486 = tpu.vector_load %swap3A_483[%swap3A_484, %swap3A_485] {strides = array<i32>} : memref<128x64xf32, #tpu.memory_space<vmem>>, vector<1x16xf32>,
        %swap3A_487 = vector.shape_cast %swap3A_486 : vector<1x16xf32> to vector<16xf32>
        %swap3A_488 = vector.shape_cast %get3A_479 : vector<16xf32> to vector<1x16xf32>
        tpu.vector_store %swap3A_483[%swap3A_484, %swap3A_485], %swap3A_488 {add = true, strides = array<i32>} : memref<128x64xf32, #tpu.memory_space<vmem>>, vector<1x16xf32>,
        %sub3A_489 = arith.constant 71 : i32
        %sub3A_490 = arith.subi %sub3A_489, %add3A_458 : i32
        %get3A_491 = arith.index_cast %sub3A_490 : i32 to index
        %get3A_492 = arith.constant 32 : index
        %get3A_493 = tpu.vector_load %arg7[%get3A_491, %get3A_492] {strides = array<i32>} : memref<200x64xf32, #tpu.memory_space<vmem>>, vector<1x16xf32>,
        %get3A_494 = vector.shape_cast %get3A_493 : vector<1x16xf32> to vector<16xf32>
        %swap3A_495 = arith.constant 0 : i32
        %swap3A_496 = arith.constant 0 : i32
        %swap3A_497 = tpu.memref_slice %arg8[%scan3A_50, %swap3A_495, %swap3A_496] : memref<4x128x64xf32, #tpu.memory_space<vmem>> -> memref<1x128x64xf32, #tpu.memory_space<vmem>>
        %swap3A_498 = tpu.memref_squeeze %swap3A_497 : memref<1x128x64xf32, #tpu.memory_space<vmem>> -> memref<128x64xf32, #tpu.memory_space<vmem>>
        %swap3A_499 = arith.index_cast %add3A_458 : i32 to index
        %swap3A_500 = arith.constant 32 : index
        %swap3A_501 = tpu.vector_load %swap3A_498[%swap3A_499, %swap3A_500] {strides = array<i32>} : memref<128x64xf32, #tpu.memory_space<vmem>>, vector<1x16xf32>,
        %swap3A_502 = vector.shape_cast %swap3A_501 : vector<1x16xf32> to vector<16xf32>
        %swap3A_503 = vector.shape_cast %get3A_494 : vector<16xf32> to vector<1x16xf32>
        tpu.vector_store %swap3A_498[%swap3A_499, %swap3A_500], %swap3A_503 {add = true, strides = array<i32>} : memref<128x64xf32, #tpu.memory_space<vmem>>, vector<1x16xf32>,
        %sub3A_504 = arith.constant 71 : i32
        %sub3A_505 = arith.subi %sub3A_504, %add3A_458 : i32
        %get3A_506 = arith.index_cast %sub3A_505 : i32 to index
        %get3A_507 = arith.constant 48 : index
        %get3A_508 = tpu.vector_load %arg7[%get3A_506, %get3A_507] {strides = array<i32>} : memref<200x64xf32, #tpu.memory_space<vmem>>, vector<1x16xf32>,
        %get3A_509 = vector.shape_cast %get3A_508 : vector<1x16xf32> to vector<16xf32>
        %swap3A_510 = arith.constant 0 : i32
        %swap3A_511 = arith.constant 0 : i32
        %swap3A_512 = tpu.memref_slice %arg8[%scan3A_50, %swap3A_510, %swap3A_511] : memref<4x128x64xf32, #tpu.memory_space<vmem>> -> memref<1x128x64xf32, #tpu.memory_space<vmem>>
        %swap3A_513 = tpu.memref_squeeze %swap3A_512 : memref<1x128x64xf32, #tpu.memory_space<vmem>> -> memref<128x64xf32, #tpu.memory_space<vmem>>
        %swap3A_514 = arith.index_cast %add3A_458 : i32 to index
        %swap3A_515 = arith.constant 48 : index
        %swap3A_516 = tpu.vector_load %swap3A_513[%swap3A_514, %swap3A_515] {strides = array<i32>} : memref<128x64xf32, #tpu.memory_space<vmem>>, vector<1x16xf32>,
        %swap3A_517 = vector.shape_cast %swap3A_516 : vector<1x16xf32> to vector<16xf32>
        %swap3A_518 = vector.shape_cast %get3A_509 : vector<16xf32> to vector<1x16xf32>
        tpu.vector_store %swap3A_513[%swap3A_514, %swap3A_515], %swap3A_518 {add = true, strides = array<i32>} : memref<128x64xf32, #tpu.memory_space<vmem>>, vector<1x16xf32>,
        %scan3A_519 = arith.constant 2 : i32
        %scan3A_520 = arith.addi %scan3A_391, %scan3A_519 : i32
        %mul3A_521 = arith.constant 1 : i32
        %mul3A_522 = arith.muli %scan3A_520, %mul3A_521 : i32
        %add3A_523 = arith.constant 0 : i32
        %add3A_524 = arith.addi %add3A_523, %mul3A_522 : i32
        %sub3A_525 = arith.constant 71 : i32
        %sub3A_526 = arith.subi %sub3A_525, %add3A_524 : i32
        %get3A_527 = arith.index_cast %sub3A_526 : i32 to index
        %get3A_528 = arith.constant 0 : index
        %get3A_529 = tpu.vector_load %arg7[%get3A_527, %get3A_528] {strides = array<i32>} : memref<200x64xf32, #tpu.memory_space<vmem>>, vector<1x16xf32>,
        %get3A_530 = vector.shape_cast %get3A_529 : vector<1x16xf32> to vector<16xf32>
        %swap3A_531 = arith.constant 0 : i32
        %swap3A_532 = arith.constant 0 : i32
        %swap3A_533 = tpu.memref_slice %arg8[%scan3A_50, %swap3A_531, %swap3A_532] : memref<4x128x64xf32, #tpu.memory_space<vmem>> -> memref<1x128x64xf32, #tpu.memory_space<vmem>>
        %swap3A_534 = tpu.memref_squeeze %swap3A_533 : memref<1x128x64xf32, #tpu.memory_space<vmem>> -> memref<128x64xf32, #tpu.memory_space<vmem>>
        %swap3A_535 = arith.index_cast %add3A_524 : i32 to index
        %swap3A_536 = arith.constant 0 : index
        %swap3A_537 = tpu.vector_load %swap3A_534[%swap3A_535, %swap3A_536] {strides = array<i32>} : memref<128x64xf32, #tpu.memory_space<vmem>>, vector<1x16xf32>,
        %swap3A_538 = vector.shape_cast %swap3A_537 : vector<1x16xf32> to vector<16xf32>
        %swap3A_539 = vector.shape_cast %get3A_530 : vector<16xf32> to vector<1x16xf32>
        tpu.vector_store %swap3A_534[%swap3A_535, %swap3A_536], %swap3A_539 {add = true, strides = array<i32>} : memref<128x64xf32, #tpu.memory_space<vmem>>, vector<1x16xf32>,
        %sub3A_540 = arith.constant 71 : i32
        %sub3A_541 = arith.subi %sub3A_540, %add3A_524 : i32
        %get3A_542 = arith.index_cast %sub3A_541 : i32 to index
        %get3A_543 = arith.constant 16 : index
        %get3A_544 = tpu.vector_load %arg7[%get3A_542, %get3A_543] {strides = array<i32>} : memref<200x64xf32, #tpu.memory_space<vmem>>, vector<1x16xf32>,
        %get3A_545 = vector.shape_cast %get3A_544 : vector<1x16xf32> to vector<16xf32>
        %swap3A_546 = arith.constant 0 : i32
        %swap3A_547 = arith.constant 0 : i32
        %swap3A_548 = tpu.memref_slice %arg8[%scan3A_50, %swap3A_546, %swap3A_547] : memref<4x128x64xf32, #tpu.memory_space<vmem>> -> memref<1x128x64xf32, #tpu.memory_space<vmem>>
        %swap3A_549 = tpu.memref_squeeze %swap3A_548 : memref<1x128x64xf32, #tpu.memory_space<vmem>> -> memref<128x64xf32, #tpu.memory_space<vmem>>
        %swap3A_550 = arith.index_cast %add3A_524 : i32 to index
        %swap3A_551 = arith.constant 16 : index
        %swap3A_552 = tpu.vector_load %swap3A_549[%swap3A_550, %swap3A_551] {strides = array<i32>} : memref<128x64xf32, #tpu.memory_space<vmem>>, vector<1x16xf32>,
        %swap3A_553 = vector.shape_cast %swap3A_552 : vector<1x16xf32> to vector<16xf32>
        %swap3A_554 = vector.shape_cast %get3A_545 : vector<16xf32> to vector<1x16xf32>
        tpu.vector_store %swap3A_549[%swap3A_550, %swap3A_551], %swap3A_554 {add = true, strides = array<i32>} : memref<128x64xf32, #tpu.memory_space<vmem>>, vector<1x16xf32>,
        %sub3A_555 = arith.constant 71 : i32
        %sub3A_556 = arith.subi %sub3A_555, %add3A_524 : i32
        %get3A_557 = arith.index_cast %sub3A_556 : i32 to index
        %get3A_558 = arith.constant 32 : index
        %get3A_559 = tpu.vector_load %arg7[%get3A_557, %get3A_558] {strides = array<i32>} : memref<200x64xf32, #tpu.memory_space<vmem>>, vector<1x16xf32>,
        %get3A_560 = vector.shape_cast %get3A_559 : vector<1x16xf32> to vector<16xf32>
        %swap3A_561 = arith.constant 0 : i32
        %swap3A_562 = arith.constant 0 : i32
        %swap3A_563 = tpu.memref_slice %arg8[%scan3A_50, %swap3A_561, %swap3A_562] : memref<4x128x64xf32, #tpu.memory_space<vmem>> -> memref<1x128x64xf32, #tpu.memory_space<vmem>>
        %swap3A_564 = tpu.memref_squeeze %swap3A_563 : memref<1x128x64xf32, #tpu.memory_space<vmem>> -> memref<128x64xf32, #tpu.memory_space<vmem>>
        %swap3A_565 = arith.index_cast %add3A_524 : i32 to index
        %swap3A_566 = arith.constant 32 : index
        %swap3A_567 = tpu.vector_load %swap3A_564[%swap3A_565, %swap3A_566] {strides = array<i32>} : memref<128x64xf32, #tpu.memory_space<vmem>>, vector<1x16xf32>,
        %swap3A_568 = vector.shape_cast %swap3A_567 : vector<1x16xf32> to vector<16xf32>
        %swap3A_569 = vector.shape_cast %get3A_560 : vector<16xf32> to vector<1x16xf32>
        tpu.vector_store %swap3A_564[%swap3A_565, %swap3A_566], %swap3A_569 {add = true, strides = array<i32>} : memref<128x64xf32, #tpu.memory_space<vmem>>, vector<1x16xf32>,
        %sub3A_570 = arith.constant 71 : i32
        %sub3A_571 = arith.subi %sub3A_570, %add3A_524 : i32
        %get3A_572 = arith.index_cast %sub3A_571 : i32 to index
        %get3A_573 = arith.constant 48 : index
        %get3A_574 = tpu.vector_load %arg7[%get3A_572, %get3A_573] {strides = array<i32>} : memref<200x64xf32, #tpu.memory_space<vmem>>, vector<1x16xf32>,
        %get3A_575 = vector.shape_cast %get3A_574 : vector<1x16xf32> to vector<16xf32>
        %swap3A_576 = arith.constant 0 : i32
        %swap3A_577 = arith.constant 0 : i32
        %swap3A_578 = tpu.memref_slice %arg8[%scan3A_50, %swap3A_576, %swap3A_577] : memref<4x128x64xf32, #tpu.memory_space<vmem>> -> memref<1x128x64xf32, #tpu.memory_space<vmem>>
        %swap3A_579 = tpu.memref_squeeze %swap3A_578 : memref<1x128x64xf32, #tpu.memory_space<vmem>> -> memref<128x64xf32, #tpu.memory_space<vmem>>
        %swap3A_580 = arith.index_cast %add3A_524 : i32 to index
        %swap3A_581 = arith.constant 48 : index
        %swap3A_582 = tpu.vector_load %swap3A_579[%swap3A_580, %swap3A_581] {strides = array<i32>} : memref<128x64xf32, #tpu.memory_space<vmem>>, vector<1x16xf32>,
        %swap3A_583 = vector.shape_cast %swap3A_582 : vector<1x16xf32> to vector<16xf32>
        %swap3A_584 = vector.shape_cast %get3A_575 : vector<16xf32> to vector<1x16xf32>
        tpu.vector_store %swap3A_579[%swap3A_580, %swap3A_581], %swap3A_584 {add = true, strides = array<i32>} : memref<128x64xf32, #tpu.memory_space<vmem>>, vector<1x16xf32>,
        %scan3A_585 = arith.constant 3 : i32
        %scan3A_586 = arith.addi %scan3A_391, %scan3A_585 : i32
        %mul3A_587 = arith.constant 1 : i32
        %mul3A_588 = arith.muli %scan3A_586, %mul3A_587 : i32
        %add3A_589 = arith.constant 0 : i32
        %add3A_590 = arith.addi %add3A_589, %mul3A_588 : i32
        %sub3A_591 = arith.constant 71 : i32
        %sub3A_592 = arith.subi %sub3A_591, %add3A_590 : i32
        %get3A_593 = arith.index_cast %sub3A_592 : i32 to index
        %get3A_594 = arith.constant 0 : index
        %get3A_595 = tpu.vector_load %arg7[%get3A_593, %get3A_594] {strides = array<i32>} : memref<200x64xf32, #tpu.memory_space<vmem>>, vector<1x16xf32>,
        %get3A_596 = vector.shape_cast %get3A_595 : vector<1x16xf32> to vector<16xf32>
        %swap3A_597 = arith.constant 0 : i32
        %swap3A_598 = arith.constant 0 : i32
        %swap3A_599 = tpu.memref_slice %arg8[%scan3A_50, %swap3A_597, %swap3A_598] : memref<4x128x64xf32, #tpu.memory_space<vmem>> -> memref<1x128x64xf32, #tpu.memory_space<vmem>>
        %swap3A_600 = tpu.memref_squeeze %swap3A_599 : memref<1x128x64xf32, #tpu.memory_space<vmem>> -> memref<128x64xf32, #tpu.memory_space<vmem>>
        %swap3A_601 = arith.index_cast %add3A_590 : i32 to index
        %swap3A_602 = arith.constant 0 : index
        %swap3A_603 = tpu.vector_load %swap3A_600[%swap3A_601, %swap3A_602] {strides = array<i32>} : memref<128x64xf32, #tpu.memory_space<vmem>>, vector<1x16xf32>,
        %swap3A_604 = vector.shape_cast %swap3A_603 : vector<1x16xf32> to vector<16xf32>
        %swap3A_605 = vector.shape_cast %get3A_596 : vector<16xf32> to vector<1x16xf32>
        tpu.vector_store %swap3A_600[%swap3A_601, %swap3A_602], %swap3A_605 {add = true, strides = array<i32>} : memref<128x64xf32, #tpu.memory_space<vmem>>, vector<1x16xf32>,
        %sub3A_606 = arith.constant 71 : i32
        %sub3A_607 = arith.subi %sub3A_606, %add3A_590 : i32
        %get3A_608 = arith.index_cast %sub3A_607 : i32 to index
        %get3A_609 = arith.constant 16 : index
        %get3A_610 = tpu.vector_load %arg7[%get3A_608, %get3A_609] {strides = array<i32>} : memref<200x64xf32, #tpu.memory_space<vmem>>, vector<1x16xf32>,
        %get3A_611 = vector.shape_cast %get3A_610 : vector<1x16xf32> to vector<16xf32>
        %swap3A_612 = arith.constant 0 : i32
        %swap3A_613 = arith.constant 0 : i32
        %swap3A_614 = tpu.memref_slice %arg8[%scan3A_50, %swap3A_612, %swap3A_613] : memref<4x128x64xf32, #tpu.memory_space<vmem>> -> memref<1x128x64xf32, #tpu.memory_space<vmem>>
        %swap3A_615 = tpu.memref_squeeze %swap3A_614 : memref<1x128x64xf32, #tpu.memory_space<vmem>> -> memref<128x64xf32, #tpu.memory_space<vmem>>
        %swap3A_616 = arith.index_cast %add3A_590 : i32 to index
        %swap3A_617 = arith.constant 16 : index
        %swap3A_618 = tpu.vector_load %swap3A_615[%swap3A_616, %swap3A_617] {strides = array<i32>} : memref<128x64xf32, #tpu.memory_space<vmem>>, vector<1x16xf32>,
        %swap3A_619 = vector.shape_cast %swap3A_618 : vector<1x16xf32> to vector<16xf32>
        %swap3A_620 = vector.shape_cast %get3A_611 : vector<16xf32> to vector<1x16xf32>
        tpu.vector_store %swap3A_615[%swap3A_616, %swap3A_617], %swap3A_620 {add = true, strides = array<i32>} : memref<128x64xf32, #tpu.memory_space<vmem>>, vector<1x16xf32>,
        %sub3A_621 = arith.constant 71 : i32
        %sub3A_622 = arith.subi %sub3A_621, %add3A_590 : i32
        %get3A_623 = arith.index_cast %sub3A_622 : i32 to index
        %get3A_624 = arith.constant 32 : index
        %get3A_625 = tpu.vector_load %arg7[%get3A_623, %get3A_624] {strides = array<i32>} : memref<200x64xf32, #tpu.memory_space<vmem>>, vector<1x16xf32>,
        %get3A_626 = vector.shape_cast %get3A_625 : vector<1x16xf32> to vector<16xf32>
        %swap3A_627 = arith.constant 0 : i32
        %swap3A_628 = arith.constant 0 : i32
        %swap3A_629 = tpu.memref_slice %arg8[%scan3A_50, %swap3A_627, %swap3A_628] : memref<4x128x64xf32, #tpu.memory_space<vmem>> -> memref<1x128x64xf32, #tpu.memory_space<vmem>>
        %swap3A_630 = tpu.memref_squeeze %swap3A_629 : memref<1x128x64xf32, #tpu.memory_space<vmem>> -> memref<128x64xf32, #tpu.memory_space<vmem>>
        %swap3A_631 = arith.index_cast %add3A_590 : i32 to index
        %swap3A_632 = arith.constant 32 : index
        %swap3A_633 = tpu.vector_load %swap3A_630[%swap3A_631, %swap3A_632] {strides = array<i32>} : memref<128x64xf32, #tpu.memory_space<vmem>>, vector<1x16xf32>,
        %swap3A_634 = vector.shape_cast %swap3A_633 : vector<1x16xf32> to vector<16xf32>
        %swap3A_635 = vector.shape_cast %get3A_626 : vector<16xf32> to vector<1x16xf32>
        tpu.vector_store %swap3A_630[%swap3A_631, %swap3A_632], %swap3A_635 {add = true, strides = array<i32>} : memref<128x64xf32, #tpu.memory_space<vmem>>, vector<1x16xf32>,
        %sub3A_636 = arith.constant 71 : i32
        %sub3A_637 = arith.subi %sub3A_636, %add3A_590 : i32
        %get3A_638 = arith.index_cast %sub3A_637 : i32 to index
        %get3A_639 = arith.constant 48 : index
        %get3A_640 = tpu.vector_load %arg7[%get3A_638, %get3A_639] {strides = array<i32>} : memref<200x64xf32, #tpu.memory_space<vmem>>, vector<1x16xf32>,
        %get3A_641 = vector.shape_cast %get3A_640 : vector<1x16xf32> to vector<16xf32>
        %swap3A_642 = arith.constant 0 : i32
        %swap3A_643 = arith.constant 0 : i32
        %swap3A_644 = tpu.memref_slice %arg8[%scan3A_50, %swap3A_642, %swap3A_643] : memref<4x128x64xf32, #tpu.memory_space<vmem>> -> memref<1x128x64xf32, #tpu.memory_space<vmem>>
        %swap3A_645 = tpu.memref_squeeze %swap3A_644 : memref<1x128x64xf32, #tpu.memory_space<vmem>> -> memref<128x64xf32, #tpu.memory_space<vmem>>
        %swap3A_646 = arith.index_cast %add3A_590 : i32 to index
        %swap3A_647 = arith.constant 48 : index
        %swap3A_648 = tpu.vector_load %swap3A_645[%swap3A_646, %swap3A_647] {strides = array<i32>} : memref<128x64xf32, #tpu.memory_space<vmem>>, vector<1x16xf32>,
        %swap3A_649 = vector.shape_cast %swap3A_648 : vector<1x16xf32> to vector<16xf32>
        %swap3A_650 = vector.shape_cast %get3A_641 : vector<16xf32> to vector<1x16xf32>
        tpu.vector_store %swap3A_645[%swap3A_646, %swap3A_647], %swap3A_650 {add = true, strides = array<i32>} : memref<128x64xf32, #tpu.memory_space<vmem>>, vector<1x16xf32>,
        %scan3A_651 = arith.constant 4 : i32
        %scan3A_652 = arith.addi %scan3A_391, %scan3A_651 : i32
        %mul3A_653 = arith.constant 1 : i32
        %mul3A_654 = arith.muli %scan3A_652, %mul3A_653 : i32
        %add3A_655 = arith.constant 0 : i32
        %add3A_656 = arith.addi %add3A_655, %mul3A_654 : i32
        %sub3A_657 = arith.constant 71 : i32
        %sub3A_658 = arith.subi %sub3A_657, %add3A_656 : i32
        %get3A_659 = arith.index_cast %sub3A_658 : i32 to index
        %get3A_660 = arith.constant 0 : index
        %get3A_661 = tpu.vector_load %arg7[%get3A_659, %get3A_660] {strides = array<i32>} : memref<200x64xf32, #tpu.memory_space<vmem>>, vector<1x16xf32>,
        %get3A_662 = vector.shape_cast %get3A_661 : vector<1x16xf32> to vector<16xf32>
        %swap3A_663 = arith.constant 0 : i32
        %swap3A_664 = arith.constant 0 : i32
        %swap3A_665 = tpu.memref_slice %arg8[%scan3A_50, %swap3A_663, %swap3A_664] : memref<4x128x64xf32, #tpu.memory_space<vmem>> -> memref<1x128x64xf32, #tpu.memory_space<vmem>>
        %swap3A_666 = tpu.memref_squeeze %swap3A_665 : memref<1x128x64xf32, #tpu.memory_space<vmem>> -> memref<128x64xf32, #tpu.memory_space<vmem>>
        %swap3A_667 = arith.index_cast %add3A_656 : i32 to index
        %swap3A_668 = arith.constant 0 : index
        %swap3A_669 = tpu.vector_load %swap3A_666[%swap3A_667, %swap3A_668] {strides = array<i32>} : memref<128x64xf32, #tpu.memory_space<vmem>>, vector<1x16xf32>,
        %swap3A_670 = vector.shape_cast %swap3A_669 : vector<1x16xf32> to vector<16xf32>
        %swap3A_671 = vector.shape_cast %get3A_662 : vector<16xf32> to vector<1x16xf32>
        tpu.vector_store %swap3A_666[%swap3A_667, %swap3A_668], %swap3A_671 {add = true, strides = array<i32>} : memref<128x64xf32, #tpu.memory_space<vmem>>, vector<1x16xf32>,
        %sub3A_672 = arith.constant 71 : i32
        %sub3A_673 = arith.subi %sub3A_672, %add3A_656 : i32
        %get3A_674 = arith.index_cast %sub3A_673 : i32 to index
        %get3A_675 = arith.constant 16 : index
        %get3A_676 = tpu.vector_load %arg7[%get3A_674, %get3A_675] {strides = array<i32>} : memref<200x64xf32, #tpu.memory_space<vmem>>, vector<1x16xf32>,
        %get3A_677 = vector.shape_cast %get3A_676 : vector<1x16xf32> to vector<16xf32>
        %swap3A_678 = arith.constant 0 : i32
        %swap3A_679 = arith.constant 0 : i32
        %swap3A_680 = tpu.memref_slice %arg8[%scan3A_50, %swap3A_678, %swap3A_679] : memref<4x128x64xf32, #tpu.memory_space<vmem>> -> memref<1x128x64xf32, #tpu.memory_space<vmem>>
        %swap3A_681 = tpu.memref_squeeze %swap3A_680 : memref<1x128x64xf32, #tpu.memory_space<vmem>> -> memref<128x64xf32, #tpu.memory_space<vmem>>
        %swap3A_682 = arith.index_cast %add3A_656 : i32 to index
        %swap3A_683 = arith.constant 16 : index
        %swap3A_684 = tpu.vector_load %swap3A_681[%swap3A_682, %swap3A_683] {strides = array<i32>} : memref<128x64xf32, #tpu.memory_space<vmem>>, vector<1x16xf32>,
        %swap3A_685 = vector.shape_cast %swap3A_684 : vector<1x16xf32> to vector<16xf32>
        %swap3A_686 = vector.shape_cast %get3A_677 : vector<16xf32> to vector<1x16xf32>
        tpu.vector_store %swap3A_681[%swap3A_682, %swap3A_683], %swap3A_686 {add = true, strides = array<i32>} : memref<128x64xf32, #tpu.memory_space<vmem>>, vector<1x16xf32>,
        %sub3A_687 = arith.constant 71 : i32
        %sub3A_688 = arith.subi %sub3A_687, %add3A_656 : i32
        %get3A_689 = arith.index_cast %sub3A_688 : i32 to index
        %get3A_690 = arith.constant 32 : index
        %get3A_691 = tpu.vector_load %arg7[%get3A_689, %get3A_690] {strides = array<i32>} : memref<200x64xf32, #tpu.memory_space<vmem>>, vector<1x16xf32>,
        %get3A_692 = vector.shape_cast %get3A_691 : vector<1x16xf32> to vector<16xf32>
        %swap3A_693 = arith.constant 0 : i32
        %swap3A_694 = arith.constant 0 : i32
        %swap3A_695 = tpu.memref_slice %arg8[%scan3A_50, %swap3A_693, %swap3A_694] : memref<4x128x64xf32, #tpu.memory_space<vmem>> -> memref<1x128x64xf32, #tpu.memory_space<vmem>>
        %swap3A_696 = tpu.memref_squeeze %swap3A_695 : memref<1x128x64xf32, #tpu.memory_space<vmem>> -> memref<128x64xf32, #tpu.memory_space<vmem>>
        %swap3A_697 = arith.index_cast %add3A_656 : i32 to index
        %swap3A_698 = arith.constant 32 : index
        %swap3A_699 = tpu.vector_load %swap3A_696[%swap3A_697, %swap3A_698] {strides = array<i32>} : memref<128x64xf32, #tpu.memory_space<vmem>>, vector<1x16xf32>,
        %swap3A_700 = vector.shape_cast %swap3A_699 : vector<1x16xf32> to vector<16xf32>
        %swap3A_701 = vector.shape_cast %get3A_692 : vector<16xf32> to vector<1x16xf32>
        tpu.vector_store %swap3A_696[%swap3A_697, %swap3A_698], %swap3A_701 {add = true, strides = array<i32>} : memref<128x64xf32, #tpu.memory_space<vmem>>, vector<1x16xf32>,
        %sub3A_702 = arith.constant 71 : i32
        %sub3A_703 = arith.subi %sub3A_702, %add3A_656 : i32
        %get3A_704 = arith.index_cast %sub3A_703 : i32 to index
        %get3A_705 = arith.constant 48 : index
        %get3A_706 = tpu.vector_load %arg7[%get3A_704, %get3A_705] {strides = array<i32>} : memref<200x64xf32, #tpu.memory_space<vmem>>, vector<1x16xf32>,
        %get3A_707 = vector.shape_cast %get3A_706 : vector<1x16xf32> to vector<16xf32>
        %swap3A_708 = arith.constant 0 : i32
        %swap3A_709 = arith.constant 0 : i32
        %swap3A_710 = tpu.memref_slice %arg8[%scan3A_50, %swap3A_708, %swap3A_709] : memref<4x128x64xf32, #tpu.memory_space<vmem>> -> memref<1x128x64xf32, #tpu.memory_space<vmem>>
        %swap3A_711 = tpu.memref_squeeze %swap3A_710 : memref<1x128x64xf32, #tpu.memory_space<vmem>> -> memref<128x64xf32, #tpu.memory_space<vmem>>
        %swap3A_712 = arith.index_cast %add3A_656 : i32 to index
        %swap3A_713 = arith.constant 48 : index
        %swap3A_714 = tpu.vector_load %swap3A_711[%swap3A_712, %swap3A_713] {strides = array<i32>} : memref<128x64xf32, #tpu.memory_space<vmem>>, vector<1x16xf32>,
        %swap3A_715 = vector.shape_cast %swap3A_714 : vector<1x16xf32> to vector<16xf32>
        %swap3A_716 = vector.shape_cast %get3A_707 : vector<16xf32> to vector<1x16xf32>
        tpu.vector_store %swap3A_711[%swap3A_712, %swap3A_713], %swap3A_716 {add = true, strides = array<i32>} : memref<128x64xf32, #tpu.memory_space<vmem>>, vector<1x16xf32>,
        %scan3A_717 = arith.constant 5 : i32
        %scan3A_718 = arith.addi %scan3A_391, %scan3A_717 : i32
        %mul3A_719 = arith.constant 1 : i32
        %mul3A_720 = arith.muli %scan3A_718, %mul3A_719 : i32
        %add3A_721 = arith.constant 0 : i32
        %add3A_722 = arith.addi %add3A_721, %mul3A_720 : i32
        %sub3A_723 = arith.constant 71 : i32
        %sub3A_724 = arith.subi %sub3A_723, %add3A_722 : i32
        %get3A_725 = arith.index_cast %sub3A_724 : i32 to index
        %get3A_726 = arith.constant 0 : index
        %get3A_727 = tpu.vector_load %arg7[%get3A_725, %get3A_726] {strides = array<i32>} : memref<200x64xf32, #tpu.memory_space<vmem>>, vector<1x16xf32>,
        %get3A_728 = vector.shape_cast %get3A_727 : vector<1x16xf32> to vector<16xf32>
        %swap3A_729 = arith.constant 0 : i32
        %swap3A_730 = arith.constant 0 : i32
        %swap3A_731 = tpu.memref_slice %arg8[%scan3A_50, %swap3A_729, %swap3A_730] : memref<4x128x64xf32, #tpu.memory_space<vmem>> -> memref<1x128x64xf32, #tpu.memory_space<vmem>>
        %swap3A_732 = tpu.memref_squeeze %swap3A_731 : memref<1x128x64xf32, #tpu.memory_space<vmem>> -> memref<128x64xf32, #tpu.memory_space<vmem>>
        %swap3A_733 = arith.index_cast %add3A_722 : i32 to index
        %swap3A_734 = arith.constant 0 : index
        %swap3A_735 = tpu.vector_load %swap3A_732[%swap3A_733, %swap3A_734] {strides = array<i32>} : memref<128x64xf32, #tpu.memory_space<vmem>>, vector<1x16xf32>,
        %swap3A_736 = vector.shape_cast %swap3A_735 : vector<1x16xf32> to vector<16xf32>
        %swap3A_737 = vector.shape_cast %get3A_728 : vector<16xf32> to vector<1x16xf32>
        tpu.vector_store %swap3A_732[%swap3A_733, %swap3A_734], %swap3A_737 {add = true, strides = array<i32>} : memref<128x64xf32, #tpu.memory_space<vmem>>, vector<1x16xf32>,
        %sub3A_738 = arith.constant 71 : i32
        %sub3A_739 = arith.subi %sub3A_738, %add3A_722 : i32
        %get3A_740 = arith.index_cast %sub3A_739 : i32 to index
        %get3A_741 = arith.constant 16 : index
        %get3A_742 = tpu.vector_load %arg7[%get3A_740, %get3A_741] {strides = array<i32>} : memref<200x64xf32, #tpu.memory_space<vmem>>, vector<1x16xf32>,
        %get3A_743 = vector.shape_cast %get3A_742 : vector<1x16xf32> to vector<16xf32>
        %swap3A_744 = arith.constant 0 : i32
        %swap3A_745 = arith.constant 0 : i32
        %swap3A_746 = tpu.memref_slice %arg8[%scan3A_50, %swap3A_744, %swap3A_745] : memref<4x128x64xf32, #tpu.memory_space<vmem>> -> memref<1x128x64xf32, #tpu.memory_space<vmem>>
        %swap3A_747 = tpu.memref_squeeze %swap3A_746 : memref<1x128x64xf32, #tpu.memory_space<vmem>> -> memref<128x64xf32, #tpu.memory_space<vmem>>
        %swap3A_748 = arith.index_cast %add3A_722 : i32 to index
        %swap3A_749 = arith.constant 16 : index
        %swap3A_750 = tpu.vector_load %swap3A_747[%swap3A_748, %swap3A_749] {strides = array<i32>} : memref<128x64xf32, #tpu.memory_space<vmem>>, vector<1x16xf32>,
        %swap3A_751 = vector.shape_cast %swap3A_750 : vector<1x16xf32> to vector<16xf32>
        %swap3A_752 = vector.shape_cast %get3A_743 : vector<16xf32> to vector<1x16xf32>
        tpu.vector_store %swap3A_747[%swap3A_748, %swap3A_749], %swap3A_752 {add = true, strides = array<i32>} : memref<128x64xf32, #tpu.memory_space<vmem>>, vector<1x16xf32>,
        %sub3A_753 = arith.constant 71 : i32
        %sub3A_754 = arith.subi %sub3A_753, %add3A_722 : i32
        %get3A_755 = arith.index_cast %sub3A_754 : i32 to index
        %get3A_756 = arith.constant 32 : index
        %get3A_757 = tpu.vector_load %arg7[%get3A_755, %get3A_756] {strides = array<i32>} : memref<200x64xf32, #tpu.memory_space<vmem>>, vector<1x16xf32>,
        %get3A_758 = vector.shape_cast %get3A_757 : vector<1x16xf32> to vector<16xf32>
        %swap3A_759 = arith.constant 0 : i32
        %swap3A_760 = arith.constant 0 : i32
        %swap3A_761 = tpu.memref_slice %arg8[%scan3A_50, %swap3A_759, %swap3A_760] : memref<4x128x64xf32, #tpu.memory_space<vmem>> -> memref<1x128x64xf32, #tpu.memory_space<vmem>>
        %swap3A_762 = tpu.memref_squeeze %swap3A_761 : memref<1x128x64xf32, #tpu.memory_space<vmem>> -> memref<128x64xf32, #tpu.memory_space<vmem>>
        %swap3A_763 = arith.index_cast %add3A_722 : i32 to index
        %swap3A_764 = arith.constant 32 : index
        %swap3A_765 = tpu.vector_load %swap3A_762[%swap3A_763, %swap3A_764] {strides = array<i32>} : memref<128x64xf32, #tpu.memory_space<vmem>>, vector<1x16xf32>,
        %swap3A_766 = vector.shape_cast %swap3A_765 : vector<1x16xf32> to vector<16xf32>
        %swap3A_767 = vector.shape_cast %get3A_758 : vector<16xf32> to vector<1x16xf32>
        tpu.vector_store %swap3A_762[%swap3A_763, %swap3A_764], %swap3A_767 {add = true, strides = array<i32>} : memref<128x64xf32, #tpu.memory_space<vmem>>, vector<1x16xf32>,
        %sub3A_768 = arith.constant 71 : i32
        %sub3A_769 = arith.subi %sub3A_768, %add3A_722 : i32
        %get3A_770 = arith.index_cast %sub3A_769 : i32 to index
        %get3A_771 = arith.constant 48 : index
        %get3A_772 = tpu.vector_load %arg7[%get3A_770, %get3A_771] {strides = array<i32>} : memref<200x64xf32, #tpu.memory_space<vmem>>, vector<1x16xf32>,
        %get3A_773 = vector.shape_cast %get3A_772 : vector<1x16xf32> to vector<16xf32>
        %swap3A_774 = arith.constant 0 : i32
        %swap3A_775 = arith.constant 0 : i32
        %swap3A_776 = tpu.memref_slice %arg8[%scan3A_50, %swap3A_774, %swap3A_775] : memref<4x128x64xf32, #tpu.memory_space<vmem>> -> memref<1x128x64xf32, #tpu.memory_space<vmem>>
        %swap3A_777 = tpu.memref_squeeze %swap3A_776 : memref<1x128x64xf32, #tpu.memory_space<vmem>> -> memref<128x64xf32, #tpu.memory_space<vmem>>
        %swap3A_778 = arith.index_cast %add3A_722 : i32 to index
        %swap3A_779 = arith.constant 48 : index
        %swap3A_780 = tpu.vector_load %swap3A_777[%swap3A_778, %swap3A_779] {strides = array<i32>} : memref<128x64xf32, #tpu.memory_space<vmem>>, vector<1x16xf32>,
        %swap3A_781 = vector.shape_cast %swap3A_780 : vector<1x16xf32> to vector<16xf32>
        %swap3A_782 = vector.shape_cast %get3A_773 : vector<16xf32> to vector<1x16xf32>
        tpu.vector_store %swap3A_777[%swap3A_778, %swap3A_779], %swap3A_782 {add = true, strides = array<i32>} : memref<128x64xf32, #tpu.memory_space<vmem>>, vector<1x16xf32>,
        %scan3A_783 = arith.constant 6 : i32
        %scan3A_784 = arith.addi %scan3A_391, %scan3A_783 : i32
        %mul3A_785 = arith.constant 1 : i32
        %mul3A_786 = arith.muli %scan3A_784, %mul3A_785 : i32
        %add3A_787 = arith.constant 0 : i32
        %add3A_788 = arith.addi %add3A_787, %mul3A_786 : i32
        %sub3A_789 = arith.constant 71 : i32
        %sub3A_790 = arith.subi %sub3A_789, %add3A_788 : i32
        %get3A_791 = arith.index_cast %sub3A_790 : i32 to index
        %get3A_792 = arith.constant 0 : index
        %get3A_793 = tpu.vector_load %arg7[%get3A_791, %get3A_792] {strides = array<i32>} : memref<200x64xf32, #tpu.memory_space<vmem>>, vector<1x16xf32>,
        %get3A_794 = vector.shape_cast %get3A_793 : vector<1x16xf32> to vector<16xf32>
        %swap3A_795 = arith.constant 0 : i32
        %swap3A_796 = arith.constant 0 : i32
        %swap3A_797 = tpu.memref_slice %arg8[%scan3A_50, %swap3A_795, %swap3A_796] : memref<4x128x64xf32, #tpu.memory_space<vmem>> -> memref<1x128x64xf32, #tpu.memory_space<vmem>>
        %swap3A_798 = tpu.memref_squeeze %swap3A_797 : memref<1x128x64xf32, #tpu.memory_space<vmem>> -> memref<128x64xf32, #tpu.memory_space<vmem>>
        %swap3A_799 = arith.index_cast %add3A_788 : i32 to index
        %swap3A_800 = arith.constant 0 : index
        %swap3A_801 = tpu.vector_load %swap3A_798[%swap3A_799, %swap3A_800] {strides = array<i32>} : memref<128x64xf32, #tpu.memory_space<vmem>>, vector<1x16xf32>,
        %swap3A_802 = vector.shape_cast %swap3A_801 : vector<1x16xf32> to vector<16xf32>
        %swap3A_803 = vector.shape_cast %get3A_794 : vector<16xf32> to vector<1x16xf32>
        tpu.vector_store %swap3A_798[%swap3A_799, %swap3A_800], %swap3A_803 {add = true, strides = array<i32>} : memref<128x64xf32, #tpu.memory_space<vmem>>, vector<1x16xf32>,
        %sub3A_804 = arith.constant 71 : i32
        %sub3A_805 = arith.subi %sub3A_804, %add3A_788 : i32
        %get3A_806 = arith.index_cast %sub3A_805 : i32 to index
        %get3A_807 = arith.constant 16 : index
        %get3A_808 = tpu.vector_load %arg7[%get3A_806, %get3A_807] {strides = array<i32>} : memref<200x64xf32, #tpu.memory_space<vmem>>, vector<1x16xf32>,
        %get3A_809 = vector.shape_cast %get3A_808 : vector<1x16xf32> to vector<16xf32>
        %swap3A_810 = arith.constant 0 : i32
        %swap3A_811 = arith.constant 0 : i32
        %swap3A_812 = tpu.memref_slice %arg8[%scan3A_50, %swap3A_810, %swap3A_811] : memref<4x128x64xf32, #tpu.memory_space<vmem>> -> memref<1x128x64xf32, #tpu.memory_space<vmem>>
        %swap3A_813 = tpu.memref_squeeze %swap3A_812 : memref<1x128x64xf32, #tpu.memory_space<vmem>> -> memref<128x64xf32, #tpu.memory_space<vmem>>
        %swap3A_814 = arith.index_cast %add3A_788 : i32 to index
        %swap3A_815 = arith.constant 16 : index
        %swap3A_816 = tpu.vector_load %swap3A_813[%swap3A_814, %swap3A_815] {strides = array<i32>} : memref<128x64xf32, #tpu.memory_space<vmem>>, vector<1x16xf32>,
        %swap3A_817 = vector.shape_cast %swap3A_816 : vector<1x16xf32> to vector<16xf32>
        %swap3A_818 = vector.shape_cast %get3A_809 : vector<16xf32> to vector<1x16xf32>
        tpu.vector_store %swap3A_813[%swap3A_814, %swap3A_815], %swap3A_818 {add = true, strides = array<i32>} : memref<128x64xf32, #tpu.memory_space<vmem>>, vector<1x16xf32>,
        %sub3A_819 = arith.constant 71 : i32
        %sub3A_820 = arith.subi %sub3A_819, %add3A_788 : i32
        %get3A_821 = arith.index_cast %sub3A_820 : i32 to index
        %get3A_822 = arith.constant 32 : index
        %get3A_823 = tpu.vector_load %arg7[%get3A_821, %get3A_822] {strides = array<i32>} : memref<200x64xf32, #tpu.memory_space<vmem>>, vector<1x16xf32>,
        %get3A_824 = vector.shape_cast %get3A_823 : vector<1x16xf32> to vector<16xf32>
        %swap3A_825 = arith.constant 0 : i32
        %swap3A_826 = arith.constant 0 : i32
        %swap3A_827 = tpu.memref_slice %arg8[%scan3A_50, %swap3A_825, %swap3A_826] : memref<4x128x64xf32, #tpu.memory_space<vmem>> -> memref<1x128x64xf32, #tpu.memory_space<vmem>>
        %swap3A_828 = tpu.memref_squeeze %swap3A_827 : memref<1x128x64xf32, #tpu.memory_space<vmem>> -> memref<128x64xf32, #tpu.memory_space<vmem>>
        %swap3A_829 = arith.index_cast %add3A_788 : i32 to index
        %swap3A_830 = arith.constant 32 : index
        %swap3A_831 = tpu.vector_load %swap3A_828[%swap3A_829, %swap3A_830] {strides = array<i32>} : memref<128x64xf32, #tpu.memory_space<vmem>>, vector<1x16xf32>,
        %swap3A_832 = vector.shape_cast %swap3A_831 : vector<1x16xf32> to vector<16xf32>
        %swap3A_833 = vector.shape_cast %get3A_824 : vector<16xf32> to vector<1x16xf32>
        tpu.vector_store %swap3A_828[%swap3A_829, %swap3A_830], %swap3A_833 {add = true, strides = array<i32>} : memref<128x64xf32, #tpu.memory_space<vmem>>, vector<1x16xf32>,
        %sub3A_834 = arith.constant 71 : i32
        %sub3A_835 = arith.subi %sub3A_834, %add3A_788 : i32
        %get3A_836 = arith.index_cast %sub3A_835 : i32 to index
        %get3A_837 = arith.constant 48 : index
        %get3A_838 = tpu.vector_load %arg7[%get3A_836, %get3A_837] {strides = array<i32>} : memref<200x64xf32, #tpu.memory_space<vmem>>, vector<1x16xf32>,
        %get3A_839 = vector.shape_cast %get3A_838 : vector<1x16xf32> to vector<16xf32>
        %swap3A_840 = arith.constant 0 : i32
        %swap3A_841 = arith.constant 0 : i32
        %swap3A_842 = tpu.memref_slice %arg8[%scan3A_50, %swap3A_840, %swap3A_841] : memref<4x128x64xf32, #tpu.memory_space<vmem>> -> memref<1x128x64xf32, #tpu.memory_space<vmem>>
        %swap3A_843 = tpu.memref_squeeze %swap3A_842 : memref<1x128x64xf32, #tpu.memory_space<vmem>> -> memref<128x64xf32, #tpu.memory_space<vmem>>
        %swap3A_844 = arith.index_cast %add3A_788 : i32 to index
        %swap3A_845 = arith.constant 48 : index
        %swap3A_846 = tpu.vector_load %swap3A_843[%swap3A_844, %swap3A_845] {strides = array<i32>} : memref<128x64xf32, #tpu.memory_space<vmem>>, vector<1x16xf32>,
        %swap3A_847 = vector.shape_cast %swap3A_846 : vector<1x16xf32> to vector<16xf32>
        %swap3A_848 = vector.shape_cast %get3A_839 : vector<16xf32> to vector<1x16xf32>
        tpu.vector_store %swap3A_843[%swap3A_844, %swap3A_845], %swap3A_848 {add = true, strides = array<i32>} : memref<128x64xf32, #tpu.memory_space<vmem>>, vector<1x16xf32>,
        %scan3A_849 = arith.constant 7 : i32
        %scan3A_850 = arith.addi %scan3A_391, %scan3A_849 : i32
        %mul3A_851 = arith.constant 1 : i32
        %mul3A_852 = arith.muli %scan3A_850, %mul3A_851 : i32
        %add3A_853 = arith.constant 0 : i32
        %add3A_854 = arith.addi %add3A_853, %mul3A_852 : i32
        %sub3A_855 = arith.constant 71 : i32
        %sub3A_856 = arith.subi %sub3A_855, %add3A_854 : i32
        %get3A_857 = arith.index_cast %sub3A_856 : i32 to index
        %get3A_858 = arith.constant 0 : index
        %get3A_859 = tpu.vector_load %arg7[%get3A_857, %get3A_858] {strides = array<i32>} : memref<200x64xf32, #tpu.memory_space<vmem>>, vector<1x16xf32>,
        %get3A_860 = vector.shape_cast %get3A_859 : vector<1x16xf32> to vector<16xf32>
        %swap3A_861 = arith.constant 0 : i32
        %swap3A_862 = arith.constant 0 : i32
        %swap3A_863 = tpu.memref_slice %arg8[%scan3A_50, %swap3A_861, %swap3A_862] : memref<4x128x64xf32, #tpu.memory_space<vmem>> -> memref<1x128x64xf32, #tpu.memory_space<vmem>>
        %swap3A_864 = tpu.memref_squeeze %swap3A_863 : memref<1x128x64xf32, #tpu.memory_space<vmem>> -> memref<128x64xf32, #tpu.memory_space<vmem>>
        %swap3A_865 = arith.index_cast %add3A_854 : i32 to index
        %swap3A_866 = arith.constant 0 : index
        %swap3A_867 = tpu.vector_load %swap3A_864[%swap3A_865, %swap3A_866] {strides = array<i32>} : memref<128x64xf32, #tpu.memory_space<vmem>>, vector<1x16xf32>,
        %swap3A_868 = vector.shape_cast %swap3A_867 : vector<1x16xf32> to vector<16xf32>
        %swap3A_869 = vector.shape_cast %get3A_860 : vector<16xf32> to vector<1x16xf32>
        tpu.vector_store %swap3A_864[%swap3A_865, %swap3A_866], %swap3A_869 {add = true, strides = array<i32>} : memref<128x64xf32, #tpu.memory_space<vmem>>, vector<1x16xf32>,
        %sub3A_870 = arith.constant 71 : i32
        %sub3A_871 = arith.subi %sub3A_870, %add3A_854 : i32
        %get3A_872 = arith.index_cast %sub3A_871 : i32 to index
        %get3A_873 = arith.constant 16 : index
        %get3A_874 = tpu.vector_load %arg7[%get3A_872, %get3A_873] {strides = array<i32>} : memref<200x64xf32, #tpu.memory_space<vmem>>, vector<1x16xf32>,
        %get3A_875 = vector.shape_cast %get3A_874 : vector<1x16xf32> to vector<16xf32>
        %swap3A_876 = arith.constant 0 : i32
        %swap3A_877 = arith.constant 0 : i32
        %swap3A_878 = tpu.memref_slice %arg8[%scan3A_50, %swap3A_876, %swap3A_877] : memref<4x128x64xf32, #tpu.memory_space<vmem>> -> memref<1x128x64xf32, #tpu.memory_space<vmem>>
        %swap3A_879 = tpu.memref_squeeze %swap3A_878 : memref<1x128x64xf32, #tpu.memory_space<vmem>> -> memref<128x64xf32, #tpu.memory_space<vmem>>
        %swap3A_880 = arith.index_cast %add3A_854 : i32 to index
        %swap3A_881 = arith.constant 16 : index
        %swap3A_882 = tpu.vector_load %swap3A_879[%swap3A_880, %swap3A_881] {strides = array<i32>} : memref<128x64xf32, #tpu.memory_space<vmem>>, vector<1x16xf32>,
        %swap3A_883 = vector.shape_cast %swap3A_882 : vector<1x16xf32> to vector<16xf32>
        %swap3A_884 = vector.shape_cast %get3A_875 : vector<16xf32> to vector<1x16xf32>
        tpu.vector_store %swap3A_879[%swap3A_880, %swap3A_881], %swap3A_884 {add = true, strides = array<i32>} : memref<128x64xf32, #tpu.memory_space<vmem>>, vector<1x16xf32>,
        %sub3A_885 = arith.constant 71 : i32
        %sub3A_886 = arith.subi %sub3A_885, %add3A_854 : i32
        %get3A_887 = arith.index_cast %sub3A_886 : i32 to index
        %get3A_888 = arith.constant 32 : index
        %get3A_889 = tpu.vector_load %arg7[%get3A_887, %get3A_888] {strides = array<i32>} : memref<200x64xf32, #tpu.memory_space<vmem>>, vector<1x16xf32>,
        %get3A_890 = vector.shape_cast %get3A_889 : vector<1x16xf32> to vector<16xf32>
        %swap3A_891 = arith.constant 0 : i32
        %swap3A_892 = arith.constant 0 : i32
        %swap3A_893 = tpu.memref_slice %arg8[%scan3A_50, %swap3A_891, %swap3A_892] : memref<4x128x64xf32, #tpu.memory_space<vmem>> -> memref<1x128x64xf32, #tpu.memory_space<vmem>>
        %swap3A_894 = tpu.memref_squeeze %swap3A_893 : memref<1x128x64xf32, #tpu.memory_space<vmem>> -> memref<128x64xf32, #tpu.memory_space<vmem>>
        %swap3A_895 = arith.index_cast %add3A_854 : i32 to index
        %swap3A_896 = arith.constant 32 : index
        %swap3A_897 = tpu.vector_load %swap3A_894[%swap3A_895, %swap3A_896] {strides = array<i32>} : memref<128x64xf32, #tpu.memory_space<vmem>>, vector<1x16xf32>,
        %swap3A_898 = vector.shape_cast %swap3A_897 : vector<1x16xf32> to vector<16xf32>
        %swap3A_899 = vector.shape_cast %get3A_890 : vector<16xf32> to vector<1x16xf32>
        tpu.vector_store %swap3A_894[%swap3A_895, %swap3A_896], %swap3A_899 {add = true, strides = array<i32>} : memref<128x64xf32, #tpu.memory_space<vmem>>, vector<1x16xf32>,
        %sub3A_900 = arith.constant 71 : i32
        %sub3A_901 = arith.subi %sub3A_900, %add3A_854 : i32
        %get3A_902 = arith.index_cast %sub3A_901 : i32 to index
        %get3A_903 = arith.constant 48 : index
        %get3A_904 = tpu.vector_load %arg7[%get3A_902, %get3A_903] {strides = array<i32>} : memref<200x64xf32, #tpu.memory_space<vmem>>, vector<1x16xf32>,
        %get3A_905 = vector.shape_cast %get3A_904 : vector<1x16xf32> to vector<16xf32>
        %swap3A_906 = arith.constant 0 : i32
        %swap3A_907 = arith.constant 0 : i32
        %swap3A_908 = tpu.memref_slice %arg8[%scan3A_50, %swap3A_906, %swap3A_907] : memref<4x128x64xf32, #tpu.memory_space<vmem>> -> memref<1x128x64xf32, #tpu.memory_space<vmem>>
        %swap3A_909 = tpu.memref_squeeze %swap3A_908 : memref<1x128x64xf32, #tpu.memory_space<vmem>> -> memref<128x64xf32, #tpu.memory_space<vmem>>
        %swap3A_910 = arith.index_cast %add3A_854 : i32 to index
        %swap3A_911 = arith.constant 48 : index
        %swap3A_912 = tpu.vector_load %swap3A_909[%swap3A_910, %swap3A_911] {strides = array<i32>} : memref<128x64xf32, #tpu.memory_space<vmem>>, vector<1x16xf32>,
        %swap3A_913 = vector.shape_cast %swap3A_912 : vector<1x16xf32> to vector<16xf32>
        %swap3A_914 = vector.shape_cast %get3A_905 : vector<16xf32> to vector<1x16xf32>
        tpu.vector_store %swap3A_909[%swap3A_910, %swap3A_911], %swap3A_914 {add = true, strides = array<i32>} : memref<128x64xf32, #tpu.memory_space<vmem>>, vector<1x16xf32>,
      }
      %scan3A_245 = arith.constant 72 : i32
      %add3A_246 = arith.constant 0 : i32
      %add3A_247 = arith.addi %add3A_157, %add3A_246 : i32
      %mul3A_248 = arith.constant 200 : i32
      %mul3A_249 = arith.muli %add3A_247, %mul3A_248 : i32
      %add3A_250 = arith.addi %mul3A_4, %mul3A_249 : i32
      %add3A_251 = arith.constant 128 : i32
      %add3A_252 = arith.addi %add3A_250, %add3A_251 : i32
      %dma_start3A_253 = arith.constant 0 : i32
      %dma_start3A_254 = arith.constant 0 : i32
      %dma_start3A_255 = tpu.memref_slice %arg8[%scan3A_50, %dma_start3A_253, %dma_start3A_254] : memref<4x128x64xf32, #tpu.memory_space<vmem>> -> memref<1x128x64xf32, #tpu.memory_space<vmem>>
      %dma_start3A_256 = tpu.memref_squeeze %dma_start3A_255 : memref<1x128x64xf32, #tpu.memory_space<vmem>> -> memref<128x64xf32, #tpu.memory_space<vmem>>
      %dma_start3A_257 = arith.constant 0 : i32
      %dma_start3A_258 = arith.constant 0 : i32
      %dma_start3A_259 = tpu.memref_slice %dma_start3A_256[%dma_start3A_257, %dma_start3A_258] : memref<128x64xf32, #tpu.memory_space<vmem>> -> memref<72x64xf32, #tpu.memory_space<vmem>>
      %dma_start3A_260 = arith.constant 0 : i32
      %dma_start3A_261 = tpu.memref_slice %arg5[%add3A_252, %dma_start3A_260] : memref<819200x64xf32, #tpu.memory_space<hbm>> -> memref<72x64xf32, #tpu.memory_space<hbm>>
      %dma_start3A_262 = tpu.memref_slice %arg9[%scan3A_52] : memref<8x!tpu.dma_semaphore, #tpu.memory_space<semaphore_mem>> -> memref<1x!tpu.dma_semaphore, #tpu.memory_space<semaphore_mem>>
      %dma_start3A_263 = tpu.memref_squeeze %dma_start3A_262 : memref<1x!tpu.dma_semaphore, #tpu.memory_space<semaphore_mem>> -> memref<!tpu.dma_semaphore, #tpu.memory_space<semaphore_mem>>
      %dma_start3A_264 = arith.constant 0 : i32
      %dma_start3A_265 = tpu.memref_slice %arg5[%add3A_252, %dma_start3A_264] : memref<819200x64xf32, #tpu.memory_space<hbm>> -> memref<72x64xf32, #tpu.memory_space<hbm>>
      %dma_start3A_266 = arith.constant 0 : i32
      %dma_start3A_267 = arith.constant 0 : i32
      %dma_start3A_268 = tpu.memref_slice %arg8[%scan3A_50, %dma_start3A_266, %dma_start3A_267] : memref<4x128x64xf32, #tpu.memory_space<vmem>> -> memref<1x128x64xf32, #tpu.memory_space<vmem>>
      %dma_start3A_269 = tpu.memref_squeeze %dma_start3A_268 : memref<1x128x64xf32, #tpu.memory_space<vmem>> -> memref<128x64xf32, #tpu.memory_space<vmem>>
      %dma_start3A_270 = arith.constant 0 : i32
      %dma_start3A_271 = arith.constant 0 : i32
      %dma_start3A_272 = tpu.memref_slice %dma_start3A_269[%dma_start3A_270, %dma_start3A_271] : memref<128x64xf32, #tpu.memory_space<vmem>> -> memref<72x64xf32, #tpu.memory_space<vmem>>
      tpu.enqueue_dma source(%dma_start3A_272 : memref<72x64xf32, #tpu.memory_space<vmem>>) target(%dma_start3A_265 : memref<72x64xf32, #tpu.memory_space<hbm>>) target_semaphore(%dma_start3A_263 : memref<!tpu.dma_semaphore, #tpu.memory_space<semaphore_mem>>)
      %mul3A_273 = arith.constant 2 : i32
      %mul3A_274 = arith.muli %mul3A_273, %add3A_157 : i32
      %add3A_275 = arith.constant 2 : i32
      %add3A_276 = arith.addi %mul3A_274, %add3A_275 : i32
      %add3A_277 = arith.constant 2 : i32
      %add3A_278 = arith.addi %add3A_276, %add3A_277 : i32
      %lt3A_279 = arith.constant 256 : i32
      %lt3A_280 = arith.cmpi slt, %add3A_278, %lt3A_279 : i32
      %convert_element_type3A_281 = arith.extui %lt3A_280 : i1 to i32
      %cond3A_282 = arith.constant 0 : i32
      %cond3A_283 = arith.cmpi ne, %convert_element_type3A_281, %cond3A_282 : i32
      scf.if %cond3A_283 {
        %ge3A = arith.constant 2 : i32
        %ge3A_391 = arith.cmpi sge, %add3A_276, %ge3A : i32
        %convert_element_type3A_392 = arith.extui %ge3A_391 : i1 to i32
        %cond3A_393 = arith.constant 0 : i32
        %cond3A_394 = arith.cmpi ne, %convert_element_type3A_392, %cond3A_393 : i32
        scf.if %cond3A_394 {
          %dma_wait3A_414 = arith.constant 0 : i32
          %dma_wait3A_415 = arith.constant 0 : i32
          %dma_wait3A_416 = tpu.memref_slice %arg8[%scan3A_44, %dma_wait3A_414, %dma_wait3A_415] : memref<4x128x64xf32, #tpu.memory_space<vmem>> -> memref<1x128x64xf32, #tpu.memory_space<vmem>>
          %dma_wait3A_417 = tpu.memref_squeeze %dma_wait3A_416 : memref<1x128x64xf32, #tpu.memory_space<vmem>> -> memref<128x64xf32, #tpu.memory_space<vmem>>
          %dma_wait3A_418 = arith.constant 0 : i32
          %dma_wait3A_419 = arith.constant 0 : i32
          %dma_wait3A_420 = tpu.memref_slice %dma_wait3A_417[%dma_wait3A_418, %dma_wait3A_419] : memref<128x64xf32, #tpu.memory_space<vmem>> -> memref<128x64xf32, #tpu.memory_space<vmem>>
          %dma_wait3A_421 = arith.constant 0 : i32
          %dma_wait3A_422 = arith.constant 0 : i32
          %dma_wait3A_423 = tpu.memref_slice %arg5[%dma_wait3A_421, %dma_wait3A_422] : memref<819200x64xf32, #tpu.memory_space<hbm>> -> memref<128x64xf32, #tpu.memory_space<hbm>>
          %dma_wait3A_424 = tpu.memref_slice %arg9[%scan3A_46] : memref<8x!tpu.dma_semaphore, #tpu.memory_space<semaphore_mem>> -> memref<1x!tpu.dma_semaphore, #tpu.memory_space<semaphore_mem>>
          %dma_wait3A_425 = tpu.memref_squeeze %dma_wait3A_424 : memref<1x!tpu.dma_semaphore, #tpu.memory_space<semaphore_mem>> -> memref<!tpu.dma_semaphore, #tpu.memory_space<semaphore_mem>>
          %dma_wait3A_426 = arith.constant 0 : i32
          %dma_wait3A_427 = arith.constant 0 : i32
          %dma_wait3A_428 = tpu.memref_slice %arg5[%dma_wait3A_426, %dma_wait3A_427] : memref<819200x64xf32, #tpu.memory_space<hbm>> -> memref<128x64xf32, #tpu.memory_space<hbm>>
          %dma_wait3A_429 = arith.constant 0 : i32
          %dma_wait3A_430 = arith.constant 0 : i32
          %dma_wait3A_431 = tpu.memref_slice %arg8[%scan3A_44, %dma_wait3A_429, %dma_wait3A_430] : memref<4x128x64xf32, #tpu.memory_space<vmem>> -> memref<1x128x64xf32, #tpu.memory_space<vmem>>
          %dma_wait3A_432 = tpu.memref_squeeze %dma_wait3A_431 : memref<1x128x64xf32, #tpu.memory_space<vmem>> -> memref<128x64xf32, #tpu.memory_space<vmem>>
          %dma_wait3A_433 = arith.constant 0 : i32
          %dma_wait3A_434 = arith.constant 0 : i32
          %dma_wait3A_435 = tpu.memref_slice %dma_wait3A_432[%dma_wait3A_433, %dma_wait3A_434] : memref<128x64xf32, #tpu.memory_space<vmem>> -> memref<128x64xf32, #tpu.memory_space<vmem>>
          tpu.wait_dma2 semaphore(%dma_wait3A_425 : memref<!tpu.dma_semaphore, #tpu.memory_space<semaphore_mem>>) src(%dma_wait3A_435 : memref<128x64xf32, #tpu.memory_space<vmem>>) dst(%dma_wait3A_428 : memref<128x64xf32, #tpu.memory_space<hbm>>)
        } else {
        }
        %add3A_395 = arith.constant 1 : i32
        %add3A_396 = arith.addi %add3A_157, %add3A_395 : i32
        %add3A_397 = arith.constant 1 : i32
        %add3A_398 = arith.addi %add3A_396, %add3A_397 : i32
        %dma_start3A_399 = arith.constant 0 : i32
        %dma_start3A_400 = arith.constant 0 : i32
        %dma_start3A_401 = tpu.memref_slice %arg8[%scan3A_44, %dma_start3A_399, %dma_start3A_400] : memref<4x128x64xf32, #tpu.memory_space<vmem>> -> memref<1x128x64xf32, #tpu.memory_space<vmem>>
        %dma_start3A_402 = tpu.memref_squeeze %dma_start3A_401 : memref<1x128x64xf32, #tpu.memory_space<vmem>> -> memref<128x64xf32, #tpu.memory_space<vmem>>
        %dma_start3A_403 = arith.constant 0 : i32
        %dma_start3A_404 = arith.constant 0 : i32
        %dma_start3A_405 = tpu.memref_slice %dma_start3A_402[%dma_start3A_403, %dma_start3A_404] : memref<128x64xf32, #tpu.memory_space<vmem>> -> memref<128x64xf32, #tpu.memory_space<vmem>>
        %dma_start3A_406 = arith.constant 0 : i32
        %dma_start3A_407 = tpu.memref_slice %arg6[%add3A_398, %dma_start3A_406] : memref<128x200xi32, #tpu.memory_space<vmem>> -> memref<1x128xi32, #tpu.memory_space<vmem>>
        %dma_start3A_408 = tpu.memref_squeeze %dma_start3A_407 : memref<1x128xi32, #tpu.memory_space<vmem>> -> memref<128xi32, #tpu.memory_space<vmem>>
        %dma_start3A_409 = arith.constant 0 : i32
        %dma_start3A_410 = arith.constant 0 : i32
        %dma_start3A_411 = tpu.memref_slice %arg3[%dma_start3A_409, %dma_start3A_410] : memref<1000000x64xf32, #tpu.memory_space<hbm>> -> memref<1000000x64xf32, #tpu.memory_space<hbm>>
        %dma_start3A_412 = tpu.memref_slice %arg9[%scan3A_45] : memref<8x!tpu.dma_semaphore, #tpu.memory_space<semaphore_mem>> -> memref<1x!tpu.dma_semaphore, #tpu.memory_space<semaphore_mem>>
        %dma_start3A_413 = tpu.memref_squeeze %dma_start3A_412 : memref<1x!tpu.dma_semaphore, #tpu.memory_space<semaphore_mem>> -> memref<!tpu.dma_semaphore, #tpu.memory_space<semaphore_mem>>
        tpu.enqueue_indirect_dma source(%dma_start3A_411 : memref<1000000x64xf32, #tpu.memory_space<hbm>>) target(%dma_start3A_405 : memref<128x64xf32, #tpu.memory_space<vmem>>) offsets(%dma_start3A_408 : memref<128xi32, #tpu.memory_space<vmem>>) semaphore(%dma_start3A_413 : memref<!tpu.dma_semaphore, #tpu.memory_space<semaphore_mem>>)
      } else {
      }
      %dma_wait3A_284 = arith.constant 0 : i32
      %dma_wait3A_285 = arith.constant 0 : i32
      %dma_wait3A_286 = arith.constant 0 : i32
      %dma_wait3A_287 = tpu.memref_slice %arg8[%scan3A, %dma_wait3A_285, %dma_wait3A_286] : memref<4x128x64xf32, #tpu.memory_space<vmem>> -> memref<1x128x64xf32, #tpu.memory_space<vmem>>
      %dma_wait3A_288 = tpu.memref_squeeze %dma_wait3A_287 : memref<1x128x64xf32, #tpu.memory_space<vmem>> -> memref<128x64xf32, #tpu.memory_space<vmem>>
      %dma_wait3A_289 = arith.constant 0 : i32
      %dma_wait3A_290 = arith.constant 0 : i32
      %dma_wait3A_291 = tpu.memref_slice %dma_wait3A_288[%dma_wait3A_289, %dma_wait3A_290] : memref<128x64xf32, #tpu.memory_space<vmem>> -> memref<128x64xf32, #tpu.memory_space<vmem>>
      %dma_wait3A_292 = arith.constant 0 : i32
      %dma_wait3A_293 = tpu.memref_slice %arg6[%dma_wait3A_284, %dma_wait3A_292] : memref<128x200xi32, #tpu.memory_space<vmem>> -> memref<1x128xi32, #tpu.memory_space<vmem>>
      %dma_wait3A_294 = tpu.memref_squeeze %dma_wait3A_293 : memref<1x128xi32, #tpu.memory_space<vmem>> -> memref<128xi32, #tpu.memory_space<vmem>>
      %dma_wait3A_295 = arith.constant 0 : i32
      %dma_wait3A_296 = arith.constant 0 : i32
      %dma_wait3A_297 = tpu.memref_slice %arg3[%dma_wait3A_295, %dma_wait3A_296] : memref<1000000x64xf32, #tpu.memory_space<hbm>> -> memref<1000000x64xf32, #tpu.memory_space<hbm>>
      %dma_wait3A_298 = tpu.memref_slice %arg9[%scan3A_43] : memref<8x!tpu.dma_semaphore, #tpu.memory_space<semaphore_mem>> -> memref<1x!tpu.dma_semaphore, #tpu.memory_space<semaphore_mem>>
      %dma_wait3A_299 = tpu.memref_squeeze %dma_wait3A_298 : memref<1x!tpu.dma_semaphore, #tpu.memory_space<semaphore_mem>> -> memref<!tpu.dma_semaphore, #tpu.memory_space<semaphore_mem>>
      tpu.wait_indirect_dma semaphore(%dma_wait3A_299 : memref<!tpu.dma_semaphore, #tpu.memory_space<semaphore_mem>>) src(%dma_wait3A_297 : memref<1000000x64xf32, #tpu.memory_space<hbm>>) dst(%dma_wait3A_291 : memref<128x64xf32, #tpu.memory_space<vmem>>)
      %scan3A_300 = arith.constant 0 : i32
      %scan3A_301 = arith.constant 128 : i32
      %scan3A_302 = arith.addi %scan3A_300, %scan3A_301 : i32
      %scan3A_303 = arith.constant 8 : i32
      scf.for %scan3A_391 = %scan3A_300 to %scan3A_302 step %scan3A_303  : i32 {
        %mul3A_392 = arith.constant 1 : i32
        %mul3A_393 = arith.muli %scan3A_391, %mul3A_392 : i32
        %add3A_394 = arith.constant 0 : i32
        %add3A_395 = arith.addi %add3A_394, %mul3A_393 : i32
        %sub3A = arith.constant 199 : i32
        %sub3A_396 = arith.subi %sub3A, %add3A_395 : i32
        %get3A = arith.index_cast %sub3A_396 : i32 to index
        %get3A_397 = arith.constant 0 : index
        %get3A_398 = tpu.vector_load %arg7[%get3A, %get3A_397] {strides = array<i32>} : memref<200x64xf32, #tpu.memory_space<vmem>>, vector<1x16xf32>,
        %get3A_399 = vector.shape_cast %get3A_398 : vector<1x16xf32> to vector<16xf32>
        %swap3A = arith.constant 0 : i32
        %swap3A_400 = arith.constant 0 : i32
        %swap3A_401 = tpu.memref_slice %arg8[%scan3A, %swap3A, %swap3A_400] : memref<4x128x64xf32, #tpu.memory_space<vmem>> -> memref<1x128x64xf32, #tpu.memory_space<vmem>>
        %swap3A_402 = tpu.memref_squeeze %swap3A_401 : memref<1x128x64xf32, #tpu.memory_space<vmem>> -> memref<128x64xf32, #tpu.memory_space<vmem>>
        %swap3A_403 = arith.index_cast %add3A_395 : i32 to index
        %swap3A_404 = arith.constant 0 : index
        %swap3A_405 = tpu.vector_load %swap3A_402[%swap3A_403, %swap3A_404] {strides = array<i32>} : memref<128x64xf32, #tpu.memory_space<vmem>>, vector<1x16xf32>,
        %swap3A_406 = vector.shape_cast %swap3A_405 : vector<1x16xf32> to vector<16xf32>
        %swap3A_407 = vector.shape_cast %get3A_399 : vector<16xf32> to vector<1x16xf32>
        tpu.vector_store %swap3A_402[%swap3A_403, %swap3A_404], %swap3A_407 {add = true, strides = array<i32>} : memref<128x64xf32, #tpu.memory_space<vmem>>, vector<1x16xf32>,
        %sub3A_408 = arith.constant 199 : i32
        %sub3A_409 = arith.subi %sub3A_408, %add3A_395 : i32
        %get3A_410 = arith.index_cast %sub3A_409 : i32 to index
        %get3A_411 = arith.constant 16 : index
        %get3A_412 = tpu.vector_load %arg7[%get3A_410, %get3A_411] {strides = array<i32>} : memref<200x64xf32, #tpu.memory_space<vmem>>, vector<1x16xf32>,
        %get3A_413 = vector.shape_cast %get3A_412 : vector<1x16xf32> to vector<16xf32>
        %swap3A_414 = arith.constant 0 : i32
        %swap3A_415 = arith.constant 0 : i32
        %swap3A_416 = tpu.memref_slice %arg8[%scan3A, %swap3A_414, %swap3A_415] : memref<4x128x64xf32, #tpu.memory_space<vmem>> -> memref<1x128x64xf32, #tpu.memory_space<vmem>>
        %swap3A_417 = tpu.memref_squeeze %swap3A_416 : memref<1x128x64xf32, #tpu.memory_space<vmem>> -> memref<128x64xf32, #tpu.memory_space<vmem>>
        %swap3A_418 = arith.index_cast %add3A_395 : i32 to index
        %swap3A_419 = arith.constant 16 : index
        %swap3A_420 = tpu.vector_load %swap3A_417[%swap3A_418, %swap3A_419] {strides = array<i32>} : memref<128x64xf32, #tpu.memory_space<vmem>>, vector<1x16xf32>,
        %swap3A_421 = vector.shape_cast %swap3A_420 : vector<1x16xf32> to vector<16xf32>
        %swap3A_422 = vector.shape_cast %get3A_413 : vector<16xf32> to vector<1x16xf32>
        tpu.vector_store %swap3A_417[%swap3A_418, %swap3A_419], %swap3A_422 {add = true, strides = array<i32>} : memref<128x64xf32, #tpu.memory_space<vmem>>, vector<1x16xf32>,
        %sub3A_423 = arith.constant 199 : i32
        %sub3A_424 = arith.subi %sub3A_423, %add3A_395 : i32
        %get3A_425 = arith.index_cast %sub3A_424 : i32 to index
        %get3A_426 = arith.constant 32 : index
        %get3A_427 = tpu.vector_load %arg7[%get3A_425, %get3A_426] {strides = array<i32>} : memref<200x64xf32, #tpu.memory_space<vmem>>, vector<1x16xf32>,
        %get3A_428 = vector.shape_cast %get3A_427 : vector<1x16xf32> to vector<16xf32>
        %swap3A_429 = arith.constant 0 : i32
        %swap3A_430 = arith.constant 0 : i32
        %swap3A_431 = tpu.memref_slice %arg8[%scan3A, %swap3A_429, %swap3A_430] : memref<4x128x64xf32, #tpu.memory_space<vmem>> -> memref<1x128x64xf32, #tpu.memory_space<vmem>>
        %swap3A_432 = tpu.memref_squeeze %swap3A_431 : memref<1x128x64xf32, #tpu.memory_space<vmem>> -> memref<128x64xf32, #tpu.memory_space<vmem>>
        %swap3A_433 = arith.index_cast %add3A_395 : i32 to index
        %swap3A_434 = arith.constant 32 : index
        %swap3A_435 = tpu.vector_load %swap3A_432[%swap3A_433, %swap3A_434] {strides = array<i32>} : memref<128x64xf32, #tpu.memory_space<vmem>>, vector<1x16xf32>,
        %swap3A_436 = vector.shape_cast %swap3A_435 : vector<1x16xf32> to vector<16xf32>
        %swap3A_437 = vector.shape_cast %get3A_428 : vector<16xf32> to vector<1x16xf32>
        tpu.vector_store %swap3A_432[%swap3A_433, %swap3A_434], %swap3A_437 {add = true, strides = array<i32>} : memref<128x64xf32, #tpu.memory_space<vmem>>, vector<1x16xf32>,
        %sub3A_438 = arith.constant 199 : i32
        %sub3A_439 = arith.subi %sub3A_438, %add3A_395 : i32
        %get3A_440 = arith.index_cast %sub3A_439 : i32 to index
        %get3A_441 = arith.constant 48 : index
        %get3A_442 = tpu.vector_load %arg7[%get3A_440, %get3A_441] {strides = array<i32>} : memref<200x64xf32, #tpu.memory_space<vmem>>, vector<1x16xf32>,
        %get3A_443 = vector.shape_cast %get3A_442 : vector<1x16xf32> to vector<16xf32>
        %swap3A_444 = arith.constant 0 : i32
        %swap3A_445 = arith.constant 0 : i32
        %swap3A_446 = tpu.memref_slice %arg8[%scan3A, %swap3A_444, %swap3A_445] : memref<4x128x64xf32, #tpu.memory_space<vmem>> -> memref<1x128x64xf32, #tpu.memory_space<vmem>>
        %swap3A_447 = tpu.memref_squeeze %swap3A_446 : memref<1x128x64xf32, #tpu.memory_space<vmem>> -> memref<128x64xf32, #tpu.memory_space<vmem>>
        %swap3A_448 = arith.index_cast %add3A_395 : i32 to index
        %swap3A_449 = arith.constant 48 : index
        %swap3A_450 = tpu.vector_load %swap3A_447[%swap3A_448, %swap3A_449] {strides = array<i32>} : memref<128x64xf32, #tpu.memory_space<vmem>>, vector<1x16xf32>,
        %swap3A_451 = vector.shape_cast %swap3A_450 : vector<1x16xf32> to vector<16xf32>
        %swap3A_452 = vector.shape_cast %get3A_443 : vector<16xf32> to vector<1x16xf32>
        tpu.vector_store %swap3A_447[%swap3A_448, %swap3A_449], %swap3A_452 {add = true, strides = array<i32>} : memref<128x64xf32, #tpu.memory_space<vmem>>, vector<1x16xf32>,
        %scan3A_453 = arith.constant 1 : i32
        %scan3A_454 = arith.addi %scan3A_391, %scan3A_453 : i32
        %mul3A_455 = arith.constant 1 : i32
        %mul3A_456 = arith.muli %scan3A_454, %mul3A_455 : i32
        %add3A_457 = arith.constant 0 : i32
        %add3A_458 = arith.addi %add3A_457, %mul3A_456 : i32
        %sub3A_459 = arith.constant 199 : i32
        %sub3A_460 = arith.subi %sub3A_459, %add3A_458 : i32
        %get3A_461 = arith.index_cast %sub3A_460 : i32 to index
        %get3A_462 = arith.constant 0 : index
        %get3A_463 = tpu.vector_load %arg7[%get3A_461, %get3A_462] {strides = array<i32>} : memref<200x64xf32, #tpu.memory_space<vmem>>, vector<1x16xf32>,
        %get3A_464 = vector.shape_cast %get3A_463 : vector<1x16xf32> to vector<16xf32>
        %swap3A_465 = arith.constant 0 : i32
        %swap3A_466 = arith.constant 0 : i32
        %swap3A_467 = tpu.memref_slice %arg8[%scan3A, %swap3A_465, %swap3A_466] : memref<4x128x64xf32, #tpu.memory_space<vmem>> -> memref<1x128x64xf32, #tpu.memory_space<vmem>>
        %swap3A_468 = tpu.memref_squeeze %swap3A_467 : memref<1x128x64xf32, #tpu.memory_space<vmem>> -> memref<128x64xf32, #tpu.memory_space<vmem>>
        %swap3A_469 = arith.index_cast %add3A_458 : i32 to index
        %swap3A_470 = arith.constant 0 : index
        %swap3A_471 = tpu.vector_load %swap3A_468[%swap3A_469, %swap3A_470] {strides = array<i32>} : memref<128x64xf32, #tpu.memory_space<vmem>>, vector<1x16xf32>,
        %swap3A_472 = vector.shape_cast %swap3A_471 : vector<1x16xf32> to vector<16xf32>
        %swap3A_473 = vector.shape_cast %get3A_464 : vector<16xf32> to vector<1x16xf32>
        tpu.vector_store %swap3A_468[%swap3A_469, %swap3A_470], %swap3A_473 {add = true, strides = array<i32>} : memref<128x64xf32, #tpu.memory_space<vmem>>, vector<1x16xf32>,
        %sub3A_474 = arith.constant 199 : i32
        %sub3A_475 = arith.subi %sub3A_474, %add3A_458 : i32
        %get3A_476 = arith.index_cast %sub3A_475 : i32 to index
        %get3A_477 = arith.constant 16 : index
        %get3A_478 = tpu.vector_load %arg7[%get3A_476, %get3A_477] {strides = array<i32>} : memref<200x64xf32, #tpu.memory_space<vmem>>, vector<1x16xf32>,
        %get3A_479 = vector.shape_cast %get3A_478 : vector<1x16xf32> to vector<16xf32>
        %swap3A_480 = arith.constant 0 : i32
        %swap3A_481 = arith.constant 0 : i32
        %swap3A_482 = tpu.memref_slice %arg8[%scan3A, %swap3A_480, %swap3A_481] : memref<4x128x64xf32, #tpu.memory_space<vmem>> -> memref<1x128x64xf32, #tpu.memory_space<vmem>>
        %swap3A_483 = tpu.memref_squeeze %swap3A_482 : memref<1x128x64xf32, #tpu.memory_space<vmem>> -> memref<128x64xf32, #tpu.memory_space<vmem>>
        %swap3A_484 = arith.index_cast %add3A_458 : i32 to index
        %swap3A_485 = arith.constant 16 : index
        %swap3A_486 = tpu.vector_load %swap3A_483[%swap3A_484, %swap3A_485] {strides = array<i32>} : memref<128x64xf32, #tpu.memory_space<vmem>>, vector<1x16xf32>,
        %swap3A_487 = vector.shape_cast %swap3A_486 : vector<1x16xf32> to vector<16xf32>
        %swap3A_488 = vector.shape_cast %get3A_479 : vector<16xf32> to vector<1x16xf32>
        tpu.vector_store %swap3A_483[%swap3A_484, %swap3A_485], %swap3A_488 {add = true, strides = array<i32>} : memref<128x64xf32, #tpu.memory_space<vmem>>, vector<1x16xf32>,
        %sub3A_489 = arith.constant 199 : i32
        %sub3A_490 = arith.subi %sub3A_489, %add3A_458 : i32
        %get3A_491 = arith.index_cast %sub3A_490 : i32 to index
        %get3A_492 = arith.constant 32 : index
        %get3A_493 = tpu.vector_load %arg7[%get3A_491, %get3A_492] {strides = array<i32>} : memref<200x64xf32, #tpu.memory_space<vmem>>, vector<1x16xf32>,
        %get3A_494 = vector.shape_cast %get3A_493 : vector<1x16xf32> to vector<16xf32>
        %swap3A_495 = arith.constant 0 : i32
        %swap3A_496 = arith.constant 0 : i32
        %swap3A_497 = tpu.memref_slice %arg8[%scan3A, %swap3A_495, %swap3A_496] : memref<4x128x64xf32, #tpu.memory_space<vmem>> -> memref<1x128x64xf32, #tpu.memory_space<vmem>>
        %swap3A_498 = tpu.memref_squeeze %swap3A_497 : memref<1x128x64xf32, #tpu.memory_space<vmem>> -> memref<128x64xf32, #tpu.memory_space<vmem>>
        %swap3A_499 = arith.index_cast %add3A_458 : i32 to index
        %swap3A_500 = arith.constant 32 : index
        %swap3A_501 = tpu.vector_load %swap3A_498[%swap3A_499, %swap3A_500] {strides = array<i32>} : memref<128x64xf32, #tpu.memory_space<vmem>>, vector<1x16xf32>,
        %swap3A_502 = vector.shape_cast %swap3A_501 : vector<1x16xf32> to vector<16xf32>
        %swap3A_503 = vector.shape_cast %get3A_494 : vector<16xf32> to vector<1x16xf32>
        tpu.vector_store %swap3A_498[%swap3A_499, %swap3A_500], %swap3A_503 {add = true, strides = array<i32>} : memref<128x64xf32, #tpu.memory_space<vmem>>, vector<1x16xf32>,
        %sub3A_504 = arith.constant 199 : i32
        %sub3A_505 = arith.subi %sub3A_504, %add3A_458 : i32
        %get3A_506 = arith.index_cast %sub3A_505 : i32 to index
        %get3A_507 = arith.constant 48 : index
        %get3A_508 = tpu.vector_load %arg7[%get3A_506, %get3A_507] {strides = array<i32>} : memref<200x64xf32, #tpu.memory_space<vmem>>, vector<1x16xf32>,
        %get3A_509 = vector.shape_cast %get3A_508 : vector<1x16xf32> to vector<16xf32>
        %swap3A_510 = arith.constant 0 : i32
        %swap3A_511 = arith.constant 0 : i32
        %swap3A_512 = tpu.memref_slice %arg8[%scan3A, %swap3A_510, %swap3A_511] : memref<4x128x64xf32, #tpu.memory_space<vmem>> -> memref<1x128x64xf32, #tpu.memory_space<vmem>>
        %swap3A_513 = tpu.memref_squeeze %swap3A_512 : memref<1x128x64xf32, #tpu.memory_space<vmem>> -> memref<128x64xf32, #tpu.memory_space<vmem>>
        %swap3A_514 = arith.index_cast %add3A_458 : i32 to index
        %swap3A_515 = arith.constant 48 : index
        %swap3A_516 = tpu.vector_load %swap3A_513[%swap3A_514, %swap3A_515] {strides = array<i32>} : memref<128x64xf32, #tpu.memory_space<vmem>>, vector<1x16xf32>,
        %swap3A_517 = vector.shape_cast %swap3A_516 : vector<1x16xf32> to vector<16xf32>
        %swap3A_518 = vector.shape_cast %get3A_509 : vector<16xf32> to vector<1x16xf32>
        tpu.vector_store %swap3A_513[%swap3A_514, %swap3A_515], %swap3A_518 {add = true, strides = array<i32>} : memref<128x64xf32, #tpu.memory_space<vmem>>, vector<1x16xf32>,
        %scan3A_519 = arith.constant 2 : i32
        %scan3A_520 = arith.addi %scan3A_391, %scan3A_519 : i32
        %mul3A_521 = arith.constant 1 : i32
        %mul3A_522 = arith.muli %scan3A_520, %mul3A_521 : i32
        %add3A_523 = arith.constant 0 : i32
        %add3A_524 = arith.addi %add3A_523, %mul3A_522 : i32
        %sub3A_525 = arith.constant 199 : i32
        %sub3A_526 = arith.subi %sub3A_525, %add3A_524 : i32
        %get3A_527 = arith.index_cast %sub3A_526 : i32 to index
        %get3A_528 = arith.constant 0 : index
        %get3A_529 = tpu.vector_load %arg7[%get3A_527, %get3A_528] {strides = array<i32>} : memref<200x64xf32, #tpu.memory_space<vmem>>, vector<1x16xf32>,
        %get3A_530 = vector.shape_cast %get3A_529 : vector<1x16xf32> to vector<16xf32>
        %swap3A_531 = arith.constant 0 : i32
        %swap3A_532 = arith.constant 0 : i32
        %swap3A_533 = tpu.memref_slice %arg8[%scan3A, %swap3A_531, %swap3A_532] : memref<4x128x64xf32, #tpu.memory_space<vmem>> -> memref<1x128x64xf32, #tpu.memory_space<vmem>>
        %swap3A_534 = tpu.memref_squeeze %swap3A_533 : memref<1x128x64xf32, #tpu.memory_space<vmem>> -> memref<128x64xf32, #tpu.memory_space<vmem>>
        %swap3A_535 = arith.index_cast %add3A_524 : i32 to index
        %swap3A_536 = arith.constant 0 : index
        %swap3A_537 = tpu.vector_load %swap3A_534[%swap3A_535, %swap3A_536] {strides = array<i32>} : memref<128x64xf32, #tpu.memory_space<vmem>>, vector<1x16xf32>,
        %swap3A_538 = vector.shape_cast %swap3A_537 : vector<1x16xf32> to vector<16xf32>
        %swap3A_539 = vector.shape_cast %get3A_530 : vector<16xf32> to vector<1x16xf32>
        tpu.vector_store %swap3A_534[%swap3A_535, %swap3A_536], %swap3A_539 {add = true, strides = array<i32>} : memref<128x64xf32, #tpu.memory_space<vmem>>, vector<1x16xf32>,
        %sub3A_540 = arith.constant 199 : i32
        %sub3A_541 = arith.subi %sub3A_540, %add3A_524 : i32
        %get3A_542 = arith.index_cast %sub3A_541 : i32 to index
        %get3A_543 = arith.constant 16 : index
        %get3A_544 = tpu.vector_load %arg7[%get3A_542, %get3A_543] {strides = array<i32>} : memref<200x64xf32, #tpu.memory_space<vmem>>, vector<1x16xf32>,
        %get3A_545 = vector.shape_cast %get3A_544 : vector<1x16xf32> to vector<16xf32>
        %swap3A_546 = arith.constant 0 : i32
        %swap3A_547 = arith.constant 0 : i32
        %swap3A_548 = tpu.memref_slice %arg8[%scan3A, %swap3A_546, %swap3A_547] : memref<4x128x64xf32, #tpu.memory_space<vmem>> -> memref<1x128x64xf32, #tpu.memory_space<vmem>>
        %swap3A_549 = tpu.memref_squeeze %swap3A_548 : memref<1x128x64xf32, #tpu.memory_space<vmem>> -> memref<128x64xf32, #tpu.memory_space<vmem>>
        %swap3A_550 = arith.index_cast %add3A_524 : i32 to index
        %swap3A_551 = arith.constant 16 : index
        %swap3A_552 = tpu.vector_load %swap3A_549[%swap3A_550, %swap3A_551] {strides = array<i32>} : memref<128x64xf32, #tpu.memory_space<vmem>>, vector<1x16xf32>,
        %swap3A_553 = vector.shape_cast %swap3A_552 : vector<1x16xf32> to vector<16xf32>
        %swap3A_554 = vector.shape_cast %get3A_545 : vector<16xf32> to vector<1x16xf32>
        tpu.vector_store %swap3A_549[%swap3A_550, %swap3A_551], %swap3A_554 {add = true, strides = array<i32>} : memref<128x64xf32, #tpu.memory_space<vmem>>, vector<1x16xf32>,
        %sub3A_555 = arith.constant 199 : i32
        %sub3A_556 = arith.subi %sub3A_555, %add3A_524 : i32
        %get3A_557 = arith.index_cast %sub3A_556 : i32 to index
        %get3A_558 = arith.constant 32 : index
        %get3A_559 = tpu.vector_load %arg7[%get3A_557, %get3A_558] {strides = array<i32>} : memref<200x64xf32, #tpu.memory_space<vmem>>, vector<1x16xf32>,
        %get3A_560 = vector.shape_cast %get3A_559 : vector<1x16xf32> to vector<16xf32>
        %swap3A_561 = arith.constant 0 : i32
        %swap3A_562 = arith.constant 0 : i32
        %swap3A_563 = tpu.memref_slice %arg8[%scan3A, %swap3A_561, %swap3A_562] : memref<4x128x64xf32, #tpu.memory_space<vmem>> -> memref<1x128x64xf32, #tpu.memory_space<vmem>>
        %swap3A_564 = tpu.memref_squeeze %swap3A_563 : memref<1x128x64xf32, #tpu.memory_space<vmem>> -> memref<128x64xf32, #tpu.memory_space<vmem>>
        %swap3A_565 = arith.index_cast %add3A_524 : i32 to index
        %swap3A_566 = arith.constant 32 : index
        %swap3A_567 = tpu.vector_load %swap3A_564[%swap3A_565, %swap3A_566] {strides = array<i32>} : memref<128x64xf32, #tpu.memory_space<vmem>>, vector<1x16xf32>,
        %swap3A_568 = vector.shape_cast %swap3A_567 : vector<1x16xf32> to vector<16xf32>
        %swap3A_569 = vector.shape_cast %get3A_560 : vector<16xf32> to vector<1x16xf32>
        tpu.vector_store %swap3A_564[%swap3A_565, %swap3A_566], %swap3A_569 {add = true, strides = array<i32>} : memref<128x64xf32, #tpu.memory_space<vmem>>, vector<1x16xf32>,
        %sub3A_570 = arith.constant 199 : i32
        %sub3A_571 = arith.subi %sub3A_570, %add3A_524 : i32
        %get3A_572 = arith.index_cast %sub3A_571 : i32 to index
        %get3A_573 = arith.constant 48 : index
        %get3A_574 = tpu.vector_load %arg7[%get3A_572, %get3A_573] {strides = array<i32>} : memref<200x64xf32, #tpu.memory_space<vmem>>, vector<1x16xf32>,
        %get3A_575 = vector.shape_cast %get3A_574 : vector<1x16xf32> to vector<16xf32>
        %swap3A_576 = arith.constant 0 : i32
        %swap3A_577 = arith.constant 0 : i32
        %swap3A_578 = tpu.memref_slice %arg8[%scan3A, %swap3A_576, %swap3A_577] : memref<4x128x64xf32, #tpu.memory_space<vmem>> -> memref<1x128x64xf32, #tpu.memory_space<vmem>>
        %swap3A_579 = tpu.memref_squeeze %swap3A_578 : memref<1x128x64xf32, #tpu.memory_space<vmem>> -> memref<128x64xf32, #tpu.memory_space<vmem>>
        %swap3A_580 = arith.index_cast %add3A_524 : i32 to index
        %swap3A_581 = arith.constant 48 : index
        %swap3A_582 = tpu.vector_load %swap3A_579[%swap3A_580, %swap3A_581] {strides = array<i32>} : memref<128x64xf32, #tpu.memory_space<vmem>>, vector<1x16xf32>,
        %swap3A_583 = vector.shape_cast %swap3A_582 : vector<1x16xf32> to vector<16xf32>
        %swap3A_584 = vector.shape_cast %get3A_575 : vector<16xf32> to vector<1x16xf32>
        tpu.vector_store %swap3A_579[%swap3A_580, %swap3A_581], %swap3A_584 {add = true, strides = array<i32>} : memref<128x64xf32, #tpu.memory_space<vmem>>, vector<1x16xf32>,
        %scan3A_585 = arith.constant 3 : i32
        %scan3A_586 = arith.addi %scan3A_391, %scan3A_585 : i32
        %mul3A_587 = arith.constant 1 : i32
        %mul3A_588 = arith.muli %scan3A_586, %mul3A_587 : i32
        %add3A_589 = arith.constant 0 : i32
        %add3A_590 = arith.addi %add3A_589, %mul3A_588 : i32
        %sub3A_591 = arith.constant 199 : i32
        %sub3A_592 = arith.subi %sub3A_591, %add3A_590 : i32
        %get3A_593 = arith.index_cast %sub3A_592 : i32 to index
        %get3A_594 = arith.constant 0 : index
        %get3A_595 = tpu.vector_load %arg7[%get3A_593, %get3A_594] {strides = array<i32>} : memref<200x64xf32, #tpu.memory_space<vmem>>, vector<1x16xf32>,
        %get3A_596 = vector.shape_cast %get3A_595 : vector<1x16xf32> to vector<16xf32>
        %swap3A_597 = arith.constant 0 : i32
        %swap3A_598 = arith.constant 0 : i32
        %swap3A_599 = tpu.memref_slice %arg8[%scan3A, %swap3A_597, %swap3A_598] : memref<4x128x64xf32, #tpu.memory_space<vmem>> -> memref<1x128x64xf32, #tpu.memory_space<vmem>>
        %swap3A_600 = tpu.memref_squeeze %swap3A_599 : memref<1x128x64xf32, #tpu.memory_space<vmem>> -> memref<128x64xf32, #tpu.memory_space<vmem>>
        %swap3A_601 = arith.index_cast %add3A_590 : i32 to index
        %swap3A_602 = arith.constant 0 : index
        %swap3A_603 = tpu.vector_load %swap3A_600[%swap3A_601, %swap3A_602] {strides = array<i32>} : memref<128x64xf32, #tpu.memory_space<vmem>>, vector<1x16xf32>,
        %swap3A_604 = vector.shape_cast %swap3A_603 : vector<1x16xf32> to vector<16xf32>
        %swap3A_605 = vector.shape_cast %get3A_596 : vector<16xf32> to vector<1x16xf32>
        tpu.vector_store %swap3A_600[%swap3A_601, %swap3A_602], %swap3A_605 {add = true, strides = array<i32>} : memref<128x64xf32, #tpu.memory_space<vmem>>, vector<1x16xf32>,
        %sub3A_606 = arith.constant 199 : i32
        %sub3A_607 = arith.subi %sub3A_606, %add3A_590 : i32
        %get3A_608 = arith.index_cast %sub3A_607 : i32 to index
        %get3A_609 = arith.constant 16 : index
        %get3A_610 = tpu.vector_load %arg7[%get3A_608, %get3A_609] {strides = array<i32>} : memref<200x64xf32, #tpu.memory_space<vmem>>, vector<1x16xf32>,
        %get3A_611 = vector.shape_cast %get3A_610 : vector<1x16xf32> to vector<16xf32>
        %swap3A_612 = arith.constant 0 : i32
        %swap3A_613 = arith.constant 0 : i32
        %swap3A_614 = tpu.memref_slice %arg8[%scan3A, %swap3A_612, %swap3A_613] : memref<4x128x64xf32, #tpu.memory_space<vmem>> -> memref<1x128x64xf32, #tpu.memory_space<vmem>>
        %swap3A_615 = tpu.memref_squeeze %swap3A_614 : memref<1x128x64xf32, #tpu.memory_space<vmem>> -> memref<128x64xf32, #tpu.memory_space<vmem>>
        %swap3A_616 = arith.index_cast %add3A_590 : i32 to index
        %swap3A_617 = arith.constant 16 : index
        %swap3A_618 = tpu.vector_load %swap3A_615[%swap3A_616, %swap3A_617] {strides = array<i32>} : memref<128x64xf32, #tpu.memory_space<vmem>>, vector<1x16xf32>,
        %swap3A_619 = vector.shape_cast %swap3A_618 : vector<1x16xf32> to vector<16xf32>
        %swap3A_620 = vector.shape_cast %get3A_611 : vector<16xf32> to vector<1x16xf32>
        tpu.vector_store %swap3A_615[%swap3A_616, %swap3A_617], %swap3A_620 {add = true, strides = array<i32>} : memref<128x64xf32, #tpu.memory_space<vmem>>, vector<1x16xf32>,
        %sub3A_621 = arith.constant 199 : i32
        %sub3A_622 = arith.subi %sub3A_621, %add3A_590 : i32
        %get3A_623 = arith.index_cast %sub3A_622 : i32 to index
        %get3A_624 = arith.constant 32 : index
        %get3A_625 = tpu.vector_load %arg7[%get3A_623, %get3A_624] {strides = array<i32>} : memref<200x64xf32, #tpu.memory_space<vmem>>, vector<1x16xf32>,
        %get3A_626 = vector.shape_cast %get3A_625 : vector<1x16xf32> to vector<16xf32>
        %swap3A_627 = arith.constant 0 : i32
        %swap3A_628 = arith.constant 0 : i32
        %swap3A_629 = tpu.memref_slice %arg8[%scan3A, %swap3A_627, %swap3A_628] : memref<4x128x64xf32, #tpu.memory_space<vmem>> -> memref<1x128x64xf32, #tpu.memory_space<vmem>>
        %swap3A_630 = tpu.memref_squeeze %swap3A_629 : memref<1x128x64xf32, #tpu.memory_space<vmem>> -> memref<128x64xf32, #tpu.memory_space<vmem>>
        %swap3A_631 = arith.index_cast %add3A_590 : i32 to index
        %swap3A_632 = arith.constant 32 : index
        %swap3A_633 = tpu.vector_load %swap3A_630[%swap3A_631, %swap3A_632] {strides = array<i32>} : memref<128x64xf32, #tpu.memory_space<vmem>>, vector<1x16xf32>,
        %swap3A_634 = vector.shape_cast %swap3A_633 : vector<1x16xf32> to vector<16xf32>
        %swap3A_635 = vector.shape_cast %get3A_626 : vector<16xf32> to vector<1x16xf32>
        tpu.vector_store %swap3A_630[%swap3A_631, %swap3A_632], %swap3A_635 {add = true, strides = array<i32>} : memref<128x64xf32, #tpu.memory_space<vmem>>, vector<1x16xf32>,
        %sub3A_636 = arith.constant 199 : i32
        %sub3A_637 = arith.subi %sub3A_636, %add3A_590 : i32
        %get3A_638 = arith.index_cast %sub3A_637 : i32 to index
        %get3A_639 = arith.constant 48 : index
        %get3A_640 = tpu.vector_load %arg7[%get3A_638, %get3A_639] {strides = array<i32>} : memref<200x64xf32, #tpu.memory_space<vmem>>, vector<1x16xf32>,
        %get3A_641 = vector.shape_cast %get3A_640 : vector<1x16xf32> to vector<16xf32>
        %swap3A_642 = arith.constant 0 : i32
        %swap3A_643 = arith.constant 0 : i32
        %swap3A_644 = tpu.memref_slice %arg8[%scan3A, %swap3A_642, %swap3A_643] : memref<4x128x64xf32, #tpu.memory_space<vmem>> -> memref<1x128x64xf32, #tpu.memory_space<vmem>>
        %swap3A_645 = tpu.memref_squeeze %swap3A_644 : memref<1x128x64xf32, #tpu.memory_space<vmem>> -> memref<128x64xf32, #tpu.memory_space<vmem>>
        %swap3A_646 = arith.index_cast %add3A_590 : i32 to index
        %swap3A_647 = arith.constant 48 : index
        %swap3A_648 = tpu.vector_load %swap3A_645[%swap3A_646, %swap3A_647] {strides = array<i32>} : memref<128x64xf32, #tpu.memory_space<vmem>>, vector<1x16xf32>,
        %swap3A_649 = vector.shape_cast %swap3A_648 : vector<1x16xf32> to vector<16xf32>
        %swap3A_650 = vector.shape_cast %get3A_641 : vector<16xf32> to vector<1x16xf32>
        tpu.vector_store %swap3A_645[%swap3A_646, %swap3A_647], %swap3A_650 {add = true, strides = array<i32>} : memref<128x64xf32, #tpu.memory_space<vmem>>, vector<1x16xf32>,
        %scan3A_651 = arith.constant 4 : i32
        %scan3A_652 = arith.addi %scan3A_391, %scan3A_651 : i32
        %mul3A_653 = arith.constant 1 : i32
        %mul3A_654 = arith.muli %scan3A_652, %mul3A_653 : i32
        %add3A_655 = arith.constant 0 : i32
        %add3A_656 = arith.addi %add3A_655, %mul3A_654 : i32
        %sub3A_657 = arith.constant 199 : i32
        %sub3A_658 = arith.subi %sub3A_657, %add3A_656 : i32
        %get3A_659 = arith.index_cast %sub3A_658 : i32 to index
        %get3A_660 = arith.constant 0 : index
        %get3A_661 = tpu.vector_load %arg7[%get3A_659, %get3A_660] {strides = array<i32>} : memref<200x64xf32, #tpu.memory_space<vmem>>, vector<1x16xf32>,
        %get3A_662 = vector.shape_cast %get3A_661 : vector<1x16xf32> to vector<16xf32>
        %swap3A_663 = arith.constant 0 : i32
        %swap3A_664 = arith.constant 0 : i32
        %swap3A_665 = tpu.memref_slice %arg8[%scan3A, %swap3A_663, %swap3A_664] : memref<4x128x64xf32, #tpu.memory_space<vmem>> -> memref<1x128x64xf32, #tpu.memory_space<vmem>>
        %swap3A_666 = tpu.memref_squeeze %swap3A_665 : memref<1x128x64xf32, #tpu.memory_space<vmem>> -> memref<128x64xf32, #tpu.memory_space<vmem>>
        %swap3A_667 = arith.index_cast %add3A_656 : i32 to index
        %swap3A_668 = arith.constant 0 : index
        %swap3A_669 = tpu.vector_load %swap3A_666[%swap3A_667, %swap3A_668] {strides = array<i32>} : memref<128x64xf32, #tpu.memory_space<vmem>>, vector<1x16xf32>,
        %swap3A_670 = vector.shape_cast %swap3A_669 : vector<1x16xf32> to vector<16xf32>
        %swap3A_671 = vector.shape_cast %get3A_662 : vector<16xf32> to vector<1x16xf32>
        tpu.vector_store %swap3A_666[%swap3A_667, %swap3A_668], %swap3A_671 {add = true, strides = array<i32>} : memref<128x64xf32, #tpu.memory_space<vmem>>, vector<1x16xf32>,
        %sub3A_672 = arith.constant 199 : i32
        %sub3A_673 = arith.subi %sub3A_672, %add3A_656 : i32
        %get3A_674 = arith.index_cast %sub3A_673 : i32 to index
        %get3A_675 = arith.constant 16 : index
        %get3A_676 = tpu.vector_load %arg7[%get3A_674, %get3A_675] {strides = array<i32>} : memref<200x64xf32, #tpu.memory_space<vmem>>, vector<1x16xf32>,
        %get3A_677 = vector.shape_cast %get3A_676 : vector<1x16xf32> to vector<16xf32>
        %swap3A_678 = arith.constant 0 : i32
        %swap3A_679 = arith.constant 0 : i32
        %swap3A_680 = tpu.memref_slice %arg8[%scan3A, %swap3A_678, %swap3A_679] : memref<4x128x64xf32, #tpu.memory_space<vmem>> -> memref<1x128x64xf32, #tpu.memory_space<vmem>>
        %swap3A_681 = tpu.memref_squeeze %swap3A_680 : memref<1x128x64xf32, #tpu.memory_space<vmem>> -> memref<128x64xf32, #tpu.memory_space<vmem>>
        %swap3A_682 = arith.index_cast %add3A_656 : i32 to index
        %swap3A_683 = arith.constant 16 : index
        %swap3A_684 = tpu.vector_load %swap3A_681[%swap3A_682, %swap3A_683] {strides = array<i32>} : memref<128x64xf32, #tpu.memory_space<vmem>>, vector<1x16xf32>,
        %swap3A_685 = vector.shape_cast %swap3A_684 : vector<1x16xf32> to vector<16xf32>
        %swap3A_686 = vector.shape_cast %get3A_677 : vector<16xf32> to vector<1x16xf32>
        tpu.vector_store %swap3A_681[%swap3A_682, %swap3A_683], %swap3A_686 {add = true, strides = array<i32>} : memref<128x64xf32, #tpu.memory_space<vmem>>, vector<1x16xf32>,
        %sub3A_687 = arith.constant 199 : i32
        %sub3A_688 = arith.subi %sub3A_687, %add3A_656 : i32
        %get3A_689 = arith.index_cast %sub3A_688 : i32 to index
        %get3A_690 = arith.constant 32 : index
        %get3A_691 = tpu.vector_load %arg7[%get3A_689, %get3A_690] {strides = array<i32>} : memref<200x64xf32, #tpu.memory_space<vmem>>, vector<1x16xf32>,
        %get3A_692 = vector.shape_cast %get3A_691 : vector<1x16xf32> to vector<16xf32>
        %swap3A_693 = arith.constant 0 : i32
        %swap3A_694 = arith.constant 0 : i32
        %swap3A_695 = tpu.memref_slice %arg8[%scan3A, %swap3A_693, %swap3A_694] : memref<4x128x64xf32, #tpu.memory_space<vmem>> -> memref<1x128x64xf32, #tpu.memory_space<vmem>>
        %swap3A_696 = tpu.memref_squeeze %swap3A_695 : memref<1x128x64xf32, #tpu.memory_space<vmem>> -> memref<128x64xf32, #tpu.memory_space<vmem>>
        %swap3A_697 = arith.index_cast %add3A_656 : i32 to index
        %swap3A_698 = arith.constant 32 : index
        %swap3A_699 = tpu.vector_load %swap3A_696[%swap3A_697, %swap3A_698] {strides = array<i32>} : memref<128x64xf32, #tpu.memory_space<vmem>>, vector<1x16xf32>,
        %swap3A_700 = vector.shape_cast %swap3A_699 : vector<1x16xf32> to vector<16xf32>
        %swap3A_701 = vector.shape_cast %get3A_692 : vector<16xf32> to vector<1x16xf32>
        tpu.vector_store %swap3A_696[%swap3A_697, %swap3A_698], %swap3A_701 {add = true, strides = array<i32>} : memref<128x64xf32, #tpu.memory_space<vmem>>, vector<1x16xf32>,
        %sub3A_702 = arith.constant 199 : i32
        %sub3A_703 = arith.subi %sub3A_702, %add3A_656 : i32
        %get3A_704 = arith.index_cast %sub3A_703 : i32 to index
        %get3A_705 = arith.constant 48 : index
        %get3A_706 = tpu.vector_load %arg7[%get3A_704, %get3A_705] {strides = array<i32>} : memref<200x64xf32, #tpu.memory_space<vmem>>, vector<1x16xf32>,
        %get3A_707 = vector.shape_cast %get3A_706 : vector<1x16xf32> to vector<16xf32>
        %swap3A_708 = arith.constant 0 : i32
        %swap3A_709 = arith.constant 0 : i32
        %swap3A_710 = tpu.memref_slice %arg8[%scan3A, %swap3A_708, %swap3A_709] : memref<4x128x64xf32, #tpu.memory_space<vmem>> -> memref<1x128x64xf32, #tpu.memory_space<vmem>>
        %swap3A_711 = tpu.memref_squeeze %swap3A_710 : memref<1x128x64xf32, #tpu.memory_space<vmem>> -> memref<128x64xf32, #tpu.memory_space<vmem>>
        %swap3A_712 = arith.index_cast %add3A_656 : i32 to index
        %swap3A_713 = arith.constant 48 : index
        %swap3A_714 = tpu.vector_load %swap3A_711[%swap3A_712, %swap3A_713] {strides = array<i32>} : memref<128x64xf32, #tpu.memory_space<vmem>>, vector<1x16xf32>,
        %swap3A_715 = vector.shape_cast %swap3A_714 : vector<1x16xf32> to vector<16xf32>
        %swap3A_716 = vector.shape_cast %get3A_707 : vector<16xf32> to vector<1x16xf32>
        tpu.vector_store %swap3A_711[%swap3A_712, %swap3A_713], %swap3A_716 {add = true, strides = array<i32>} : memref<128x64xf32, #tpu.memory_space<vmem>>, vector<1x16xf32>,
        %scan3A_717 = arith.constant 5 : i32
        %scan3A_718 = arith.addi %scan3A_391, %scan3A_717 : i32
        %mul3A_719 = arith.constant 1 : i32
        %mul3A_720 = arith.muli %scan3A_718, %mul3A_719 : i32
        %add3A_721 = arith.constant 0 : i32
        %add3A_722 = arith.addi %add3A_721, %mul3A_720 : i32
        %sub3A_723 = arith.constant 199 : i32
        %sub3A_724 = arith.subi %sub3A_723, %add3A_722 : i32
        %get3A_725 = arith.index_cast %sub3A_724 : i32 to index
        %get3A_726 = arith.constant 0 : index
        %get3A_727 = tpu.vector_load %arg7[%get3A_725, %get3A_726] {strides = array<i32>} : memref<200x64xf32, #tpu.memory_space<vmem>>, vector<1x16xf32>,
        %get3A_728 = vector.shape_cast %get3A_727 : vector<1x16xf32> to vector<16xf32>
        %swap3A_729 = arith.constant 0 : i32
        %swap3A_730 = arith.constant 0 : i32
        %swap3A_731 = tpu.memref_slice %arg8[%scan3A, %swap3A_729, %swap3A_730] : memref<4x128x64xf32, #tpu.memory_space<vmem>> -> memref<1x128x64xf32, #tpu.memory_space<vmem>>
        %swap3A_732 = tpu.memref_squeeze %swap3A_731 : memref<1x128x64xf32, #tpu.memory_space<vmem>> -> memref<128x64xf32, #tpu.memory_space<vmem>>
        %swap3A_733 = arith.index_cast %add3A_722 : i32 to index
        %swap3A_734 = arith.constant 0 : index
        %swap3A_735 = tpu.vector_load %swap3A_732[%swap3A_733, %swap3A_734] {strides = array<i32>} : memref<128x64xf32, #tpu.memory_space<vmem>>, vector<1x16xf32>,
        %swap3A_736 = vector.shape_cast %swap3A_735 : vector<1x16xf32> to vector<16xf32>
        %swap3A_737 = vector.shape_cast %get3A_728 : vector<16xf32> to vector<1x16xf32>
        tpu.vector_store %swap3A_732[%swap3A_733, %swap3A_734], %swap3A_737 {add = true, strides = array<i32>} : memref<128x64xf32, #tpu.memory_space<vmem>>, vector<1x16xf32>,
        %sub3A_738 = arith.constant 199 : i32
        %sub3A_739 = arith.subi %sub3A_738, %add3A_722 : i32
        %get3A_740 = arith.index_cast %sub3A_739 : i32 to index
        %get3A_741 = arith.constant 16 : index
        %get3A_742 = tpu.vector_load %arg7[%get3A_740, %get3A_741] {strides = array<i32>} : memref<200x64xf32, #tpu.memory_space<vmem>>, vector<1x16xf32>,
        %get3A_743 = vector.shape_cast %get3A_742 : vector<1x16xf32> to vector<16xf32>
        %swap3A_744 = arith.constant 0 : i32
        %swap3A_745 = arith.constant 0 : i32
        %swap3A_746 = tpu.memref_slice %arg8[%scan3A, %swap3A_744, %swap3A_745] : memref<4x128x64xf32, #tpu.memory_space<vmem>> -> memref<1x128x64xf32, #tpu.memory_space<vmem>>
        %swap3A_747 = tpu.memref_squeeze %swap3A_746 : memref<1x128x64xf32, #tpu.memory_space<vmem>> -> memref<128x64xf32, #tpu.memory_space<vmem>>
        %swap3A_748 = arith.index_cast %add3A_722 : i32 to index
        %swap3A_749 = arith.constant 16 : index
        %swap3A_750 = tpu.vector_load %swap3A_747[%swap3A_748, %swap3A_749] {strides = array<i32>} : memref<128x64xf32, #tpu.memory_space<vmem>>, vector<1x16xf32>,
        %swap3A_751 = vector.shape_cast %swap3A_750 : vector<1x16xf32> to vector<16xf32>
        %swap3A_752 = vector.shape_cast %get3A_743 : vector<16xf32> to vector<1x16xf32>
        tpu.vector_store %swap3A_747[%swap3A_748, %swap3A_749], %swap3A_752 {add = true, strides = array<i32>} : memref<128x64xf32, #tpu.memory_space<vmem>>, vector<1x16xf32>,
        %sub3A_753 = arith.constant 199 : i32
        %sub3A_754 = arith.subi %sub3A_753, %add3A_722 : i32
        %get3A_755 = arith.index_cast %sub3A_754 : i32 to index
        %get3A_756 = arith.constant 32 : index
        %get3A_757 = tpu.vector_load %arg7[%get3A_755, %get3A_756] {strides = array<i32>} : memref<200x64xf32, #tpu.memory_space<vmem>>, vector<1x16xf32>,
        %get3A_758 = vector.shape_cast %get3A_757 : vector<1x16xf32> to vector<16xf32>
        %swap3A_759 = arith.constant 0 : i32
        %swap3A_760 = arith.constant 0 : i32
        %swap3A_761 = tpu.memref_slice %arg8[%scan3A, %swap3A_759, %swap3A_760] : memref<4x128x64xf32, #tpu.memory_space<vmem>> -> memref<1x128x64xf32, #tpu.memory_space<vmem>>
        %swap3A_762 = tpu.memref_squeeze %swap3A_761 : memref<1x128x64xf32, #tpu.memory_space<vmem>> -> memref<128x64xf32, #tpu.memory_space<vmem>>
        %swap3A_763 = arith.index_cast %add3A_722 : i32 to index
        %swap3A_764 = arith.constant 32 : index
        %swap3A_765 = tpu.vector_load %swap3A_762[%swap3A_763, %swap3A_764] {strides = array<i32>} : memref<128x64xf32, #tpu.memory_space<vmem>>, vector<1x16xf32>,
        %swap3A_766 = vector.shape_cast %swap3A_765 : vector<1x16xf32> to vector<16xf32>
        %swap3A_767 = vector.shape_cast %get3A_758 : vector<16xf32> to vector<1x16xf32>
        tpu.vector_store %swap3A_762[%swap3A_763, %swap3A_764], %swap3A_767 {add = true, strides = array<i32>} : memref<128x64xf32, #tpu.memory_space<vmem>>, vector<1x16xf32>,
        %sub3A_768 = arith.constant 199 : i32
        %sub3A_769 = arith.subi %sub3A_768, %add3A_722 : i32
        %get3A_770 = arith.index_cast %sub3A_769 : i32 to index
        %get3A_771 = arith.constant 48 : index
        %get3A_772 = tpu.vector_load %arg7[%get3A_770, %get3A_771] {strides = array<i32>} : memref<200x64xf32, #tpu.memory_space<vmem>>, vector<1x16xf32>,
        %get3A_773 = vector.shape_cast %get3A_772 : vector<1x16xf32> to vector<16xf32>
        %swap3A_774 = arith.constant 0 : i32
        %swap3A_775 = arith.constant 0 : i32
        %swap3A_776 = tpu.memref_slice %arg8[%scan3A, %swap3A_774, %swap3A_775] : memref<4x128x64xf32, #tpu.memory_space<vmem>> -> memref<1x128x64xf32, #tpu.memory_space<vmem>>
        %swap3A_777 = tpu.memref_squeeze %swap3A_776 : memref<1x128x64xf32, #tpu.memory_space<vmem>> -> memref<128x64xf32, #tpu.memory_space<vmem>>
        %swap3A_778 = arith.index_cast %add3A_722 : i32 to index
        %swap3A_779 = arith.constant 48 : index
        %swap3A_780 = tpu.vector_load %swap3A_777[%swap3A_778, %swap3A_779] {strides = array<i32>} : memref<128x64xf32, #tpu.memory_space<vmem>>, vector<1x16xf32>,
        %swap3A_781 = vector.shape_cast %swap3A_780 : vector<1x16xf32> to vector<16xf32>
        %swap3A_782 = vector.shape_cast %get3A_773 : vector<16xf32> to vector<1x16xf32>
        tpu.vector_store %swap3A_777[%swap3A_778, %swap3A_779], %swap3A_782 {add = true, strides = array<i32>} : memref<128x64xf32, #tpu.memory_space<vmem>>, vector<1x16xf32>,
        %scan3A_783 = arith.constant 6 : i32
        %scan3A_784 = arith.addi %scan3A_391, %scan3A_783 : i32
        %mul3A_785 = arith.constant 1 : i32
        %mul3A_786 = arith.muli %scan3A_784, %mul3A_785 : i32
        %add3A_787 = arith.constant 0 : i32
        %add3A_788 = arith.addi %add3A_787, %mul3A_786 : i32
        %sub3A_789 = arith.constant 199 : i32
        %sub3A_790 = arith.subi %sub3A_789, %add3A_788 : i32
        %get3A_791 = arith.index_cast %sub3A_790 : i32 to index
        %get3A_792 = arith.constant 0 : index
        %get3A_793 = tpu.vector_load %arg7[%get3A_791, %get3A_792] {strides = array<i32>} : memref<200x64xf32, #tpu.memory_space<vmem>>, vector<1x16xf32>,
        %get3A_794 = vector.shape_cast %get3A_793 : vector<1x16xf32> to vector<16xf32>
        %swap3A_795 = arith.constant 0 : i32
        %swap3A_796 = arith.constant 0 : i32
        %swap3A_797 = tpu.memref_slice %arg8[%scan3A, %swap3A_795, %swap3A_796] : memref<4x128x64xf32, #tpu.memory_space<vmem>> -> memref<1x128x64xf32, #tpu.memory_space<vmem>>
        %swap3A_798 = tpu.memref_squeeze %swap3A_797 : memref<1x128x64xf32, #tpu.memory_space<vmem>> -> memref<128x64xf32, #tpu.memory_space<vmem>>
        %swap3A_799 = arith.index_cast %add3A_788 : i32 to index
        %swap3A_800 = arith.constant 0 : index
        %swap3A_801 = tpu.vector_load %swap3A_798[%swap3A_799, %swap3A_800] {strides = array<i32>} : memref<128x64xf32, #tpu.memory_space<vmem>>, vector<1x16xf32>,
        %swap3A_802 = vector.shape_cast %swap3A_801 : vector<1x16xf32> to vector<16xf32>
        %swap3A_803 = vector.shape_cast %get3A_794 : vector<16xf32> to vector<1x16xf32>
        tpu.vector_store %swap3A_798[%swap3A_799, %swap3A_800], %swap3A_803 {add = true, strides = array<i32>} : memref<128x64xf32, #tpu.memory_space<vmem>>, vector<1x16xf32>,
        %sub3A_804 = arith.constant 199 : i32
        %sub3A_805 = arith.subi %sub3A_804, %add3A_788 : i32
        %get3A_806 = arith.index_cast %sub3A_805 : i32 to index
        %get3A_807 = arith.constant 16 : index
        %get3A_808 = tpu.vector_load %arg7[%get3A_806, %get3A_807] {strides = array<i32>} : memref<200x64xf32, #tpu.memory_space<vmem>>, vector<1x16xf32>,
        %get3A_809 = vector.shape_cast %get3A_808 : vector<1x16xf32> to vector<16xf32>
        %swap3A_810 = arith.constant 0 : i32
        %swap3A_811 = arith.constant 0 : i32
        %swap3A_812 = tpu.memref_slice %arg8[%scan3A, %swap3A_810, %swap3A_811] : memref<4x128x64xf32, #tpu.memory_space<vmem>> -> memref<1x128x64xf32, #tpu.memory_space<vmem>>
        %swap3A_813 = tpu.memref_squeeze %swap3A_812 : memref<1x128x64xf32, #tpu.memory_space<vmem>> -> memref<128x64xf32, #tpu.memory_space<vmem>>
        %swap3A_814 = arith.index_cast %add3A_788 : i32 to index
        %swap3A_815 = arith.constant 16 : index
        %swap3A_816 = tpu.vector_load %swap3A_813[%swap3A_814, %swap3A_815] {strides = array<i32>} : memref<128x64xf32, #tpu.memory_space<vmem>>, vector<1x16xf32>,
        %swap3A_817 = vector.shape_cast %swap3A_816 : vector<1x16xf32> to vector<16xf32>
        %swap3A_818 = vector.shape_cast %get3A_809 : vector<16xf32> to vector<1x16xf32>
        tpu.vector_store %swap3A_813[%swap3A_814, %swap3A_815], %swap3A_818 {add = true, strides = array<i32>} : memref<128x64xf32, #tpu.memory_space<vmem>>, vector<1x16xf32>,
        %sub3A_819 = arith.constant 199 : i32
        %sub3A_820 = arith.subi %sub3A_819, %add3A_788 : i32
        %get3A_821 = arith.index_cast %sub3A_820 : i32 to index
        %get3A_822 = arith.constant 32 : index
        %get3A_823 = tpu.vector_load %arg7[%get3A_821, %get3A_822] {strides = array<i32>} : memref<200x64xf32, #tpu.memory_space<vmem>>, vector<1x16xf32>,
        %get3A_824 = vector.shape_cast %get3A_823 : vector<1x16xf32> to vector<16xf32>
        %swap3A_825 = arith.constant 0 : i32
        %swap3A_826 = arith.constant 0 : i32
        %swap3A_827 = tpu.memref_slice %arg8[%scan3A, %swap3A_825, %swap3A_826] : memref<4x128x64xf32, #tpu.memory_space<vmem>> -> memref<1x128x64xf32, #tpu.memory_space<vmem>>
        %swap3A_828 = tpu.memref_squeeze %swap3A_827 : memref<1x128x64xf32, #tpu.memory_space<vmem>> -> memref<128x64xf32, #tpu.memory_space<vmem>>
        %swap3A_829 = arith.index_cast %add3A_788 : i32 to index
        %swap3A_830 = arith.constant 32 : index
        %swap3A_831 = tpu.vector_load %swap3A_828[%swap3A_829, %swap3A_830] {strides = array<i32>} : memref<128x64xf32, #tpu.memory_space<vmem>>, vector<1x16xf32>,
        %swap3A_832 = vector.shape_cast %swap3A_831 : vector<1x16xf32> to vector<16xf32>
        %swap3A_833 = vector.shape_cast %get3A_824 : vector<16xf32> to vector<1x16xf32>
        tpu.vector_store %swap3A_828[%swap3A_829, %swap3A_830], %swap3A_833 {add = true, strides = array<i32>} : memref<128x64xf32, #tpu.memory_space<vmem>>, vector<1x16xf32>,
        %sub3A_834 = arith.constant 199 : i32
        %sub3A_835 = arith.subi %sub3A_834, %add3A_788 : i32
        %get3A_836 = arith.index_cast %sub3A_835 : i32 to index
        %get3A_837 = arith.constant 48 : index
        %get3A_838 = tpu.vector_load %arg7[%get3A_836, %get3A_837] {strides = array<i32>} : memref<200x64xf32, #tpu.memory_space<vmem>>, vector<1x16xf32>,
        %get3A_839 = vector.shape_cast %get3A_838 : vector<1x16xf32> to vector<16xf32>
        %swap3A_840 = arith.constant 0 : i32
        %swap3A_841 = arith.constant 0 : i32
        %swap3A_842 = tpu.memref_slice %arg8[%scan3A, %swap3A_840, %swap3A_841] : memref<4x128x64xf32, #tpu.memory_space<vmem>> -> memref<1x128x64xf32, #tpu.memory_space<vmem>>
        %swap3A_843 = tpu.memref_squeeze %swap3A_842 : memref<1x128x64xf32, #tpu.memory_space<vmem>> -> memref<128x64xf32, #tpu.memory_space<vmem>>
        %swap3A_844 = arith.index_cast %add3A_788 : i32 to index
        %swap3A_845 = arith.constant 48 : index
        %swap3A_846 = tpu.vector_load %swap3A_843[%swap3A_844, %swap3A_845] {strides = array<i32>} : memref<128x64xf32, #tpu.memory_space<vmem>>, vector<1x16xf32>,
        %swap3A_847 = vector.shape_cast %swap3A_846 : vector<1x16xf32> to vector<16xf32>
        %swap3A_848 = vector.shape_cast %get3A_839 : vector<16xf32> to vector<1x16xf32>
        tpu.vector_store %swap3A_843[%swap3A_844, %swap3A_845], %swap3A_848 {add = true, strides = array<i32>} : memref<128x64xf32, #tpu.memory_space<vmem>>, vector<1x16xf32>,
        %scan3A_849 = arith.constant 7 : i32
        %scan3A_850 = arith.addi %scan3A_391, %scan3A_849 : i32
        %mul3A_851 = arith.constant 1 : i32
        %mul3A_852 = arith.muli %scan3A_850, %mul3A_851 : i32
        %add3A_853 = arith.constant 0 : i32
        %add3A_854 = arith.addi %add3A_853, %mul3A_852 : i32
        %sub3A_855 = arith.constant 199 : i32
        %sub3A_856 = arith.subi %sub3A_855, %add3A_854 : i32
        %get3A_857 = arith.index_cast %sub3A_856 : i32 to index
        %get3A_858 = arith.constant 0 : index
        %get3A_859 = tpu.vector_load %arg7[%get3A_857, %get3A_858] {strides = array<i32>} : memref<200x64xf32, #tpu.memory_space<vmem>>, vector<1x16xf32>,
        %get3A_860 = vector.shape_cast %get3A_859 : vector<1x16xf32> to vector<16xf32>
        %swap3A_861 = arith.constant 0 : i32
        %swap3A_862 = arith.constant 0 : i32
        %swap3A_863 = tpu.memref_slice %arg8[%scan3A, %swap3A_861, %swap3A_862] : memref<4x128x64xf32, #tpu.memory_space<vmem>> -> memref<1x128x64xf32, #tpu.memory_space<vmem>>
        %swap3A_864 = tpu.memref_squeeze %swap3A_863 : memref<1x128x64xf32, #tpu.memory_space<vmem>> -> memref<128x64xf32, #tpu.memory_space<vmem>>
        %swap3A_865 = arith.index_cast %add3A_854 : i32 to index
        %swap3A_866 = arith.constant 0 : index
        %swap3A_867 = tpu.vector_load %swap3A_864[%swap3A_865, %swap3A_866] {strides = array<i32>} : memref<128x64xf32, #tpu.memory_space<vmem>>, vector<1x16xf32>,
        %swap3A_868 = vector.shape_cast %swap3A_867 : vector<1x16xf32> to vector<16xf32>
        %swap3A_869 = vector.shape_cast %get3A_860 : vector<16xf32> to vector<1x16xf32>
        tpu.vector_store %swap3A_864[%swap3A_865, %swap3A_866], %swap3A_869 {add = true, strides = array<i32>} : memref<128x64xf32, #tpu.memory_space<vmem>>, vector<1x16xf32>,
        %sub3A_870 = arith.constant 199 : i32
        %sub3A_871 = arith.subi %sub3A_870, %add3A_854 : i32
        %get3A_872 = arith.index_cast %sub3A_871 : i32 to index
        %get3A_873 = arith.constant 16 : index
        %get3A_874 = tpu.vector_load %arg7[%get3A_872, %get3A_873] {strides = array<i32>} : memref<200x64xf32, #tpu.memory_space<vmem>>, vector<1x16xf32>,
        %get3A_875 = vector.shape_cast %get3A_874 : vector<1x16xf32> to vector<16xf32>
        %swap3A_876 = arith.constant 0 : i32
        %swap3A_877 = arith.constant 0 : i32
        %swap3A_878 = tpu.memref_slice %arg8[%scan3A, %swap3A_876, %swap3A_877] : memref<4x128x64xf32, #tpu.memory_space<vmem>> -> memref<1x128x64xf32, #tpu.memory_space<vmem>>
        %swap3A_879 = tpu.memref_squeeze %swap3A_878 : memref<1x128x64xf32, #tpu.memory_space<vmem>> -> memref<128x64xf32, #tpu.memory_space<vmem>>
        %swap3A_880 = arith.index_cast %add3A_854 : i32 to index
        %swap3A_881 = arith.constant 16 : index
        %swap3A_882 = tpu.vector_load %swap3A_879[%swap3A_880, %swap3A_881] {strides = array<i32>} : memref<128x64xf32, #tpu.memory_space<vmem>>, vector<1x16xf32>,
        %swap3A_883 = vector.shape_cast %swap3A_882 : vector<1x16xf32> to vector<16xf32>
        %swap3A_884 = vector.shape_cast %get3A_875 : vector<16xf32> to vector<1x16xf32>
        tpu.vector_store %swap3A_879[%swap3A_880, %swap3A_881], %swap3A_884 {add = true, strides = array<i32>} : memref<128x64xf32, #tpu.memory_space<vmem>>, vector<1x16xf32>,
        %sub3A_885 = arith.constant 199 : i32
        %sub3A_886 = arith.subi %sub3A_885, %add3A_854 : i32
        %get3A_887 = arith.index_cast %sub3A_886 : i32 to index
        %get3A_888 = arith.constant 32 : index
        %get3A_889 = tpu.vector_load %arg7[%get3A_887, %get3A_888] {strides = array<i32>} : memref<200x64xf32, #tpu.memory_space<vmem>>, vector<1x16xf32>,
        %get3A_890 = vector.shape_cast %get3A_889 : vector<1x16xf32> to vector<16xf32>
        %swap3A_891 = arith.constant 0 : i32
        %swap3A_892 = arith.constant 0 : i32
        %swap3A_893 = tpu.memref_slice %arg8[%scan3A, %swap3A_891, %swap3A_892] : memref<4x128x64xf32, #tpu.memory_space<vmem>> -> memref<1x128x64xf32, #tpu.memory_space<vmem>>
        %swap3A_894 = tpu.memref_squeeze %swap3A_893 : memref<1x128x64xf32, #tpu.memory_space<vmem>> -> memref<128x64xf32, #tpu.memory_space<vmem>>
        %swap3A_895 = arith.index_cast %add3A_854 : i32 to index
        %swap3A_896 = arith.constant 32 : index
        %swap3A_897 = tpu.vector_load %swap3A_894[%swap3A_895, %swap3A_896] {strides = array<i32>} : memref<128x64xf32, #tpu.memory_space<vmem>>, vector<1x16xf32>,
        %swap3A_898 = vector.shape_cast %swap3A_897 : vector<1x16xf32> to vector<16xf32>
        %swap3A_899 = vector.shape_cast %get3A_890 : vector<16xf32> to vector<1x16xf32>
        tpu.vector_store %swap3A_894[%swap3A_895, %swap3A_896], %swap3A_899 {add = true, strides = array<i32>} : memref<128x64xf32, #tpu.memory_space<vmem>>, vector<1x16xf32>,
        %sub3A_900 = arith.constant 199 : i32
        %sub3A_901 = arith.subi %sub3A_900, %add3A_854 : i32
        %get3A_902 = arith.index_cast %sub3A_901 : i32 to index
        %get3A_903 = arith.constant 48 : index
        %get3A_904 = tpu.vector_load %arg7[%get3A_902, %get3A_903] {strides = array<i32>} : memref<200x64xf32, #tpu.memory_space<vmem>>, vector<1x16xf32>,
        %get3A_905 = vector.shape_cast %get3A_904 : vector<1x16xf32> to vector<16xf32>
        %swap3A_906 = arith.constant 0 : i32
        %swap3A_907 = arith.constant 0 : i32
        %swap3A_908 = tpu.memref_slice %arg8[%scan3A, %swap3A_906, %swap3A_907] : memref<4x128x64xf32, #tpu.memory_space<vmem>> -> memref<1x128x64xf32, #tpu.memory_space<vmem>>
        %swap3A_909 = tpu.memref_squeeze %swap3A_908 : memref<1x128x64xf32, #tpu.memory_space<vmem>> -> memref<128x64xf32, #tpu.memory_space<vmem>>
        %swap3A_910 = arith.index_cast %add3A_854 : i32 to index
        %swap3A_911 = arith.constant 48 : index
        %swap3A_912 = tpu.vector_load %swap3A_909[%swap3A_910, %swap3A_911] {strides = array<i32>} : memref<128x64xf32, #tpu.memory_space<vmem>>, vector<1x16xf32>,
        %swap3A_913 = vector.shape_cast %swap3A_912 : vector<1x16xf32> to vector<16xf32>
        %swap3A_914 = vector.shape_cast %get3A_905 : vector<16xf32> to vector<1x16xf32>
        tpu.vector_store %swap3A_909[%swap3A_910, %swap3A_911], %swap3A_914 {add = true, strides = array<i32>} : memref<128x64xf32, #tpu.memory_space<vmem>>, vector<1x16xf32>,
      }
      %scan3A_304 = arith.constant 128 : i32
      %add3A_305 = arith.constant 1 : i32
      %add3A_306 = arith.addi %add3A_157, %add3A_305 : i32
      %mul3A_307 = arith.constant 200 : i32
      %mul3A_308 = arith.muli %add3A_306, %mul3A_307 : i32
      %add3A_309 = arith.addi %mul3A_4, %mul3A_308 : i32
      %add3A_310 = arith.constant 0 : i32
      %add3A_311 = arith.addi %add3A_309, %add3A_310 : i32
      %dma_start3A_312 = arith.constant 0 : i32
      %dma_start3A_313 = arith.constant 0 : i32
      %dma_start3A_314 = tpu.memref_slice %arg8[%scan3A, %dma_start3A_312, %dma_start3A_313] : memref<4x128x64xf32, #tpu.memory_space<vmem>> -> memref<1x128x64xf32, #tpu.memory_space<vmem>>
      %dma_start3A_315 = tpu.memref_squeeze %dma_start3A_314 : memref<1x128x64xf32, #tpu.memory_space<vmem>> -> memref<128x64xf32, #tpu.memory_space<vmem>>
      %dma_start3A_316 = arith.constant 0 : i32
      %dma_start3A_317 = arith.constant 0 : i32
      %dma_start3A_318 = tpu.memref_slice %dma_start3A_315[%dma_start3A_316, %dma_start3A_317] : memref<128x64xf32, #tpu.memory_space<vmem>> -> memref<128x64xf32, #tpu.memory_space<vmem>>
      %dma_start3A_319 = arith.constant 0 : i32
      %dma_start3A_320 = tpu.memref_slice %arg5[%add3A_311, %dma_start3A_319] : memref<819200x64xf32, #tpu.memory_space<hbm>> -> memref<128x64xf32, #tpu.memory_space<hbm>>
      %dma_start3A_321 = tpu.memref_slice %arg9[%scan3A_42] : memref<8x!tpu.dma_semaphore, #tpu.memory_space<semaphore_mem>> -> memref<1x!tpu.dma_semaphore, #tpu.memory_space<semaphore_mem>>
      %dma_start3A_322 = tpu.memref_squeeze %dma_start3A_321 : memref<1x!tpu.dma_semaphore, #tpu.memory_space<semaphore_mem>> -> memref<!tpu.dma_semaphore, #tpu.memory_space<semaphore_mem>>
      %dma_start3A_323 = arith.constant 0 : i32
      %dma_start3A_324 = tpu.memref_slice %arg5[%add3A_311, %dma_start3A_323] : memref<819200x64xf32, #tpu.memory_space<hbm>> -> memref<128x64xf32, #tpu.memory_space<hbm>>
      %dma_start3A_325 = arith.constant 0 : i32
      %dma_start3A_326 = arith.constant 0 : i32
      %dma_start3A_327 = tpu.memref_slice %arg8[%scan3A, %dma_start3A_325, %dma_start3A_326] : memref<4x128x64xf32, #tpu.memory_space<vmem>> -> memref<1x128x64xf32, #tpu.memory_space<vmem>>
      %dma_start3A_328 = tpu.memref_squeeze %dma_start3A_327 : memref<1x128x64xf32, #tpu.memory_space<vmem>> -> memref<128x64xf32, #tpu.memory_space<vmem>>
      %dma_start3A_329 = arith.constant 0 : i32
      %dma_start3A_330 = arith.constant 0 : i32
      %dma_start3A_331 = tpu.memref_slice %dma_start3A_328[%dma_start3A_329, %dma_start3A_330] : memref<128x64xf32, #tpu.memory_space<vmem>> -> memref<128x64xf32, #tpu.memory_space<vmem>>
      tpu.enqueue_dma source(%dma_start3A_331 : memref<128x64xf32, #tpu.memory_space<vmem>>) target(%dma_start3A_324 : memref<128x64xf32, #tpu.memory_space<hbm>>) target_semaphore(%dma_start3A_322 : memref<!tpu.dma_semaphore, #tpu.memory_space<semaphore_mem>>)
      %mul3A_332 = arith.constant 2 : i32
      %mul3A_333 = arith.muli %mul3A_332, %add3A_157 : i32
      %add3A_334 = arith.constant 3 : i32
      %add3A_335 = arith.addi %mul3A_333, %add3A_334 : i32
      %add3A_336 = arith.constant 2 : i32
      %add3A_337 = arith.addi %add3A_335, %add3A_336 : i32
      %lt3A_338 = arith.constant 256 : i32
      %lt3A_339 = arith.cmpi slt, %add3A_337, %lt3A_338 : i32
      %convert_element_type3A_340 = arith.extui %lt3A_339 : i1 to i32
      %cond3A_341 = arith.constant 0 : i32
      %cond3A_342 = arith.cmpi ne, %convert_element_type3A_340, %cond3A_341 : i32
      scf.if %cond3A_342 {
        %ge3A = arith.constant 2 : i32
        %ge3A_391 = arith.cmpi sge, %add3A_335, %ge3A : i32
        %convert_element_type3A_392 = arith.extui %ge3A_391 : i1 to i32
        %cond3A_393 = arith.constant 0 : i32
        %cond3A_394 = arith.cmpi ne, %convert_element_type3A_392, %cond3A_393 : i32
        scf.if %cond3A_394 {
          %dma_wait3A_414 = arith.constant 0 : i32
          %dma_wait3A_415 = arith.constant 0 : i32
          %dma_wait3A_416 = tpu.memref_slice %arg8[%scan3A_50, %dma_wait3A_414, %dma_wait3A_415] : memref<4x128x64xf32, #tpu.memory_space<vmem>> -> memref<1x128x64xf32, #tpu.memory_space<vmem>>
          %dma_wait3A_417 = tpu.memref_squeeze %dma_wait3A_416 : memref<1x128x64xf32, #tpu.memory_space<vmem>> -> memref<128x64xf32, #tpu.memory_space<vmem>>
          %dma_wait3A_418 = arith.constant 0 : i32
          %dma_wait3A_419 = arith.constant 0 : i32
          %dma_wait3A_420 = tpu.memref_slice %dma_wait3A_417[%dma_wait3A_418, %dma_wait3A_419] : memref<128x64xf32, #tpu.memory_space<vmem>> -> memref<72x64xf32, #tpu.memory_space<vmem>>
          %dma_wait3A_421 = arith.constant 0 : i32
          %dma_wait3A_422 = arith.constant 0 : i32
          %dma_wait3A_423 = tpu.memref_slice %arg5[%dma_wait3A_421, %dma_wait3A_422] : memref<819200x64xf32, #tpu.memory_space<hbm>> -> memref<72x64xf32, #tpu.memory_space<hbm>>
          %dma_wait3A_424 = tpu.memref_slice %arg9[%scan3A_52] : memref<8x!tpu.dma_semaphore, #tpu.memory_space<semaphore_mem>> -> memref<1x!tpu.dma_semaphore, #tpu.memory_space<semaphore_mem>>
          %dma_wait3A_425 = tpu.memref_squeeze %dma_wait3A_424 : memref<1x!tpu.dma_semaphore, #tpu.memory_space<semaphore_mem>> -> memref<!tpu.dma_semaphore, #tpu.memory_space<semaphore_mem>>
          %dma_wait3A_426 = arith.constant 0 : i32
          %dma_wait3A_427 = arith.constant 0 : i32
          %dma_wait3A_428 = tpu.memref_slice %arg5[%dma_wait3A_426, %dma_wait3A_427] : memref<819200x64xf32, #tpu.memory_space<hbm>> -> memref<72x64xf32, #tpu.memory_space<hbm>>
          %dma_wait3A_429 = arith.constant 0 : i32
          %dma_wait3A_430 = arith.constant 0 : i32
          %dma_wait3A_431 = tpu.memref_slice %arg8[%scan3A_50, %dma_wait3A_429, %dma_wait3A_430] : memref<4x128x64xf32, #tpu.memory_space<vmem>> -> memref<1x128x64xf32, #tpu.memory_space<vmem>>
          %dma_wait3A_432 = tpu.memref_squeeze %dma_wait3A_431 : memref<1x128x64xf32, #tpu.memory_space<vmem>> -> memref<128x64xf32, #tpu.memory_space<vmem>>
          %dma_wait3A_433 = arith.constant 0 : i32
          %dma_wait3A_434 = arith.constant 0 : i32
          %dma_wait3A_435 = tpu.memref_slice %dma_wait3A_432[%dma_wait3A_433, %dma_wait3A_434] : memref<128x64xf32, #tpu.memory_space<vmem>> -> memref<72x64xf32, #tpu.memory_space<vmem>>
          tpu.wait_dma2 semaphore(%dma_wait3A_425 : memref<!tpu.dma_semaphore, #tpu.memory_space<semaphore_mem>>) src(%dma_wait3A_435 : memref<72x64xf32, #tpu.memory_space<vmem>>) dst(%dma_wait3A_428 : memref<72x64xf32, #tpu.memory_space<hbm>>)
        } else {
        }
        %add3A_395 = arith.constant 1 : i32
        %add3A_396 = arith.addi %add3A_157, %add3A_395 : i32
        %add3A_397 = arith.constant 1 : i32
        %add3A_398 = arith.addi %add3A_396, %add3A_397 : i32
        %dma_start3A_399 = arith.constant 0 : i32
        %dma_start3A_400 = arith.constant 0 : i32
        %dma_start3A_401 = tpu.memref_slice %arg8[%scan3A_50, %dma_start3A_399, %dma_start3A_400] : memref<4x128x64xf32, #tpu.memory_space<vmem>> -> memref<1x128x64xf32, #tpu.memory_space<vmem>>
        %dma_start3A_402 = tpu.memref_squeeze %dma_start3A_401 : memref<1x128x64xf32, #tpu.memory_space<vmem>> -> memref<128x64xf32, #tpu.memory_space<vmem>>
        %dma_start3A_403 = arith.constant 0 : i32
        %dma_start3A_404 = arith.constant 0 : i32
        %dma_start3A_405 = tpu.memref_slice %dma_start3A_402[%dma_start3A_403, %dma_start3A_404] : memref<128x64xf32, #tpu.memory_space<vmem>> -> memref<72x64xf32, #tpu.memory_space<vmem>>
        %dma_start3A_406 = arith.constant 128 : i32
        %dma_start3A_407 = tpu.memref_slice %arg6[%add3A_398, %dma_start3A_406] : memref<128x200xi32, #tpu.memory_space<vmem>> -> memref<1x72xi32, #tpu.memory_space<vmem>>
        %dma_start3A_408 = tpu.memref_squeeze %dma_start3A_407 : memref<1x72xi32, #tpu.memory_space<vmem>> -> memref<72xi32, #tpu.memory_space<vmem>>
        %dma_start3A_409 = arith.constant 0 : i32
        %dma_start3A_410 = arith.constant 0 : i32
        %dma_start3A_411 = tpu.memref_slice %arg3[%dma_start3A_409, %dma_start3A_410] : memref<1000000x64xf32, #tpu.memory_space<hbm>> -> memref<1000000x64xf32, #tpu.memory_space<hbm>>
        %dma_start3A_412 = tpu.memref_slice %arg9[%scan3A_51] : memref<8x!tpu.dma_semaphore, #tpu.memory_space<semaphore_mem>> -> memref<1x!tpu.dma_semaphore, #tpu.memory_space<semaphore_mem>>
        %dma_start3A_413 = tpu.memref_squeeze %dma_start3A_412 : memref<1x!tpu.dma_semaphore, #tpu.memory_space<semaphore_mem>> -> memref<!tpu.dma_semaphore, #tpu.memory_space<semaphore_mem>>
        tpu.enqueue_indirect_dma source(%dma_start3A_411 : memref<1000000x64xf32, #tpu.memory_space<hbm>>) target(%dma_start3A_405 : memref<72x64xf32, #tpu.memory_space<vmem>>) offsets(%dma_start3A_408 : memref<72xi32, #tpu.memory_space<vmem>>) semaphore(%dma_start3A_413 : memref<!tpu.dma_semaphore, #tpu.memory_space<semaphore_mem>>)
      } else {
      }
      %dma_wait3A_343 = arith.constant 0 : i32
      %dma_wait3A_344 = arith.constant 0 : i32
      %dma_wait3A_345 = arith.constant 0 : i32
      %dma_wait3A_346 = tpu.memref_slice %arg8[%scan3A_47, %dma_wait3A_344, %dma_wait3A_345] : memref<4x128x64xf32, #tpu.memory_space<vmem>> -> memref<1x128x64xf32, #tpu.memory_space<vmem>>
      %dma_wait3A_347 = tpu.memref_squeeze %dma_wait3A_346 : memref<1x128x64xf32, #tpu.memory_space<vmem>> -> memref<128x64xf32, #tpu.memory_space<vmem>>
      %dma_wait3A_348 = arith.constant 0 : i32
      %dma_wait3A_349 = arith.constant 0 : i32
      %dma_wait3A_350 = tpu.memref_slice %dma_wait3A_347[%dma_wait3A_348, %dma_wait3A_349] : memref<128x64xf32, #tpu.memory_space<vmem>> -> memref<72x64xf32, #tpu.memory_space<vmem>>
      %dma_wait3A_351 = arith.constant 0 : i32
      %dma_wait3A_352 = tpu.memref_slice %arg6[%dma_wait3A_343, %dma_wait3A_351] : memref<128x200xi32, #tpu.memory_space<vmem>> -> memref<1x72xi32, #tpu.memory_space<vmem>>
      %dma_wait3A_353 = tpu.memref_squeeze %dma_wait3A_352 : memref<1x72xi32, #tpu.memory_space<vmem>> -> memref<72xi32, #tpu.memory_space<vmem>>
      %dma_wait3A_354 = arith.constant 0 : i32
      %dma_wait3A_355 = arith.constant 0 : i32
      %dma_wait3A_356 = tpu.memref_slice %arg3[%dma_wait3A_354, %dma_wait3A_355] : memref<1000000x64xf32, #tpu.memory_space<hbm>> -> memref<1000000x64xf32, #tpu.memory_space<hbm>>
      %dma_wait3A_357 = tpu.memref_slice %arg9[%scan3A_49] : memref<8x!tpu.dma_semaphore, #tpu.memory_space<semaphore_mem>> -> memref<1x!tpu.dma_semaphore, #tpu.memory_space<semaphore_mem>>
      %dma_wait3A_358 = tpu.memref_squeeze %dma_wait3A_357 : memref<1x!tpu.dma_semaphore, #tpu.memory_space<semaphore_mem>> -> memref<!tpu.dma_semaphore, #tpu.memory_space<semaphore_mem>>
      tpu.wait_indirect_dma semaphore(%dma_wait3A_358 : memref<!tpu.dma_semaphore, #tpu.memory_space<semaphore_mem>>) src(%dma_wait3A_356 : memref<1000000x64xf32, #tpu.memory_space<hbm>>) dst(%dma_wait3A_350 : memref<72x64xf32, #tpu.memory_space<vmem>>)
      %scan3A_359 = arith.constant 0 : i32
      %scan3A_360 = arith.constant 72 : i32
      %scan3A_361 = arith.addi %scan3A_359, %scan3A_360 : i32
      %scan3A_362 = arith.constant 8 : i32
      scf.for %scan3A_391 = %scan3A_359 to %scan3A_361 step %scan3A_362  : i32 {
        %mul3A_392 = arith.constant 1 : i32
        %mul3A_393 = arith.muli %scan3A_391, %mul3A_392 : i32
        %add3A_394 = arith.constant 0 : i32
        %add3A_395 = arith.addi %add3A_394, %mul3A_393 : i32
        %sub3A = arith.constant 71 : i32
        %sub3A_396 = arith.subi %sub3A, %add3A_395 : i32
        %get3A = arith.index_cast %sub3A_396 : i32 to index
        %get3A_397 = arith.constant 0 : index
        %get3A_398 = tpu.vector_load %arg7[%get3A, %get3A_397] {strides = array<i32>} : memref<200x64xf32, #tpu.memory_space<vmem>>, vector<1x16xf32>,
        %get3A_399 = vector.shape_cast %get3A_398 : vector<1x16xf32> to vector<16xf32>
        %swap3A = arith.constant 0 : i32
        %swap3A_400 = arith.constant 0 : i32
        %swap3A_401 = tpu.memref_slice %arg8[%scan3A_47, %swap3A, %swap3A_400] : memref<4x128x64xf32, #tpu.memory_space<vmem>> -> memref<1x128x64xf32, #tpu.memory_space<vmem>>
        %swap3A_402 = tpu.memref_squeeze %swap3A_401 : memref<1x128x64xf32, #tpu.memory_space<vmem>> -> memref<128x64xf32, #tpu.memory_space<vmem>>
        %swap3A_403 = arith.index_cast %add3A_395 : i32 to index
        %swap3A_404 = arith.constant 0 : index
        %swap3A_405 = tpu.vector_load %swap3A_402[%swap3A_403, %swap3A_404] {strides = array<i32>} : memref<128x64xf32, #tpu.memory_space<vmem>>, vector<1x16xf32>,
        %swap3A_406 = vector.shape_cast %swap3A_405 : vector<1x16xf32> to vector<16xf32>
        %swap3A_407 = vector.shape_cast %get3A_399 : vector<16xf32> to vector<1x16xf32>
        tpu.vector_store %swap3A_402[%swap3A_403, %swap3A_404], %swap3A_407 {add = true, strides = array<i32>} : memref<128x64xf32, #tpu.memory_space<vmem>>, vector<1x16xf32>,
        %sub3A_408 = arith.constant 71 : i32
        %sub3A_409 = arith.subi %sub3A_408, %add3A_395 : i32
        %get3A_410 = arith.index_cast %sub3A_409 : i32 to index
        %get3A_411 = arith.constant 16 : index
        %get3A_412 = tpu.vector_load %arg7[%get3A_410, %get3A_411] {strides = array<i32>} : memref<200x64xf32, #tpu.memory_space<vmem>>, vector<1x16xf32>,
        %get3A_413 = vector.shape_cast %get3A_412 : vector<1x16xf32> to vector<16xf32>
        %swap3A_414 = arith.constant 0 : i32
        %swap3A_415 = arith.constant 0 : i32
        %swap3A_416 = tpu.memref_slice %arg8[%scan3A_47, %swap3A_414, %swap3A_415] : memref<4x128x64xf32, #tpu.memory_space<vmem>> -> memref<1x128x64xf32, #tpu.memory_space<vmem>>
        %swap3A_417 = tpu.memref_squeeze %swap3A_416 : memref<1x128x64xf32, #tpu.memory_space<vmem>> -> memref<128x64xf32, #tpu.memory_space<vmem>>
        %swap3A_418 = arith.index_cast %add3A_395 : i32 to index
        %swap3A_419 = arith.constant 16 : index
        %swap3A_420 = tpu.vector_load %swap3A_417[%swap3A_418, %swap3A_419] {strides = array<i32>} : memref<128x64xf32, #tpu.memory_space<vmem>>, vector<1x16xf32>,
        %swap3A_421 = vector.shape_cast %swap3A_420 : vector<1x16xf32> to vector<16xf32>
        %swap3A_422 = vector.shape_cast %get3A_413 : vector<16xf32> to vector<1x16xf32>
        tpu.vector_store %swap3A_417[%swap3A_418, %swap3A_419], %swap3A_422 {add = true, strides = array<i32>} : memref<128x64xf32, #tpu.memory_space<vmem>>, vector<1x16xf32>,
        %sub3A_423 = arith.constant 71 : i32
        %sub3A_424 = arith.subi %sub3A_423, %add3A_395 : i32
        %get3A_425 = arith.index_cast %sub3A_424 : i32 to index
        %get3A_426 = arith.constant 32 : index
        %get3A_427 = tpu.vector_load %arg7[%get3A_425, %get3A_426] {strides = array<i32>} : memref<200x64xf32, #tpu.memory_space<vmem>>, vector<1x16xf32>,
        %get3A_428 = vector.shape_cast %get3A_427 : vector<1x16xf32> to vector<16xf32>
        %swap3A_429 = arith.constant 0 : i32
        %swap3A_430 = arith.constant 0 : i32
        %swap3A_431 = tpu.memref_slice %arg8[%scan3A_47, %swap3A_429, %swap3A_430] : memref<4x128x64xf32, #tpu.memory_space<vmem>> -> memref<1x128x64xf32, #tpu.memory_space<vmem>>
        %swap3A_432 = tpu.memref_squeeze %swap3A_431 : memref<1x128x64xf32, #tpu.memory_space<vmem>> -> memref<128x64xf32, #tpu.memory_space<vmem>>
        %swap3A_433 = arith.index_cast %add3A_395 : i32 to index
        %swap3A_434 = arith.constant 32 : index
        %swap3A_435 = tpu.vector_load %swap3A_432[%swap3A_433, %swap3A_434] {strides = array<i32>} : memref<128x64xf32, #tpu.memory_space<vmem>>, vector<1x16xf32>,
        %swap3A_436 = vector.shape_cast %swap3A_435 : vector<1x16xf32> to vector<16xf32>
        %swap3A_437 = vector.shape_cast %get3A_428 : vector<16xf32> to vector<1x16xf32>
        tpu.vector_store %swap3A_432[%swap3A_433, %swap3A_434], %swap3A_437 {add = true, strides = array<i32>} : memref<128x64xf32, #tpu.memory_space<vmem>>, vector<1x16xf32>,
        %sub3A_438 = arith.constant 71 : i32
        %sub3A_439 = arith.subi %sub3A_438, %add3A_395 : i32
        %get3A_440 = arith.index_cast %sub3A_439 : i32 to index
        %get3A_441 = arith.constant 48 : index
        %get3A_442 = tpu.vector_load %arg7[%get3A_440, %get3A_441] {strides = array<i32>} : memref<200x64xf32, #tpu.memory_space<vmem>>, vector<1x16xf32>,
        %get3A_443 = vector.shape_cast %get3A_442 : vector<1x16xf32> to vector<16xf32>
        %swap3A_444 = arith.constant 0 : i32
        %swap3A_445 = arith.constant 0 : i32
        %swap3A_446 = tpu.memref_slice %arg8[%scan3A_47, %swap3A_444, %swap3A_445] : memref<4x128x64xf32, #tpu.memory_space<vmem>> -> memref<1x128x64xf32, #tpu.memory_space<vmem>>
        %swap3A_447 = tpu.memref_squeeze %swap3A_446 : memref<1x128x64xf32, #tpu.memory_space<vmem>> -> memref<128x64xf32, #tpu.memory_space<vmem>>
        %swap3A_448 = arith.index_cast %add3A_395 : i32 to index
        %swap3A_449 = arith.constant 48 : index
        %swap3A_450 = tpu.vector_load %swap3A_447[%swap3A_448, %swap3A_449] {strides = array<i32>} : memref<128x64xf32, #tpu.memory_space<vmem>>, vector<1x16xf32>,
        %swap3A_451 = vector.shape_cast %swap3A_450 : vector<1x16xf32> to vector<16xf32>
        %swap3A_452 = vector.shape_cast %get3A_443 : vector<16xf32> to vector<1x16xf32>
        tpu.vector_store %swap3A_447[%swap3A_448, %swap3A_449], %swap3A_452 {add = true, strides = array<i32>} : memref<128x64xf32, #tpu.memory_space<vmem>>, vector<1x16xf32>,
        %scan3A_453 = arith.constant 1 : i32
        %scan3A_454 = arith.addi %scan3A_391, %scan3A_453 : i32
        %mul3A_455 = arith.constant 1 : i32
        %mul3A_456 = arith.muli %scan3A_454, %mul3A_455 : i32
        %add3A_457 = arith.constant 0 : i32
        %add3A_458 = arith.addi %add3A_457, %mul3A_456 : i32
        %sub3A_459 = arith.constant 71 : i32
        %sub3A_460 = arith.subi %sub3A_459, %add3A_458 : i32
        %get3A_461 = arith.index_cast %sub3A_460 : i32 to index
        %get3A_462 = arith.constant 0 : index
        %get3A_463 = tpu.vector_load %arg7[%get3A_461, %get3A_462] {strides = array<i32>} : memref<200x64xf32, #tpu.memory_space<vmem>>, vector<1x16xf32>,
        %get3A_464 = vector.shape_cast %get3A_463 : vector<1x16xf32> to vector<16xf32>
        %swap3A_465 = arith.constant 0 : i32
        %swap3A_466 = arith.constant 0 : i32
        %swap3A_467 = tpu.memref_slice %arg8[%scan3A_47, %swap3A_465, %swap3A_466] : memref<4x128x64xf32, #tpu.memory_space<vmem>> -> memref<1x128x64xf32, #tpu.memory_space<vmem>>
        %swap3A_468 = tpu.memref_squeeze %swap3A_467 : memref<1x128x64xf32, #tpu.memory_space<vmem>> -> memref<128x64xf32, #tpu.memory_space<vmem>>
        %swap3A_469 = arith.index_cast %add3A_458 : i32 to index
        %swap3A_470 = arith.constant 0 : index
        %swap3A_471 = tpu.vector_load %swap3A_468[%swap3A_469, %swap3A_470] {strides = array<i32>} : memref<128x64xf32, #tpu.memory_space<vmem>>, vector<1x16xf32>,
        %swap3A_472 = vector.shape_cast %swap3A_471 : vector<1x16xf32> to vector<16xf32>
        %swap3A_473 = vector.shape_cast %get3A_464 : vector<16xf32> to vector<1x16xf32>
        tpu.vector_store %swap3A_468[%swap3A_469, %swap3A_470], %swap3A_473 {add = true, strides = array<i32>} : memref<128x64xf32, #tpu.memory_space<vmem>>, vector<1x16xf32>,
        %sub3A_474 = arith.constant 71 : i32
        %sub3A_475 = arith.subi %sub3A_474, %add3A_458 : i32
        %get3A_476 = arith.index_cast %sub3A_475 : i32 to index
        %get3A_477 = arith.constant 16 : index
        %get3A_478 = tpu.vector_load %arg7[%get3A_476, %get3A_477] {strides = array<i32>} : memref<200x64xf32, #tpu.memory_space<vmem>>, vector<1x16xf32>,
        %get3A_479 = vector.shape_cast %get3A_478 : vector<1x16xf32> to vector<16xf32>
        %swap3A_480 = arith.constant 0 : i32
        %swap3A_481 = arith.constant 0 : i32
        %swap3A_482 = tpu.memref_slice %arg8[%scan3A_47, %swap3A_480, %swap3A_481] : memref<4x128x64xf32, #tpu.memory_space<vmem>> -> memref<1x128x64xf32, #tpu.memory_space<vmem>>
        %swap3A_483 = tpu.memref_squeeze %swap3A_482 : memref<1x128x64xf32, #tpu.memory_space<vmem>> -> memref<128x64xf32, #tpu.memory_space<vmem>>
        %swap3A_484 = arith.index_cast %add3A_458 : i32 to index
        %swap3A_485 = arith.constant 16 : index
        %swap3A_486 = tpu.vector_load %swap3A_483[%swap3A_484, %swap3A_485] {strides = array<i32>} : memref<128x64xf32, #tpu.memory_space<vmem>>, vector<1x16xf32>,
        %swap3A_487 = vector.shape_cast %swap3A_486 : vector<1x16xf32> to vector<16xf32>
        %swap3A_488 = vector.shape_cast %get3A_479 : vector<16xf32> to vector<1x16xf32>
        tpu.vector_store %swap3A_483[%swap3A_484, %swap3A_485], %swap3A_488 {add = true, strides = array<i32>} : memref<128x64xf32, #tpu.memory_space<vmem>>, vector<1x16xf32>,
        %sub3A_489 = arith.constant 71 : i32
        %sub3A_490 = arith.subi %sub3A_489, %add3A_458 : i32
        %get3A_491 = arith.index_cast %sub3A_490 : i32 to index
        %get3A_492 = arith.constant 32 : index
        %get3A_493 = tpu.vector_load %arg7[%get3A_491, %get3A_492] {strides = array<i32>} : memref<200x64xf32, #tpu.memory_space<vmem>>, vector<1x16xf32>,
        %get3A_494 = vector.shape_cast %get3A_493 : vector<1x16xf32> to vector<16xf32>
        %swap3A_495 = arith.constant 0 : i32
        %swap3A_496 = arith.constant 0 : i32
        %swap3A_497 = tpu.memref_slice %arg8[%scan3A_47, %swap3A_495, %swap3A_496] : memref<4x128x64xf32, #tpu.memory_space<vmem>> -> memref<1x128x64xf32, #tpu.memory_space<vmem>>
        %swap3A_498 = tpu.memref_squeeze %swap3A_497 : memref<1x128x64xf32, #tpu.memory_space<vmem>> -> memref<128x64xf32, #tpu.memory_space<vmem>>
        %swap3A_499 = arith.index_cast %add3A_458 : i32 to index
        %swap3A_500 = arith.constant 32 : index
        %swap3A_501 = tpu.vector_load %swap3A_498[%swap3A_499, %swap3A_500] {strides = array<i32>} : memref<128x64xf32, #tpu.memory_space<vmem>>, vector<1x16xf32>,
        %swap3A_502 = vector.shape_cast %swap3A_501 : vector<1x16xf32> to vector<16xf32>
        %swap3A_503 = vector.shape_cast %get3A_494 : vector<16xf32> to vector<1x16xf32>
        tpu.vector_store %swap3A_498[%swap3A_499, %swap3A_500], %swap3A_503 {add = true, strides = array<i32>} : memref<128x64xf32, #tpu.memory_space<vmem>>, vector<1x16xf32>,
        %sub3A_504 = arith.constant 71 : i32
        %sub3A_505 = arith.subi %sub3A_504, %add3A_458 : i32
        %get3A_506 = arith.index_cast %sub3A_505 : i32 to index
        %get3A_507 = arith.constant 48 : index
        %get3A_508 = tpu.vector_load %arg7[%get3A_506, %get3A_507] {strides = array<i32>} : memref<200x64xf32, #tpu.memory_space<vmem>>, vector<1x16xf32>,
        %get3A_509 = vector.shape_cast %get3A_508 : vector<1x16xf32> to vector<16xf32>
        %swap3A_510 = arith.constant 0 : i32
        %swap3A_511 = arith.constant 0 : i32
        %swap3A_512 = tpu.memref_slice %arg8[%scan3A_47, %swap3A_510, %swap3A_511] : memref<4x128x64xf32, #tpu.memory_space<vmem>> -> memref<1x128x64xf32, #tpu.memory_space<vmem>>
        %swap3A_513 = tpu.memref_squeeze %swap3A_512 : memref<1x128x64xf32, #tpu.memory_space<vmem>> -> memref<128x64xf32, #tpu.memory_space<vmem>>
        %swap3A_514 = arith.index_cast %add3A_458 : i32 to index
        %swap3A_515 = arith.constant 48 : index
        %swap3A_516 = tpu.vector_load %swap3A_513[%swap3A_514, %swap3A_515] {strides = array<i32>} : memref<128x64xf32, #tpu.memory_space<vmem>>, vector<1x16xf32>,
        %swap3A_517 = vector.shape_cast %swap3A_516 : vector<1x16xf32> to vector<16xf32>
        %swap3A_518 = vector.shape_cast %get3A_509 : vector<16xf32> to vector<1x16xf32>
        tpu.vector_store %swap3A_513[%swap3A_514, %swap3A_515], %swap3A_518 {add = true, strides = array<i32>} : memref<128x64xf32, #tpu.memory_space<vmem>>, vector<1x16xf32>,
        %scan3A_519 = arith.constant 2 : i32
        %scan3A_520 = arith.addi %scan3A_391, %scan3A_519 : i32
        %mul3A_521 = arith.constant 1 : i32
        %mul3A_522 = arith.muli %scan3A_520, %mul3A_521 : i32
        %add3A_523 = arith.constant 0 : i32
        %add3A_524 = arith.addi %add3A_523, %mul3A_522 : i32
        %sub3A_525 = arith.constant 71 : i32
        %sub3A_526 = arith.subi %sub3A_525, %add3A_524 : i32
        %get3A_527 = arith.index_cast %sub3A_526 : i32 to index
        %get3A_528 = arith.constant 0 : index
        %get3A_529 = tpu.vector_load %arg7[%get3A_527, %get3A_528] {strides = array<i32>} : memref<200x64xf32, #tpu.memory_space<vmem>>, vector<1x16xf32>,
        %get3A_530 = vector.shape_cast %get3A_529 : vector<1x16xf32> to vector<16xf32>
        %swap3A_531 = arith.constant 0 : i32
        %swap3A_532 = arith.constant 0 : i32
        %swap3A_533 = tpu.memref_slice %arg8[%scan3A_47, %swap3A_531, %swap3A_532] : memref<4x128x64xf32, #tpu.memory_space<vmem>> -> memref<1x128x64xf32, #tpu.memory_space<vmem>>
        %swap3A_534 = tpu.memref_squeeze %swap3A_533 : memref<1x128x64xf32, #tpu.memory_space<vmem>> -> memref<128x64xf32, #tpu.memory_space<vmem>>
        %swap3A_535 = arith.index_cast %add3A_524 : i32 to index
        %swap3A_536 = arith.constant 0 : index
        %swap3A_537 = tpu.vector_load %swap3A_534[%swap3A_535, %swap3A_536] {strides = array<i32>} : memref<128x64xf32, #tpu.memory_space<vmem>>, vector<1x16xf32>,
        %swap3A_538 = vector.shape_cast %swap3A_537 : vector<1x16xf32> to vector<16xf32>
        %swap3A_539 = vector.shape_cast %get3A_530 : vector<16xf32> to vector<1x16xf32>
        tpu.vector_store %swap3A_534[%swap3A_535, %swap3A_536], %swap3A_539 {add = true, strides = array<i32>} : memref<128x64xf32, #tpu.memory_space<vmem>>, vector<1x16xf32>,
        %sub3A_540 = arith.constant 71 : i32
        %sub3A_541 = arith.subi %sub3A_540, %add3A_524 : i32
        %get3A_542 = arith.index_cast %sub3A_541 : i32 to index
        %get3A_543 = arith.constant 16 : index
        %get3A_544 = tpu.vector_load %arg7[%get3A_542, %get3A_543] {strides = array<i32>} : memref<200x64xf32, #tpu.memory_space<vmem>>, vector<1x16xf32>,
        %get3A_545 = vector.shape_cast %get3A_544 : vector<1x16xf32> to vector<16xf32>
        %swap3A_546 = arith.constant 0 : i32
        %swap3A_547 = arith.constant 0 : i32
        %swap3A_548 = tpu.memref_slice %arg8[%scan3A_47, %swap3A_546, %swap3A_547] : memref<4x128x64xf32, #tpu.memory_space<vmem>> -> memref<1x128x64xf32, #tpu.memory_space<vmem>>
        %swap3A_549 = tpu.memref_squeeze %swap3A_548 : memref<1x128x64xf32, #tpu.memory_space<vmem>> -> memref<128x64xf32, #tpu.memory_space<vmem>>
        %swap3A_550 = arith.index_cast %add3A_524 : i32 to index
        %swap3A_551 = arith.constant 16 : index
        %swap3A_552 = tpu.vector_load %swap3A_549[%swap3A_550, %swap3A_551] {strides = array<i32>} : memref<128x64xf32, #tpu.memory_space<vmem>>, vector<1x16xf32>,
        %swap3A_553 = vector.shape_cast %swap3A_552 : vector<1x16xf32> to vector<16xf32>
        %swap3A_554 = vector.shape_cast %get3A_545 : vector<16xf32> to vector<1x16xf32>
        tpu.vector_store %swap3A_549[%swap3A_550, %swap3A_551], %swap3A_554 {add = true, strides = array<i32>} : memref<128x64xf32, #tpu.memory_space<vmem>>, vector<1x16xf32>,
        %sub3A_555 = arith.constant 71 : i32
        %sub3A_556 = arith.subi %sub3A_555, %add3A_524 : i32
        %get3A_557 = arith.index_cast %sub3A_556 : i32 to index
        %get3A_558 = arith.constant 32 : index
        %get3A_559 = tpu.vector_load %arg7[%get3A_557, %get3A_558] {strides = array<i32>} : memref<200x64xf32, #tpu.memory_space<vmem>>, vector<1x16xf32>,
        %get3A_560 = vector.shape_cast %get3A_559 : vector<1x16xf32> to vector<16xf32>
        %swap3A_561 = arith.constant 0 : i32
        %swap3A_562 = arith.constant 0 : i32
        %swap3A_563 = tpu.memref_slice %arg8[%scan3A_47, %swap3A_561, %swap3A_562] : memref<4x128x64xf32, #tpu.memory_space<vmem>> -> memref<1x128x64xf32, #tpu.memory_space<vmem>>
        %swap3A_564 = tpu.memref_squeeze %swap3A_563 : memref<1x128x64xf32, #tpu.memory_space<vmem>> -> memref<128x64xf32, #tpu.memory_space<vmem>>
        %swap3A_565 = arith.index_cast %add3A_524 : i32 to index
        %swap3A_566 = arith.constant 32 : index
        %swap3A_567 = tpu.vector_load %swap3A_564[%swap3A_565, %swap3A_566] {strides = array<i32>} : memref<128x64xf32, #tpu.memory_space<vmem>>, vector<1x16xf32>,
        %swap3A_568 = vector.shape_cast %swap3A_567 : vector<1x16xf32> to vector<16xf32>
        %swap3A_569 = vector.shape_cast %get3A_560 : vector<16xf32> to vector<1x16xf32>
        tpu.vector_store %swap3A_564[%swap3A_565, %swap3A_566], %swap3A_569 {add = true, strides = array<i32>} : memref<128x64xf32, #tpu.memory_space<vmem>>, vector<1x16xf32>,
        %sub3A_570 = arith.constant 71 : i32
        %sub3A_571 = arith.subi %sub3A_570, %add3A_524 : i32
        %get3A_572 = arith.index_cast %sub3A_571 : i32 to index
        %get3A_573 = arith.constant 48 : index
        %get3A_574 = tpu.vector_load %arg7[%get3A_572, %get3A_573] {strides = array<i32>} : memref<200x64xf32, #tpu.memory_space<vmem>>, vector<1x16xf32>,
        %get3A_575 = vector.shape_cast %get3A_574 : vector<1x16xf32> to vector<16xf32>
        %swap3A_576 = arith.constant 0 : i32
        %swap3A_577 = arith.constant 0 : i32
        %swap3A_578 = tpu.memref_slice %arg8[%scan3A_47, %swap3A_576, %swap3A_577] : memref<4x128x64xf32, #tpu.memory_space<vmem>> -> memref<1x128x64xf32, #tpu.memory_space<vmem>>
        %swap3A_579 = tpu.memref_squeeze %swap3A_578 : memref<1x128x64xf32, #tpu.memory_space<vmem>> -> memref<128x64xf32, #tpu.memory_space<vmem>>
        %swap3A_580 = arith.index_cast %add3A_524 : i32 to index
        %swap3A_581 = arith.constant 48 : index
        %swap3A_582 = tpu.vector_load %swap3A_579[%swap3A_580, %swap3A_581] {strides = array<i32>} : memref<128x64xf32, #tpu.memory_space<vmem>>, vector<1x16xf32>,
        %swap3A_583 = vector.shape_cast %swap3A_582 : vector<1x16xf32> to vector<16xf32>
        %swap3A_584 = vector.shape_cast %get3A_575 : vector<16xf32> to vector<1x16xf32>
        tpu.vector_store %swap3A_579[%swap3A_580, %swap3A_581], %swap3A_584 {add = true, strides = array<i32>} : memref<128x64xf32, #tpu.memory_space<vmem>>, vector<1x16xf32>,
        %scan3A_585 = arith.constant 3 : i32
        %scan3A_586 = arith.addi %scan3A_391, %scan3A_585 : i32
        %mul3A_587 = arith.constant 1 : i32
        %mul3A_588 = arith.muli %scan3A_586, %mul3A_587 : i32
        %add3A_589 = arith.constant 0 : i32
        %add3A_590 = arith.addi %add3A_589, %mul3A_588 : i32
        %sub3A_591 = arith.constant 71 : i32
        %sub3A_592 = arith.subi %sub3A_591, %add3A_590 : i32
        %get3A_593 = arith.index_cast %sub3A_592 : i32 to index
        %get3A_594 = arith.constant 0 : index
        %get3A_595 = tpu.vector_load %arg7[%get3A_593, %get3A_594] {strides = array<i32>} : memref<200x64xf32, #tpu.memory_space<vmem>>, vector<1x16xf32>,
        %get3A_596 = vector.shape_cast %get3A_595 : vector<1x16xf32> to vector<16xf32>
        %swap3A_597 = arith.constant 0 : i32
        %swap3A_598 = arith.constant 0 : i32
        %swap3A_599 = tpu.memref_slice %arg8[%scan3A_47, %swap3A_597, %swap3A_598] : memref<4x128x64xf32, #tpu.memory_space<vmem>> -> memref<1x128x64xf32, #tpu.memory_space<vmem>>
        %swap3A_600 = tpu.memref_squeeze %swap3A_599 : memref<1x128x64xf32, #tpu.memory_space<vmem>> -> memref<128x64xf32, #tpu.memory_space<vmem>>
        %swap3A_601 = arith.index_cast %add3A_590 : i32 to index
        %swap3A_602 = arith.constant 0 : index
        %swap3A_603 = tpu.vector_load %swap3A_600[%swap3A_601, %swap3A_602] {strides = array<i32>} : memref<128x64xf32, #tpu.memory_space<vmem>>, vector<1x16xf32>,
        %swap3A_604 = vector.shape_cast %swap3A_603 : vector<1x16xf32> to vector<16xf32>
        %swap3A_605 = vector.shape_cast %get3A_596 : vector<16xf32> to vector<1x16xf32>
        tpu.vector_store %swap3A_600[%swap3A_601, %swap3A_602], %swap3A_605 {add = true, strides = array<i32>} : memref<128x64xf32, #tpu.memory_space<vmem>>, vector<1x16xf32>,
        %sub3A_606 = arith.constant 71 : i32
        %sub3A_607 = arith.subi %sub3A_606, %add3A_590 : i32
        %get3A_608 = arith.index_cast %sub3A_607 : i32 to index
        %get3A_609 = arith.constant 16 : index
        %get3A_610 = tpu.vector_load %arg7[%get3A_608, %get3A_609] {strides = array<i32>} : memref<200x64xf32, #tpu.memory_space<vmem>>, vector<1x16xf32>,
        %get3A_611 = vector.shape_cast %get3A_610 : vector<1x16xf32> to vector<16xf32>
        %swap3A_612 = arith.constant 0 : i32
        %swap3A_613 = arith.constant 0 : i32
        %swap3A_614 = tpu.memref_slice %arg8[%scan3A_47, %swap3A_612, %swap3A_613] : memref<4x128x64xf32, #tpu.memory_space<vmem>> -> memref<1x128x64xf32, #tpu.memory_space<vmem>>
        %swap3A_615 = tpu.memref_squeeze %swap3A_614 : memref<1x128x64xf32, #tpu.memory_space<vmem>> -> memref<128x64xf32, #tpu.memory_space<vmem>>
        %swap3A_616 = arith.index_cast %add3A_590 : i32 to index
        %swap3A_617 = arith.constant 16 : index
        %swap3A_618 = tpu.vector_load %swap3A_615[%swap3A_616, %swap3A_617] {strides = array<i32>} : memref<128x64xf32, #tpu.memory_space<vmem>>, vector<1x16xf32>,
        %swap3A_619 = vector.shape_cast %swap3A_618 : vector<1x16xf32> to vector<16xf32>
        %swap3A_620 = vector.shape_cast %get3A_611 : vector<16xf32> to vector<1x16xf32>
        tpu.vector_store %swap3A_615[%swap3A_616, %swap3A_617], %swap3A_620 {add = true, strides = array<i32>} : memref<128x64xf32, #tpu.memory_space<vmem>>, vector<1x16xf32>,
        %sub3A_621 = arith.constant 71 : i32
        %sub3A_622 = arith.subi %sub3A_621, %add3A_590 : i32
        %get3A_623 = arith.index_cast %sub3A_622 : i32 to index
        %get3A_624 = arith.constant 32 : index
        %get3A_625 = tpu.vector_load %arg7[%get3A_623, %get3A_624] {strides = array<i32>} : memref<200x64xf32, #tpu.memory_space<vmem>>, vector<1x16xf32>,
        %get3A_626 = vector.shape_cast %get3A_625 : vector<1x16xf32> to vector<16xf32>
        %swap3A_627 = arith.constant 0 : i32
        %swap3A_628 = arith.constant 0 : i32
        %swap3A_629 = tpu.memref_slice %arg8[%scan3A_47, %swap3A_627, %swap3A_628] : memref<4x128x64xf32, #tpu.memory_space<vmem>> -> memref<1x128x64xf32, #tpu.memory_space<vmem>>
        %swap3A_630 = tpu.memref_squeeze %swap3A_629 : memref<1x128x64xf32, #tpu.memory_space<vmem>> -> memref<128x64xf32, #tpu.memory_space<vmem>>
        %swap3A_631 = arith.index_cast %add3A_590 : i32 to index
        %swap3A_632 = arith.constant 32 : index
        %swap3A_633 = tpu.vector_load %swap3A_630[%swap3A_631, %swap3A_632] {strides = array<i32>} : memref<128x64xf32, #tpu.memory_space<vmem>>, vector<1x16xf32>,
        %swap3A_634 = vector.shape_cast %swap3A_633 : vector<1x16xf32> to vector<16xf32>
        %swap3A_635 = vector.shape_cast %get3A_626 : vector<16xf32> to vector<1x16xf32>
        tpu.vector_store %swap3A_630[%swap3A_631, %swap3A_632], %swap3A_635 {add = true, strides = array<i32>} : memref<128x64xf32, #tpu.memory_space<vmem>>, vector<1x16xf32>,
        %sub3A_636 = arith.constant 71 : i32
        %sub3A_637 = arith.subi %sub3A_636, %add3A_590 : i32
        %get3A_638 = arith.index_cast %sub3A_637 : i32 to index
        %get3A_639 = arith.constant 48 : index
        %get3A_640 = tpu.vector_load %arg7[%get3A_638, %get3A_639] {strides = array<i32>} : memref<200x64xf32, #tpu.memory_space<vmem>>, vector<1x16xf32>,
        %get3A_641 = vector.shape_cast %get3A_640 : vector<1x16xf32> to vector<16xf32>
        %swap3A_642 = arith.constant 0 : i32
        %swap3A_643 = arith.constant 0 : i32
        %swap3A_644 = tpu.memref_slice %arg8[%scan3A_47, %swap3A_642, %swap3A_643] : memref<4x128x64xf32, #tpu.memory_space<vmem>> -> memref<1x128x64xf32, #tpu.memory_space<vmem>>
        %swap3A_645 = tpu.memref_squeeze %swap3A_644 : memref<1x128x64xf32, #tpu.memory_space<vmem>> -> memref<128x64xf32, #tpu.memory_space<vmem>>
        %swap3A_646 = arith.index_cast %add3A_590 : i32 to index
        %swap3A_647 = arith.constant 48 : index
        %swap3A_648 = tpu.vector_load %swap3A_645[%swap3A_646, %swap3A_647] {strides = array<i32>} : memref<128x64xf32, #tpu.memory_space<vmem>>, vector<1x16xf32>,
        %swap3A_649 = vector.shape_cast %swap3A_648 : vector<1x16xf32> to vector<16xf32>
        %swap3A_650 = vector.shape_cast %get3A_641 : vector<16xf32> to vector<1x16xf32>
        tpu.vector_store %swap3A_645[%swap3A_646, %swap3A_647], %swap3A_650 {add = true, strides = array<i32>} : memref<128x64xf32, #tpu.memory_space<vmem>>, vector<1x16xf32>,
        %scan3A_651 = arith.constant 4 : i32
        %scan3A_652 = arith.addi %scan3A_391, %scan3A_651 : i32
        %mul3A_653 = arith.constant 1 : i32
        %mul3A_654 = arith.muli %scan3A_652, %mul3A_653 : i32
        %add3A_655 = arith.constant 0 : i32
        %add3A_656 = arith.addi %add3A_655, %mul3A_654 : i32
        %sub3A_657 = arith.constant 71 : i32
        %sub3A_658 = arith.subi %sub3A_657, %add3A_656 : i32
        %get3A_659 = arith.index_cast %sub3A_658 : i32 to index
        %get3A_660 = arith.constant 0 : index
        %get3A_661 = tpu.vector_load %arg7[%get3A_659, %get3A_660] {strides = array<i32>} : memref<200x64xf32, #tpu.memory_space<vmem>>, vector<1x16xf32>,
        %get3A_662 = vector.shape_cast %get3A_661 : vector<1x16xf32> to vector<16xf32>
        %swap3A_663 = arith.constant 0 : i32
        %swap3A_664 = arith.constant 0 : i32
        %swap3A_665 = tpu.memref_slice %arg8[%scan3A_47, %swap3A_663, %swap3A_664] : memref<4x128x64xf32, #tpu.memory_space<vmem>> -> memref<1x128x64xf32, #tpu.memory_space<vmem>>
        %swap3A_666 = tpu.memref_squeeze %swap3A_665 : memref<1x128x64xf32, #tpu.memory_space<vmem>> -> memref<128x64xf32, #tpu.memory_space<vmem>>
        %swap3A_667 = arith.index_cast %add3A_656 : i32 to index
        %swap3A_668 = arith.constant 0 : index
        %swap3A_669 = tpu.vector_load %swap3A_666[%swap3A_667, %swap3A_668] {strides = array<i32>} : memref<128x64xf32, #tpu.memory_space<vmem>>, vector<1x16xf32>,
        %swap3A_670 = vector.shape_cast %swap3A_669 : vector<1x16xf32> to vector<16xf32>
        %swap3A_671 = vector.shape_cast %get3A_662 : vector<16xf32> to vector<1x16xf32>
        tpu.vector_store %swap3A_666[%swap3A_667, %swap3A_668], %swap3A_671 {add = true, strides = array<i32>} : memref<128x64xf32, #tpu.memory_space<vmem>>, vector<1x16xf32>,
        %sub3A_672 = arith.constant 71 : i32
        %sub3A_673 = arith.subi %sub3A_672, %add3A_656 : i32
        %get3A_674 = arith.index_cast %sub3A_673 : i32 to index
        %get3A_675 = arith.constant 16 : index
        %get3A_676 = tpu.vector_load %arg7[%get3A_674, %get3A_675] {strides = array<i32>} : memref<200x64xf32, #tpu.memory_space<vmem>>, vector<1x16xf32>,
        %get3A_677 = vector.shape_cast %get3A_676 : vector<1x16xf32> to vector<16xf32>
        %swap3A_678 = arith.constant 0 : i32
        %swap3A_679 = arith.constant 0 : i32
        %swap3A_680 = tpu.memref_slice %arg8[%scan3A_47, %swap3A_678, %swap3A_679] : memref<4x128x64xf32, #tpu.memory_space<vmem>> -> memref<1x128x64xf32, #tpu.memory_space<vmem>>
        %swap3A_681 = tpu.memref_squeeze %swap3A_680 : memref<1x128x64xf32, #tpu.memory_space<vmem>> -> memref<128x64xf32, #tpu.memory_space<vmem>>
        %swap3A_682 = arith.index_cast %add3A_656 : i32 to index
        %swap3A_683 = arith.constant 16 : index
        %swap3A_684 = tpu.vector_load %swap3A_681[%swap3A_682, %swap3A_683] {strides = array<i32>} : memref<128x64xf32, #tpu.memory_space<vmem>>, vector<1x16xf32>,
        %swap3A_685 = vector.shape_cast %swap3A_684 : vector<1x16xf32> to vector<16xf32>
        %swap3A_686 = vector.shape_cast %get3A_677 : vector<16xf32> to vector<1x16xf32>
        tpu.vector_store %swap3A_681[%swap3A_682, %swap3A_683], %swap3A_686 {add = true, strides = array<i32>} : memref<128x64xf32, #tpu.memory_space<vmem>>, vector<1x16xf32>,
        %sub3A_687 = arith.constant 71 : i32
        %sub3A_688 = arith.subi %sub3A_687, %add3A_656 : i32
        %get3A_689 = arith.index_cast %sub3A_688 : i32 to index
        %get3A_690 = arith.constant 32 : index
        %get3A_691 = tpu.vector_load %arg7[%get3A_689, %get3A_690] {strides = array<i32>} : memref<200x64xf32, #tpu.memory_space<vmem>>, vector<1x16xf32>,
        %get3A_692 = vector.shape_cast %get3A_691 : vector<1x16xf32> to vector<16xf32>
        %swap3A_693 = arith.constant 0 : i32
        %swap3A_694 = arith.constant 0 : i32
        %swap3A_695 = tpu.memref_slice %arg8[%scan3A_47, %swap3A_693, %swap3A_694] : memref<4x128x64xf32, #tpu.memory_space<vmem>> -> memref<1x128x64xf32, #tpu.memory_space<vmem>>
        %swap3A_696 = tpu.memref_squeeze %swap3A_695 : memref<1x128x64xf32, #tpu.memory_space<vmem>> -> memref<128x64xf32, #tpu.memory_space<vmem>>
        %swap3A_697 = arith.index_cast %add3A_656 : i32 to index
        %swap3A_698 = arith.constant 32 : index
        %swap3A_699 = tpu.vector_load %swap3A_696[%swap3A_697, %swap3A_698] {strides = array<i32>} : memref<128x64xf32, #tpu.memory_space<vmem>>, vector<1x16xf32>,
        %swap3A_700 = vector.shape_cast %swap3A_699 : vector<1x16xf32> to vector<16xf32>
        %swap3A_701 = vector.shape_cast %get3A_692 : vector<16xf32> to vector<1x16xf32>
        tpu.vector_store %swap3A_696[%swap3A_697, %swap3A_698], %swap3A_701 {add = true, strides = array<i32>} : memref<128x64xf32, #tpu.memory_space<vmem>>, vector<1x16xf32>,
        %sub3A_702 = arith.constant 71 : i32
        %sub3A_703 = arith.subi %sub3A_702, %add3A_656 : i32
        %get3A_704 = arith.index_cast %sub3A_703 : i32 to index
        %get3A_705 = arith.constant 48 : index
        %get3A_706 = tpu.vector_load %arg7[%get3A_704, %get3A_705] {strides = array<i32>} : memref<200x64xf32, #tpu.memory_space<vmem>>, vector<1x16xf32>,
        %get3A_707 = vector.shape_cast %get3A_706 : vector<1x16xf32> to vector<16xf32>
        %swap3A_708 = arith.constant 0 : i32
        %swap3A_709 = arith.constant 0 : i32
        %swap3A_710 = tpu.memref_slice %arg8[%scan3A_47, %swap3A_708, %swap3A_709] : memref<4x128x64xf32, #tpu.memory_space<vmem>> -> memref<1x128x64xf32, #tpu.memory_space<vmem>>
        %swap3A_711 = tpu.memref_squeeze %swap3A_710 : memref<1x128x64xf32, #tpu.memory_space<vmem>> -> memref<128x64xf32, #tpu.memory_space<vmem>>
        %swap3A_712 = arith.index_cast %add3A_656 : i32 to index
        %swap3A_713 = arith.constant 48 : index
        %swap3A_714 = tpu.vector_load %swap3A_711[%swap3A_712, %swap3A_713] {strides = array<i32>} : memref<128x64xf32, #tpu.memory_space<vmem>>, vector<1x16xf32>,
        %swap3A_715 = vector.shape_cast %swap3A_714 : vector<1x16xf32> to vector<16xf32>
        %swap3A_716 = vector.shape_cast %get3A_707 : vector<16xf32> to vector<1x16xf32>
        tpu.vector_store %swap3A_711[%swap3A_712, %swap3A_713], %swap3A_716 {add = true, strides = array<i32>} : memref<128x64xf32, #tpu.memory_space<vmem>>, vector<1x16xf32>,
        %scan3A_717 = arith.constant 5 : i32
        %scan3A_718 = arith.addi %scan3A_391, %scan3A_717 : i32
        %mul3A_719 = arith.constant 1 : i32
        %mul3A_720 = arith.muli %scan3A_718, %mul3A_719 : i32
        %add3A_721 = arith.constant 0 : i32
        %add3A_722 = arith.addi %add3A_721, %mul3A_720 : i32
        %sub3A_723 = arith.constant 71 : i32
        %sub3A_724 = arith.subi %sub3A_723, %add3A_722 : i32
        %get3A_725 = arith.index_cast %sub3A_724 : i32 to index
        %get3A_726 = arith.constant 0 : index
        %get3A_727 = tpu.vector_load %arg7[%get3A_725, %get3A_726] {strides = array<i32>} : memref<200x64xf32, #tpu.memory_space<vmem>>, vector<1x16xf32>,
        %get3A_728 = vector.shape_cast %get3A_727 : vector<1x16xf32> to vector<16xf32>
        %swap3A_729 = arith.constant 0 : i32
        %swap3A_730 = arith.constant 0 : i32
        %swap3A_731 = tpu.memref_slice %arg8[%scan3A_47, %swap3A_729, %swap3A_730] : memref<4x128x64xf32, #tpu.memory_space<vmem>> -> memref<1x128x64xf32, #tpu.memory_space<vmem>>
        %swap3A_732 = tpu.memref_squeeze %swap3A_731 : memref<1x128x64xf32, #tpu.memory_space<vmem>> -> memref<128x64xf32, #tpu.memory_space<vmem>>
        %swap3A_733 = arith.index_cast %add3A_722 : i32 to index
        %swap3A_734 = arith.constant 0 : index
        %swap3A_735 = tpu.vector_load %swap3A_732[%swap3A_733, %swap3A_734] {strides = array<i32>} : memref<128x64xf32, #tpu.memory_space<vmem>>, vector<1x16xf32>,
        %swap3A_736 = vector.shape_cast %swap3A_735 : vector<1x16xf32> to vector<16xf32>
        %swap3A_737 = vector.shape_cast %get3A_728 : vector<16xf32> to vector<1x16xf32>
        tpu.vector_store %swap3A_732[%swap3A_733, %swap3A_734], %swap3A_737 {add = true, strides = array<i32>} : memref<128x64xf32, #tpu.memory_space<vmem>>, vector<1x16xf32>,
        %sub3A_738 = arith.constant 71 : i32
        %sub3A_739 = arith.subi %sub3A_738, %add3A_722 : i32
        %get3A_740 = arith.index_cast %sub3A_739 : i32 to index
        %get3A_741 = arith.constant 16 : index
        %get3A_742 = tpu.vector_load %arg7[%get3A_740, %get3A_741] {strides = array<i32>} : memref<200x64xf32, #tpu.memory_space<vmem>>, vector<1x16xf32>,
        %get3A_743 = vector.shape_cast %get3A_742 : vector<1x16xf32> to vector<16xf32>
        %swap3A_744 = arith.constant 0 : i32
        %swap3A_745 = arith.constant 0 : i32
        %swap3A_746 = tpu.memref_slice %arg8[%scan3A_47, %swap3A_744, %swap3A_745] : memref<4x128x64xf32, #tpu.memory_space<vmem>> -> memref<1x128x64xf32, #tpu.memory_space<vmem>>
        %swap3A_747 = tpu.memref_squeeze %swap3A_746 : memref<1x128x64xf32, #tpu.memory_space<vmem>> -> memref<128x64xf32, #tpu.memory_space<vmem>>
        %swap3A_748 = arith.index_cast %add3A_722 : i32 to index
        %swap3A_749 = arith.constant 16 : index
        %swap3A_750 = tpu.vector_load %swap3A_747[%swap3A_748, %swap3A_749] {strides = array<i32>} : memref<128x64xf32, #tpu.memory_space<vmem>>, vector<1x16xf32>,
        %swap3A_751 = vector.shape_cast %swap3A_750 : vector<1x16xf32> to vector<16xf32>
        %swap3A_752 = vector.shape_cast %get3A_743 : vector<16xf32> to vector<1x16xf32>
        tpu.vector_store %swap3A_747[%swap3A_748, %swap3A_749], %swap3A_752 {add = true, strides = array<i32>} : memref<128x64xf32, #tpu.memory_space<vmem>>, vector<1x16xf32>,
        %sub3A_753 = arith.constant 71 : i32
        %sub3A_754 = arith.subi %sub3A_753, %add3A_722 : i32
        %get3A_755 = arith.index_cast %sub3A_754 : i32 to index
        %get3A_756 = arith.constant 32 : index
        %get3A_757 = tpu.vector_load %arg7[%get3A_755, %get3A_756] {strides = array<i32>} : memref<200x64xf32, #tpu.memory_space<vmem>>, vector<1x16xf32>,
        %get3A_758 = vector.shape_cast %get3A_757 : vector<1x16xf32> to vector<16xf32>
        %swap3A_759 = arith.constant 0 : i32
        %swap3A_760 = arith.constant 0 : i32
        %swap3A_761 = tpu.memref_slice %arg8[%scan3A_47, %swap3A_759, %swap3A_760] : memref<4x128x64xf32, #tpu.memory_space<vmem>> -> memref<1x128x64xf32, #tpu.memory_space<vmem>>
        %swap3A_762 = tpu.memref_squeeze %swap3A_761 : memref<1x128x64xf32, #tpu.memory_space<vmem>> -> memref<128x64xf32, #tpu.memory_space<vmem>>
        %swap3A_763 = arith.index_cast %add3A_722 : i32 to index
        %swap3A_764 = arith.constant 32 : index
        %swap3A_765 = tpu.vector_load %swap3A_762[%swap3A_763, %swap3A_764] {strides = array<i32>} : memref<128x64xf32, #tpu.memory_space<vmem>>, vector<1x16xf32>,
        %swap3A_766 = vector.shape_cast %swap3A_765 : vector<1x16xf32> to vector<16xf32>
        %swap3A_767 = vector.shape_cast %get3A_758 : vector<16xf32> to vector<1x16xf32>
        tpu.vector_store %swap3A_762[%swap3A_763, %swap3A_764], %swap3A_767 {add = true, strides = array<i32>} : memref<128x64xf32, #tpu.memory_space<vmem>>, vector<1x16xf32>,
        %sub3A_768 = arith.constant 71 : i32
        %sub3A_769 = arith.subi %sub3A_768, %add3A_722 : i32
        %get3A_770 = arith.index_cast %sub3A_769 : i32 to index
        %get3A_771 = arith.constant 48 : index
        %get3A_772 = tpu.vector_load %arg7[%get3A_770, %get3A_771] {strides = array<i32>} : memref<200x64xf32, #tpu.memory_space<vmem>>, vector<1x16xf32>,
        %get3A_773 = vector.shape_cast %get3A_772 : vector<1x16xf32> to vector<16xf32>
        %swap3A_774 = arith.constant 0 : i32
        %swap3A_775 = arith.constant 0 : i32
        %swap3A_776 = tpu.memref_slice %arg8[%scan3A_47, %swap3A_774, %swap3A_775] : memref<4x128x64xf32, #tpu.memory_space<vmem>> -> memref<1x128x64xf32, #tpu.memory_space<vmem>>
        %swap3A_777 = tpu.memref_squeeze %swap3A_776 : memref<1x128x64xf32, #tpu.memory_space<vmem>> -> memref<128x64xf32, #tpu.memory_space<vmem>>
        %swap3A_778 = arith.index_cast %add3A_722 : i32 to index
        %swap3A_779 = arith.constant 48 : index
        %swap3A_780 = tpu.vector_load %swap3A_777[%swap3A_778, %swap3A_779] {strides = array<i32>} : memref<128x64xf32, #tpu.memory_space<vmem>>, vector<1x16xf32>,
        %swap3A_781 = vector.shape_cast %swap3A_780 : vector<1x16xf32> to vector<16xf32>
        %swap3A_782 = vector.shape_cast %get3A_773 : vector<16xf32> to vector<1x16xf32>
        tpu.vector_store %swap3A_777[%swap3A_778, %swap3A_779], %swap3A_782 {add = true, strides = array<i32>} : memref<128x64xf32, #tpu.memory_space<vmem>>, vector<1x16xf32>,
        %scan3A_783 = arith.constant 6 : i32
        %scan3A_784 = arith.addi %scan3A_391, %scan3A_783 : i32
        %mul3A_785 = arith.constant 1 : i32
        %mul3A_786 = arith.muli %scan3A_784, %mul3A_785 : i32
        %add3A_787 = arith.constant 0 : i32
        %add3A_788 = arith.addi %add3A_787, %mul3A_786 : i32
        %sub3A_789 = arith.constant 71 : i32
        %sub3A_790 = arith.subi %sub3A_789, %add3A_788 : i32
        %get3A_791 = arith.index_cast %sub3A_790 : i32 to index
        %get3A_792 = arith.constant 0 : index
        %get3A_793 = tpu.vector_load %arg7[%get3A_791, %get3A_792] {strides = array<i32>} : memref<200x64xf32, #tpu.memory_space<vmem>>, vector<1x16xf32>,
        %get3A_794 = vector.shape_cast %get3A_793 : vector<1x16xf32> to vector<16xf32>
        %swap3A_795 = arith.constant 0 : i32
        %swap3A_796 = arith.constant 0 : i32
        %swap3A_797 = tpu.memref_slice %arg8[%scan3A_47, %swap3A_795, %swap3A_796] : memref<4x128x64xf32, #tpu.memory_space<vmem>> -> memref<1x128x64xf32, #tpu.memory_space<vmem>>
        %swap3A_798 = tpu.memref_squeeze %swap3A_797 : memref<1x128x64xf32, #tpu.memory_space<vmem>> -> memref<128x64xf32, #tpu.memory_space<vmem>>
        %swap3A_799 = arith.index_cast %add3A_788 : i32 to index
        %swap3A_800 = arith.constant 0 : index
        %swap3A_801 = tpu.vector_load %swap3A_798[%swap3A_799, %swap3A_800] {strides = array<i32>} : memref<128x64xf32, #tpu.memory_space<vmem>>, vector<1x16xf32>,
        %swap3A_802 = vector.shape_cast %swap3A_801 : vector<1x16xf32> to vector<16xf32>
        %swap3A_803 = vector.shape_cast %get3A_794 : vector<16xf32> to vector<1x16xf32>
        tpu.vector_store %swap3A_798[%swap3A_799, %swap3A_800], %swap3A_803 {add = true, strides = array<i32>} : memref<128x64xf32, #tpu.memory_space<vmem>>, vector<1x16xf32>,
        %sub3A_804 = arith.constant 71 : i32
        %sub3A_805 = arith.subi %sub3A_804, %add3A_788 : i32
        %get3A_806 = arith.index_cast %sub3A_805 : i32 to index
        %get3A_807 = arith.constant 16 : index
        %get3A_808 = tpu.vector_load %arg7[%get3A_806, %get3A_807] {strides = array<i32>} : memref<200x64xf32, #tpu.memory_space<vmem>>, vector<1x16xf32>,
        %get3A_809 = vector.shape_cast %get3A_808 : vector<1x16xf32> to vector<16xf32>
        %swap3A_810 = arith.constant 0 : i32
        %swap3A_811 = arith.constant 0 : i32
        %swap3A_812 = tpu.memref_slice %arg8[%scan3A_47, %swap3A_810, %swap3A_811] : memref<4x128x64xf32, #tpu.memory_space<vmem>> -> memref<1x128x64xf32, #tpu.memory_space<vmem>>
        %swap3A_813 = tpu.memref_squeeze %swap3A_812 : memref<1x128x64xf32, #tpu.memory_space<vmem>> -> memref<128x64xf32, #tpu.memory_space<vmem>>
        %swap3A_814 = arith.index_cast %add3A_788 : i32 to index
        %swap3A_815 = arith.constant 16 : index
        %swap3A_816 = tpu.vector_load %swap3A_813[%swap3A_814, %swap3A_815] {strides = array<i32>} : memref<128x64xf32, #tpu.memory_space<vmem>>, vector<1x16xf32>,
        %swap3A_817 = vector.shape_cast %swap3A_816 : vector<1x16xf32> to vector<16xf32>
        %swap3A_818 = vector.shape_cast %get3A_809 : vector<16xf32> to vector<1x16xf32>
        tpu.vector_store %swap3A_813[%swap3A_814, %swap3A_815], %swap3A_818 {add = true, strides = array<i32>} : memref<128x64xf32, #tpu.memory_space<vmem>>, vector<1x16xf32>,
        %sub3A_819 = arith.constant 71 : i32
        %sub3A_820 = arith.subi %sub3A_819, %add3A_788 : i32
        %get3A_821 = arith.index_cast %sub3A_820 : i32 to index
        %get3A_822 = arith.constant 32 : index
        %get3A_823 = tpu.vector_load %arg7[%get3A_821, %get3A_822] {strides = array<i32>} : memref<200x64xf32, #tpu.memory_space<vmem>>, vector<1x16xf32>,
        %get3A_824 = vector.shape_cast %get3A_823 : vector<1x16xf32> to vector<16xf32>
        %swap3A_825 = arith.constant 0 : i32
        %swap3A_826 = arith.constant 0 : i32
        %swap3A_827 = tpu.memref_slice %arg8[%scan3A_47, %swap3A_825, %swap3A_826] : memref<4x128x64xf32, #tpu.memory_space<vmem>> -> memref<1x128x64xf32, #tpu.memory_space<vmem>>
        %swap3A_828 = tpu.memref_squeeze %swap3A_827 : memref<1x128x64xf32, #tpu.memory_space<vmem>> -> memref<128x64xf32, #tpu.memory_space<vmem>>
        %swap3A_829 = arith.index_cast %add3A_788 : i32 to index
        %swap3A_830 = arith.constant 32 : index
        %swap3A_831 = tpu.vector_load %swap3A_828[%swap3A_829, %swap3A_830] {strides = array<i32>} : memref<128x64xf32, #tpu.memory_space<vmem>>, vector<1x16xf32>,
        %swap3A_832 = vector.shape_cast %swap3A_831 : vector<1x16xf32> to vector<16xf32>
        %swap3A_833 = vector.shape_cast %get3A_824 : vector<16xf32> to vector<1x16xf32>
        tpu.vector_store %swap3A_828[%swap3A_829, %swap3A_830], %swap3A_833 {add = true, strides = array<i32>} : memref<128x64xf32, #tpu.memory_space<vmem>>, vector<1x16xf32>,
        %sub3A_834 = arith.constant 71 : i32
        %sub3A_835 = arith.subi %sub3A_834, %add3A_788 : i32
        %get3A_836 = arith.index_cast %sub3A_835 : i32 to index
        %get3A_837 = arith.constant 48 : index
        %get3A_838 = tpu.vector_load %arg7[%get3A_836, %get3A_837] {strides = array<i32>} : memref<200x64xf32, #tpu.memory_space<vmem>>, vector<1x16xf32>,
        %get3A_839 = vector.shape_cast %get3A_838 : vector<1x16xf32> to vector<16xf32>
        %swap3A_840 = arith.constant 0 : i32
        %swap3A_841 = arith.constant 0 : i32
        %swap3A_842 = tpu.memref_slice %arg8[%scan3A_47, %swap3A_840, %swap3A_841] : memref<4x128x64xf32, #tpu.memory_space<vmem>> -> memref<1x128x64xf32, #tpu.memory_space<vmem>>
        %swap3A_843 = tpu.memref_squeeze %swap3A_842 : memref<1x128x64xf32, #tpu.memory_space<vmem>> -> memref<128x64xf32, #tpu.memory_space<vmem>>
        %swap3A_844 = arith.index_cast %add3A_788 : i32 to index
        %swap3A_845 = arith.constant 48 : index
        %swap3A_846 = tpu.vector_load %swap3A_843[%swap3A_844, %swap3A_845] {strides = array<i32>} : memref<128x64xf32, #tpu.memory_space<vmem>>, vector<1x16xf32>,
        %swap3A_847 = vector.shape_cast %swap3A_846 : vector<1x16xf32> to vector<16xf32>
        %swap3A_848 = vector.shape_cast %get3A_839 : vector<16xf32> to vector<1x16xf32>
        tpu.vector_store %swap3A_843[%swap3A_844, %swap3A_845], %swap3A_848 {add = true, strides = array<i32>} : memref<128x64xf32, #tpu.memory_space<vmem>>, vector<1x16xf32>,
        %scan3A_849 = arith.constant 7 : i32
        %scan3A_850 = arith.addi %scan3A_391, %scan3A_849 : i32
        %mul3A_851 = arith.constant 1 : i32
        %mul3A_852 = arith.muli %scan3A_850, %mul3A_851 : i32
        %add3A_853 = arith.constant 0 : i32
        %add3A_854 = arith.addi %add3A_853, %mul3A_852 : i32
        %sub3A_855 = arith.constant 71 : i32
        %sub3A_856 = arith.subi %sub3A_855, %add3A_854 : i32
        %get3A_857 = arith.index_cast %sub3A_856 : i32 to index
        %get3A_858 = arith.constant 0 : index
        %get3A_859 = tpu.vector_load %arg7[%get3A_857, %get3A_858] {strides = array<i32>} : memref<200x64xf32, #tpu.memory_space<vmem>>, vector<1x16xf32>,
        %get3A_860 = vector.shape_cast %get3A_859 : vector<1x16xf32> to vector<16xf32>
        %swap3A_861 = arith.constant 0 : i32
        %swap3A_862 = arith.constant 0 : i32
        %swap3A_863 = tpu.memref_slice %arg8[%scan3A_47, %swap3A_861, %swap3A_862] : memref<4x128x64xf32, #tpu.memory_space<vmem>> -> memref<1x128x64xf32, #tpu.memory_space<vmem>>
        %swap3A_864 = tpu.memref_squeeze %swap3A_863 : memref<1x128x64xf32, #tpu.memory_space<vmem>> -> memref<128x64xf32, #tpu.memory_space<vmem>>
        %swap3A_865 = arith.index_cast %add3A_854 : i32 to index
        %swap3A_866 = arith.constant 0 : index
        %swap3A_867 = tpu.vector_load %swap3A_864[%swap3A_865, %swap3A_866] {strides = array<i32>} : memref<128x64xf32, #tpu.memory_space<vmem>>, vector<1x16xf32>,
        %swap3A_868 = vector.shape_cast %swap3A_867 : vector<1x16xf32> to vector<16xf32>
        %swap3A_869 = vector.shape_cast %get3A_860 : vector<16xf32> to vector<1x16xf32>
        tpu.vector_store %swap3A_864[%swap3A_865, %swap3A_866], %swap3A_869 {add = true, strides = array<i32>} : memref<128x64xf32, #tpu.memory_space<vmem>>, vector<1x16xf32>,
        %sub3A_870 = arith.constant 71 : i32
        %sub3A_871 = arith.subi %sub3A_870, %add3A_854 : i32
        %get3A_872 = arith.index_cast %sub3A_871 : i32 to index
        %get3A_873 = arith.constant 16 : index
        %get3A_874 = tpu.vector_load %arg7[%get3A_872, %get3A_873] {strides = array<i32>} : memref<200x64xf32, #tpu.memory_space<vmem>>, vector<1x16xf32>,
        %get3A_875 = vector.shape_cast %get3A_874 : vector<1x16xf32> to vector<16xf32>
        %swap3A_876 = arith.constant 0 : i32
        %swap3A_877 = arith.constant 0 : i32
        %swap3A_878 = tpu.memref_slice %arg8[%scan3A_47, %swap3A_876, %swap3A_877] : memref<4x128x64xf32, #tpu.memory_space<vmem>> -> memref<1x128x64xf32, #tpu.memory_space<vmem>>
        %swap3A_879 = tpu.memref_squeeze %swap3A_878 : memref<1x128x64xf32, #tpu.memory_space<vmem>> -> memref<128x64xf32, #tpu.memory_space<vmem>>
        %swap3A_880 = arith.index_cast %add3A_854 : i32 to index
        %swap3A_881 = arith.constant 16 : index
        %swap3A_882 = tpu.vector_load %swap3A_879[%swap3A_880, %swap3A_881] {strides = array<i32>} : memref<128x64xf32, #tpu.memory_space<vmem>>, vector<1x16xf32>,
        %swap3A_883 = vector.shape_cast %swap3A_882 : vector<1x16xf32> to vector<16xf32>
        %swap3A_884 = vector.shape_cast %get3A_875 : vector<16xf32> to vector<1x16xf32>
        tpu.vector_store %swap3A_879[%swap3A_880, %swap3A_881], %swap3A_884 {add = true, strides = array<i32>} : memref<128x64xf32, #tpu.memory_space<vmem>>, vector<1x16xf32>,
        %sub3A_885 = arith.constant 71 : i32
        %sub3A_886 = arith.subi %sub3A_885, %add3A_854 : i32
        %get3A_887 = arith.index_cast %sub3A_886 : i32 to index
        %get3A_888 = arith.constant 32 : index
        %get3A_889 = tpu.vector_load %arg7[%get3A_887, %get3A_888] {strides = array<i32>} : memref<200x64xf32, #tpu.memory_space<vmem>>, vector<1x16xf32>,
        %get3A_890 = vector.shape_cast %get3A_889 : vector<1x16xf32> to vector<16xf32>
        %swap3A_891 = arith.constant 0 : i32
        %swap3A_892 = arith.constant 0 : i32
        %swap3A_893 = tpu.memref_slice %arg8[%scan3A_47, %swap3A_891, %swap3A_892] : memref<4x128x64xf32, #tpu.memory_space<vmem>> -> memref<1x128x64xf32, #tpu.memory_space<vmem>>
        %swap3A_894 = tpu.memref_squeeze %swap3A_893 : memref<1x128x64xf32, #tpu.memory_space<vmem>> -> memref<128x64xf32, #tpu.memory_space<vmem>>
        %swap3A_895 = arith.index_cast %add3A_854 : i32 to index
        %swap3A_896 = arith.constant 32 : index
        %swap3A_897 = tpu.vector_load %swap3A_894[%swap3A_895, %swap3A_896] {strides = array<i32>} : memref<128x64xf32, #tpu.memory_space<vmem>>, vector<1x16xf32>,
        %swap3A_898 = vector.shape_cast %swap3A_897 : vector<1x16xf32> to vector<16xf32>
        %swap3A_899 = vector.shape_cast %get3A_890 : vector<16xf32> to vector<1x16xf32>
        tpu.vector_store %swap3A_894[%swap3A_895, %swap3A_896], %swap3A_899 {add = true, strides = array<i32>} : memref<128x64xf32, #tpu.memory_space<vmem>>, vector<1x16xf32>,
        %sub3A_900 = arith.constant 71 : i32
        %sub3A_901 = arith.subi %sub3A_900, %add3A_854 : i32
        %get3A_902 = arith.index_cast %sub3A_901 : i32 to index
        %get3A_903 = arith.constant 48 : index
        %get3A_904 = tpu.vector_load %arg7[%get3A_902, %get3A_903] {strides = array<i32>} : memref<200x64xf32, #tpu.memory_space<vmem>>, vector<1x16xf32>,
        %get3A_905 = vector.shape_cast %get3A_904 : vector<1x16xf32> to vector<16xf32>
        %swap3A_906 = arith.constant 0 : i32
        %swap3A_907 = arith.constant 0 : i32
        %swap3A_908 = tpu.memref_slice %arg8[%scan3A_47, %swap3A_906, %swap3A_907] : memref<4x128x64xf32, #tpu.memory_space<vmem>> -> memref<1x128x64xf32, #tpu.memory_space<vmem>>
        %swap3A_909 = tpu.memref_squeeze %swap3A_908 : memref<1x128x64xf32, #tpu.memory_space<vmem>> -> memref<128x64xf32, #tpu.memory_space<vmem>>
        %swap3A_910 = arith.index_cast %add3A_854 : i32 to index
        %swap3A_911 = arith.constant 48 : index
        %swap3A_912 = tpu.vector_load %swap3A_909[%swap3A_910, %swap3A_911] {strides = array<i32>} : memref<128x64xf32, #tpu.memory_space<vmem>>, vector<1x16xf32>,
        %swap3A_913 = vector.shape_cast %swap3A_912 : vector<1x16xf32> to vector<16xf32>
        %swap3A_914 = vector.shape_cast %get3A_905 : vector<16xf32> to vector<1x16xf32>
        tpu.vector_store %swap3A_909[%swap3A_910, %swap3A_911], %swap3A_914 {add = true, strides = array<i32>} : memref<128x64xf32, #tpu.memory_space<vmem>>, vector<1x16xf32>,
      }
      %scan3A_363 = arith.constant 72 : i32
      %add3A_364 = arith.constant 1 : i32
      %add3A_365 = arith.addi %add3A_157, %add3A_364 : i32
      %mul3A_366 = arith.constant 200 : i32
      %mul3A_367 = arith.muli %add3A_365, %mul3A_366 : i32
      %add3A_368 = arith.addi %mul3A_4, %mul3A_367 : i32
      %add3A_369 = arith.constant 128 : i32
      %add3A_370 = arith.addi %add3A_368, %add3A_369 : i32
      %dma_start3A_371 = arith.constant 0 : i32
      %dma_start3A_372 = arith.constant 0 : i32
      %dma_start3A_373 = tpu.memref_slice %arg8[%scan3A_47, %dma_start3A_371, %dma_start3A_372] : memref<4x128x64xf32, #tpu.memory_space<vmem>> -> memref<1x128x64xf32, #tpu.memory_space<vmem>>
      %dma_start3A_374 = tpu.memref_squeeze %dma_start3A_373 : memref<1x128x64xf32, #tpu.memory_space<vmem>> -> memref<128x64xf32, #tpu.memory_space<vmem>>
      %dma_start3A_375 = arith.constant 0 : i32
      %dma_start3A_376 = arith.constant 0 : i32
      %dma_start3A_377 = tpu.memref_slice %dma_start3A_374[%dma_start3A_375, %dma_start3A_376] : memref<128x64xf32, #tpu.memory_space<vmem>> -> memref<72x64xf32, #tpu.memory_space<vmem>>
      %dma_start3A_378 = arith.constant 0 : i32
      %dma_start3A_379 = tpu.memref_slice %arg5[%add3A_370, %dma_start3A_378] : memref<819200x64xf32, #tpu.memory_space<hbm>> -> memref<72x64xf32, #tpu.memory_space<hbm>>
      %dma_start3A_380 = tpu.memref_slice %arg9[%scan3A_48] : memref<8x!tpu.dma_semaphore, #tpu.memory_space<semaphore_mem>> -> memref<1x!tpu.dma_semaphore, #tpu.memory_space<semaphore_mem>>
      %dma_start3A_381 = tpu.memref_squeeze %dma_start3A_380 : memref<1x!tpu.dma_semaphore, #tpu.memory_space<semaphore_mem>> -> memref<!tpu.dma_semaphore, #tpu.memory_space<semaphore_mem>>
      %dma_start3A_382 = arith.constant 0 : i32
      %dma_start3A_383 = tpu.memref_slice %arg5[%add3A_370, %dma_start3A_382] : memref<819200x64xf32, #tpu.memory_space<hbm>> -> memref<72x64xf32, #tpu.memory_space<hbm>>
      %dma_start3A_384 = arith.constant 0 : i32
      %dma_start3A_385 = arith.constant 0 : i32
      %dma_start3A_386 = tpu.memref_slice %arg8[%scan3A_47, %dma_start3A_384, %dma_start3A_385] : memref<4x128x64xf32, #tpu.memory_space<vmem>> -> memref<1x128x64xf32, #tpu.memory_space<vmem>>
      %dma_start3A_387 = tpu.memref_squeeze %dma_start3A_386 : memref<1x128x64xf32, #tpu.memory_space<vmem>> -> memref<128x64xf32, #tpu.memory_space<vmem>>
      %dma_start3A_388 = arith.constant 0 : i32
      %dma_start3A_389 = arith.constant 0 : i32
      %dma_start3A_390 = tpu.memref_slice %dma_start3A_387[%dma_start3A_388, %dma_start3A_389] : memref<128x64xf32, #tpu.memory_space<vmem>> -> memref<72x64xf32, #tpu.memory_space<vmem>>
      tpu.enqueue_dma source(%dma_start3A_390 : memref<72x64xf32, #tpu.memory_space<vmem>>) target(%dma_start3A_383 : memref<72x64xf32, #tpu.memory_space<hbm>>) target_semaphore(%dma_start3A_381 : memref<!tpu.dma_semaphore, #tpu.memory_space<semaphore_mem>>)
    }
    %scan3A_57 = arith.constant 64 : i32
    %dma_wait3A = arith.constant 0 : i32
    %dma_wait3A_58 = arith.constant 4 : i32
    %dma_wait3A_59 = arith.constant 0 : i32
    %dma_wait3A_60 = arith.constant 0 : i32
    %dma_wait3A_61 = tpu.memref_slice %arg8[%dma_wait3A, %dma_wait3A_59, %dma_wait3A_60] : memref<4x128x64xf32, #tpu.memory_space<vmem>> -> memref<1x128x64xf32, #tpu.memory_space<vmem>>
    %dma_wait3A_62 = tpu.memref_squeeze %dma_wait3A_61 : memref<1x128x64xf32, #tpu.memory_space<vmem>> -> memref<128x64xf32, #tpu.memory_space<vmem>>
    %dma_wait3A_63 = arith.constant 0 : i32
    %dma_wait3A_64 = arith.constant 0 : i32
    %dma_wait3A_65 = tpu.memref_slice %dma_wait3A_62[%dma_wait3A_63, %dma_wait3A_64] : memref<128x64xf32, #tpu.memory_space<vmem>> -> memref<128x64xf32, #tpu.memory_space<vmem>>
    %dma_wait3A_66 = arith.constant 0 : i32
    %dma_wait3A_67 = arith.constant 0 : i32
    %dma_wait3A_68 = tpu.memref_slice %arg5[%dma_wait3A_66, %dma_wait3A_67] : memref<819200x64xf32, #tpu.memory_space<hbm>> -> memref<128x64xf32, #tpu.memory_space<hbm>>
    %dma_wait3A_69 = tpu.memref_slice %arg9[%dma_wait3A_58] : memref<8x!tpu.dma_semaphore, #tpu.memory_space<semaphore_mem>> -> memref<1x!tpu.dma_semaphore, #tpu.memory_space<semaphore_mem>>
    %dma_wait3A_70 = tpu.memref_squeeze %dma_wait3A_69 : memref<1x!tpu.dma_semaphore, #tpu.memory_space<semaphore_mem>> -> memref<!tpu.dma_semaphore, #tpu.memory_space<semaphore_mem>>
    %dma_wait3A_71 = arith.constant 0 : i32
    %dma_wait3A_72 = arith.constant 0 : i32
    %dma_wait3A_73 = tpu.memref_slice %arg5[%dma_wait3A_71, %dma_wait3A_72] : memref<819200x64xf32, #tpu.memory_space<hbm>> -> memref<128x64xf32, #tpu.memory_space<hbm>>
    %dma_wait3A_74 = arith.constant 0 : i32
    %dma_wait3A_75 = arith.constant 0 : i32
    %dma_wait3A_76 = tpu.memref_slice %arg8[%dma_wait3A, %dma_wait3A_74, %dma_wait3A_75] : memref<4x128x64xf32, #tpu.memory_space<vmem>> -> memref<1x128x64xf32, #tpu.memory_space<vmem>>
    %dma_wait3A_77 = tpu.memref_squeeze %dma_wait3A_76 : memref<1x128x64xf32, #tpu.memory_space<vmem>> -> memref<128x64xf32, #tpu.memory_space<vmem>>
    %dma_wait3A_78 = arith.constant 0 : i32
    %dma_wait3A_79 = arith.constant 0 : i32
    %dma_wait3A_80 = tpu.memref_slice %dma_wait3A_77[%dma_wait3A_78, %dma_wait3A_79] : memref<128x64xf32, #tpu.memory_space<vmem>> -> memref<128x64xf32, #tpu.memory_space<vmem>>
    tpu.wait_dma2 semaphore(%dma_wait3A_70 : memref<!tpu.dma_semaphore, #tpu.memory_space<semaphore_mem>>) src(%dma_wait3A_80 : memref<128x64xf32, #tpu.memory_space<vmem>>) dst(%dma_wait3A_73 : memref<128x64xf32, #tpu.memory_space<hbm>>)
    %dma_wait3A_81 = arith.constant 1 : i32
    %dma_wait3A_82 = arith.constant 5 : i32
    %dma_wait3A_83 = arith.constant 0 : i32
    %dma_wait3A_84 = arith.constant 0 : i32
    %dma_wait3A_85 = tpu.memref_slice %arg8[%dma_wait3A_81, %dma_wait3A_83, %dma_wait3A_84] : memref<4x128x64xf32, #tpu.memory_space<vmem>> -> memref<1x128x64xf32, #tpu.memory_space<vmem>>
    %dma_wait3A_86 = tpu.memref_squeeze %dma_wait3A_85 : memref<1x128x64xf32, #tpu.memory_space<vmem>> -> memref<128x64xf32, #tpu.memory_space<vmem>>
    %dma_wait3A_87 = arith.constant 0 : i32
    %dma_wait3A_88 = arith.constant 0 : i32
    %dma_wait3A_89 = tpu.memref_slice %dma_wait3A_86[%dma_wait3A_87, %dma_wait3A_88] : memref<128x64xf32, #tpu.memory_space<vmem>> -> memref<72x64xf32, #tpu.memory_space<vmem>>
    %dma_wait3A_90 = arith.constant 0 : i32
    %dma_wait3A_91 = arith.constant 0 : i32
    %dma_wait3A_92 = tpu.memref_slice %arg5[%dma_wait3A_90, %dma_wait3A_91] : memref<819200x64xf32, #tpu.memory_space<hbm>> -> memref<72x64xf32, #tpu.memory_space<hbm>>
    %dma_wait3A_93 = tpu.memref_slice %arg9[%dma_wait3A_82] : memref<8x!tpu.dma_semaphore, #tpu.memory_space<semaphore_mem>> -> memref<1x!tpu.dma_semaphore, #tpu.memory_space<semaphore_mem>>
    %dma_wait3A_94 = tpu.memref_squeeze %dma_wait3A_93 : memref<1x!tpu.dma_semaphore, #tpu.memory_space<semaphore_mem>> -> memref<!tpu.dma_semaphore, #tpu.memory_space<semaphore_mem>>
    %dma_wait3A_95 = arith.constant 0 : i32
    %dma_wait3A_96 = arith.constant 0 : i32
    %dma_wait3A_97 = tpu.memref_slice %arg5[%dma_wait3A_95, %dma_wait3A_96] : memref<819200x64xf32, #tpu.memory_space<hbm>> -> memref<72x64xf32, #tpu.memory_space<hbm>>
    %dma_wait3A_98 = arith.constant 0 : i32
    %dma_wait3A_99 = arith.constant 0 : i32
    %dma_wait3A_100 = tpu.memref_slice %arg8[%dma_wait3A_81, %dma_wait3A_98, %dma_wait3A_99] : memref<4x128x64xf32, #tpu.memory_space<vmem>> -> memref<1x128x64xf32, #tpu.memory_space<vmem>>
    %dma_wait3A_101 = tpu.memref_squeeze %dma_wait3A_100 : memref<1x128x64xf32, #tpu.memory_space<vmem>> -> memref<128x64xf32, #tpu.memory_space<vmem>>
    %dma_wait3A_102 = arith.constant 0 : i32
    %dma_wait3A_103 = arith.constant 0 : i32
    %dma_wait3A_104 = tpu.memref_slice %dma_wait3A_101[%dma_wait3A_102, %dma_wait3A_103] : memref<128x64xf32, #tpu.memory_space<vmem>> -> memref<72x64xf32, #tpu.memory_space<vmem>>
    tpu.wait_dma2 semaphore(%dma_wait3A_94 : memref<!tpu.dma_semaphore, #tpu.memory_space<semaphore_mem>>) src(%dma_wait3A_104 : memref<72x64xf32, #tpu.memory_space<vmem>>) dst(%dma_wait3A_97 : memref<72x64xf32, #tpu.memory_space<hbm>>)
    %dma_wait3A_105 = arith.constant 2 : i32
    %dma_wait3A_106 = arith.constant 6 : i32
    %dma_wait3A_107 = arith.constant 0 : i32
    %dma_wait3A_108 = arith.constant 0 : i32
    %dma_wait3A_109 = tpu.memref_slice %arg8[%dma_wait3A_105, %dma_wait3A_107, %dma_wait3A_108] : memref<4x128x64xf32, #tpu.memory_space<vmem>> -> memref<1x128x64xf32, #tpu.memory_space<vmem>>
    %dma_wait3A_110 = tpu.memref_squeeze %dma_wait3A_109 : memref<1x128x64xf32, #tpu.memory_space<vmem>> -> memref<128x64xf32, #tpu.memory_space<vmem>>
    %dma_wait3A_111 = arith.constant 0 : i32
    %dma_wait3A_112 = arith.constant 0 : i32
    %dma_wait3A_113 = tpu.memref_slice %dma_wait3A_110[%dma_wait3A_111, %dma_wait3A_112] : memref<128x64xf32, #tpu.memory_space<vmem>> -> memref<128x64xf32, #tpu.memory_space<vmem>>
    %dma_wait3A_114 = arith.constant 0 : i32
    %dma_wait3A_115 = arith.constant 0 : i32
    %dma_wait3A_116 = tpu.memref_slice %arg5[%dma_wait3A_114, %dma_wait3A_115] : memref<819200x64xf32, #tpu.memory_space<hbm>> -> memref<128x64xf32, #tpu.memory_space<hbm>>
    %dma_wait3A_117 = tpu.memref_slice %arg9[%dma_wait3A_106] : memref<8x!tpu.dma_semaphore, #tpu.memory_space<semaphore_mem>> -> memref<1x!tpu.dma_semaphore, #tpu.memory_space<semaphore_mem>>
    %dma_wait3A_118 = tpu.memref_squeeze %dma_wait3A_117 : memref<1x!tpu.dma_semaphore, #tpu.memory_space<semaphore_mem>> -> memref<!tpu.dma_semaphore, #tpu.memory_space<semaphore_mem>>
    %dma_wait3A_119 = arith.constant 0 : i32
    %dma_wait3A_120 = arith.constant 0 : i32
    %dma_wait3A_121 = tpu.memref_slice %arg5[%dma_wait3A_119, %dma_wait3A_120] : memref<819200x64xf32, #tpu.memory_space<hbm>> -> memref<128x64xf32, #tpu.memory_space<hbm>>
    %dma_wait3A_122 = arith.constant 0 : i32
    %dma_wait3A_123 = arith.constant 0 : i32
    %dma_wait3A_124 = tpu.memref_slice %arg8[%dma_wait3A_105, %dma_wait3A_122, %dma_wait3A_123] : memref<4x128x64xf32, #tpu.memory_space<vmem>> -> memref<1x128x64xf32, #tpu.memory_space<vmem>>
    %dma_wait3A_125 = tpu.memref_squeeze %dma_wait3A_124 : memref<1x128x64xf32, #tpu.memory_space<vmem>> -> memref<128x64xf32, #tpu.memory_space<vmem>>
    %dma_wait3A_126 = arith.constant 0 : i32
    %dma_wait3A_127 = arith.constant 0 : i32
    %dma_wait3A_128 = tpu.memref_slice %dma_wait3A_125[%dma_wait3A_126, %dma_wait3A_127] : memref<128x64xf32, #tpu.memory_space<vmem>> -> memref<128x64xf32, #tpu.memory_space<vmem>>
    tpu.wait_dma2 semaphore(%dma_wait3A_118 : memref<!tpu.dma_semaphore, #tpu.memory_space<semaphore_mem>>) src(%dma_wait3A_128 : memref<128x64xf32, #tpu.memory_space<vmem>>) dst(%dma_wait3A_121 : memref<128x64xf32, #tpu.memory_space<hbm>>)
    %dma_wait3A_129 = arith.constant 3 : i32
    %dma_wait3A_130 = arith.constant 7 : i32
    %dma_wait3A_131 = arith.constant 0 : i32
    %dma_wait3A_132 = arith.constant 0 : i32
    %dma_wait3A_133 = tpu.memref_slice %arg8[%dma_wait3A_129, %dma_wait3A_131, %dma_wait3A_132] : memref<4x128x64xf32, #tpu.memory_space<vmem>> -> memref<1x128x64xf32, #tpu.memory_space<vmem>>
    %dma_wait3A_134 = tpu.memref_squeeze %dma_wait3A_133 : memref<1x128x64xf32, #tpu.memory_space<vmem>> -> memref<128x64xf32, #tpu.memory_space<vmem>>
    %dma_wait3A_135 = arith.constant 0 : i32
    %dma_wait3A_136 = arith.constant 0 : i32
    %dma_wait3A_137 = tpu.memref_slice %dma_wait3A_134[%dma_wait3A_135, %dma_wait3A_136] : memref<128x64xf32, #tpu.memory_space<vmem>> -> memref<72x64xf32, #tpu.memory_space<vmem>>
    %dma_wait3A_138 = arith.constant 0 : i32
    %dma_wait3A_139 = arith.constant 0 : i32
    %dma_wait3A_140 = tpu.memref_slice %arg5[%dma_wait3A_138, %dma_wait3A_139] : memref<819200x64xf32, #tpu.memory_space<hbm>> -> memref<72x64xf32, #tpu.memory_space<hbm>>
    %dma_wait3A_141 = tpu.memref_slice %arg9[%dma_wait3A_130] : memref<8x!tpu.dma_semaphore, #tpu.memory_space<semaphore_mem>> -> memref<1x!tpu.dma_semaphore, #tpu.memory_space<semaphore_mem>>
    %dma_wait3A_142 = tpu.memref_squeeze %dma_wait3A_141 : memref<1x!tpu.dma_semaphore, #tpu.memory_space<semaphore_mem>> -> memref<!tpu.dma_semaphore, #tpu.memory_space<semaphore_mem>>
    %dma_wait3A_143 = arith.constant 0 : i32
    %dma_wait3A_144 = arith.constant 0 : i32
    %dma_wait3A_145 = tpu.memref_slice %arg5[%dma_wait3A_143, %dma_wait3A_144] : memref<819200x64xf32, #tpu.memory_space<hbm>> -> memref<72x64xf32, #tpu.memory_space<hbm>>
    %dma_wait3A_146 = arith.constant 0 : i32
    %dma_wait3A_147 = arith.constant 0 : i32
    %dma_wait3A_148 = tpu.memref_slice %arg8[%dma_wait3A_129, %dma_wait3A_146, %dma_wait3A_147] : memref<4x128x64xf32, #tpu.memory_space<vmem>> -> memref<1x128x64xf32, #tpu.memory_space<vmem>>
    %dma_wait3A_149 = tpu.memref_squeeze %dma_wait3A_148 : memref<1x128x64xf32, #tpu.memory_space<vmem>> -> memref<128x64xf32, #tpu.memory_space<vmem>>
    %dma_wait3A_150 = arith.constant 0 : i32
    %dma_wait3A_151 = arith.constant 0 : i32
    %dma_wait3A_152 = tpu.memref_slice %dma_wait3A_149[%dma_wait3A_150, %dma_wait3A_151] : memref<128x64xf32, #tpu.memory_space<vmem>> -> memref<72x64xf32, #tpu.memory_space<vmem>>
    tpu.wait_dma2 semaphore(%dma_wait3A_142 : memref<!tpu.dma_semaphore, #tpu.memory_space<semaphore_mem>>) src(%dma_wait3A_152 : memref<72x64xf32, #tpu.memory_space<vmem>>) dst(%dma_wait3A_145 : memref<72x64xf32, #tpu.memory_space<hbm>>)
    return
  }
}

</mosaic_0001>

<sc_bundles>
// kernel: kernel.3.cloned.1.call-start
scs
__scs_entry_jumppad:
0x0: {  	(pc) =	sbr.rel $0x88, $3  }
0x1: {  	(tag) =	ssettag $0x0;
	lr =	simm.s32 $0x1  }
0x2: {  	[smem:$0x3F9E] =	sst lr;
	_ =	strace $0xD0000000  }
0x3: {  	_ = 	snop  }
0x4: {  	_ = 	snop  }
0x5: {  	_ = 	snop  }
0x6: {  	_ = 	snop  }
0x7: {  	_ = 	snop  }
__scs_overlays_trampoline_lowered:
0x8: {  	[smem:$0x3FAD] =	sst s0  }
0x9: {  	[smem:$0x3FAE] =	sst s1  }
0xa: {  	[smem:$0x3FAF] =	sst s2  }
0xb: {  	[smem:$0x3FB0] =	sst s3  }
0xc: {  	[smem:$0x3FB1] =	sst s4  }
0xd: {  	[smem:$0x3FB2] =	sst s5  }
0xe: {  	[smem:$0x3FB3] =	sst s6  }
0xf: {  	[smem:$0x3FB4] =	sst s7  }
0x10: {  	[smem:$0x3FB5] =	sst s8  }
0x11: {  	[smem:$0x3FB6] =	sst s9;
	s0 =	simm.s32 @!p0 $0x0  }
0x12: {  	s1 =	sld [smem:$0x3F9C];
	s0 =	simm.s32 @p0 $0x1  }
0x13: {  	[smem:$0x3FB7] =	sst s0;
	s0 =	simm.s32 @!p1 $0x0  }
0x14: {  	s2 =	sld [smem:$0x3F9B];
	s0 =	simm.s32 @p1 $0x1  }
0x15: {  	[smem:$0x3FB8] =	sst s0;
	s0 =	simm.s32 @!p2 $0x0  }
0x16: {  	s3 =	sld [smem:$0x3FDB];
	s0 =	simm.s32 @p2 $0x1  }
0x17: {  	s4 =	simm.s32 $0x1BF5;
	[smem:$0x3FBA] =	sst s0  }
0x18: {  	s0 =	sld [smem:$0x3F9D];
	_ =	swait.ge [sflag:s4], $0x0  }
0x19: {  	s7 =	sld [smem:$0x3F9E]  }
0x1a: {  	s8 =	sadd.s32 $0xFFFFE003, lr  }
0x1b: {  	s9 =	sadd.s32 $0xFFFFFEF7, lr;
	s5 =	simm.s32 $0xFFFFFFFF;
	p2 =	slt.u32 s8, $0xFFFFF086  }
0x1c: {  	p1 =	slt.u32 s9, $0xF7A;
	s5 =	simm.s32 @!p2 $0x0  }
0x1d: {  	s5 =	simm.s32 @p1 $0x1;
	p0 =	seq.s32 s7, s2  }
0x1e: {  	s7 =	smul.u32 @!p0 $0xF7A, s2;
	p2 =	seq.s32 @!p0 s5, $0x0  }
0x1f: {  	s9 =	smul.u32 $0xF7A, s1;
	s8 =	simm.s32 @!p0 $0x1BF5;
	p2 =	por !p2, p0  }
0x20: {  	[sflag:s8] =	ssyncset.s32 @!p0 $0xFFFFF086;
	s6 =	sadd.s32 @!p0 s3, s7;
	s7 =	simm.s32 @!p0 $0x108  }
0x21: {  	s3 =	sadd.s32 s3, s9;
	s6 =	sadd.s32 @!p0 $0x88, s6;
	s7 =	simm.s32 @p2 $0x1082  }
0x22: {  	[simem:s7], [sflag:s8] =	dma.local @!p0 [hbm:s6], $0xF7A  }
0x23: {  	s9 =	sor.u32 $0xD0000000, s2;
	s6 =	simm.s32 $0x108;
	_ =	swait.ge @!p0 [sflag:s8], $0x0  }
0x24: {  	s3 =	sadd.s32 $0x88, s3;
	s6 =	simm.s32 @!p1 $0x1082;
	[sflag:s4] =	ssyncset.s32 $0xFFFFF086  }
0x25: {  	[simem:s6], [sflag:s4] =	dma.local [hbm:s3], $0xF7A  }
0x26: {  	[smem:$0x3F9E] =	sst s1;
	(tag) =	ssettag s2;
	_ =	strace s9  }
0x27: {  	s1 =	sld [smem:$0x3FAE]  }
0x28: {  	s2 =	sld [smem:$0x3FAF]  }
0x29: {  	s4 =	sld [smem:$0x3FB1]  }
0x2a: {  	p0 =	seq.s32 s5, $0x0;
	s5 =	sld [smem:$0x3FB2]  }
0x2b: {  	s6 =	sld [smem:$0x3FB3]  }
0x2c: {  	s7 =	sld [smem:$0x3FB4]  }
0x2d: {  	s3 =	simm.s32 $0x108;
	s8 =	sld [smem:$0x3FB5]  }
0x2e: {  	s3 =	simm.s32 @!p0 $0x1082;
	s9 =	sld [smem:$0x3FB6]  }
0x2f: {  	lr =	sadd.s32 s0, s3;
	s0 =	sld [smem:$0x3FAD]  }
0x30: {  	s3 =	sld [smem:$0x3FB0]  }
0x31: {  	[smem:$0x3FB9] =	sst s10  }
0x32: {  	s10 =	sld [smem:$0x3FB7];
	_ =	sdelay $0x3  }
0x33: {  	p0 =	seq.s32 s10, $0x1;
	s10 =	sld [smem:$0x3FB9];
	_ =	sdelay $0x3  }
0x34: {  	[smem:$0x3FB9] =	sst s10  }
0x35: {  	s10 =	sld [smem:$0x3FB8];
	_ =	sdelay $0x3  }
0x36: {  	p1 =	seq.s32 s10, $0x1;
	s10 =	sld [smem:$0x3FB9];
	_ =	sdelay $0x3  }
0x37: {  	[smem:$0x3FB9] =	sst s10  }
0x38: {  	s10 =	sld [smem:$0x3FBA]  }
0x39: {  	_ = 	snop;
	(pc) =	sbr.ind lr, $3  }
0x3a: {  	_ = 	snop  }
0x3b: {  	_ = 	snop  }
0x3c: {  	p2 =	seq.s32 s10, $0x1;
	s10 =	sld [smem:$0x3FB9]  }
0x3d: {  	_ =	shalt  }
0x3e: {  	_ =	shalt  }
0x3f: {  	_ =	shalt  }
0x40: {  	_ =	shalt  }
0x41: {  	_ =	shalt  }
0x42: {  	_ =	shalt  }
0x43: {  	_ =	shalt  }
0x44: {  	_ =	shalt  }
0x45: {  	_ =	shalt  }
0x46: {  	_ =	shalt  }
0x47: {  	_ =	shalt  }
0x48: {  	_ =	shalt  }
0x49: {  	_ =	shalt  }
0x4a: {  	_ =	shalt  }
0x4b: {  	_ =	shalt  }
0x4c: {  	_ =	shalt  }
0x4d: {  	_ =	shalt  }
0x4e: {  	_ =	shalt  }
0x4f: {  	_ =	shalt  }
0x50: {  	_ =	shalt  }
0x51: {  	_ =	shalt  }
0x52: {  	_ =	shalt  }
0x53: {  	_ =	shalt  }
0x54: {  	_ =	shalt  }
0x55: {  	_ =	shalt  }
0x56: {  	_ =	shalt  }
0x57: {  	_ =	shalt  }
0x58: {  	_ =	shalt  }
0x59: {  	_ =	shalt  }
0x5a: {  	_ =	shalt  }
0x5b: {  	_ =	shalt  }
0x5c: {  	_ =	shalt  }
0x5d: {  	_ =	shalt  }
0x5e: {  	_ =	shalt  }
0x5f: {  	_ =	shalt  }
0x60: {  	_ =	shalt  }
0x61: {  	_ =	shalt  }
0x62: {  	_ =	shalt  }
0x63: {  	_ =	shalt  }
0x64: {  	_ =	shalt  }
0x65: {  	_ =	shalt  }
0x66: {  	_ =	shalt  }
0x67: {  	_ =	shalt  }
0x68: {  	_ =	shalt  }
0x69: {  	_ =	shalt  }
0x6a: {  	_ =	shalt  }
0x6b: {  	_ =	shalt  }
0x6c: {  	_ =	shalt  }
0x6d: {  	_ =	shalt  }
0x6e: {  	_ =	shalt  }
0x6f: {  	_ =	shalt  }
0x70: {  	_ =	shalt  }
0x71: {  	_ =	shalt  }
0x72: {  	_ =	shalt  }
0x73: {  	_ =	shalt  }
0x74: {  	_ =	shalt  }
0x75: {  	_ =	shalt  }
0x76: {  	_ =	shalt  }
0x77: {  	_ =	shalt  }
0x78: {  	_ =	shalt  }
0x79: {  	_ =	shalt  }
0x7a: {  	_ =	shalt  }
0x7b: {  	_ =	shalt  }
0x7c: {  	_ =	shalt  }
0x7d: {  	_ =	shalt  }
0x7e: {  	_ =	shalt  }
0x7f: {  	_ =	shalt  }
0x80: {  	_ =	shalt  }
0x81: {  	_ =	shalt  }
0x82: {  	_ =	shalt  }
0x83: {  	_ =	shalt  }
0x84: {  	_ =	shalt  }
0x85: {  	_ =	shalt  }
0x86: {  	_ =	shalt  }
0x87: {  	_ =	shalt  }
.Lfunc_end0:
.L_simem_size_0:
called_computation.1_lowered:
.L_overlay_start_0:
0x88: {  	s2 =	sld [smem:$0x3FD9]  }
0x89: {  	s3 =	sld [smem:$0x3FFE];
	_ =	sdelay $0x1  }
0x8a: {  	s1 =	srdreg.scid  }
0x8b: {  	s0 =	sand.u32 $0x1, s1  }
0x8c: {  	s17 =	sshll.u32 s0, $0xA;
	s2 =	sadd.s32 s3, s2  }
0x8d: {  	s2 =	sadd.s32 s2, s17  }
0x8e: {  	[smem:$0x3FC5] =	sst s2  }
0x8f: {  	_ = 	snop  }
0x90: {  	s2 =	sld [smem:$0x3FD0];
	(tm) =	ssettm $0x1  }
0x91: {  	s18 =	sld [smem:$0x3FFB];
	_ =	sdelay $0x3  }
0x92: {  	_ =	strace s18  }
0x93: {  	s3 =	sld [smem:$0x3FFC];
	_ =	sdelay $0x3  }
0x94: {  	_ =	strace s3  }
0x95: {  	s3 =	sld [smem:$0x3FFD];
	_ =	sdelay $0x3  }
0x96: {  	_ =	strace s3  }
0x97: {  	_ =	strace $0x8FFFFFFF  }
0x98: {  	s19 =	sld [smem:$0x3FDB];
	_ =	sdelay $0x1  }
0x99: {  	s4 =	simm.s32 $_scs_section_size  }
0x9a: {  	s5 =	simm.s32 $_size__tile_overlayer_lowered;
	s6 =	simm.s32 $_tile_overlayer_lowered  }
0x9b: {  	s22 =	simm.s32 $0x1BFF;
	s21 =	sshll.u32 s6, $0x1;
	s3 =	sadd.s32 s4, s19  }
0x9c: {  	s7 =	simm.s32 $0x0;
	s20 =	sshll.u32 s5, $0x1;
	s5 =	sadd.s32 s21, s3  }
0x9d: {  	[timem:s7], [sflag:s22] =	dma.local [hbm:s5], s20  }
0x9e: {  	_ =	swait.ge [sflag:s22], s20  }
0x9f: {  	s4 =	ssub.s32 $0x0, s20;
	[sflag:s22] =	ssyncset.done $0x0  }
0xa0: {  	[sflag:s22] =	ssyncadd.s32 s4;
	_ =	sdelay $0x1  }
0xa1: {  	s23 =	simm.s32 $0x1B8B  }
0xa2: {  	_ =	swait.ge [sflag:s23], $0x1  }
0xa3: {  	[sflag:s23] =	ssyncset.done $0x0  }
0xa4: {  	s25 =	simm.s32 $0x1B8E;
	s24 =	sld [smem:$0x3FFE];
	[sflag:s23] =	ssyncadd.s32 $0xFFFFFFFF  }
0xa5: {  	s26 =	simm.s32 $execute0_lowered;
	[smem:$0x3FD2] =	sst s25  }
0xa6: {  	s5 =	sshll.u32 s26, $0x1;
	_ =	strace $0x80000046;
	[dreg:$0x1] =	wrdreg $0xFFFFFFFF  }
0xa7: {  	s28 =	simm.s32 $_size_execute0_lowered;
	s3 =	sadd.s32 s3, s5;
	[dreg:$0x0] =	wrdreg $0x0  }
0xa8: {  	s5 =	sshll.u32 s28, $0x1;
	[dreg:$0x2] =	wrdreg s3  }
0xa9: {  	[dreg:$0x3] =	wrdreg s5  }
0xaa: {  	[dreg:$0x4] =	wrdreg $0xC0  }
0xab: {  	_ =	task [dreg:s7], $0x5FFFF  }
0xac: {  	[dreg:$0x1] =	wrdreg $0xFFFFFFFF  }
0xad: {  	[dreg:$0x0] =	wrdreg $0x60  }
0xae: {  	[dreg:$0x2] =	wrdreg s24  }
0xaf: {  	[dreg:$0x3] =	wrdreg s2  }
0xb0: {  	[dreg:$0x4] =	wrdreg $0x9  }
0xb1: {  	_ =	task.clear_ibuf [dreg:s7], $0x5FFFF;
	_ =	strace $0x90000046  }
0xb2: {  	s29 =	simm.s32 $0x9;
	_ =	strace $0x80000048  }
0xb3: {  	_ =	swait.ge [sflag:s29], $0x1  }
0xb4: {  	[sflag:s29] =	ssyncadd.s32 $0xFFFFFFFF  }
0xb5: {  	_ =	strace $0x90000048  }
0xb6: {  	_ =	sfence  }
0xb7: {  	s30 =	sld [smem:$0x0];
	_ =	sdelay $0x2  }
0xb8: {  	s31 =	sshll.u32 s1, $0xD;
	s1 =	sshrl.u32 s1, $0x2  }
0xb9: {  	s3 =	sand.u32 $0x4000, s31;
	s1 =	sadd.s32 s1, s30  }
0xba: {  	s0 =	sor.u32 s3, s0;
	s1 =	sshll.u32 s1, $0x11  }
0xbb: {  	s0 =	sor.u32 s1, s0  }
0xbc: {  	s0 =	sadd.s32 $0x8F2B, s0  }
0xbd: {  	[sflag:s0] =	ssyncadd.remote.s32 $0x1  }
0xbe: {  	_ =	sfence.sel $0xFFFF  }
0xbf: {  	[dreg:$0x0] =	wrdreg $0xFFFFFFFF;
	(pc) =	sbr.abs _section_cstart, $3  }
0xc0: {  	[dreg:$0x1] =	wrdreg $0xFFFFFFFF  }
0xc1: {  	_ =	task.clear_ibuf [dreg:s7], $0x2FFFF;
	_ =	strace $0x9FFFFFFF  }
0xc2: {  	(tm) =	ssettm $0x7FFFFFFF  }
0xc3: {  	_ =	shalt  }
tec
execute0_lowered:
.L_overlay_start_1:
0x0: {  	(tag) =	ssettag $0x1  }
0x1: {  	s0 =	rddreg [dreg:$0x0]  }
0x2: {  	s1 =	srdreg.scid;
	s3 =	stileid.u32  }
0x3: {  	s2 =	rddreg [dreg:$0x1];
	s11 =	simm.s32 $0x9;
	s13 =	simm.s32 $0x80  }
0x4: {  	s14 =	simm.s32 $0x9600;
	s15 =	simm.s32 $0x48;
	s16 =	simm.s32 $0xB600  }
0x5: {  	s17 =	simm.s32 $0xD600;
	s18 =	simm.s32 $0x1;
	s19 =	simm.s32 $0xF600  }
0x6: {  	s20 =	simm.s32 $0x2;
	s21 =	simm.s32 $0x3;
	s22 =	simm.s32 $0x4  }
0x7: {  	s23 =	simm.s32 $0x5;
	s24 =	simm.s32 $0x6;
	s25 =	simm.s32 $0x7  }
0x8: {  	s26 =	simm.s32 $0x8;
	s1 =	sand.u32 $0x1, s1;
	s4 =	sshll.u32 s3, $0x1  }
0x9: {  	s28 =	simm.s32 $0x0;
	s3 =	simm.s32 $0x0;
	s4 =	sor.u32 s1, s4  }
0xa: {  	s8 =	sadd.s32 $0x400, s2;
	s1 =	ssub.s32 $0x2, s1;
	s5 =	smul.u32 $0xC80, s4  }
0xb: {  	[smem:$0x7FF] =	sst s3;
	s7 =	sshrl.u32 s1, $0x1;
	s4 =	smul.u32 $0x6400, s4  }
0xc: {  	_ =	strace $0x80000047;
	s31 =	ssub.s32 s1, s7;
	s6 =	sadd.s32 s5, s0  }
0xd: {  	s5 =	sadd.s32 $0xF43000, s0;
	s0 =	sadd.s32 $0x19C00, s0;
	s9 =	sor.u32 $0xC8, s4  }
0xe: {  	s10 =	smax.u32 s31, $0x1;
	[dreg:$0x3] =	wrdreg s0;
	s7 =	sadd.s32 $0xC00, s6  }
.LBB2_1:
0xf: {  	[tilespmem:s3], [sflag:$0x9] =	stream.linear.gather [hbm4b:s7+s3], $0x6400, $0x38;
	[tilespmem:$0x11600] =	vst v63  }
0x10: {  	_ =	swait.ge [sflag:s11], $0x6400  }
0x11: {  	[sflag:s11] =	ssyncset.done $0x0  }
0x12: {  	s1 =	simm.s32 $0x6400;
	s0 =	rddreg [dreg:$0x3];
	[sflag:s11] =	ssyncadd.s32 $0xFFFF9C00  }
0x13: {  	[tilespmem:s1], [sflag:$0x9] =	stream.linear.gather [hbm4b:s0+s3], $0x3200, $0x38;
	[tilespmem:$0x11600] =	vst v63  }
0x14: {  	_ =	swait.ge [sflag:s11], $0x3200  }
0x15: {  	[sflag:s11] =	ssyncset.done $0x0  }
0x16: {  	[sflag:s11] =	ssyncadd.s32 $0xFFFFCE00  }
0x17: {  	[tilespmem:s14], [sflag:$0x1] =	stream.indirect.gather [hbm4b:s5+s13], $0x40, s3, s13, $0xb8;
	[tilespmem:$0x11600] =	vst v63  }
0x18: {  	s29 =	simm.s32 $0x0  }
0x19: {  	[tilespmem:s16], [sflag:$0x2] =	stream.indirect.gather [hbm4b:s5+s15], $0x40, s13, s15, $0xb8;
	[tilespmem:$0x11600] =	vst v63  }
.LBB2_2:
0x1a: {  	p0 =	seq.s32 s29, $0x0  }
0x1b: {  	s1 =	smul.u32 $0x640, s29;
	s0 =	simm.s32 @!p0 $0x7  }
0x1c: {  	_ =	swait.ge @!p0 [sflag:s0], $0x2000  }
0x1d: {  	s30 =	sshra.s32 s1, $0x2;
	[sflag:s0] =	ssyncset.done @!p0 $0x0  }
0x1e: {  	s12 =	sadd.s32 $0xC8, s30;
	[sflag:s0] =	ssyncadd.s32 @!p0 $0xFFFFE000  }
0x1f: {  	[tilespmem:s17], [sflag:$0x3] =	stream.indirect.gather [hbm4b:s5+s13], $0x40, s12, s13, $0xb8;
	[tilespmem:$0x11600] =	vst v63  }
0x20: {  	_ =	swait.ge [sflag:s18], $0x2000  }
0x21: {  	[sflag:s18] =	ssyncset.done $0x0  }
0x22: {  	s31 =	simm.s32 $0x95F0;
	[sflag:s18] =	ssyncadd.s32 $0xFFFFE000  }
0x23: {  	v0 =	vld [tilespmem:s31+$0xFFFFFFD0];
	_ =	sdelay $0x3  }
0x24: {  	s1 =	simm.s32 $0x97F0  }
0x25: {  	[tilespmem:s1+$0xFFFFFE10] =	vst.add.f32.msk $0xffff, v0  }
0x26: {  	v0 =	vld [tilespmem:s31+$0xFFFFFFE0];
	_ =	sdelay $0x4  }
0x27: {  	[tilespmem:s1+$0xFFFFFE20] =	vst.add.f32.msk $0xffff, v0  }
0x28: {  	v0 =	vld [tilespmem:s31+$0xFFFFFFF0];
	_ =	sdelay $0x4  }
0x29: {  	[tilespmem:s1+$0xFFFFFE30] =	vst.add.f32.msk $0xffff, v0  }
0x2a: {  	v0 =	vld [tilespmem:s31+$0x0];
	_ =	sdelay $0x4  }
0x2b: {  	[tilespmem:s1+$0xFFFFFE40] =	vst.add.f32.msk $0xffff, v0  }
0x2c: {  	v0 =	vld [tilespmem:s31+$0xFFFFFF90];
	_ =	sdelay $0x4  }
0x2d: {  	[tilespmem:s1+$0xFFFFFE50] =	vst.add.f32.msk $0xffff, v0  }
0x2e: {  	v0 =	vld [tilespmem:s31+$0xFFFFFFA0];
	_ =	sdelay $0x4  }
0x2f: {  	[tilespmem:s1+$0xFFFFFE60] =	vst.add.f32.msk $0xffff, v0  }
0x30: {  	v0 =	vld [tilespmem:s31+$0xFFFFFFB0];
	_ =	sdelay $0x4  }
0x31: {  	[tilespmem:s1+$0xFFFFFE70] =	vst.add.f32.msk $0xffff, v0  }
0x32: {  	v0 =	vld [tilespmem:s31+$0xFFFFFFC0];
	_ =	sdelay $0x4  }
0x33: {  	[tilespmem:s1+$0xFFFFFE80] =	vst.add.f32.msk $0xffff, v0  }
0x34: {  	v0 =	vld [tilespmem:s31+$0xFFFFFF50];
	_ =	sdelay $0x4  }
0x35: {  	[tilespmem:s1+$0xFFFFFE90] =	vst.add.f32.msk $0xffff, v0  }
0x36: {  	v0 =	vld [tilespmem:s31+$0xFFFFFF60];
	_ =	sdelay $0x4  }
0x37: {  	[tilespmem:s1+$0xFFFFFEA0] =	vst.add.f32.msk $0xffff, v0  }
0x38: {  	v0 =	vld [tilespmem:s31+$0xFFFFFF70];
	_ =	sdelay $0x4  }
0x39: {  	[tilespmem:s1+$0xFFFFFEB0] =	vst.add.f32.msk $0xffff, v0  }
0x3a: {  	v0 =	vld [tilespmem:s31+$0xFFFFFF80];
	_ =	sdelay $0x4  }
0x3b: {  	[tilespmem:s1+$0xFFFFFEC0] =	vst.add.f32.msk $0xffff, v0  }
0x3c: {  	v0 =	vld [tilespmem:s31+$0xFFFFFF10];
	_ =	sdelay $0x4  }
0x3d: {  	[tilespmem:s1+$0xFFFFFED0] =	vst.add.f32.msk $0xffff, v0  }
0x3e: {  	v0 =	vld [tilespmem:s31+$0xFFFFFF20];
	_ =	sdelay $0x4  }
0x3f: {  	[tilespmem:s1+$0xFFFFFEE0] =	vst.add.f32.msk $0xffff, v0  }
0x40: {  	v0 =	vld [tilespmem:s31+$0xFFFFFF30];
	_ =	sdelay $0x4  }
0x41: {  	[tilespmem:s1+$0xFFFFFEF0] =	vst.add.f32.msk $0xffff, v0  }
0x42: {  	v0 =	vld [tilespmem:s31+$0xFFFFFF40];
	_ =	sdelay $0x4  }
0x43: {  	[tilespmem:s1+$0xFFFFFF00] =	vst.add.f32.msk $0xffff, v0  }
0x44: {  	v0 =	vld [tilespmem:s31+$0xFFFFFED0];
	_ =	sdelay $0x4  }
0x45: {  	[tilespmem:s1+$0xFFFFFF10] =	vst.add.f32.msk $0xffff, v0  }
0x46: {  	v0 =	vld [tilespmem:s31+$0xFFFFFEE0];
	_ =	sdelay $0x4  }
0x47: {  	[tilespmem:s1+$0xFFFFFF20] =	vst.add.f32.msk $0xffff, v0  }
0x48: {  	v0 =	vld [tilespmem:s31+$0xFFFFFEF0];
	_ =	sdelay $0x4  }
0x49: {  	[tilespmem:s1+$0xFFFFFF30] =	vst.add.f32.msk $0xffff, v0  }
0x4a: {  	v0 =	vld [tilespmem:s31+$0xFFFFFF00];
	_ =	sdelay $0x4  }
0x4b: {  	[tilespmem:s1+$0xFFFFFF40] =	vst.add.f32.msk $0xffff, v0  }
0x4c: {  	v0 =	vld [tilespmem:s31+$0xFFFFFE90];
	_ =	sdelay $0x4  }
0x4d: {  	[tilespmem:s1+$0xFFFFFF50] =	vst.add.f32.msk $0xffff, v0  }
0x4e: {  	v0 =	vld [tilespmem:s31+$0xFFFFFEA0];
	_ =	sdelay $0x4  }
0x4f: {  	[tilespmem:s1+$0xFFFFFF60] =	vst.add.f32.msk $0xffff, v0  }
0x50: {  	v0 =	vld [tilespmem:s31+$0xFFFFFEB0];
	_ =	sdelay $0x4  }
0x51: {  	[tilespmem:s1+$0xFFFFFF70] =	vst.add.f32.msk $0xffff, v0  }
0x52: {  	v0 =	vld [tilespmem:s31+$0xFFFFFEC0];
	_ =	sdelay $0x4  }
0x53: {  	[tilespmem:s1+$0xFFFFFF80] =	vst.add.f32.msk $0xffff, v0  }
0x54: {  	v0 =	vld [tilespmem:s31+$0xFFFFFE50];
	_ =	sdelay $0x4  }
0x55: {  	[tilespmem:s1+$0xFFFFFF90] =	vst.add.f32.msk $0xffff, v0  }
0x56: {  	v0 =	vld [tilespmem:s31+$0xFFFFFE60];
	_ =	sdelay $0x4  }
0x57: {  	[tilespmem:s1+$0xFFFFFFA0] =	vst.add.f32.msk $0xffff, v0  }
0x58: {  	v0 =	vld [tilespmem:s31+$0xFFFFFE70];
	_ =	sdelay $0x4  }
0x59: {  	[tilespmem:s1+$0xFFFFFFB0] =	vst.add.f32.msk $0xffff, v0  }
0x5a: {  	v0 =	vld [tilespmem:s31+$0xFFFFFE80];
	_ =	sdelay $0x4  }
0x5b: {  	[tilespmem:s1+$0xFFFFFFC0] =	vst.add.f32.msk $0xffff, v0  }
0x5c: {  	v0 =	vld [tilespmem:s31+$0xFFFFFE10];
	_ =	sdelay $0x4  }
0x5d: {  	[tilespmem:s1+$0xFFFFFFD0] =	vst.add.f32.msk $0xffff, v0  }
0x5e: {  	v0 =	vld [tilespmem:s31+$0xFFFFFE20];
	_ =	sdelay $0x4  }
0x5f: {  	[tilespmem:s1+$0xFFFFFFE0] =	vst.add.f32.msk $0xffff, v0  }
0x60: {  	v0 =	vld [tilespmem:s31+$0xFFFFFE30];
	_ =	sdelay $0x4  }
0x61: {  	[tilespmem:s1+$0xFFFFFFF0] =	vst.add.f32.msk $0xffff, v0  }
0x62: {  	v0 =	vld [tilespmem:s31+$0xFFFFFE40];
	_ =	sdelay $0x4  }
0x63: {  	s0 =	simm.s32 $0x0;
	s12 =	simm.s32 $0x93F0;
	[tilespmem:s1+$0x0] =	vst.add.f32.msk $0xffff, v0  }
.LBB2_3:
0x64: {  	v0 =	vld [tilespmem:s12+$0xFFFFFFD0];
	s0 =	sadd.s32 $0x8, s0  }
0x65: {  	p1 =	slt.u32 s0, $0x78;
	_ =	sdelay $0x2  }
0x66: {  	s1 =	sadd.s32 $0x200, s1  }
0x67: {  	[tilespmem:s1+$0xFFFFFE10] =	vst.add.f32.msk $0xffff, v0  }
0x68: {  	v0 =	vld [tilespmem:s12+$0xFFFFFFE0];
	_ =	sdelay $0x4  }
0x69: {  	[tilespmem:s1+$0xFFFFFE20] =	vst.add.f32.msk $0xffff, v0  }
0x6a: {  	v0 =	vld [tilespmem:s12+$0xFFFFFFF0];
	_ =	sdelay $0x4  }
0x6b: {  	[tilespmem:s1+$0xFFFFFE30] =	vst.add.f32.msk $0xffff, v0  }
0x6c: {  	v0 =	vld [tilespmem:s12+$0x0];
	_ =	sdelay $0x4  }
0x6d: {  	[tilespmem:s1+$0xFFFFFE40] =	vst.add.f32.msk $0xffff, v0  }
0x6e: {  	v0 =	vld [tilespmem:s12+$0xFFFFFF90];
	_ =	sdelay $0x4  }
0x6f: {  	[tilespmem:s1+$0xFFFFFE50] =	vst.add.f32.msk $0xffff, v0  }
0x70: {  	v0 =	vld [tilespmem:s12+$0xFFFFFFA0];
	_ =	sdelay $0x4  }
0x71: {  	[tilespmem:s1+$0xFFFFFE60] =	vst.add.f32.msk $0xffff, v0  }
0x72: {  	v0 =	vld [tilespmem:s12+$0xFFFFFFB0];
	_ =	sdelay $0x4  }
0x73: {  	[tilespmem:s1+$0xFFFFFE70] =	vst.add.f32.msk $0xffff, v0  }
0x74: {  	v0 =	vld [tilespmem:s12+$0xFFFFFFC0];
	_ =	sdelay $0x4  }
0x75: {  	[tilespmem:s1+$0xFFFFFE80] =	vst.add.f32.msk $0xffff, v0  }
0x76: {  	v0 =	vld [tilespmem:s12+$0xFFFFFF50];
	_ =	sdelay $0x4  }
0x77: {  	[tilespmem:s1+$0xFFFFFE90] =	vst.add.f32.msk $0xffff, v0  }
0x78: {  	v0 =	vld [tilespmem:s12+$0xFFFFFF60];
	_ =	sdelay $0x4  }
0x79: {  	[tilespmem:s1+$0xFFFFFEA0] =	vst.add.f32.msk $0xffff, v0  }
0x7a: {  	v0 =	vld [tilespmem:s12+$0xFFFFFF70];
	_ =	sdelay $0x4  }
0x7b: {  	[tilespmem:s1+$0xFFFFFEB0] =	vst.add.f32.msk $0xffff, v0  }
0x7c: {  	v0 =	vld [tilespmem:s12+$0xFFFFFF80];
	_ =	sdelay $0x4  }
0x7d: {  	[tilespmem:s1+$0xFFFFFEC0] =	vst.add.f32.msk $0xffff, v0  }
0x7e: {  	v0 =	vld [tilespmem:s12+$0xFFFFFF10];
	_ =	sdelay $0x4  }
0x7f: {  	[tilespmem:s1+$0xFFFFFED0] =	vst.add.f32.msk $0xffff, v0  }
0x80: {  	v0 =	vld [tilespmem:s12+$0xFFFFFF20];
	_ =	sdelay $0x4  }
0x81: {  	[tilespmem:s1+$0xFFFFFEE0] =	vst.add.f32.msk $0xffff, v0  }
0x82: {  	v0 =	vld [tilespmem:s12+$0xFFFFFF30];
	_ =	sdelay $0x4  }
0x83: {  	[tilespmem:s1+$0xFFFFFEF0] =	vst.add.f32.msk $0xffff, v0  }
0x84: {  	v0 =	vld [tilespmem:s12+$0xFFFFFF40];
	_ =	sdelay $0x4  }
0x85: {  	[tilespmem:s1+$0xFFFFFF00] =	vst.add.f32.msk $0xffff, v0  }
0x86: {  	v0 =	vld [tilespmem:s12+$0xFFFFFED0];
	_ =	sdelay $0x4  }
0x87: {  	[tilespmem:s1+$0xFFFFFF10] =	vst.add.f32.msk $0xffff, v0  }
0x88: {  	v0 =	vld [tilespmem:s12+$0xFFFFFEE0];
	_ =	sdelay $0x4  }
0x89: {  	[tilespmem:s1+$0xFFFFFF20] =	vst.add.f32.msk $0xffff, v0  }
0x8a: {  	v0 =	vld [tilespmem:s12+$0xFFFFFEF0];
	_ =	sdelay $0x4  }
0x8b: {  	[tilespmem:s1+$0xFFFFFF30] =	vst.add.f32.msk $0xffff, v0  }
0x8c: {  	v0 =	vld [tilespmem:s12+$0xFFFFFF00];
	_ =	sdelay $0x4  }
0x8d: {  	[tilespmem:s1+$0xFFFFFF40] =	vst.add.f32.msk $0xffff, v0  }
0x8e: {  	v0 =	vld [tilespmem:s12+$0xFFFFFE90];
	_ =	sdelay $0x4  }
0x8f: {  	[tilespmem:s1+$0xFFFFFF50] =	vst.add.f32.msk $0xffff, v0  }
0x90: {  	v0 =	vld [tilespmem:s12+$0xFFFFFEA0];
	_ =	sdelay $0x4  }
0x91: {  	[tilespmem:s1+$0xFFFFFF60] =	vst.add.f32.msk $0xffff, v0  }
0x92: {  	v0 =	vld [tilespmem:s12+$0xFFFFFEB0];
	_ =	sdelay $0x4  }
0x93: {  	[tilespmem:s1+$0xFFFFFF70] =	vst.add.f32.msk $0xffff, v0  }
0x94: {  	v0 =	vld [tilespmem:s12+$0xFFFFFEC0];
	_ =	sdelay $0x4  }
0x95: {  	[tilespmem:s1+$0xFFFFFF80] =	vst.add.f32.msk $0xffff, v0  }
0x96: {  	v0 =	vld [tilespmem:s12+$0xFFFFFE50];
	_ =	sdelay $0x4  }
0x97: {  	[tilespmem:s1+$0xFFFFFF90] =	vst.add.f32.msk $0xffff, v0  }
0x98: {  	v0 =	vld [tilespmem:s12+$0xFFFFFE60];
	_ =	sdelay $0x4  }
0x99: {  	[tilespmem:s1+$0xFFFFFFA0] =	vst.add.f32.msk $0xffff, v0  }
0x9a: {  	v0 =	vld [tilespmem:s12+$0xFFFFFE70];
	_ =	sdelay $0x4  }
0x9b: {  	[tilespmem:s1+$0xFFFFFFB0] =	vst.add.f32.msk $0xffff, v0  }
0x9c: {  	v0 =	vld [tilespmem:s12+$0xFFFFFE80];
	_ =	sdelay $0x4  }
0x9d: {  	[tilespmem:s1+$0xFFFFFFC0] =	vst.add.f32.msk $0xffff, v0  }
0x9e: {  	v0 =	vld [tilespmem:s12+$0xFFFFFE10];
	_ =	sdelay $0x4  }
0x9f: {  	[tilespmem:s1+$0xFFFFFFD0] =	vst.add.f32.msk $0xffff, v0  }
0xa0: {  	v0 =	vld [tilespmem:s12+$0xFFFFFE20];
	_ =	sdelay $0x4  }
0xa1: {  	[tilespmem:s1+$0xFFFFFFE0] =	vst.add.f32.msk $0xffff, v0  }
0xa2: {  	v0 =	vld [tilespmem:s12+$0xFFFFFE30];
	_ =	sdelay $0x4  }
0xa3: {  	[tilespmem:s1+$0xFFFFFFF0] =	vst.add.f32.msk $0xffff, v0  }
0xa4: {  	v0 =	vld [tilespmem:s12+$0xFFFFFE40]  }
.Ltmp0:
0xa5: {  	(pc) =	sbr.rel @p1 .LBB2_3-.Ltmp0, $2  }
0xa6: {  	_ =	sdelay $0x2  }
0xa7: {  	s12 =	sadd.s32 $0xFFFFFE00, s12;
	[tilespmem:s1+$0x0] =	vst.add.f32.msk $0xffff, v0  }
0xa8: {  	s31 =	smul.u32 $0x190, s29;
	_ =	sdelay $0x1  }
0xa9: {  	s0 =	sadd.s32 s4, s31  }
0xaa: {  	s1 =	sshll.u32 s0, $0x3  }
0xab: {  	s0 =	sadd.s32 s2, s1  }
0xac: {  	[hbm4b:s0+s3] =	stream.linear.scatter [tilespmem:s14], [sflag:$0x5], $0x2000, $0x38;
	[tilespmem:$0x11600] =	vst v63  }
0xad: {  	s0 =	simm.s32 @!p0 $0x8  }
0xae: {  	_ =	swait.ge @!p0 [sflag:s0], $0x1200  }
0xaf: {  	[sflag:s0] =	ssyncset.done @!p0 $0x0  }
0xb0: {  	s12 =	sadd.s32 $0x148, s30;
	[sflag:s0] =	ssyncadd.s32 @!p0 $0xFFFFEE00  }
0xb1: {  	[tilespmem:s19], [sflag:$0x4] =	stream.indirect.gather [hbm4b:s5+s15], $0x40, s12, s15, $0xb8;
	[tilespmem:$0x11600] =	vst v63  }
0xb2: {  	_ =	swait.ge [sflag:s20], $0x1200  }
0xb3: {  	[sflag:s20] =	ssyncset.done $0x0  }
0xb4: {  	s6 =	simm.s32 $0x75F0;
	[sflag:s20] =	ssyncadd.s32 $0xFFFFEE00  }
0xb5: {  	v0 =	vld [tilespmem:s6+$0xFFFFFFD0];
	_ =	sdelay $0x3  }
0xb6: {  	s0 =	simm.s32 $0xB7F0  }
0xb7: {  	[tilespmem:s0+$0xFFFFFE10] =	vst.add.f32.msk $0xffff, v0  }
0xb8: {  	v0 =	vld [tilespmem:s6+$0xFFFFFFE0];
	_ =	sdelay $0x4  }
0xb9: {  	[tilespmem:s0+$0xFFFFFE20] =	vst.add.f32.msk $0xffff, v0  }
0xba: {  	v0 =	vld [tilespmem:s6+$0xFFFFFFF0];
	_ =	sdelay $0x4  }
0xbb: {  	[tilespmem:s0+$0xFFFFFE30] =	vst.add.f32.msk $0xffff, v0  }
0xbc: {  	v0 =	vld [tilespmem:s6+$0x0];
	_ =	sdelay $0x4  }
0xbd: {  	[tilespmem:s0+$0xFFFFFE40] =	vst.add.f32.msk $0xffff, v0  }
0xbe: {  	v0 =	vld [tilespmem:s6+$0xFFFFFF90];
	_ =	sdelay $0x4  }
0xbf: {  	[tilespmem:s0+$0xFFFFFE50] =	vst.add.f32.msk $0xffff, v0  }
0xc0: {  	v0 =	vld [tilespmem:s6+$0xFFFFFFA0];
	_ =	sdelay $0x4  }
0xc1: {  	[tilespmem:s0+$0xFFFFFE60] =	vst.add.f32.msk $0xffff, v0  }
0xc2: {  	v0 =	vld [tilespmem:s6+$0xFFFFFFB0];
	_ =	sdelay $0x4  }
0xc3: {  	[tilespmem:s0+$0xFFFFFE70] =	vst.add.f32.msk $0xffff, v0  }
0xc4: {  	v0 =	vld [tilespmem:s6+$0xFFFFFFC0];
	_ =	sdelay $0x4  }
0xc5: {  	[tilespmem:s0+$0xFFFFFE80] =	vst.add.f32.msk $0xffff, v0  }
0xc6: {  	v0 =	vld [tilespmem:s6+$0xFFFFFF50];
	_ =	sdelay $0x4  }
0xc7: {  	[tilespmem:s0+$0xFFFFFE90] =	vst.add.f32.msk $0xffff, v0  }
0xc8: {  	v0 =	vld [tilespmem:s6+$0xFFFFFF60];
	_ =	sdelay $0x4  }
0xc9: {  	[tilespmem:s0+$0xFFFFFEA0] =	vst.add.f32.msk $0xffff, v0  }
0xca: {  	v0 =	vld [tilespmem:s6+$0xFFFFFF70];
	_ =	sdelay $0x4  }
0xcb: {  	[tilespmem:s0+$0xFFFFFEB0] =	vst.add.f32.msk $0xffff, v0  }
0xcc: {  	v0 =	vld [tilespmem:s6+$0xFFFFFF80];
	_ =	sdelay $0x4  }
0xcd: {  	[tilespmem:s0+$0xFFFFFEC0] =	vst.add.f32.msk $0xffff, v0  }
0xce: {  	v0 =	vld [tilespmem:s6+$0xFFFFFF10];
	_ =	sdelay $0x4  }
0xcf: {  	[tilespmem:s0+$0xFFFFFED0] =	vst.add.f32.msk $0xffff, v0  }
0xd0: {  	v0 =	vld [tilespmem:s6+$0xFFFFFF20];
	_ =	sdelay $0x4  }
0xd1: {  	[tilespmem:s0+$0xFFFFFEE0] =	vst.add.f32.msk $0xffff, v0  }
0xd2: {  	v0 =	vld [tilespmem:s6+$0xFFFFFF30];
	_ =	sdelay $0x4  }
0xd3: {  	[tilespmem:s0+$0xFFFFFEF0] =	vst.add.f32.msk $0xffff, v0  }
0xd4: {  	v0 =	vld [tilespmem:s6+$0xFFFFFF40];
	_ =	sdelay $0x4  }
0xd5: {  	[tilespmem:s0+$0xFFFFFF00] =	vst.add.f32.msk $0xffff, v0  }
0xd6: {  	v0 =	vld [tilespmem:s6+$0xFFFFFED0];
	_ =	sdelay $0x4  }
0xd7: {  	[tilespmem:s0+$0xFFFFFF10] =	vst.add.f32.msk $0xffff, v0  }
0xd8: {  	v0 =	vld [tilespmem:s6+$0xFFFFFEE0];
	_ =	sdelay $0x4  }
0xd9: {  	[tilespmem:s0+$0xFFFFFF20] =	vst.add.f32.msk $0xffff, v0  }
0xda: {  	v0 =	vld [tilespmem:s6+$0xFFFFFEF0];
	_ =	sdelay $0x4  }
0xdb: {  	[tilespmem:s0+$0xFFFFFF30] =	vst.add.f32.msk $0xffff, v0  }
0xdc: {  	v0 =	vld [tilespmem:s6+$0xFFFFFF00];
	_ =	sdelay $0x4  }
0xdd: {  	[tilespmem:s0+$0xFFFFFF40] =	vst.add.f32.msk $0xffff, v0  }
0xde: {  	v0 =	vld [tilespmem:s6+$0xFFFFFE90];
	_ =	sdelay $0x4  }
0xdf: {  	[tilespmem:s0+$0xFFFFFF50] =	vst.add.f32.msk $0xffff, v0  }
0xe0: {  	v0 =	vld [tilespmem:s6+$0xFFFFFEA0];
	_ =	sdelay $0x4  }
0xe1: {  	[tilespmem:s0+$0xFFFFFF60] =	vst.add.f32.msk $0xffff, v0  }
0xe2: {  	v0 =	vld [tilespmem:s6+$0xFFFFFEB0];
	_ =	sdelay $0x4  }
0xe3: {  	[tilespmem:s0+$0xFFFFFF70] =	vst.add.f32.msk $0xffff, v0  }
0xe4: {  	v0 =	vld [tilespmem:s6+$0xFFFFFEC0];
	_ =	sdelay $0x4  }
0xe5: {  	[tilespmem:s0+$0xFFFFFF80] =	vst.add.f32.msk $0xffff, v0  }
0xe6: {  	v0 =	vld [tilespmem:s6+$0xFFFFFE50];
	_ =	sdelay $0x4  }
0xe7: {  	[tilespmem:s0+$0xFFFFFF90] =	vst.add.f32.msk $0xffff, v0  }
0xe8: {  	v0 =	vld [tilespmem:s6+$0xFFFFFE60];
	_ =	sdelay $0x4  }
0xe9: {  	[tilespmem:s0+$0xFFFFFFA0] =	vst.add.f32.msk $0xffff, v0  }
0xea: {  	v0 =	vld [tilespmem:s6+$0xFFFFFE70];
	_ =	sdelay $0x4  }
0xeb: {  	[tilespmem:s0+$0xFFFFFFB0] =	vst.add.f32.msk $0xffff, v0  }
0xec: {  	v0 =	vld [tilespmem:s6+$0xFFFFFE80];
	_ =	sdelay $0x4  }
0xed: {  	[tilespmem:s0+$0xFFFFFFC0] =	vst.add.f32.msk $0xffff, v0  }
0xee: {  	v0 =	vld [tilespmem:s6+$0xFFFFFE10];
	_ =	sdelay $0x4  }
0xef: {  	[tilespmem:s0+$0xFFFFFFD0] =	vst.add.f32.msk $0xffff, v0  }
0xf0: {  	v0 =	vld [tilespmem:s6+$0xFFFFFE20];
	_ =	sdelay $0x4  }
0xf1: {  	[tilespmem:s0+$0xFFFFFFE0] =	vst.add.f32.msk $0xffff, v0  }
0xf2: {  	v0 =	vld [tilespmem:s6+$0xFFFFFE30];
	_ =	sdelay $0x4  }
0xf3: {  	[tilespmem:s0+$0xFFFFFFF0] =	vst.add.f32.msk $0xffff, v0  }
0xf4: {  	v0 =	vld [tilespmem:s6+$0xFFFFFE40];
	_ =	sdelay $0x4  }
0xf5: {  	s12 =	simm.s32 $0x0;
	s6 =	simm.s32 $0x73F0;
	[tilespmem:s0+$0x0] =	vst.add.f32.msk $0xffff, v0  }
.LBB2_5:
0xf6: {  	v0 =	vld [tilespmem:s6+$0xFFFFFFD0];
	s12 =	sadd.s32 $0x8, s12  }
0xf7: {  	p0 =	slt.u32 s12, $0x40;
	_ =	sdelay $0x2  }
0xf8: {  	s0 =	sadd.s32 $0x200, s0  }
0xf9: {  	[tilespmem:s0+$0xFFFFFE10] =	vst.add.f32.msk $0xffff, v0  }
0xfa: {  	v0 =	vld [tilespmem:s6+$0xFFFFFFE0];
	_ =	sdelay $0x4  }
0xfb: {  	[tilespmem:s0+$0xFFFFFE20] =	vst.add.f32.msk $0xffff, v0  }
0xfc: {  	v0 =	vld [tilespmem:s6+$0xFFFFFFF0];
	_ =	sdelay $0x4  }
0xfd: {  	[tilespmem:s0+$0xFFFFFE30] =	vst.add.f32.msk $0xffff, v0  }
0xfe: {  	v0 =	vld [tilespmem:s6+$0x0];
	_ =	sdelay $0x4  }
0xff: {  	[tilespmem:s0+$0xFFFFFE40] =	vst.add.f32.msk $0xffff, v0  }
0x100: {  	v0 =	vld [tilespmem:s6+$0xFFFFFF90];
	_ =	sdelay $0x4  }
0x101: {  	[tilespmem:s0+$0xFFFFFE50] =	vst.add.f32.msk $0xffff, v0  }
0x102: {  	v0 =	vld [tilespmem:s6+$0xFFFFFFA0];
	_ =	sdelay $0x4  }
0x103: {  	[tilespmem:s0+$0xFFFFFE60] =	vst.add.f32.msk $0xffff, v0  }
0x104: {  	v0 =	vld [tilespmem:s6+$0xFFFFFFB0];
	_ =	sdelay $0x4  }
0x105: {  	[tilespmem:s0+$0xFFFFFE70] =	vst.add.f32.msk $0xffff, v0  }
0x106: {  	v0 =	vld [tilespmem:s6+$0xFFFFFFC0];
	_ =	sdelay $0x4  }
0x107: {  	[tilespmem:s0+$0xFFFFFE80] =	vst.add.f32.msk $0xffff, v0  }
0x108: {  	v0 =	vld [tilespmem:s6+$0xFFFFFF50];
	_ =	sdelay $0x4  }
0x109: {  	[tilespmem:s0+$0xFFFFFE90] =	vst.add.f32.msk $0xffff, v0  }
0x10a: {  	v0 =	vld [tilespmem:s6+$0xFFFFFF60];
	_ =	sdelay $0x4  }
0x10b: {  	[tilespmem:s0+$0xFFFFFEA0] =	vst.add.f32.msk $0xffff, v0  }
0x10c: {  	v0 =	vld [tilespmem:s6+$0xFFFFFF70];
	_ =	sdelay $0x4  }
0x10d: {  	[tilespmem:s0+$0xFFFFFEB0] =	vst.add.f32.msk $0xffff, v0  }
0x10e: {  	v0 =	vld [tilespmem:s6+$0xFFFFFF80];
	_ =	sdelay $0x4  }
0x10f: {  	[tilespmem:s0+$0xFFFFFEC0] =	vst.add.f32.msk $0xffff, v0  }
0x110: {  	v0 =	vld [tilespmem:s6+$0xFFFFFF10];
	_ =	sdelay $0x4  }
0x111: {  	[tilespmem:s0+$0xFFFFFED0] =	vst.add.f32.msk $0xffff, v0  }
0x112: {  	v0 =	vld [tilespmem:s6+$0xFFFFFF20];
	_ =	sdelay $0x4  }
0x113: {  	[tilespmem:s0+$0xFFFFFEE0] =	vst.add.f32.msk $0xffff, v0  }
0x114: {  	v0 =	vld [tilespmem:s6+$0xFFFFFF30];
	_ =	sdelay $0x4  }
0x115: {  	[tilespmem:s0+$0xFFFFFEF0] =	vst.add.f32.msk $0xffff, v0  }
0x116: {  	v0 =	vld [tilespmem:s6+$0xFFFFFF40];
	_ =	sdelay $0x4  }
0x117: {  	[tilespmem:s0+$0xFFFFFF00] =	vst.add.f32.msk $0xffff, v0  }
0x118: {  	v0 =	vld [tilespmem:s6+$0xFFFFFED0];
	_ =	sdelay $0x4  }
0x119: {  	[tilespmem:s0+$0xFFFFFF10] =	vst.add.f32.msk $0xffff, v0  }
0x11a: {  	v0 =	vld [tilespmem:s6+$0xFFFFFEE0];
	_ =	sdelay $0x4  }
0x11b: {  	[tilespmem:s0+$0xFFFFFF20] =	vst.add.f32.msk $0xffff, v0  }
0x11c: {  	v0 =	vld [tilespmem:s6+$0xFFFFFEF0];
	_ =	sdelay $0x4  }
0x11d: {  	[tilespmem:s0+$0xFFFFFF30] =	vst.add.f32.msk $0xffff, v0  }
0x11e: {  	v0 =	vld [tilespmem:s6+$0xFFFFFF00];
	_ =	sdelay $0x4  }
0x11f: {  	[tilespmem:s0+$0xFFFFFF40] =	vst.add.f32.msk $0xffff, v0  }
0x120: {  	v0 =	vld [tilespmem:s6+$0xFFFFFE90];
	_ =	sdelay $0x4  }
0x121: {  	[tilespmem:s0+$0xFFFFFF50] =	vst.add.f32.msk $0xffff, v0  }
0x122: {  	v0 =	vld [tilespmem:s6+$0xFFFFFEA0];
	_ =	sdelay $0x4  }
0x123: {  	[tilespmem:s0+$0xFFFFFF60] =	vst.add.f32.msk $0xffff, v0  }
0x124: {  	v0 =	vld [tilespmem:s6+$0xFFFFFEB0];
	_ =	sdelay $0x4  }
0x125: {  	[tilespmem:s0+$0xFFFFFF70] =	vst.add.f32.msk $0xffff, v0  }
0x126: {  	v0 =	vld [tilespmem:s6+$0xFFFFFEC0];
	_ =	sdelay $0x4  }
0x127: {  	[tilespmem:s0+$0xFFFFFF80] =	vst.add.f32.msk $0xffff, v0  }
0x128: {  	v0 =	vld [tilespmem:s6+$0xFFFFFE50];
	_ =	sdelay $0x4  }
0x129: {  	[tilespmem:s0+$0xFFFFFF90] =	vst.add.f32.msk $0xffff, v0  }
0x12a: {  	v0 =	vld [tilespmem:s6+$0xFFFFFE60];
	_ =	sdelay $0x4  }
0x12b: {  	[tilespmem:s0+$0xFFFFFFA0] =	vst.add.f32.msk $0xffff, v0  }
0x12c: {  	v0 =	vld [tilespmem:s6+$0xFFFFFE70];
	_ =	sdelay $0x4  }
0x12d: {  	[tilespmem:s0+$0xFFFFFFB0] =	vst.add.f32.msk $0xffff, v0  }
0x12e: {  	v0 =	vld [tilespmem:s6+$0xFFFFFE80];
	_ =	sdelay $0x4  }
0x12f: {  	[tilespmem:s0+$0xFFFFFFC0] =	vst.add.f32.msk $0xffff, v0  }
0x130: {  	v0 =	vld [tilespmem:s6+$0xFFFFFE10];
	_ =	sdelay $0x4  }
0x131: {  	[tilespmem:s0+$0xFFFFFFD0] =	vst.add.f32.msk $0xffff, v0  }
0x132: {  	v0 =	vld [tilespmem:s6+$0xFFFFFE20];
	_ =	sdelay $0x4  }
0x133: {  	[tilespmem:s0+$0xFFFFFFE0] =	vst.add.f32.msk $0xffff, v0  }
0x134: {  	v0 =	vld [tilespmem:s6+$0xFFFFFE30];
	_ =	sdelay $0x4  }
0x135: {  	[tilespmem:s0+$0xFFFFFFF0] =	vst.add.f32.msk $0xffff, v0  }
0x136: {  	v0 =	vld [tilespmem:s6+$0xFFFFFE40]  }
.Ltmp1:
0x137: {  	(pc) =	sbr.rel @p0 .LBB2_5-.Ltmp1, $2  }
0x138: {  	_ =	sdelay $0x2  }
0x139: {  	s6 =	sadd.s32 $0xFFFFFE00, s6;
	[tilespmem:s0+$0x0] =	vst.add.f32.msk $0xffff, v0  }
0x13a: {  	s0 =	sadd.s32 s1, s8;
	p0 =	seq.s32 s29, $0x3F  }
0x13b: {  	[hbm4b:s0+s3] =	stream.linear.scatter [tilespmem:s16], [sflag:$0x6], $0x1200, $0x38;
	[tilespmem:$0x11600] =	vst v63  }
0x13c: {  	s0 =	simm.s32 @!p0 $0x5  }
0x13d: {  	_ =	swait.ge @!p0 [sflag:s0], $0x2000  }
0x13e: {  	s1 =	simm.s32 @!p0 $0x80;
	[sflag:s0] =	ssyncset.done @!p0 $0x0  }
0x13f: {  	s6 =	simm.s32 @!p0 $0x9600;
	[sflag:s0] =	ssyncadd.s32 @!p0 $0xFFFFE000;
	s0 =	sadd.s32 @!p0 $0x190, s30  }
0x140: {  	[tilespmem:s6], [sflag:$0x1] =	stream.indirect.gather @!p0 [hbm4b:s5+s1], $0x40, s0, s1, $0xb8;
	[tilespmem:$0x11600] =	vst v63  }
0x141: {  	_ =	swait.ge [sflag:s21], $0x2000  }
0x142: {  	[sflag:s21] =	ssyncset.done $0x0  }
0x143: {  	s12 =	simm.s32 $0x95F0;
	[sflag:s21] =	ssyncadd.s32 $0xFFFFE000  }
0x144: {  	v0 =	vld [tilespmem:s12+$0xFFFFFFD0];
	_ =	sdelay $0x3  }
0x145: {  	s0 =	simm.s32 $0xD7F0  }
0x146: {  	[tilespmem:s0+$0xFFFFFE10] =	vst.add.f32.msk $0xffff, v0  }
0x147: {  	v0 =	vld [tilespmem:s12+$0xFFFFFFE0];
	_ =	sdelay $0x4  }
0x148: {  	[tilespmem:s0+$0xFFFFFE20] =	vst.add.f32.msk $0xffff, v0  }
0x149: {  	v0 =	vld [tilespmem:s12+$0xFFFFFFF0];
	_ =	sdelay $0x4  }
0x14a: {  	[tilespmem:s0+$0xFFFFFE30] =	vst.add.f32.msk $0xffff, v0  }
0x14b: {  	v0 =	vld [tilespmem:s12+$0x0];
	_ =	sdelay $0x4  }
0x14c: {  	[tilespmem:s0+$0xFFFFFE40] =	vst.add.f32.msk $0xffff, v0  }
0x14d: {  	v0 =	vld [tilespmem:s12+$0xFFFFFF90];
	_ =	sdelay $0x4  }
0x14e: {  	[tilespmem:s0+$0xFFFFFE50] =	vst.add.f32.msk $0xffff, v0  }
0x14f: {  	v0 =	vld [tilespmem:s12+$0xFFFFFFA0];
	_ =	sdelay $0x4  }
0x150: {  	[tilespmem:s0+$0xFFFFFE60] =	vst.add.f32.msk $0xffff, v0  }
0x151: {  	v0 =	vld [tilespmem:s12+$0xFFFFFFB0];
	_ =	sdelay $0x4  }
0x152: {  	[tilespmem:s0+$0xFFFFFE70] =	vst.add.f32.msk $0xffff, v0  }
0x153: {  	v0 =	vld [tilespmem:s12+$0xFFFFFFC0];
	_ =	sdelay $0x4  }
0x154: {  	[tilespmem:s0+$0xFFFFFE80] =	vst.add.f32.msk $0xffff, v0  }
0x155: {  	v0 =	vld [tilespmem:s12+$0xFFFFFF50];
	_ =	sdelay $0x4  }
0x156: {  	[tilespmem:s0+$0xFFFFFE90] =	vst.add.f32.msk $0xffff, v0  }
0x157: {  	v0 =	vld [tilespmem:s12+$0xFFFFFF60];
	_ =	sdelay $0x4  }
0x158: {  	[tilespmem:s0+$0xFFFFFEA0] =	vst.add.f32.msk $0xffff, v0  }
0x159: {  	v0 =	vld [tilespmem:s12+$0xFFFFFF70];
	_ =	sdelay $0x4  }
0x15a: {  	[tilespmem:s0+$0xFFFFFEB0] =	vst.add.f32.msk $0xffff, v0  }
0x15b: {  	v0 =	vld [tilespmem:s12+$0xFFFFFF80];
	_ =	sdelay $0x4  }
0x15c: {  	[tilespmem:s0+$0xFFFFFEC0] =	vst.add.f32.msk $0xffff, v0  }
0x15d: {  	v0 =	vld [tilespmem:s12+$0xFFFFFF10];
	_ =	sdelay $0x4  }
0x15e: {  	[tilespmem:s0+$0xFFFFFED0] =	vst.add.f32.msk $0xffff, v0  }
0x15f: {  	v0 =	vld [tilespmem:s12+$0xFFFFFF20];
	_ =	sdelay $0x4  }
0x160: {  	[tilespmem:s0+$0xFFFFFEE0] =	vst.add.f32.msk $0xffff, v0  }
0x161: {  	v0 =	vld [tilespmem:s12+$0xFFFFFF30];
	_ =	sdelay $0x4  }
0x162: {  	[tilespmem:s0+$0xFFFFFEF0] =	vst.add.f32.msk $0xffff, v0  }
0x163: {  	v0 =	vld [tilespmem:s12+$0xFFFFFF40];
	_ =	sdelay $0x4  }
0x164: {  	[tilespmem:s0+$0xFFFFFF00] =	vst.add.f32.msk $0xffff, v0  }
0x165: {  	v0 =	vld [tilespmem:s12+$0xFFFFFED0];
	_ =	sdelay $0x4  }
0x166: {  	[tilespmem:s0+$0xFFFFFF10] =	vst.add.f32.msk $0xffff, v0  }
0x167: {  	v0 =	vld [tilespmem:s12+$0xFFFFFEE0];
	_ =	sdelay $0x4  }
0x168: {  	[tilespmem:s0+$0xFFFFFF20] =	vst.add.f32.msk $0xffff, v0  }
0x169: {  	v0 =	vld [tilespmem:s12+$0xFFFFFEF0];
	_ =	sdelay $0x4  }
0x16a: {  	[tilespmem:s0+$0xFFFFFF30] =	vst.add.f32.msk $0xffff, v0  }
0x16b: {  	v0 =	vld [tilespmem:s12+$0xFFFFFF00];
	_ =	sdelay $0x4  }
0x16c: {  	[tilespmem:s0+$0xFFFFFF40] =	vst.add.f32.msk $0xffff, v0  }
0x16d: {  	v0 =	vld [tilespmem:s12+$0xFFFFFE90];
	_ =	sdelay $0x4  }
0x16e: {  	[tilespmem:s0+$0xFFFFFF50] =	vst.add.f32.msk $0xffff, v0  }
0x16f: {  	v0 =	vld [tilespmem:s12+$0xFFFFFEA0];
	_ =	sdelay $0x4  }
0x170: {  	[tilespmem:s0+$0xFFFFFF60] =	vst.add.f32.msk $0xffff, v0  }
0x171: {  	v0 =	vld [tilespmem:s12+$0xFFFFFEB0];
	_ =	sdelay $0x4  }
0x172: {  	[tilespmem:s0+$0xFFFFFF70] =	vst.add.f32.msk $0xffff, v0  }
0x173: {  	v0 =	vld [tilespmem:s12+$0xFFFFFEC0];
	_ =	sdelay $0x4  }
0x174: {  	[tilespmem:s0+$0xFFFFFF80] =	vst.add.f32.msk $0xffff, v0  }
0x175: {  	v0 =	vld [tilespmem:s12+$0xFFFFFE50];
	_ =	sdelay $0x4  }
0x176: {  	[tilespmem:s0+$0xFFFFFF90] =	vst.add.f32.msk $0xffff, v0  }
0x177: {  	v0 =	vld [tilespmem:s12+$0xFFFFFE60];
	_ =	sdelay $0x4  }
0x178: {  	[tilespmem:s0+$0xFFFFFFA0] =	vst.add.f32.msk $0xffff, v0  }
0x179: {  	v0 =	vld [tilespmem:s12+$0xFFFFFE70];
	_ =	sdelay $0x4  }
0x17a: {  	[tilespmem:s0+$0xFFFFFFB0] =	vst.add.f32.msk $0xffff, v0  }
0x17b: {  	v0 =	vld [tilespmem:s12+$0xFFFFFE80];
	_ =	sdelay $0x4  }
0x17c: {  	[tilespmem:s0+$0xFFFFFFC0] =	vst.add.f32.msk $0xffff, v0  }
0x17d: {  	v0 =	vld [tilespmem:s12+$0xFFFFFE10];
	_ =	sdelay $0x4  }
0x17e: {  	[tilespmem:s0+$0xFFFFFFD0] =	vst.add.f32.msk $0xffff, v0  }
0x17f: {  	v0 =	vld [tilespmem:s12+$0xFFFFFE20];
	_ =	sdelay $0x4  }
0x180: {  	[tilespmem:s0+$0xFFFFFFE0] =	vst.add.f32.msk $0xffff, v0  }
0x181: {  	v0 =	vld [tilespmem:s12+$0xFFFFFE30];
	_ =	sdelay $0x4  }
0x182: {  	[tilespmem:s0+$0xFFFFFFF0] =	vst.add.f32.msk $0xffff, v0  }
0x183: {  	v0 =	vld [tilespmem:s12+$0xFFFFFE40];
	_ =	sdelay $0x4  }
0x184: {  	s1 =	simm.s32 $0x0;
	s6 =	simm.s32 $0x93F0;
	[tilespmem:s0+$0x0] =	vst.add.f32.msk $0xffff, v0  }
.LBB2_7:
0x185: {  	v0 =	vld [tilespmem:s6+$0xFFFFFFD0];
	s1 =	sadd.s32 $0x8, s1  }
0x186: {  	p1 =	slt.u32 s1, $0x78;
	_ =	sdelay $0x2  }
0x187: {  	s0 =	sadd.s32 $0x200, s0  }
0x188: {  	[tilespmem:s0+$0xFFFFFE10] =	vst.add.f32.msk $0xffff, v0  }
0x189: {  	v0 =	vld [tilespmem:s6+$0xFFFFFFE0];
	_ =	sdelay $0x4  }
0x18a: {  	[tilespmem:s0+$0xFFFFFE20] =	vst.add.f32.msk $0xffff, v0  }
0x18b: {  	v0 =	vld [tilespmem:s6+$0xFFFFFFF0];
	_ =	sdelay $0x4  }
0x18c: {  	[tilespmem:s0+$0xFFFFFE30] =	vst.add.f32.msk $0xffff, v0  }
0x18d: {  	v0 =	vld [tilespmem:s6+$0x0];
	_ =	sdelay $0x4  }
0x18e: {  	[tilespmem:s0+$0xFFFFFE40] =	vst.add.f32.msk $0xffff, v0  }
0x18f: {  	v0 =	vld [tilespmem:s6+$0xFFFFFF90];
	_ =	sdelay $0x4  }
0x190: {  	[tilespmem:s0+$0xFFFFFE50] =	vst.add.f32.msk $0xffff, v0  }
0x191: {  	v0 =	vld [tilespmem:s6+$0xFFFFFFA0];
	_ =	sdelay $0x4  }
0x192: {  	[tilespmem:s0+$0xFFFFFE60] =	vst.add.f32.msk $0xffff, v0  }
0x193: {  	v0 =	vld [tilespmem:s6+$0xFFFFFFB0];
	_ =	sdelay $0x4  }
0x194: {  	[tilespmem:s0+$0xFFFFFE70] =	vst.add.f32.msk $0xffff, v0  }
0x195: {  	v0 =	vld [tilespmem:s6+$0xFFFFFFC0];
	_ =	sdelay $0x4  }
0x196: {  	[tilespmem:s0+$0xFFFFFE80] =	vst.add.f32.msk $0xffff, v0  }
0x197: {  	v0 =	vld [tilespmem:s6+$0xFFFFFF50];
	_ =	sdelay $0x4  }
0x198: {  	[tilespmem:s0+$0xFFFFFE90] =	vst.add.f32.msk $0xffff, v0  }
0x199: {  	v0 =	vld [tilespmem:s6+$0xFFFFFF60];
	_ =	sdelay $0x4  }
0x19a: {  	[tilespmem:s0+$0xFFFFFEA0] =	vst.add.f32.msk $0xffff, v0  }
0x19b: {  	v0 =	vld [tilespmem:s6+$0xFFFFFF70];
	_ =	sdelay $0x4  }
0x19c: {  	[tilespmem:s0+$0xFFFFFEB0] =	vst.add.f32.msk $0xffff, v0  }
0x19d: {  	v0 =	vld [tilespmem:s6+$0xFFFFFF80];
	_ =	sdelay $0x4  }
0x19e: {  	[tilespmem:s0+$0xFFFFFEC0] =	vst.add.f32.msk $0xffff, v0  }
0x19f: {  	v0 =	vld [tilespmem:s6+$0xFFFFFF10];
	_ =	sdelay $0x4  }
0x1a0: {  	[tilespmem:s0+$0xFFFFFED0] =	vst.add.f32.msk $0xffff, v0  }
0x1a1: {  	v0 =	vld [tilespmem:s6+$0xFFFFFF20];
	_ =	sdelay $0x4  }
0x1a2: {  	[tilespmem:s0+$0xFFFFFEE0] =	vst.add.f32.msk $0xffff, v0  }
0x1a3: {  	v0 =	vld [tilespmem:s6+$0xFFFFFF30];
	_ =	sdelay $0x4  }
0x1a4: {  	[tilespmem:s0+$0xFFFFFEF0] =	vst.add.f32.msk $0xffff, v0  }
0x1a5: {  	v0 =	vld [tilespmem:s6+$0xFFFFFF40];
	_ =	sdelay $0x4  }
0x1a6: {  	[tilespmem:s0+$0xFFFFFF00] =	vst.add.f32.msk $0xffff, v0  }
0x1a7: {  	v0 =	vld [tilespmem:s6+$0xFFFFFED0];
	_ =	sdelay $0x4  }
0x1a8: {  	[tilespmem:s0+$0xFFFFFF10] =	vst.add.f32.msk $0xffff, v0  }
0x1a9: {  	v0 =	vld [tilespmem:s6+$0xFFFFFEE0];
	_ =	sdelay $0x4  }
0x1aa: {  	[tilespmem:s0+$0xFFFFFF20] =	vst.add.f32.msk $0xffff, v0  }
0x1ab: {  	v0 =	vld [tilespmem:s6+$0xFFFFFEF0];
	_ =	sdelay $0x4  }
0x1ac: {  	[tilespmem:s0+$0xFFFFFF30] =	vst.add.f32.msk $0xffff, v0  }
0x1ad: {  	v0 =	vld [tilespmem:s6+$0xFFFFFF00];
	_ =	sdelay $0x4  }
0x1ae: {  	[tilespmem:s0+$0xFFFFFF40] =	vst.add.f32.msk $0xffff, v0  }
0x1af: {  	v0 =	vld [tilespmem:s6+$0xFFFFFE90];
	_ =	sdelay $0x4  }
0x1b0: {  	[tilespmem:s0+$0xFFFFFF50] =	vst.add.f32.msk $0xffff, v0  }
0x1b1: {  	v0 =	vld [tilespmem:s6+$0xFFFFFEA0];
	_ =	sdelay $0x4  }
0x1b2: {  	[tilespmem:s0+$0xFFFFFF60] =	vst.add.f32.msk $0xffff, v0  }
0x1b3: {  	v0 =	vld [tilespmem:s6+$0xFFFFFEB0];
	_ =	sdelay $0x4  }
0x1b4: {  	[tilespmem:s0+$0xFFFFFF70] =	vst.add.f32.msk $0xffff, v0  }
0x1b5: {  	v0 =	vld [tilespmem:s6+$0xFFFFFEC0];
	_ =	sdelay $0x4  }
0x1b6: {  	[tilespmem:s0+$0xFFFFFF80] =	vst.add.f32.msk $0xffff, v0  }
0x1b7: {  	v0 =	vld [tilespmem:s6+$0xFFFFFE50];
	_ =	sdelay $0x4  }
0x1b8: {  	[tilespmem:s0+$0xFFFFFF90] =	vst.add.f32.msk $0xffff, v0  }
0x1b9: {  	v0 =	vld [tilespmem:s6+$0xFFFFFE60];
	_ =	sdelay $0x4  }
0x1ba: {  	[tilespmem:s0+$0xFFFFFFA0] =	vst.add.f32.msk $0xffff, v0  }
0x1bb: {  	v0 =	vld [tilespmem:s6+$0xFFFFFE70];
	_ =	sdelay $0x4  }
0x1bc: {  	[tilespmem:s0+$0xFFFFFFB0] =	vst.add.f32.msk $0xffff, v0  }
0x1bd: {  	v0 =	vld [tilespmem:s6+$0xFFFFFE80];
	_ =	sdelay $0x4  }
0x1be: {  	[tilespmem:s0+$0xFFFFFFC0] =	vst.add.f32.msk $0xffff, v0  }
0x1bf: {  	v0 =	vld [tilespmem:s6+$0xFFFFFE10];
	_ =	sdelay $0x4  }
0x1c0: {  	[tilespmem:s0+$0xFFFFFFD0] =	vst.add.f32.msk $0xffff, v0  }
0x1c1: {  	v0 =	vld [tilespmem:s6+$0xFFFFFE20];
	_ =	sdelay $0x4  }
0x1c2: {  	[tilespmem:s0+$0xFFFFFFE0] =	vst.add.f32.msk $0xffff, v0  }
0x1c3: {  	v0 =	vld [tilespmem:s6+$0xFFFFFE30];
	_ =	sdelay $0x4  }
0x1c4: {  	[tilespmem:s0+$0xFFFFFFF0] =	vst.add.f32.msk $0xffff, v0  }
0x1c5: {  	v0 =	vld [tilespmem:s6+$0xFFFFFE40]  }
.Ltmp2:
0x1c6: {  	(pc) =	sbr.rel @p1 .LBB2_7-.Ltmp2, $2  }
0x1c7: {  	_ =	sdelay $0x2  }
0x1c8: {  	s6 =	sadd.s32 $0xFFFFFE00, s6;
	[tilespmem:s0+$0x0] =	vst.add.f32.msk $0xffff, v0  }
0x1c9: {  	s0 =	sadd.s32 s31, s9  }
0x1ca: {  	s31 =	sshll.u32 s0, $0x3  }
0x1cb: {  	s0 =	sand.u32 $0x1FFFFFC0, s31  }
0x1cc: {  	s0 =	sadd.s32 s2, s0  }
0x1cd: {  	[hbm4b:s0+s3] =	stream.linear.scatter [tilespmem:s17], [sflag:$0x7], $0x2000, $0x38;
	[tilespmem:$0x11600] =	vst v63  }
0x1ce: {  	s0 =	simm.s32 @!p0 $0x6  }
0x1cf: {  	_ =	swait.ge @!p0 [sflag:s0], $0x1200  }
0x1d0: {  	s1 =	simm.s32 @!p0 $0x48;
	[sflag:s0] =	ssyncset.done @!p0 $0x0  }
0x1d1: {  	s6 =	simm.s32 @!p0 $0xB600;
	[sflag:s0] =	ssyncadd.s32 @!p0 $0xFFFFEE00;
	s0 =	sadd.s32 @!p0 $0x210, s30  }
0x1d2: {  	[tilespmem:s6], [sflag:$0x2] =	stream.indirect.gather @!p0 [hbm4b:s5+s1], $0x40, s0, s1, $0xb8;
	[tilespmem:$0x11600] =	vst v63  }
0x1d3: {  	_ =	swait.ge [sflag:s22], $0x1200  }
0x1d4: {  	[sflag:s22] =	ssyncset.done $0x0  }
0x1d5: {  	s30 =	simm.s32 $0x75F0;
	[sflag:s22] =	ssyncadd.s32 $0xFFFFEE00  }
0x1d6: {  	v0 =	vld [tilespmem:s30+$0xFFFFFFD0];
	_ =	sdelay $0x3  }
0x1d7: {  	s0 =	simm.s32 $0xF7F0  }
0x1d8: {  	[tilespmem:s0+$0xFFFFFE10] =	vst.add.f32.msk $0xffff, v0  }
0x1d9: {  	v0 =	vld [tilespmem:s30+$0xFFFFFFE0];
	_ =	sdelay $0x4  }
0x1da: {  	[tilespmem:s0+$0xFFFFFE20] =	vst.add.f32.msk $0xffff, v0  }
0x1db: {  	v0 =	vld [tilespmem:s30+$0xFFFFFFF0];
	_ =	sdelay $0x4  }
0x1dc: {  	[tilespmem:s0+$0xFFFFFE30] =	vst.add.f32.msk $0xffff, v0  }
0x1dd: {  	v0 =	vld [tilespmem:s30+$0x0];
	_ =	sdelay $0x4  }
0x1de: {  	[tilespmem:s0+$0xFFFFFE40] =	vst.add.f32.msk $0xffff, v0  }
0x1df: {  	v0 =	vld [tilespmem:s30+$0xFFFFFF90];
	_ =	sdelay $0x4  }
0x1e0: {  	[tilespmem:s0+$0xFFFFFE50] =	vst.add.f32.msk $0xffff, v0  }
0x1e1: {  	v0 =	vld [tilespmem:s30+$0xFFFFFFA0];
	_ =	sdelay $0x4  }
0x1e2: {  	[tilespmem:s0+$0xFFFFFE60] =	vst.add.f32.msk $0xffff, v0  }
0x1e3: {  	v0 =	vld [tilespmem:s30+$0xFFFFFFB0];
	_ =	sdelay $0x4  }
0x1e4: {  	[tilespmem:s0+$0xFFFFFE70] =	vst.add.f32.msk $0xffff, v0  }
0x1e5: {  	v0 =	vld [tilespmem:s30+$0xFFFFFFC0];
	_ =	sdelay $0x4  }
0x1e6: {  	[tilespmem:s0+$0xFFFFFE80] =	vst.add.f32.msk $0xffff, v0  }
0x1e7: {  	v0 =	vld [tilespmem:s30+$0xFFFFFF50];
	_ =	sdelay $0x4  }
0x1e8: {  	[tilespmem:s0+$0xFFFFFE90] =	vst.add.f32.msk $0xffff, v0  }
0x1e9: {  	v0 =	vld [tilespmem:s30+$0xFFFFFF60];
	_ =	sdelay $0x4  }
0x1ea: {  	[tilespmem:s0+$0xFFFFFEA0] =	vst.add.f32.msk $0xffff, v0  }
0x1eb: {  	v0 =	vld [tilespmem:s30+$0xFFFFFF70];
	_ =	sdelay $0x4  }
0x1ec: {  	[tilespmem:s0+$0xFFFFFEB0] =	vst.add.f32.msk $0xffff, v0  }
0x1ed: {  	v0 =	vld [tilespmem:s30+$0xFFFFFF80];
	_ =	sdelay $0x4  }
0x1ee: {  	[tilespmem:s0+$0xFFFFFEC0] =	vst.add.f32.msk $0xffff, v0  }
0x1ef: {  	v0 =	vld [tilespmem:s30+$0xFFFFFF10];
	_ =	sdelay $0x4  }
0x1f0: {  	[tilespmem:s0+$0xFFFFFED0] =	vst.add.f32.msk $0xffff, v0  }
0x1f1: {  	v0 =	vld [tilespmem:s30+$0xFFFFFF20];
	_ =	sdelay $0x4  }
0x1f2: {  	[tilespmem:s0+$0xFFFFFEE0] =	vst.add.f32.msk $0xffff, v0  }
0x1f3: {  	v0 =	vld [tilespmem:s30+$0xFFFFFF30];
	_ =	sdelay $0x4  }
0x1f4: {  	[tilespmem:s0+$0xFFFFFEF0] =	vst.add.f32.msk $0xffff, v0  }
0x1f5: {  	v0 =	vld [tilespmem:s30+$0xFFFFFF40];
	_ =	sdelay $0x4  }
0x1f6: {  	[tilespmem:s0+$0xFFFFFF00] =	vst.add.f32.msk $0xffff, v0  }
0x1f7: {  	v0 =	vld [tilespmem:s30+$0xFFFFFED0];
	_ =	sdelay $0x4  }
0x1f8: {  	[tilespmem:s0+$0xFFFFFF10] =	vst.add.f32.msk $0xffff, v0  }
0x1f9: {  	v0 =	vld [tilespmem:s30+$0xFFFFFEE0];
	_ =	sdelay $0x4  }
0x1fa: {  	[tilespmem:s0+$0xFFFFFF20] =	vst.add.f32.msk $0xffff, v0  }
0x1fb: {  	v0 =	vld [tilespmem:s30+$0xFFFFFEF0];
	_ =	sdelay $0x4  }
0x1fc: {  	[tilespmem:s0+$0xFFFFFF30] =	vst.add.f32.msk $0xffff, v0  }
0x1fd: {  	v0 =	vld [tilespmem:s30+$0xFFFFFF00];
	_ =	sdelay $0x4  }
0x1fe: {  	[tilespmem:s0+$0xFFFFFF40] =	vst.add.f32.msk $0xffff, v0  }
0x1ff: {  	v0 =	vld [tilespmem:s30+$0xFFFFFE90];
	_ =	sdelay $0x4  }
0x200: {  	[tilespmem:s0+$0xFFFFFF50] =	vst.add.f32.msk $0xffff, v0  }
0x201: {  	v0 =	vld [tilespmem:s30+$0xFFFFFEA0];
	_ =	sdelay $0x4  }
0x202: {  	[tilespmem:s0+$0xFFFFFF60] =	vst.add.f32.msk $0xffff, v0  }
0x203: {  	v0 =	vld [tilespmem:s30+$0xFFFFFEB0];
	_ =	sdelay $0x4  }
0x204: {  	[tilespmem:s0+$0xFFFFFF70] =	vst.add.f32.msk $0xffff, v0  }
0x205: {  	v0 =	vld [tilespmem:s30+$0xFFFFFEC0];
	_ =	sdelay $0x4  }
0x206: {  	[tilespmem:s0+$0xFFFFFF80] =	vst.add.f32.msk $0xffff, v0  }
0x207: {  	v0 =	vld [tilespmem:s30+$0xFFFFFE50];
	_ =	sdelay $0x4  }
0x208: {  	[tilespmem:s0+$0xFFFFFF90] =	vst.add.f32.msk $0xffff, v0  }
0x209: {  	v0 =	vld [tilespmem:s30+$0xFFFFFE60];
	_ =	sdelay $0x4  }
0x20a: {  	[tilespmem:s0+$0xFFFFFFA0] =	vst.add.f32.msk $0xffff, v0  }
0x20b: {  	v0 =	vld [tilespmem:s30+$0xFFFFFE70];
	_ =	sdelay $0x4  }
0x20c: {  	[tilespmem:s0+$0xFFFFFFB0] =	vst.add.f32.msk $0xffff, v0  }
0x20d: {  	v0 =	vld [tilespmem:s30+$0xFFFFFE80];
	_ =	sdelay $0x4  }
0x20e: {  	[tilespmem:s0+$0xFFFFFFC0] =	vst.add.f32.msk $0xffff, v0  }
0x20f: {  	v0 =	vld [tilespmem:s30+$0xFFFFFE10];
	_ =	sdelay $0x4  }
0x210: {  	[tilespmem:s0+$0xFFFFFFD0] =	vst.add.f32.msk $0xffff, v0  }
0x211: {  	v0 =	vld [tilespmem:s30+$0xFFFFFE20];
	_ =	sdelay $0x4  }
0x212: {  	[tilespmem:s0+$0xFFFFFFE0] =	vst.add.f32.msk $0xffff, v0  }
0x213: {  	v0 =	vld [tilespmem:s30+$0xFFFFFE30];
	_ =	sdelay $0x4  }
0x214: {  	[tilespmem:s0+$0xFFFFFFF0] =	vst.add.f32.msk $0xffff, v0  }
0x215: {  	v0 =	vld [tilespmem:s30+$0xFFFFFE40];
	_ =	sdelay $0x4  }
0x216: {  	s1 =	simm.s32 $0x0;
	s6 =	simm.s32 $0x73F0;
	[tilespmem:s0+$0x0] =	vst.add.f32.msk $0xffff, v0  }
.LBB2_9:
0x217: {  	v0 =	vld [tilespmem:s6+$0xFFFFFFD0];
	s1 =	sadd.s32 $0x8, s1  }
0x218: {  	p0 =	slt.u32 s1, $0x40;
	_ =	sdelay $0x2  }
0x219: {  	s0 =	sadd.s32 $0x200, s0  }
0x21a: {  	[tilespmem:s0+$0xFFFFFE10] =	vst.add.f32.msk $0xffff, v0  }
0x21b: {  	v0 =	vld [tilespmem:s6+$0xFFFFFFE0];
	_ =	sdelay $0x4  }
0x21c: {  	[tilespmem:s0+$0xFFFFFE20] =	vst.add.f32.msk $0xffff, v0  }
0x21d: {  	v0 =	vld [tilespmem:s6+$0xFFFFFFF0];
	_ =	sdelay $0x4  }
0x21e: {  	[tilespmem:s0+$0xFFFFFE30] =	vst.add.f32.msk $0xffff, v0  }
0x21f: {  	v0 =	vld [tilespmem:s6+$0x0];
	_ =	sdelay $0x4  }
0x220: {  	[tilespmem:s0+$0xFFFFFE40] =	vst.add.f32.msk $0xffff, v0  }
0x221: {  	v0 =	vld [tilespmem:s6+$0xFFFFFF90];
	_ =	sdelay $0x4  }
0x222: {  	[tilespmem:s0+$0xFFFFFE50] =	vst.add.f32.msk $0xffff, v0  }
0x223: {  	v0 =	vld [tilespmem:s6+$0xFFFFFFA0];
	_ =	sdelay $0x4  }
0x224: {  	[tilespmem:s0+$0xFFFFFE60] =	vst.add.f32.msk $0xffff, v0  }
0x225: {  	v0 =	vld [tilespmem:s6+$0xFFFFFFB0];
	_ =	sdelay $0x4  }
0x226: {  	[tilespmem:s0+$0xFFFFFE70] =	vst.add.f32.msk $0xffff, v0  }
0x227: {  	v0 =	vld [tilespmem:s6+$0xFFFFFFC0];
	_ =	sdelay $0x4  }
0x228: {  	[tilespmem:s0+$0xFFFFFE80] =	vst.add.f32.msk $0xffff, v0  }
0x229: {  	v0 =	vld [tilespmem:s6+$0xFFFFFF50];
	_ =	sdelay $0x4  }
0x22a: {  	[tilespmem:s0+$0xFFFFFE90] =	vst.add.f32.msk $0xffff, v0  }
0x22b: {  	v0 =	vld [tilespmem:s6+$0xFFFFFF60];
	_ =	sdelay $0x4  }
0x22c: {  	[tilespmem:s0+$0xFFFFFEA0] =	vst.add.f32.msk $0xffff, v0  }
0x22d: {  	v0 =	vld [tilespmem:s6+$0xFFFFFF70];
	_ =	sdelay $0x4  }
0x22e: {  	[tilespmem:s0+$0xFFFFFEB0] =	vst.add.f32.msk $0xffff, v0  }
0x22f: {  	v0 =	vld [tilespmem:s6+$0xFFFFFF80];
	_ =	sdelay $0x4  }
0x230: {  	[tilespmem:s0+$0xFFFFFEC0] =	vst.add.f32.msk $0xffff, v0  }
0x231: {  	v0 =	vld [tilespmem:s6+$0xFFFFFF10];
	_ =	sdelay $0x4  }
0x232: {  	[tilespmem:s0+$0xFFFFFED0] =	vst.add.f32.msk $0xffff, v0  }
0x233: {  	v0 =	vld [tilespmem:s6+$0xFFFFFF20];
	_ =	sdelay $0x4  }
0x234: {  	[tilespmem:s0+$0xFFFFFEE0] =	vst.add.f32.msk $0xffff, v0  }
0x235: {  	v0 =	vld [tilespmem:s6+$0xFFFFFF30];
	_ =	sdelay $0x4  }
0x236: {  	[tilespmem:s0+$0xFFFFFEF0] =	vst.add.f32.msk $0xffff, v0  }
0x237: {  	v0 =	vld [tilespmem:s6+$0xFFFFFF40];
	_ =	sdelay $0x4  }
0x238: {  	[tilespmem:s0+$0xFFFFFF00] =	vst.add.f32.msk $0xffff, v0  }
0x239: {  	v0 =	vld [tilespmem:s6+$0xFFFFFED0];
	_ =	sdelay $0x4  }
0x23a: {  	[tilespmem:s0+$0xFFFFFF10] =	vst.add.f32.msk $0xffff, v0  }
0x23b: {  	v0 =	vld [tilespmem:s6+$0xFFFFFEE0];
	_ =	sdelay $0x4  }
0x23c: {  	[tilespmem:s0+$0xFFFFFF20] =	vst.add.f32.msk $0xffff, v0  }
0x23d: {  	v0 =	vld [tilespmem:s6+$0xFFFFFEF0];
	_ =	sdelay $0x4  }
0x23e: {  	[tilespmem:s0+$0xFFFFFF30] =	vst.add.f32.msk $0xffff, v0  }
0x23f: {  	v0 =	vld [tilespmem:s6+$0xFFFFFF00];
	_ =	sdelay $0x4  }
0x240: {  	[tilespmem:s0+$0xFFFFFF40] =	vst.add.f32.msk $0xffff, v0  }
0x241: {  	v0 =	vld [tilespmem:s6+$0xFFFFFE90];
	_ =	sdelay $0x4  }
0x242: {  	[tilespmem:s0+$0xFFFFFF50] =	vst.add.f32.msk $0xffff, v0  }
0x243: {  	v0 =	vld [tilespmem:s6+$0xFFFFFEA0];
	_ =	sdelay $0x4  }
0x244: {  	[tilespmem:s0+$0xFFFFFF60] =	vst.add.f32.msk $0xffff, v0  }
0x245: {  	v0 =	vld [tilespmem:s6+$0xFFFFFEB0];
	_ =	sdelay $0x4  }
0x246: {  	[tilespmem:s0+$0xFFFFFF70] =	vst.add.f32.msk $0xffff, v0  }
0x247: {  	v0 =	vld [tilespmem:s6+$0xFFFFFEC0];
	_ =	sdelay $0x4  }
0x248: {  	[tilespmem:s0+$0xFFFFFF80] =	vst.add.f32.msk $0xffff, v0  }
0x249: {  	v0 =	vld [tilespmem:s6+$0xFFFFFE50];
	_ =	sdelay $0x4  }
0x24a: {  	[tilespmem:s0+$0xFFFFFF90] =	vst.add.f32.msk $0xffff, v0  }
0x24b: {  	v0 =	vld [tilespmem:s6+$0xFFFFFE60];
	_ =	sdelay $0x4  }
0x24c: {  	[tilespmem:s0+$0xFFFFFFA0] =	vst.add.f32.msk $0xffff, v0  }
0x24d: {  	v0 =	vld [tilespmem:s6+$0xFFFFFE70];
	_ =	sdelay $0x4  }
0x24e: {  	[tilespmem:s0+$0xFFFFFFB0] =	vst.add.f32.msk $0xffff, v0  }
0x24f: {  	v0 =	vld [tilespmem:s6+$0xFFFFFE80];
	_ =	sdelay $0x4  }
0x250: {  	[tilespmem:s0+$0xFFFFFFC0] =	vst.add.f32.msk $0xffff, v0  }
0x251: {  	v0 =	vld [tilespmem:s6+$0xFFFFFE10];
	_ =	sdelay $0x4  }
0x252: {  	[tilespmem:s0+$0xFFFFFFD0] =	vst.add.f32.msk $0xffff, v0  }
0x253: {  	v0 =	vld [tilespmem:s6+$0xFFFFFE20];
	_ =	sdelay $0x4  }
0x254: {  	[tilespmem:s0+$0xFFFFFFE0] =	vst.add.f32.msk $0xffff, v0  }
0x255: {  	v0 =	vld [tilespmem:s6+$0xFFFFFE30];
	_ =	sdelay $0x4  }
0x256: {  	[tilespmem:s0+$0xFFFFFFF0] =	vst.add.f32.msk $0xffff, v0  }
0x257: {  	v0 =	vld [tilespmem:s6+$0xFFFFFE40]  }
.Ltmp3:
0x258: {  	(pc) =	sbr.rel @p0 .LBB2_9-.Ltmp3, $2  }
0x259: {  	_ =	sdelay $0x2  }
0x25a: {  	s6 =	sadd.s32 $0xFFFFFE00, s6;
	[tilespmem:s0+$0x0] =	vst.add.f32.msk $0xffff, v0  }
0x25b: {  	s29 =	sadd.s32 $0x1, s29  }
0x25c: {  	p0 =	sne.s32 s29, $0x40  }
.Ltmp4:
0x25d: {  	_ = 	snop;
	(pc) =	sbr.rel @p0 .LBB2_2-.Ltmp4, $3  }
0x25e: {  	_ =	sdelay $0x1  }
0x25f: {  	s0 =	sadd.s32 s31, s8  }
0x260: {  	[hbm4b:s0+s3] =	stream.linear.scatter [tilespmem:s19], [sflag:$0x8], $0x1200, $0x38;
	[tilespmem:$0x11600] =	vst v63  }
0x261: {  	_ =	swait.ge [sflag:s23], $0x2000  }
0x262: {  	[sflag:s23] =	ssyncset.done $0x0  }
0x263: {  	[sflag:s23] =	ssyncadd.s32 $0xFFFFE000  }
0x264: {  	_ =	swait.ge [sflag:s24], $0x1200  }
0x265: {  	[sflag:s24] =	ssyncset.done $0x0  }
0x266: {  	s28 =	sadd.s32 $0x1, s28;
	[sflag:s24] =	ssyncadd.s32 $0xFFFFEE00  }
0x267: {  	p0 =	sne.s32 s28, s10;
	_ =	swait.ge [sflag:s25], $0x2000  }
.Ltmp5:
0x268: {  	[sflag:s25] =	ssyncset.done $0x0;
	(pc) =	sbr.rel @p0 .LBB2_1-.Ltmp5, $4  }
0x269: {  	[sflag:s25] =	ssyncadd.s32 $0xFFFFE000  }
0x26a: {  	_ =	swait.ge [sflag:s26], $0x1200  }
0x26b: {  	[sflag:s26] =	ssyncset.done $0x0  }
0x26c: {  	[sflag:s26] =	ssyncadd.s32 $0xFFFFEE00  }
0x26d: {  	_ =	sfence.sel $0x180000  }
0x26e: {  	[bflag:$0x0] =	sbarrier.arrive $0xFFFF  }
0x26f: {  	_ =	strace $0x90000047  }
0x270: {  	s0 =	stileid.u32;
	[bflag:$0x2] =	sbarrier.arrive $0xFFFF  }
0x271: {  	p0 =	sne.s32 s0, $0x0;
	s0 =	rddreg [dreg:$0x2]  }
0x272: {  	s0 =	sadd.s32 @!p0 $0x100000, s0  }
0x273: {  	[sflag:s0] =	ssyncadd.tile.s32 @!p0 $0x1;
	_ =	shalt  }
.Lfunc_end2:
_tile_overlayer_lowered:
.L_overlay_start_2:
0x274: {  	(tag) =	ssettag $0x2  }
0x275: {  	s0 =	rddreg [dreg:$0x0];
	s2 =	stileid.u32  }
0x276: {  	s1 =	rddreg [dreg:$0x1];
	p0 =	sne.s32 s2, $0x0  }
0x277: {  	s3 =	rddreg [dreg:$0x2];
	[bflag:$0x3] =	sbarrier.arrive $0xFFFF;
	s2 =	simm.s32 @!p0 $0x1C09  }
0x278: {  	[timem:s3], [sflag:s2] =	dma.local @!p0 [hbm:s0], s1  }
0x279: {  	s0 =	simm.s32 @!p0 $0x9  }
0x27a: {  	_ =	swait.ge @!p0 [sflag:s0], s1  }
0x27b: {  	s1 =	ssub.s32 @!p0 $0x0, s1;
	[sflag:s0] =	ssyncset.done @!p0 $0x0  }
0x27c: {  	[sflag:s0] =	ssyncadd.s32 @!p0 s1  }
0x27d: {  	[bflag:$0x3] =	sbarrier.arrive $0xFFFF  }
0x27e: {  	_ =	shalt  }

// kernel: sparse-core-data-format-call.cloned.1.call-start
scs
called_computation_lowered:
.L_overlay_start_0:
0x0: {  	s2 =	sld [smem:$0x3FD9]  }
0x1: {  	s3 =	sld [smem:$0x3FFE];
	_ =	sdelay $0x1  }
0x2: {  	s1 =	srdreg.scid  }
0x3: {  	s0 =	sand.u32 $0x1, s1  }
0x4: {  	s18 =	sshll.u32 s0, $0xA;
	s2 =	sadd.s32 s3, s2  }
0x5: {  	s2 =	sadd.s32 s2, s18  }
0x6: {  	[smem:$0x3FC5] =	sst s2  }
0x7: {  	_ = 	snop  }
0x8: {  	s2 =	sld [smem:$0x3FD0];
	(tm) =	ssettm $0x1  }
0x9: {  	s19 =	sld [smem:$0x3FFB];
	_ =	sdelay $0x3  }
0xa: {  	_ =	strace s19  }
0xb: {  	s3 =	sld [smem:$0x3FFC];
	_ =	sdelay $0x3  }
0xc: {  	_ =	strace s3  }
0xd: {  	s3 =	sld [smem:$0x3FFD];
	_ =	sdelay $0x3  }
0xe: {  	_ =	strace s3  }
0xf: {  	_ =	strace $0x8FFFFFFF  }
0x10: {  	s20 =	sld [smem:$0x3FDB];
	_ =	sdelay $0x1  }
0x11: {  	s4 =	simm.s32 $_scs_section_size  }
0x12: {  	s5 =	simm.s32 $_size__tile_overlayer_lowered;
	s6 =	simm.s32 $_tile_overlayer_lowered  }
0x13: {  	s23 =	simm.s32 $0x1BFF;
	s22 =	sshll.u32 s6, $0x1;
	s3 =	sadd.s32 s4, s20  }
0x14: {  	s7 =	simm.s32 $0x0;
	s21 =	sshll.u32 s5, $0x1;
	s5 =	sadd.s32 s22, s3  }
0x15: {  	[timem:s7], [sflag:s23] =	dma.local [hbm:s5], s21  }
0x16: {  	_ =	swait.ge [sflag:s23], s21  }
0x17: {  	s4 =	ssub.s32 $0x0, s21;
	[sflag:s23] =	ssyncset.done $0x0  }
0x18: {  	[sflag:s23] =	ssyncadd.s32 s4;
	_ =	sdelay $0x1  }
0x19: {  	s24 =	simm.s32 $0x1B8B  }
0x1a: {  	_ =	swait.ge [sflag:s24], $0x1  }
0x1b: {  	[sflag:s24] =	ssyncset.done $0x0  }
0x1c: {  	s26 =	simm.s32 $0x1B8E;
	s25 =	sld [smem:$0x3FFE];
	[sflag:s24] =	ssyncadd.s32 $0xFFFFFFFF  }
0x1d: {  	s27 =	simm.s32 $execute0_lowered;
	[smem:$0x3FD2] =	sst s26  }
0x1e: {  	s5 =	sshll.u32 s27, $0x1;
	_ =	strace $0x80000049;
	[dreg:$0x1] =	wrdreg $0xFFFFFFFF  }
0x1f: {  	s28 =	simm.s32 $_size_execute0_lowered;
	s3 =	sadd.s32 s3, s5;
	[dreg:$0x0] =	wrdreg $0x0  }
0x20: {  	s5 =	sshll.u32 s28, $0x1;
	[dreg:$0x2] =	wrdreg s3  }
0x21: {  	[dreg:$0x3] =	wrdreg s5  }
0x22: {  	[dreg:$0x4] =	wrdreg $0xC0  }
0x23: {  	_ =	task [dreg:s7], $0x5FFFF  }
0x24: {  	[dreg:$0x1] =	wrdreg $0xFFFFFFFF  }
0x25: {  	[dreg:$0x0] =	wrdreg $0x60  }
0x26: {  	[dreg:$0x2] =	wrdreg s25  }
0x27: {  	[dreg:$0x3] =	wrdreg s2  }
0x28: {  	[dreg:$0x4] =	wrdreg $0x9  }
0x29: {  	_ =	task.clear_ibuf [dreg:s7], $0x5FFFF;
	_ =	strace $0x90000049  }
0x2a: {  	s29 =	simm.s32 $0x9;
	_ =	strace $0x8000004B  }
0x2b: {  	_ =	swait.ge [sflag:s29], $0x1  }
0x2c: {  	[sflag:s29] =	ssyncadd.s32 $0xFFFFFFFF  }
0x2d: {  	_ =	strace $0x9000004B  }
0x2e: {  	_ =	sfence  }
0x2f: {  	s30 =	sld [smem:$0x0];
	_ =	sdelay $0x2  }
0x30: {  	s31 =	sshll.u32 s1, $0xD;
	s1 =	sshrl.u32 s1, $0x2  }
0x31: {  	s3 =	sand.u32 $0x4000, s31;
	s1 =	sadd.s32 s1, s30  }
0x32: {  	s0 =	sor.u32 s3, s0;
	s1 =	sshll.u32 s1, $0x11  }
0x33: {  	s0 =	sor.u32 s1, s0  }
0x34: {  	s0 =	sadd.s32 $0x8F2B, s0  }
0x35: {  	[sflag:s0] =	ssyncadd.remote.s32 $0x1  }
0x36: {  	_ =	sfence.sel $0xFFFF  }
0x37: {  	[dreg:$0x0] =	wrdreg $0xFFFFFFFF;
	(pc) =	sbr.abs _section_cstart, $3  }
0x38: {  	[dreg:$0x1] =	wrdreg $0xFFFFFFFF  }
0x39: {  	_ =	task.clear_ibuf [dreg:s7], $0x2FFFF;
	_ =	strace $0x9FFFFFFF  }
0x3a: {  	(tm) =	ssettm $0x7FFFFFFF  }
0x3b: {  	_ =	shalt  }
tec
execute0_lowered:
.L_overlay_start_1:
0x0: {  	(tag) =	ssettag $0x1  }
0x1: {  	s0 =	srdreg.scid  }
0x2: {  	s1 =	sshll.u32 s0, $0x4  }
0x3: {  	s0 =	stileid.u32;
	s1 =	sand.u32 $0x10, s1  }
0x4: {  	s1 =	sor.u32 s0, s1  }
0x5: {  	s6 =	rddreg [dreg:$0x0];
	s4 =	simm.s32 $0x1;
	s2 =	sshll.u32 s1, $0x7  }
0x6: {  	s7 =	simm.s32 $0x2;
	s12 =	simm.s32 $0x0;
	s1 =	ssub.s32 $0x1000, s2  }
0x7: {  	s8 =	simm.s32 $0x8000;
	s13 =	simm.s32 $0x0;
	s3 =	sand.u32 $0xF80, s1  }
0x8: {  	s9 =	simm.s32 $0x0;
	s5 =	sshrl.u32 s1, $0xC;
	p0 =	sne.s32 s3, $0x0  }
.Ltmp0:
0x9: {  	s1 =	rddreg [dreg:$0x2];
	s4 =	simm.s32 @!p0 $0x0;
	(pc) =	sbr.rel .LBB1_1-.Ltmp0, $4  }
0xa: {  	s11 =	simm.s32 $0x0;
	s3 =	rddreg [dreg:$0x1];
	s5 =	sadd.s32 s4, s5  }
0xb: {  	_ =	strace $0x8000004A;
	s4 =	simm.s32 $0x1;
	s5 =	smul.u32 $0xC8, s5  }
0xc: {  	s6 =	sadd.s32 $0xC00, s6;
	s10 =	smov.u32 s2;
	[sflag:s4] =	ssyncpa.u1 $0x0  }
0xd: {  	p0 =	por $0x0, $0x0;
	[sflag:s7] =	ssyncpa.u1 $0x0;
	s7 =	sor.u32 $0x1, s5  }
.LBB1_4:
0xe: {  	s16 =	sshll.u32 s13, $0x3;
	s17 =	sand.u32 $0x78, s13  }
0xf: {  	s30 =	sand.u32 $0x7E00, s13;
	s12 =	sshll.u32 s12, $0xF;
	s16 =	sand.u32 $0xC00, s16  }
0x10: {  	[tilespmem:s15+$0x810 ss:$0x81] =	vst.msk $0xffff, v2;
	s31 =	sand.u32 $0x7, s13;
	s16 =	sor.u32 s17, s16;
	s17 =	sadd.s32 s3, s30  }
0x11: {  	[tilespmem:s15+$0x1020 ss:$0x81] =	vst.msk $0xffff, v0;
	s13 =	sshll.u32 s31, $0x12;
	s12 =	sadd.s32 s12, s17;
	s16 =	sshrl.u32 s16, $0x3  }
0x12: {  	[tilespmem:s15+$0x0 ss:$0x81] =	vst.msk $0xffff, v1;
	s13 =	sor.u32 $0x400, s13;
	s12 =	sadd.s32 s16, s12  }
0x13: {  	[hbm4b:s12+s13] =	stream.strided.scatter [tilespmem:s14], [sflag:$0x2], $0x2000, s8, s13, $0x20;
	[tilespmem:$0x8080] =	vst v63  }
.LBB1_5:
0x14: {  	s14 =	sadd.s32 $0x1, s9  }
0x15: {  	s12 =	sadd.s32 $0x1000, s10;
	s16 =	smov.u32 s10;
	p2 =	sgt.s32 s14, $0xC7  }
0x16: {  	s16 =	smov.u32 @p2 s12  }
0x17: {  	s14 =	simm.s32 @p2 $0x0;
	p2 =	sgt.s32 s16, $0xFFF  }
0x18: {  	s16 =	smov.u32 @p2 s2;
	p2 =	sne.s32 s11, s7  }
.Ltmp1:
0x19: {  	p1 =	slt.u32 s11, $0x2;
	(pc) =	sbr.rel @!p2 .LBB1_6-.Ltmp1, $4  }
0x1a: {  	s15 =	simm.s32 @!p1 $0x2  }
0x1b: {  	s13 =	smov.u32 s10;
	p0 =	por !p0, !p0;
	_ =	swait.ge @!p1 [sflag:s15], $0x2000  }
0x1c: {  	s12 =	smov.u32 s9;
	[sflag:s15] =	ssyncset.done @!p1 $0x0;
	s9 =	smov.u32 s14  }
0x1d: {  	s11 =	sadd.s32 $0x1, s11;
	[sflag:s15] =	ssyncadd.s32 @!p1 $0xFFFFE000;
	s10 =	smov.u32 s16  }
.LBB1_1:
0x1e: {  	p1 =	sge.u32 s11, s5  }
0x1f: {  	s14 =	sand.u32 @!p1 $0x1FFFFFF, s9  }
0x20: {  	s15 =	smulhi.u32 @!p1 $0x147AE15, s14;
	_ =	sdelay $0x1  }
0x21: {  	s15 =	smul.u32 @!p1 $0xC8, s15  }
0x22: {  	s16 =	sxor.u32 @!p1 $0xFFFFFFFF, s11;
	s17 =	smul.u32 @!p1 $0xC80, s10  }
0x23: {  	s31 =	sadd.s32 $0xFFFFFFFF, s11;
	s16 =	sshll.u32 @!p1 s16, $0xD;
	s14 =	ssub.s32 @!p1 s14, s15  }
0x24: {  	s15 =	sand.u32 @!p1 $0x2000, s16;
	s16 =	sadd.s32 @!p1 s6, s17;
	s14 =	sshll.u32 @!p1 s14, $0x4  }
0x25: {  	s17 =	simm.s32 @!p1 $0x6400;
	s14 =	sadd.s32 @!p1 s14, s16;
	s16 =	simm.s32 @!p1 $0x40  }
0x26: {  	[tilespmem:s15], [sflag:$0x1] =	stream.strided.gather @!p1 [hbm4b:s14+s16], $0x2000, s17, s16, $0x38;
	[tilespmem:$0x8080] =	vst v63  }
0x27: {  	p1 =	sge.u32 s31, s5  }
.Ltmp2:
0x28: {  	_ = 	snop;
	(pc) =	sbr.rel @p1 .LBB1_5-.Ltmp2, $1  }
0x29: {  	_ =	sdelay $0x3  }
0x2a: {  	s14 =	simm.s32 $0x1  }
0x2b: {  	_ =	swait.ge [sflag:s4], $0x2000;
	s14 =	simm.s32 @!p0 $0x0  }
0x2c: {  	[sflag:s4] =	ssyncset.done $0x0;
	s15 =	sshll.u32 s14, $0xD  }
0x2d: {  	[sflag:s4] =	ssyncadd.s32 $0xFFFFE000;
	s18 =	sor.u32 $0x20, s15  }
0x2e: {  	s14 =	smul.u32 $0x8100, s14;
	v3 =	vld [tilespmem:s18+$0x10]  }
0x2f: {  	s30 =	sand.u32 $0x1, s11;
	v2 =	vld [tilespmem:s18+$0xFFFFFFF0]  }
0x30: {  	s15 =	smul.u32 $0x8100, s30;
	s14 =	sshrl.u32 s14, $0x2;
	v0 =	vld [tilespmem:s18+$0x0]  }
0x31: {  	v1 =	vld [tilespmem:s18+$0xFFFFFFE0];
	s16 =	sor.u32 $0x4000, s14  }
0x32: {  	s31 =	sshrl.u32 s15, $0x2;
	s15 =	sadd.s32 $0x0, s16  }
0x33: {  	s17 =	simm.s32 $0x4;
	s18 =	sadd.s32 $0x40, s18;
	s14 =	sor.u32 $0x4000, s31;
	[tilespmem:s15+$0x1830 ss:$0x81] =	vst.msk $0xffff, v3  }
.LBB1_3:
0x34: {  	v3 =	vld [tilespmem:s18+$0x10];
	p1 =	sne.s32 s17, $0x1FC;
	[tilespmem:s15+$0x810 ss:$0x81] =	vst.msk $0xffff, v2;
	s19 =	smov.u32 s17;
	s17 =	sadd.s32 $0x4, s17  }
.Ltmp3:
0x35: {  	v2 =	vld [tilespmem:s18+$0xFFFFFFF0];
	[tilespmem:s15+$0x1020 ss:$0x81] =	vst.msk $0xffff, v0;
	(pc) =	sbr.rel @p1 .LBB1_3-.Ltmp3, $4  }
0x36: {  	v0 =	vld [tilespmem:s18+$0x0];
	[tilespmem:s15+$0x0 ss:$0x81] =	vst.msk $0xffff, v1  }
0x37: {  	s15 =	sshra.s32 s19, $0x2;
	v1 =	vld [tilespmem:s18+$0xFFFFFFE0]  }
0x38: {  	s15 =	sadd.s32 s15, s16  }
0x39: {  	s18 =	sadd.s32 $0x40, s18;
	[tilespmem:s15+$0x1830 ss:$0x81] =	vst.msk $0xffff, v3  }
.Ltmp4:
0x3a: {  	_ = 	snop;
	(pc) =	sbr.rel .LBB1_4-.Ltmp4, $1  }
0x3b: {  	_ =	sdelay $0x3  }
.LBB1_6:
0x3c: {  	_ =	sfence.sel $0x180000  }
0x3d: {  	s2 =	simm.s32 $0x1;
	[bflag:$0x0] =	sbarrier.arrive $0xFFFF  }
0x3e: {  	s31 =	simm.s32 $0x2;
	[sflag:s2] =	ssyncpa.u1 $0x1  }
0x3f: {  	[sflag:s31] =	ssyncpa.u1 $0x1  }
0x40: {  	p0 =	sne.s32 s0, $0x0;
	_ =	strace $0x9000004A  }
0x41: {  	s0 =	sadd.s32 @!p0 $0x100000, s1;
	[bflag:$0x2] =	sbarrier.arrive $0xFFFF  }
0x42: {  	[sflag:s0] =	ssyncadd.tile.s32 @!p0 $0x1;
	_ =	shalt  }
.Lfunc_end1:
_tile_overlayer_lowered:
.L_overlay_start_2:
0x43: {  	(tag) =	ssettag $0x2  }
0x44: {  	s0 =	rddreg [dreg:$0x0];
	s2 =	stileid.u32  }
0x45: {  	s1 =	rddreg [dreg:$0x1];
	p0 =	sne.s32 s2, $0x0  }
0x46: {  	s3 =	rddreg [dreg:$0x2];
	[bflag:$0x3] =	sbarrier.arrive $0xFFFF;
	s2 =	simm.s32 @!p0 $0x1C01  }
0x47: {  	[timem:s3], [sflag:s2] =	dma.local @!p0 [hbm:s0], s1  }
0x48: {  	s0 =	simm.s32 @!p0 $0x1  }
0x49: {  	_ =	swait.ge @!p0 [sflag:s0], s1  }
0x4a: {  	s1 =	ssub.s32 @!p0 $0x0, s1;
	[sflag:s0] =	ssyncset.done @!p0 $0x0  }
0x4b: {  	[sflag:s0] =	ssyncadd.s32 @!p0 s1  }
0x4c: {  	[bflag:$0x3] =	sbarrier.arrive $0xFFFF  }
0x4d: {  	_ =	shalt  }

</sc_bundles>
